<compile_context>
chip_gen: v7x
topology: tpu7x:2x2x1
jax: 0.10.2.dev20260603
libtpu: 0.0.44.dev20260713+nightly
codegen_flags: <defaults>
</compile_context>

<pallas_src>
import jax
import jax.numpy as jnp
from jax import lax
from jax.experimental import pallas as pl
from jax.experimental.pallas import tpu as pltpu
from jax.experimental.pallas import tpu_sc as plsc

B, L, H = 128, 8192, 64
K = 8


_BB, _LB = 8, 8192


_CB = B


def _scores_body(w_ref, h_ref, o_ref):
    w = w_ref[...]
    for bb in range(_BB):
        o_ref[bb, :] = lax.dot_general(
            w, h_ref[bb], (((1,), (0,)), ((), ())),
            preferred_element_type=jnp.float32)[0]


def _scores_tc(ht, W):
    grid = (B // _BB,)
    return pl.pallas_call(
        _scores_body,
        grid=grid,
        in_specs=[
            pl.BlockSpec((1, H), lambda i: (0, 0)),
            pl.BlockSpec((_BB, H, _LB), lambda i: (i, 0, 0)),
        ],
        out_specs=pl.BlockSpec((_BB, _LB), lambda i: (i, 0)),
        out_shape=jax.ShapeDtypeStruct((B, L), jnp.float32),
    )(W, ht)



_NC, _NS, _LN = 2, 16, 16
_NW = _NC * _NS
_R = _CB // _NW
_NCHUNK = L // _LN
_GRP = 8
_CAND = 64
_NEG = -3.0e38
_BIG = 2 ** 30


def _topk_body(scores_hbm, idx_hbm, sc_v, cv_v, ci_v, ix_v, sem):
    wid = lax.axis_index("s") * _NC + lax.axis_index("c")
    base = wid * _R
    copies = [
        pltpu.async_copy(scores_hbm.at[pl.ds(base + r, 1)],
                         sc_v.at[pl.ds(r, 1)], sem)
        for r in range(_R)
    ]

    lane = lax.broadcasted_iota(jnp.int32, (_LN,), 0)
    neg16 = jnp.full((_LN,), _NEG, jnp.float32)
    big16 = jnp.full((_LN,), _BIG, jnp.int32)
    zeros16 = jnp.zeros((_LN,), jnp.int32)

    for r in range(_R):
        copies[r].wait()
        def step_a(g, accs, r=r):
            out = []
            for u in range(_GRP):
                off = pl.multiple_of(g * (_GRP * _LN) + u * _LN, _LN)
                out.append(jnp.maximum(accs[u], sc_v[r, pl.ds(off, _LN)]))
            return tuple(out)

        accs = lax.fori_loop(0, _NCHUNK // _GRP, step_a, (neg16,) * _GRP)
        acc = accs[0]
        for u in range(1, _GRP):
            acc = jnp.maximum(acc, accs[u])
        t0 = plsc.sort_key_val(acc, acc, descending=True)[0][K - 1]

        for j in range(_CAND // _LN):
            cv_v[pl.ds(j * _LN, _LN)] = neg16
            ci_v[pl.ds(j * _LN, _LN)] = big16

        def step_b(g, cnt, r=r):
            gbase = g * (_GRP * _LN)
            vs = []
            for u in range(_GRP):
                off = pl.multiple_of(gbase + u * _LN, _LN)
                vs.append(sc_v[r, pl.ds(off, _LN)])
            gmax = vs[0]
            for u in range(1, _GRP):
                gmax = jnp.maximum(gmax, vs[u])
            hit = plsc.all_reduce_population_count(gmax >= t0)[0] > 0

            def heavy(cnt):
                c = cnt
                for u in range(_GRP):
                    m = vs[u] >= t0
                    pos = plsc.cumsum(m.astype(jnp.int32)) - 1 + c
                    pos = jnp.minimum(pos, _CAND - 1)
                    plsc.store_scatter(cv_v, [pos], vs[u], mask=m)
                    plsc.store_scatter(
                        ci_v, [pos], lane + (gbase + u * _LN), mask=m)
                    c = c + plsc.all_reduce_population_count(m)
                return c

            return lax.cond(hit, heavy, lambda c: c, cnt)

        lax.fori_loop(0, _NCHUNK // _GRP, step_b, zeros16)

        cvs = [cv_v[pl.ds(j * _LN, _LN)] for j in range(_CAND // _LN)]
        cis = [ci_v[pl.ds(j * _LN, _LN)] for j in range(_CAND // _LN)]
        w_idx = zeros16
        for k in range(K):
            mall = cvs[0]
            for j in range(1, len(cvs)):
                mall = jnp.maximum(mall, cvs[j])
            t = jnp.max(mall)
            wi = jnp.min(jnp.where(cvs[0] == t, cis[0], _BIG))
            for j in range(1, len(cvs)):
                wi = jnp.minimum(wi, jnp.min(jnp.where(cvs[j] == t, cis[j], _BIG)))
            cvs = [jnp.where(cis[j] == wi, _NEG, cvs[j]) for j in range(len(cvs))]
            w_idx = jnp.where(lane == k, wi, w_idx)

        ix_v[r, :] = w_idx

    pltpu.sync_copy(ix_v, idx_hbm.at[pl.ds(base, _R)])


def _topk_sc(scores):
    mesh = plsc.VectorSubcoreMesh(core_axis_name="c", subcore_axis_name="s")
    fn = pl.kernel(
        _topk_body,
        out_type=jax.ShapeDtypeStruct((_CB, _LN), jnp.int32),
        mesh=mesh,
        scratch_types=[
            pltpu.VMEM((_R, L), jnp.float32),
            pltpu.VMEM((_CAND,), jnp.float32),
            pltpu.VMEM((_CAND,), jnp.int32),
            pltpu.VMEM((_R, _LN), jnp.int32),
            pltpu.SemaphoreType.DMA,
        ],
        compiler_params=pltpu.CompilerParams(needs_layout_passes=False),
    )
    return fn(scores)



_MB = 16


def _mask_body(idx_ref, o_ref):
    idx = idx_ref[...].astype(jnp.int16)
    li = lax.broadcasted_iota(jnp.int16, (_MB, L), 1)
    m = li == idx[:, 0:1]
    for k in range(1, K):
        m = m | (li == idx[:, k:k + 1])
    o_ref[...] = m


def _mask_tc(idx):
    grid = (B // _MB,)
    return pl.pallas_call(
        _mask_body,
        grid=grid,
        in_specs=[pl.BlockSpec((_MB, _LN), lambda i: (i, 0))],
        out_specs=pl.BlockSpec((_MB, L), lambda i: (i, 0)),
        out_shape=jax.ShapeDtypeStruct((B, L), jnp.bool_),
    )(idx)


def kernel(hidden, attn, loss_per_token, W, b):
    ht = jnp.swapaxes(hidden, 1, 2)
    scores = _scores_tc(ht, W)
    idx = _topk_sc(scores)
    return _mask_tc(idx)

# --- scband reference (transcript-rebuilt; emitter-appended) ---
"""Pipeline reference for scband-learned-write-gate-77068893160220 (READ-ONLY COPY).

The authoritative reference and input builder live on the scoring server;
editing this copy changes nothing except your own understanding.
"""

import jax, jax.numpy as jnp
import numpy as np

HIDDEN_DIM = 64
MEMORY_SLOTS = 8

def setup_inputs(seed: int = 0) -> dict:
    key = jax.random.key(seed)
    k1, k2, k3, k4, k5 = jax.random.split(key, 5)
    B, L, H = 128, 8192, HIDDEN_DIM
    hidden = jax.random.normal(k1, (B, L, H), dtype=jnp.float32)
    attn = jax.random.normal(k2, (B, L), dtype=jnp.float32)
    loss_per_token = jax.random.normal(k3, (B, L), dtype=jnp.float32)
    # nn.Linear(HIDDEN_DIM, 1) parameters
    bound = 1.0 / np.sqrt(H)
    W = jax.random.uniform(k4, (1, H), minval=-bound, maxval=bound, dtype=jnp.float32)
    b = jax.random.uniform(k5, (1,), minval=-bound, maxval=bound, dtype=jnp.float32)
    return {"hidden": hidden, "attn": attn, "loss_per_token": loss_per_token, "W": W, "b": b}

def reference(hidden, attn, loss_per_token, W, b):
    B, L, H = hidden.shape
    # scores = self.gate(hidden).squeeze(-1)
    scores = (hidden @ W.T).squeeze(-1) + b[0]  # [B, L]
    # topk over dim=1 (last dim of [B, L])
    topk_scores, topk_idx = jax.lax.top_k(scores, MEMORY_SLOTS)
    # mask.scatter_(1, topk_idx, True)
    mask = jnp.zeros((B, L), dtype=bool)
    rows = jnp.arange(B)[:, None]
    mask = mask.at[rows, topk_idx].set(True)
    return mask

if __name__ == "__main__":
    import jax
    _d = setup_inputs()
    print(jax.jit(kernel)(*tuple(_d.values())))

</pallas_src>

<mosaic_0001>
#map = affine_map<(d0, d1) -> (0, 0)>
module attributes {stable_mosaic.version = 14 : i64} {
  func.func @_topk_body(%arg0: i32, %arg1: i32, %arg2: memref<128x8192xf32, #tpu.memory_space<hbm>>, %arg3: memref<128x16xi32, #tpu.memory_space<hbm>>, %arg4: memref<4x8192xf32, #tpu.memory_space<vmem>>, %arg5: memref<64xf32, #tpu.memory_space<vmem>>, %arg6: memref<64xi32, #tpu.memory_space<vmem>>, %arg7: memref<4x16xi32, #tpu.memory_space<vmem>>, %arg8: memref<!tpu.dma_semaphore, #tpu.memory_space<semaphore_mem>>) attributes {dimension_semantics = [#tpu.dimension_semantics<core_parallel>, #tpu.dimension_semantics<subcore_parallel>], iteration_bounds = array<i64: 2, 16>, scalar_prefetch = 0 : i64, scratch_operands = 5 : i64, tpu.core_type = #tpu.core_type<sc_vector_subcore>, window_params = [{transform_indices = #map}, {transform_indices = #map}]} {
    %mul3A = arith.constant 2 : i32
    %mul3A_0 = arith.muli %arg1, %mul3A : i32
    %add3A = arith.addi %mul3A_0, %arg0 : i32
    %mul3A_1 = arith.constant 4 : i32
    %mul3A_2 = arith.muli %add3A, %mul3A_1 : i32
    %add3A_3 = arith.constant 0 : i32
    %add3A_4 = arith.addi %mul3A_2, %add3A_3 : i32
    %dma_start3A = arith.constant 0 : i32
    %dma_start3A_5 = arith.constant 0 : i32
    %dma_start3A_6 = tpu.memref_slice %arg4[%dma_start3A, %dma_start3A_5] : memref<4x8192xf32, #tpu.memory_space<vmem>> -> memref<1x8192xf32, #tpu.memory_space<vmem>>
    %dma_start3A_7 = arith.constant 0 : i32
    %dma_start3A_8 = tpu.memref_slice %arg2[%add3A_4, %dma_start3A_7] : memref<128x8192xf32, #tpu.memory_space<hbm>> -> memref<1x8192xf32, #tpu.memory_space<hbm>>
    %dma_start3A_9 = arith.constant 0 : i32
    %dma_start3A_10 = arith.constant 0 : i32
    %dma_start3A_11 = tpu.memref_slice %arg4[%dma_start3A_9, %dma_start3A_10] : memref<4x8192xf32, #tpu.memory_space<vmem>> -> memref<1x8192xf32, #tpu.memory_space<vmem>>
    %dma_start3A_12 = arith.constant 0 : i32
    %dma_start3A_13 = tpu.memref_slice %arg2[%add3A_4, %dma_start3A_12] : memref<128x8192xf32, #tpu.memory_space<hbm>> -> memref<1x8192xf32, #tpu.memory_space<hbm>>
    tpu.enqueue_dma source(%dma_start3A_13 : memref<1x8192xf32, #tpu.memory_space<hbm>>) target(%dma_start3A_11 : memref<1x8192xf32, #tpu.memory_space<vmem>>) target_semaphore(%arg8 : memref<!tpu.dma_semaphore, #tpu.memory_space<semaphore_mem>>)
    %add3A_14 = arith.constant 1 : i32
    %add3A_15 = arith.addi %mul3A_2, %add3A_14 : i32
    %dma_start3A_16 = arith.constant 1 : i32
    %dma_start3A_17 = arith.constant 0 : i32
    %dma_start3A_18 = tpu.memref_slice %arg4[%dma_start3A_16, %dma_start3A_17] : memref<4x8192xf32, #tpu.memory_space<vmem>> -> memref<1x8192xf32, #tpu.memory_space<vmem>>
    %dma_start3A_19 = arith.constant 0 : i32
    %dma_start3A_20 = tpu.memref_slice %arg2[%add3A_15, %dma_start3A_19] : memref<128x8192xf32, #tpu.memory_space<hbm>> -> memref<1x8192xf32, #tpu.memory_space<hbm>>
    %dma_start3A_21 = arith.constant 1 : i32
    %dma_start3A_22 = arith.constant 0 : i32
    %dma_start3A_23 = tpu.memref_slice %arg4[%dma_start3A_21, %dma_start3A_22] : memref<4x8192xf32, #tpu.memory_space<vmem>> -> memref<1x8192xf32, #tpu.memory_space<vmem>>
    %dma_start3A_24 = arith.constant 0 : i32
    %dma_start3A_25 = tpu.memref_slice %arg2[%add3A_15, %dma_start3A_24] : memref<128x8192xf32, #tpu.memory_space<hbm>> -> memref<1x8192xf32, #tpu.memory_space<hbm>>
    tpu.enqueue_dma source(%dma_start3A_25 : memref<1x8192xf32, #tpu.memory_space<hbm>>) target(%dma_start3A_23 : memref<1x8192xf32, #tpu.memory_space<vmem>>) target_semaphore(%arg8 : memref<!tpu.dma_semaphore, #tpu.memory_space<semaphore_mem>>)
    %add3A_26 = arith.constant 2 : i32
    %add3A_27 = arith.addi %mul3A_2, %add3A_26 : i32
    %dma_start3A_28 = arith.constant 2 : i32
    %dma_start3A_29 = arith.constant 0 : i32
    %dma_start3A_30 = tpu.memref_slice %arg4[%dma_start3A_28, %dma_start3A_29] : memref<4x8192xf32, #tpu.memory_space<vmem>> -> memref<1x8192xf32, #tpu.memory_space<vmem>>
    %dma_start3A_31 = arith.constant 0 : i32
    %dma_start3A_32 = tpu.memref_slice %arg2[%add3A_27, %dma_start3A_31] : memref<128x8192xf32, #tpu.memory_space<hbm>> -> memref<1x8192xf32, #tpu.memory_space<hbm>>
    %dma_start3A_33 = arith.constant 2 : i32
    %dma_start3A_34 = arith.constant 0 : i32
    %dma_start3A_35 = tpu.memref_slice %arg4[%dma_start3A_33, %dma_start3A_34] : memref<4x8192xf32, #tpu.memory_space<vmem>> -> memref<1x8192xf32, #tpu.memory_space<vmem>>
    %dma_start3A_36 = arith.constant 0 : i32
    %dma_start3A_37 = tpu.memref_slice %arg2[%add3A_27, %dma_start3A_36] : memref<128x8192xf32, #tpu.memory_space<hbm>> -> memref<1x8192xf32, #tpu.memory_space<hbm>>
    tpu.enqueue_dma source(%dma_start3A_37 : memref<1x8192xf32, #tpu.memory_space<hbm>>) target(%dma_start3A_35 : memref<1x8192xf32, #tpu.memory_space<vmem>>) target_semaphore(%arg8 : memref<!tpu.dma_semaphore, #tpu.memory_space<semaphore_mem>>)
    %add3A_38 = arith.constant 3 : i32
    %add3A_39 = arith.addi %mul3A_2, %add3A_38 : i32
    %dma_start3A_40 = arith.constant 3 : i32
    %dma_start3A_41 = arith.constant 0 : i32
    %dma_start3A_42 = tpu.memref_slice %arg4[%dma_start3A_40, %dma_start3A_41] : memref<4x8192xf32, #tpu.memory_space<vmem>> -> memref<1x8192xf32, #tpu.memory_space<vmem>>
    %dma_start3A_43 = arith.constant 0 : i32
    %dma_start3A_44 = tpu.memref_slice %arg2[%add3A_39, %dma_start3A_43] : memref<128x8192xf32, #tpu.memory_space<hbm>> -> memref<1x8192xf32, #tpu.memory_space<hbm>>
    %dma_start3A_45 = arith.constant 3 : i32
    %dma_start3A_46 = arith.constant 0 : i32
    %dma_start3A_47 = tpu.memref_slice %arg4[%dma_start3A_45, %dma_start3A_46] : memref<4x8192xf32, #tpu.memory_space<vmem>> -> memref<1x8192xf32, #tpu.memory_space<vmem>>
    %dma_start3A_48 = arith.constant 0 : i32
    %dma_start3A_49 = tpu.memref_slice %arg2[%add3A_39, %dma_start3A_48] : memref<128x8192xf32, #tpu.memory_space<hbm>> -> memref<1x8192xf32, #tpu.memory_space<hbm>>
    tpu.enqueue_dma source(%dma_start3A_49 : memref<1x8192xf32, #tpu.memory_space<hbm>>) target(%dma_start3A_47 : memref<1x8192xf32, #tpu.memory_space<vmem>>) target_semaphore(%arg8 : memref<!tpu.dma_semaphore, #tpu.memory_space<semaphore_mem>>)
    %iota3A = tpu.iota {dimensions = array<i32: 0>} : vector<16xi32>
    %broadcast_in_dim3A = arith.constant -3.000000e+38 : f32
    %broadcast_in_dim3A_50 = vector.broadcast %broadcast_in_dim3A : f32 to vector<16xf32>
    %broadcast_in_dim3A_51 = arith.constant 1073741824 : i32
    %broadcast_in_dim3A_52 = vector.broadcast %broadcast_in_dim3A_51 : i32 to vector<16xi32>
    %broadcast_in_dim3A_53 = arith.constant 0 : i32
    %broadcast_in_dim3A_54 = vector.broadcast %broadcast_in_dim3A_53 : i32 to vector<16xi32>
    %dma_wait3A = arith.constant 0 : i32
    %dma_wait3A_55 = arith.constant 0 : i32
    %dma_wait3A_56 = tpu.memref_slice %arg4[%dma_wait3A, %dma_wait3A_55] : memref<4x8192xf32, #tpu.memory_space<vmem>> -> memref<1x8192xf32, #tpu.memory_space<vmem>>
    %dma_wait3A_57 = arith.constant 0 : i32
    %dma_wait3A_58 = tpu.memref_slice %arg2[%add3A_4, %dma_wait3A_57] : memref<128x8192xf32, #tpu.memory_space<hbm>> -> memref<1x8192xf32, #tpu.memory_space<hbm>>
    %dma_wait3A_59 = arith.constant 0 : i32
    %dma_wait3A_60 = arith.constant 0 : i32
    %dma_wait3A_61 = tpu.memref_slice %arg4[%dma_wait3A_59, %dma_wait3A_60] : memref<4x8192xf32, #tpu.memory_space<vmem>> -> memref<1x8192xf32, #tpu.memory_space<vmem>>
    %dma_wait3A_62 = arith.constant 0 : i32
    %dma_wait3A_63 = tpu.memref_slice %arg2[%add3A_4, %dma_wait3A_62] : memref<128x8192xf32, #tpu.memory_space<hbm>> -> memref<1x8192xf32, #tpu.memory_space<hbm>>
    tpu.wait_dma2 semaphore(%arg8 : memref<!tpu.dma_semaphore, #tpu.memory_space<semaphore_mem>>) src(%dma_wait3A_63 : memref<1x8192xf32, #tpu.memory_space<hbm>>) dst(%dma_wait3A_61 : memref<1x8192xf32, #tpu.memory_space<vmem>>)
    %scan3A = arith.constant 0 : i32
    %scan3A_64 = arith.constant 64 : i32
    %scan3A_65 = arith.addi %scan3A, %scan3A_64 : i32
    %scan3A_66 = arith.constant 1 : i32
    %scan3A_67:8 = scf.for %scan3A_3109 = %scan3A to %scan3A_65 step %scan3A_66 iter_args(%scan3A_3110 = %broadcast_in_dim3A_50, %scan3A_3111 = %broadcast_in_dim3A_50, %scan3A_3112 = %broadcast_in_dim3A_50, %scan3A_3113 = %broadcast_in_dim3A_50, %scan3A_3114 = %broadcast_in_dim3A_50, %scan3A_3115 = %broadcast_in_dim3A_50, %scan3A_3116 = %broadcast_in_dim3A_50, %scan3A_3117 = %broadcast_in_dim3A_50) -> (vector<16xf32>, vector<16xf32>, vector<16xf32>, vector<16xf32>, vector<16xf32>, vector<16xf32>, vector<16xf32>, vector<16xf32>)  : i32 {
      %mul3A_3118 = arith.constant 128 : i32
      %mul3A_3119 = arith.muli %scan3A_3109, %mul3A_3118 : i32
      %add3A_3120 = arith.constant 0 : i32
      %add3A_3121 = arith.addi %mul3A_3119, %add3A_3120 : i32
      %multiple_of3A = tpu.assume_multiple %add3A_3121, 16 : i32
      %get3A_3122 = arith.constant 0 : i32
      %get3A_3123 = arith.index_cast %get3A_3122 : i32 to index
      %get3A_3124 = arith.index_cast %multiple_of3A : i32 to index
      %get3A_3125 = tpu.vector_load %arg4[%get3A_3123, %get3A_3124] {strides = array<i32>} : memref<4x8192xf32, #tpu.memory_space<vmem>>, vector<16xf32>,
      %max3A_3126 = arith.maximumf %scan3A_3110, %get3A_3125 : vector<16xf32>
      %mul3A_3127 = arith.constant 128 : i32
      %mul3A_3128 = arith.muli %scan3A_3109, %mul3A_3127 : i32
      %add3A_3129 = arith.constant 16 : i32
      %add3A_3130 = arith.addi %mul3A_3128, %add3A_3129 : i32
      %multiple_of3A_3131 = tpu.assume_multiple %add3A_3130, 16 : i32
      %get3A_3132 = arith.constant 0 : i32
      %get3A_3133 = arith.index_cast %get3A_3132 : i32 to index
      %get3A_3134 = arith.index_cast %multiple_of3A_3131 : i32 to index
      %get3A_3135 = tpu.vector_load %arg4[%get3A_3133, %get3A_3134] {strides = array<i32>} : memref<4x8192xf32, #tpu.memory_space<vmem>>, vector<16xf32>,
      %max3A_3136 = arith.maximumf %scan3A_3111, %get3A_3135 : vector<16xf32>
      %mul3A_3137 = arith.constant 128 : i32
      %mul3A_3138 = arith.muli %scan3A_3109, %mul3A_3137 : i32
      %add3A_3139 = arith.constant 32 : i32
      %add3A_3140 = arith.addi %mul3A_3138, %add3A_3139 : i32
      %multiple_of3A_3141 = tpu.assume_multiple %add3A_3140, 16 : i32
      %get3A_3142 = arith.constant 0 : i32
      %get3A_3143 = arith.index_cast %get3A_3142 : i32 to index
      %get3A_3144 = arith.index_cast %multiple_of3A_3141 : i32 to index
      %get3A_3145 = tpu.vector_load %arg4[%get3A_3143, %get3A_3144] {strides = array<i32>} : memref<4x8192xf32, #tpu.memory_space<vmem>>, vector<16xf32>,
      %max3A_3146 = arith.maximumf %scan3A_3112, %get3A_3145 : vector<16xf32>
      %mul3A_3147 = arith.constant 128 : i32
      %mul3A_3148 = arith.muli %scan3A_3109, %mul3A_3147 : i32
      %add3A_3149 = arith.constant 48 : i32
      %add3A_3150 = arith.addi %mul3A_3148, %add3A_3149 : i32
      %multiple_of3A_3151 = tpu.assume_multiple %add3A_3150, 16 : i32
      %get3A_3152 = arith.constant 0 : i32
      %get3A_3153 = arith.index_cast %get3A_3152 : i32 to index
      %get3A_3154 = arith.index_cast %multiple_of3A_3151 : i32 to index
      %get3A_3155 = tpu.vector_load %arg4[%get3A_3153, %get3A_3154] {strides = array<i32>} : memref<4x8192xf32, #tpu.memory_space<vmem>>, vector<16xf32>,
      %max3A_3156 = arith.maximumf %scan3A_3113, %get3A_3155 : vector<16xf32>
      %mul3A_3157 = arith.constant 128 : i32
      %mul3A_3158 = arith.muli %scan3A_3109, %mul3A_3157 : i32
      %add3A_3159 = arith.constant 64 : i32
      %add3A_3160 = arith.addi %mul3A_3158, %add3A_3159 : i32
      %multiple_of3A_3161 = tpu.assume_multiple %add3A_3160, 16 : i32
      %get3A_3162 = arith.constant 0 : i32
      %get3A_3163 = arith.index_cast %get3A_3162 : i32 to index
      %get3A_3164 = arith.index_cast %multiple_of3A_3161 : i32 to index
      %get3A_3165 = tpu.vector_load %arg4[%get3A_3163, %get3A_3164] {strides = array<i32>} : memref<4x8192xf32, #tpu.memory_space<vmem>>, vector<16xf32>,
      %max3A_3166 = arith.maximumf %scan3A_3114, %get3A_3165 : vector<16xf32>
      %mul3A_3167 = arith.constant 128 : i32
      %mul3A_3168 = arith.muli %scan3A_3109, %mul3A_3167 : i32
      %add3A_3169 = arith.constant 80 : i32
      %add3A_3170 = arith.addi %mul3A_3168, %add3A_3169 : i32
      %multiple_of3A_3171 = tpu.assume_multiple %add3A_3170, 16 : i32
      %get3A_3172 = arith.constant 0 : i32
      %get3A_3173 = arith.index_cast %get3A_3172 : i32 to index
      %get3A_3174 = arith.index_cast %multiple_of3A_3171 : i32 to index
      %get3A_3175 = tpu.vector_load %arg4[%get3A_3173, %get3A_3174] {strides = array<i32>} : memref<4x8192xf32, #tpu.memory_space<vmem>>, vector<16xf32>,
      %max3A_3176 = arith.maximumf %scan3A_3115, %get3A_3175 : vector<16xf32>
      %mul3A_3177 = arith.constant 128 : i32
      %mul3A_3178 = arith.muli %scan3A_3109, %mul3A_3177 : i32
      %add3A_3179 = arith.constant 96 : i32
      %add3A_3180 = arith.addi %mul3A_3178, %add3A_3179 : i32
      %multiple_of3A_3181 = tpu.assume_multiple %add3A_3180, 16 : i32
      %get3A_3182 = arith.constant 0 : i32
      %get3A_3183 = arith.index_cast %get3A_3182 : i32 to index
      %get3A_3184 = arith.index_cast %multiple_of3A_3181 : i32 to index
      %get3A_3185 = tpu.vector_load %arg4[%get3A_3183, %get3A_3184] {strides = array<i32>} : memref<4x8192xf32, #tpu.memory_space<vmem>>, vector<16xf32>,
      %max3A_3186 = arith.maximumf %scan3A_3116, %get3A_3185 : vector<16xf32>
      %mul3A_3187 = arith.constant 128 : i32
      %mul3A_3188 = arith.muli %scan3A_3109, %mul3A_3187 : i32
      %add3A_3189 = arith.constant 112 : i32
      %add3A_3190 = arith.addi %mul3A_3188, %add3A_3189 : i32
      %multiple_of3A_3191 = tpu.assume_multiple %add3A_3190, 16 : i32
      %get3A_3192 = arith.constant 0 : i32
      %get3A_3193 = arith.index_cast %get3A_3192 : i32 to index
      %get3A_3194 = arith.index_cast %multiple_of3A_3191 : i32 to index
      %get3A_3195 = tpu.vector_load %arg4[%get3A_3193, %get3A_3194] {strides = array<i32>} : memref<4x8192xf32, #tpu.memory_space<vmem>>, vector<16xf32>,
      %max3A_3196 = arith.maximumf %scan3A_3117, %get3A_3195 : vector<16xf32>
      scf.yield %max3A_3126, %max3A_3136, %max3A_3146, %max3A_3156, %max3A_3166, %max3A_3176, %max3A_3186, %max3A_3196 : vector<16xf32>, vector<16xf32>, vector<16xf32>, vector<16xf32>, vector<16xf32>, vector<16xf32>, vector<16xf32>, vector<16xf32>
    }
    %scan3A_68 = arith.constant 64 : i32
    %max3A = arith.maximumf %scan3A_67#0, %scan3A_67#1 : vector<16xf32>
    %max3A_69 = arith.maximumf %max3A, %scan3A_67#2 : vector<16xf32>
    %max3A_70 = arith.maximumf %max3A_69, %scan3A_67#3 : vector<16xf32>
    %max3A_71 = arith.maximumf %max3A_70, %scan3A_67#4 : vector<16xf32>
    %max3A_72 = arith.maximumf %max3A_71, %scan3A_67#5 : vector<16xf32>
    %max3A_73 = arith.maximumf %max3A_72, %scan3A_67#6 : vector<16xf32>
    %max3A_74 = arith.maximumf %max3A_73, %scan3A_67#7 : vector<16xf32>
    %masked_sort3A = arith.constant dense<true> : vector<16xi1>
    %masked_sort3A_75, %masked_sort3A_76, %masked_sort3A_77 = tpu.sort %max3A_74, %max3A_74 masked %masked_sort3A {descending = true} : (vector<16xf32>, vector<16xf32>, vector<16xi1>) -> (vector<16xi1>, vector<16xf32>, vector<16xf32>)
    %slice3A = vector.extract_strided_slice %masked_sort3A_76 {offsets = [7], sizes = [1], strides = [1]} : vector<16xf32> to vector<1xf32>
    %squeeze3A = vector.extract %slice3A[0] : f32 from vector<1xf32>
    %swap3A = arith.constant 0 : index
    %swap3A_78 = tpu.vector_load %arg5[%swap3A] {strides = array<i32>} : memref<64xf32, #tpu.memory_space<vmem>>, vector<16xf32>,
    tpu.vector_store %arg5[%swap3A], %broadcast_in_dim3A_50 {strides = array<i32>} : memref<64xf32, #tpu.memory_space<vmem>>, vector<16xf32>,
    %swap3A_79 = arith.constant 0 : index
    %swap3A_80 = tpu.vector_load %arg6[%swap3A_79] {strides = array<i32>} : memref<64xi32, #tpu.memory_space<vmem>>, vector<16xi32>,
    tpu.vector_store %arg6[%swap3A_79], %broadcast_in_dim3A_52 {strides = array<i32>} : memref<64xi32, #tpu.memory_space<vmem>>, vector<16xi32>,
    %swap3A_81 = arith.constant 16 : index
    %swap3A_82 = tpu.vector_load %arg5[%swap3A_81] {strides = array<i32>} : memref<64xf32, #tpu.memory_space<vmem>>, vector<16xf32>,
    tpu.vector_store %arg5[%swap3A_81], %broadcast_in_dim3A_50 {strides = array<i32>} : memref<64xf32, #tpu.memory_space<vmem>>, vector<16xf32>,
    %swap3A_83 = arith.constant 16 : index
    %swap3A_84 = tpu.vector_load %arg6[%swap3A_83] {strides = array<i32>} : memref<64xi32, #tpu.memory_space<vmem>>, vector<16xi32>,
    tpu.vector_store %arg6[%swap3A_83], %broadcast_in_dim3A_52 {strides = array<i32>} : memref<64xi32, #tpu.memory_space<vmem>>, vector<16xi32>,
    %swap3A_85 = arith.constant 32 : index
    %swap3A_86 = tpu.vector_load %arg5[%swap3A_85] {strides = array<i32>} : memref<64xf32, #tpu.memory_space<vmem>>, vector<16xf32>,
    tpu.vector_store %arg5[%swap3A_85], %broadcast_in_dim3A_50 {strides = array<i32>} : memref<64xf32, #tpu.memory_space<vmem>>, vector<16xf32>,
    %swap3A_87 = arith.constant 32 : index
    %swap3A_88 = tpu.vector_load %arg6[%swap3A_87] {strides = array<i32>} : memref<64xi32, #tpu.memory_space<vmem>>, vector<16xi32>,
    tpu.vector_store %arg6[%swap3A_87], %broadcast_in_dim3A_52 {strides = array<i32>} : memref<64xi32, #tpu.memory_space<vmem>>, vector<16xi32>,
    %swap3A_89 = arith.constant 48 : index
    %swap3A_90 = tpu.vector_load %arg5[%swap3A_89] {strides = array<i32>} : memref<64xf32, #tpu.memory_space<vmem>>, vector<16xf32>,
    tpu.vector_store %arg5[%swap3A_89], %broadcast_in_dim3A_50 {strides = array<i32>} : memref<64xf32, #tpu.memory_space<vmem>>, vector<16xf32>,
    %swap3A_91 = arith.constant 48 : index
    %swap3A_92 = tpu.vector_load %arg6[%swap3A_91] {strides = array<i32>} : memref<64xi32, #tpu.memory_space<vmem>>, vector<16xi32>,
    tpu.vector_store %arg6[%swap3A_91], %broadcast_in_dim3A_52 {strides = array<i32>} : memref<64xi32, #tpu.memory_space<vmem>>, vector<16xi32>,
    %scan3A_93 = arith.constant 0 : i32
    %scan3A_94 = arith.constant 64 : i32
    %scan3A_95 = arith.addi %scan3A_93, %scan3A_94 : i32
    %scan3A_96 = arith.constant 1 : i32
    %scan3A_97 = scf.for %scan3A_3109 = %scan3A_93 to %scan3A_95 step %scan3A_96 iter_args(%scan3A_3110 = %broadcast_in_dim3A_54) -> (vector<16xi32>)  : i32 {
      %mul3A_3111 = arith.constant 128 : i32
      %mul3A_3112 = arith.muli %scan3A_3109, %mul3A_3111 : i32
      %add3A_3113 = arith.constant 0 : i32
      %add3A_3114 = arith.addi %mul3A_3112, %add3A_3113 : i32
      %multiple_of3A = tpu.assume_multiple %add3A_3114, 16 : i32
      %get3A_3115 = arith.constant 0 : i32
      %get3A_3116 = arith.index_cast %get3A_3115 : i32 to index
      %get3A_3117 = arith.index_cast %multiple_of3A : i32 to index
      %get3A_3118 = tpu.vector_load %arg4[%get3A_3116, %get3A_3117] {strides = array<i32>} : memref<4x8192xf32, #tpu.memory_space<vmem>>, vector<16xf32>,
      %add3A_3119 = arith.constant 16 : i32
      %add3A_3120 = arith.addi %mul3A_3112, %add3A_3119 : i32
      %multiple_of3A_3121 = tpu.assume_multiple %add3A_3120, 16 : i32
      %get3A_3122 = arith.constant 0 : i32
      %get3A_3123 = arith.index_cast %get3A_3122 : i32 to index
      %get3A_3124 = arith.index_cast %multiple_of3A_3121 : i32 to index
      %get3A_3125 = tpu.vector_load %arg4[%get3A_3123, %get3A_3124] {strides = array<i32>} : memref<4x8192xf32, #tpu.memory_space<vmem>>, vector<16xf32>,
      %add3A_3126 = arith.constant 32 : i32
      %add3A_3127 = arith.addi %mul3A_3112, %add3A_3126 : i32
      %multiple_of3A_3128 = tpu.assume_multiple %add3A_3127, 16 : i32
      %get3A_3129 = arith.constant 0 : i32
      %get3A_3130 = arith.index_cast %get3A_3129 : i32 to index
      %get3A_3131 = arith.index_cast %multiple_of3A_3128 : i32 to index
      %get3A_3132 = tpu.vector_load %arg4[%get3A_3130, %get3A_3131] {strides = array<i32>} : memref<4x8192xf32, #tpu.memory_space<vmem>>, vector<16xf32>,
      %add3A_3133 = arith.constant 48 : i32
      %add3A_3134 = arith.addi %mul3A_3112, %add3A_3133 : i32
      %multiple_of3A_3135 = tpu.assume_multiple %add3A_3134, 16 : i32
      %get3A_3136 = arith.constant 0 : i32
      %get3A_3137 = arith.index_cast %get3A_3136 : i32 to index
      %get3A_3138 = arith.index_cast %multiple_of3A_3135 : i32 to index
      %get3A_3139 = tpu.vector_load %arg4[%get3A_3137, %get3A_3138] {strides = array<i32>} : memref<4x8192xf32, #tpu.memory_space<vmem>>, vector<16xf32>,
      %add3A_3140 = arith.constant 64 : i32
      %add3A_3141 = arith.addi %mul3A_3112, %add3A_3140 : i32
      %multiple_of3A_3142 = tpu.assume_multiple %add3A_3141, 16 : i32
      %get3A_3143 = arith.constant 0 : i32
      %get3A_3144 = arith.index_cast %get3A_3143 : i32 to index
      %get3A_3145 = arith.index_cast %multiple_of3A_3142 : i32 to index
      %get3A_3146 = tpu.vector_load %arg4[%get3A_3144, %get3A_3145] {strides = array<i32>} : memref<4x8192xf32, #tpu.memory_space<vmem>>, vector<16xf32>,
      %add3A_3147 = arith.constant 80 : i32
      %add3A_3148 = arith.addi %mul3A_3112, %add3A_3147 : i32
      %multiple_of3A_3149 = tpu.assume_multiple %add3A_3148, 16 : i32
      %get3A_3150 = arith.constant 0 : i32
      %get3A_3151 = arith.index_cast %get3A_3150 : i32 to index
      %get3A_3152 = arith.index_cast %multiple_of3A_3149 : i32 to index
      %get3A_3153 = tpu.vector_load %arg4[%get3A_3151, %get3A_3152] {strides = array<i32>} : memref<4x8192xf32, #tpu.memory_space<vmem>>, vector<16xf32>,
      %add3A_3154 = arith.constant 96 : i32
      %add3A_3155 = arith.addi %mul3A_3112, %add3A_3154 : i32
      %multiple_of3A_3156 = tpu.assume_multiple %add3A_3155, 16 : i32
      %get3A_3157 = arith.constant 0 : i32
      %get3A_3158 = arith.index_cast %get3A_3157 : i32 to index
      %get3A_3159 = arith.index_cast %multiple_of3A_3156 : i32 to index
      %get3A_3160 = tpu.vector_load %arg4[%get3A_3158, %get3A_3159] {strides = array<i32>} : memref<4x8192xf32, #tpu.memory_space<vmem>>, vector<16xf32>,
      %add3A_3161 = arith.constant 112 : i32
      %add3A_3162 = arith.addi %mul3A_3112, %add3A_3161 : i32
      %multiple_of3A_3163 = tpu.assume_multiple %add3A_3162, 16 : i32
      %get3A_3164 = arith.constant 0 : i32
      %get3A_3165 = arith.index_cast %get3A_3164 : i32 to index
      %get3A_3166 = arith.index_cast %multiple_of3A_3163 : i32 to index
      %get3A_3167 = tpu.vector_load %arg4[%get3A_3165, %get3A_3166] {strides = array<i32>} : memref<4x8192xf32, #tpu.memory_space<vmem>>, vector<16xf32>,
      %max3A_3168 = arith.maximumf %get3A_3118, %get3A_3125 : vector<16xf32>
      %max3A_3169 = arith.maximumf %max3A_3168, %get3A_3132 : vector<16xf32>
      %max3A_3170 = arith.maximumf %max3A_3169, %get3A_3139 : vector<16xf32>
      %max3A_3171 = arith.maximumf %max3A_3170, %get3A_3146 : vector<16xf32>
      %max3A_3172 = arith.maximumf %max3A_3171, %get3A_3153 : vector<16xf32>
      %max3A_3173 = arith.maximumf %max3A_3172, %get3A_3160 : vector<16xf32>
      %max3A_3174 = arith.maximumf %max3A_3173, %get3A_3167 : vector<16xf32>
      %ge3A = vector.broadcast %squeeze3A : f32 to vector<16xf32>
      %ge3A_3175 = arith.cmpf oge, %max3A_3174, %ge3A : vector<16xf32>
      %all_reduce_population_count3A = tpu.all_reduce %ge3A_3175 {dim = 0 : i64, kind = #tpu.reduction_kind<sum>} : vector<16xi1> -> vector<16xi32>
      %slice3A_3176 = vector.extract_strided_slice %all_reduce_population_count3A {offsets = [0], sizes = [1], strides = [1]} : vector<16xi32> to vector<1xi32>
      %squeeze3A_3177 = vector.extract %slice3A_3176[0] : i32 from vector<1xi32>
      %gt3A = arith.constant 0 : i32
      %gt3A_3178 = arith.cmpi sgt, %squeeze3A_3177, %gt3A : i32
      %convert_element_type3A = arith.extui %gt3A_3178 : i1 to i32
      %cond3A = arith.constant 0 : i32
      %cond3A_3179 = arith.cmpi ne, %convert_element_type3A, %cond3A : i32
      %cond3A_3180 = scf.if %cond3A_3179 -> (vector<16xi32>) {
        %ge3A_3181 = vector.broadcast %squeeze3A : f32 to vector<16xf32>
        %ge3A_3182 = arith.cmpf oge, %get3A_3118, %ge3A_3181 : vector<16xf32>
        %convert_element_type3A_3183 = arith.extui %ge3A_3182 : vector<16xi1> to vector<16xi32>
        %broadcast_in_dim3A_3184 = arith.constant true
        %broadcast_in_dim3A_3185 = vector.broadcast %broadcast_in_dim3A_3184 : i1 to vector<16xi1>
        %masked_cumsum3A = tpu.scan <sum>, %convert_element_type3A_3183 masked %broadcast_in_dim3A_3185 : vector<16xi32>, vector<16xi1> -> vector<16xi32>
        %sub3A = arith.constant 1 : i32
        %sub3A_3186 = vector.broadcast %sub3A : i32 to vector<16xi32>
        %sub3A_3187 = arith.subi %masked_cumsum3A, %sub3A_3186 : vector<16xi32>
        %add3A_3188 = arith.addi %sub3A_3187, %scan3A_3110 : vector<16xi32>
        %min3A_3189 = arith.constant 63 : i32
        %min3A_3190 = vector.broadcast %min3A_3189 : i32 to vector<16xi32>
        %min3A_3191 = arith.minsi %add3A_3188, %min3A_3190 : vector<16xi32>
        tpu.vector_store_idx %arg5[%min3A_3191], %get3A_3118 masked %ge3A_3182 : memref<64xf32, #tpu.memory_space<vmem>>[vector<16xi32>], vector<16xf32>, vector<16xi1>
        %add3A_3192 = arith.constant 0 : i32
        %add3A_3193 = arith.addi %mul3A_3112, %add3A_3192 : i32
        %add3A_3194 = vector.broadcast %add3A_3193 : i32 to vector<16xi32>
        %add3A_3195 = arith.addi %iota3A, %add3A_3194 : vector<16xi32>
        tpu.vector_store_idx %arg6[%min3A_3191], %add3A_3195 masked %ge3A_3182 : memref<64xi32, #tpu.memory_space<vmem>>[vector<16xi32>], vector<16xi32>, vector<16xi1>
        %all_reduce_population_count3A_3196 = tpu.all_reduce %ge3A_3182 {dim = 0 : i64, kind = #tpu.reduction_kind<sum>} : vector<16xi1> -> vector<16xi32>
        %add3A_3197 = arith.addi %scan3A_3110, %all_reduce_population_count3A_3196 : vector<16xi32>
        %ge3A_3198 = vector.broadcast %squeeze3A : f32 to vector<16xf32>
        %ge3A_3199 = arith.cmpf oge, %get3A_3125, %ge3A_3198 : vector<16xf32>
        %convert_element_type3A_3200 = arith.extui %ge3A_3199 : vector<16xi1> to vector<16xi32>
        %broadcast_in_dim3A_3201 = arith.constant true
        %broadcast_in_dim3A_3202 = vector.broadcast %broadcast_in_dim3A_3201 : i1 to vector<16xi1>
        %masked_cumsum3A_3203 = tpu.scan <sum>, %convert_element_type3A_3200 masked %broadcast_in_dim3A_3202 : vector<16xi32>, vector<16xi1> -> vector<16xi32>
        %sub3A_3204 = arith.constant 1 : i32
        %sub3A_3205 = vector.broadcast %sub3A_3204 : i32 to vector<16xi32>
        %sub3A_3206 = arith.subi %masked_cumsum3A_3203, %sub3A_3205 : vector<16xi32>
        %add3A_3207 = arith.addi %sub3A_3206, %add3A_3197 : vector<16xi32>
        %min3A_3208 = arith.constant 63 : i32
        %min3A_3209 = vector.broadcast %min3A_3208 : i32 to vector<16xi32>
        %min3A_3210 = arith.minsi %add3A_3207, %min3A_3209 : vector<16xi32>
        tpu.vector_store_idx %arg5[%min3A_3210], %get3A_3125 masked %ge3A_3199 : memref<64xf32, #tpu.memory_space<vmem>>[vector<16xi32>], vector<16xf32>, vector<16xi1>
        %add3A_3211 = arith.constant 16 : i32
        %add3A_3212 = arith.addi %mul3A_3112, %add3A_3211 : i32
        %add3A_3213 = vector.broadcast %add3A_3212 : i32 to vector<16xi32>
        %add3A_3214 = arith.addi %iota3A, %add3A_3213 : vector<16xi32>
        tpu.vector_store_idx %arg6[%min3A_3210], %add3A_3214 masked %ge3A_3199 : memref<64xi32, #tpu.memory_space<vmem>>[vector<16xi32>], vector<16xi32>, vector<16xi1>
        %all_reduce_population_count3A_3215 = tpu.all_reduce %ge3A_3199 {dim = 0 : i64, kind = #tpu.reduction_kind<sum>} : vector<16xi1> -> vector<16xi32>
        %add3A_3216 = arith.addi %add3A_3197, %all_reduce_population_count3A_3215 : vector<16xi32>
        %ge3A_3217 = vector.broadcast %squeeze3A : f32 to vector<16xf32>
        %ge3A_3218 = arith.cmpf oge, %get3A_3132, %ge3A_3217 : vector<16xf32>
        %convert_element_type3A_3219 = arith.extui %ge3A_3218 : vector<16xi1> to vector<16xi32>
        %broadcast_in_dim3A_3220 = arith.constant true
        %broadcast_in_dim3A_3221 = vector.broadcast %broadcast_in_dim3A_3220 : i1 to vector<16xi1>
        %masked_cumsum3A_3222 = tpu.scan <sum>, %convert_element_type3A_3219 masked %broadcast_in_dim3A_3221 : vector<16xi32>, vector<16xi1> -> vector<16xi32>
        %sub3A_3223 = arith.constant 1 : i32
        %sub3A_3224 = vector.broadcast %sub3A_3223 : i32 to vector<16xi32>
        %sub3A_3225 = arith.subi %masked_cumsum3A_3222, %sub3A_3224 : vector<16xi32>
        %add3A_3226 = arith.addi %sub3A_3225, %add3A_3216 : vector<16xi32>
        %min3A_3227 = arith.constant 63 : i32
        %min3A_3228 = vector.broadcast %min3A_3227 : i32 to vector<16xi32>
        %min3A_3229 = arith.minsi %add3A_3226, %min3A_3228 : vector<16xi32>
        tpu.vector_store_idx %arg5[%min3A_3229], %get3A_3132 masked %ge3A_3218 : memref<64xf32, #tpu.memory_space<vmem>>[vector<16xi32>], vector<16xf32>, vector<16xi1>
        %add3A_3230 = arith.constant 32 : i32
        %add3A_3231 = arith.addi %mul3A_3112, %add3A_3230 : i32
        %add3A_3232 = vector.broadcast %add3A_3231 : i32 to vector<16xi32>
        %add3A_3233 = arith.addi %iota3A, %add3A_3232 : vector<16xi32>
        tpu.vector_store_idx %arg6[%min3A_3229], %add3A_3233 masked %ge3A_3218 : memref<64xi32, #tpu.memory_space<vmem>>[vector<16xi32>], vector<16xi32>, vector<16xi1>
        %all_reduce_population_count3A_3234 = tpu.all_reduce %ge3A_3218 {dim = 0 : i64, kind = #tpu.reduction_kind<sum>} : vector<16xi1> -> vector<16xi32>
        %add3A_3235 = arith.addi %add3A_3216, %all_reduce_population_count3A_3234 : vector<16xi32>
        %ge3A_3236 = vector.broadcast %squeeze3A : f32 to vector<16xf32>
        %ge3A_3237 = arith.cmpf oge, %get3A_3139, %ge3A_3236 : vector<16xf32>
        %convert_element_type3A_3238 = arith.extui %ge3A_3237 : vector<16xi1> to vector<16xi32>
        %broadcast_in_dim3A_3239 = arith.constant true
        %broadcast_in_dim3A_3240 = vector.broadcast %broadcast_in_dim3A_3239 : i1 to vector<16xi1>
        %masked_cumsum3A_3241 = tpu.scan <sum>, %convert_element_type3A_3238 masked %broadcast_in_dim3A_3240 : vector<16xi32>, vector<16xi1> -> vector<16xi32>
        %sub3A_3242 = arith.constant 1 : i32
        %sub3A_3243 = vector.broadcast %sub3A_3242 : i32 to vector<16xi32>
        %sub3A_3244 = arith.subi %masked_cumsum3A_3241, %sub3A_3243 : vector<16xi32>
        %add3A_3245 = arith.addi %sub3A_3244, %add3A_3235 : vector<16xi32>
        %min3A_3246 = arith.constant 63 : i32
        %min3A_3247 = vector.broadcast %min3A_3246 : i32 to vector<16xi32>
        %min3A_3248 = arith.minsi %add3A_3245, %min3A_3247 : vector<16xi32>
        tpu.vector_store_idx %arg5[%min3A_3248], %get3A_3139 masked %ge3A_3237 : memref<64xf32, #tpu.memory_space<vmem>>[vector<16xi32>], vector<16xf32>, vector<16xi1>
        %add3A_3249 = arith.constant 48 : i32
        %add3A_3250 = arith.addi %mul3A_3112, %add3A_3249 : i32
        %add3A_3251 = vector.broadcast %add3A_3250 : i32 to vector<16xi32>
        %add3A_3252 = arith.addi %iota3A, %add3A_3251 : vector<16xi32>
        tpu.vector_store_idx %arg6[%min3A_3248], %add3A_3252 masked %ge3A_3237 : memref<64xi32, #tpu.memory_space<vmem>>[vector<16xi32>], vector<16xi32>, vector<16xi1>
        %all_reduce_population_count3A_3253 = tpu.all_reduce %ge3A_3237 {dim = 0 : i64, kind = #tpu.reduction_kind<sum>} : vector<16xi1> -> vector<16xi32>
        %add3A_3254 = arith.addi %add3A_3235, %all_reduce_population_count3A_3253 : vector<16xi32>
        %ge3A_3255 = vector.broadcast %squeeze3A : f32 to vector<16xf32>
        %ge3A_3256 = arith.cmpf oge, %get3A_3146, %ge3A_3255 : vector<16xf32>
        %convert_element_type3A_3257 = arith.extui %ge3A_3256 : vector<16xi1> to vector<16xi32>
        %broadcast_in_dim3A_3258 = arith.constant true
        %broadcast_in_dim3A_3259 = vector.broadcast %broadcast_in_dim3A_3258 : i1 to vector<16xi1>
        %masked_cumsum3A_3260 = tpu.scan <sum>, %convert_element_type3A_3257 masked %broadcast_in_dim3A_3259 : vector<16xi32>, vector<16xi1> -> vector<16xi32>
        %sub3A_3261 = arith.constant 1 : i32
        %sub3A_3262 = vector.broadcast %sub3A_3261 : i32 to vector<16xi32>
        %sub3A_3263 = arith.subi %masked_cumsum3A_3260, %sub3A_3262 : vector<16xi32>
        %add3A_3264 = arith.addi %sub3A_3263, %add3A_3254 : vector<16xi32>
        %min3A_3265 = arith.constant 63 : i32
        %min3A_3266 = vector.broadcast %min3A_3265 : i32 to vector<16xi32>
        %min3A_3267 = arith.minsi %add3A_3264, %min3A_3266 : vector<16xi32>
        tpu.vector_store_idx %arg5[%min3A_3267], %get3A_3146 masked %ge3A_3256 : memref<64xf32, #tpu.memory_space<vmem>>[vector<16xi32>], vector<16xf32>, vector<16xi1>
        %add3A_3268 = arith.constant 64 : i32
        %add3A_3269 = arith.addi %mul3A_3112, %add3A_3268 : i32
        %add3A_3270 = vector.broadcast %add3A_3269 : i32 to vector<16xi32>
        %add3A_3271 = arith.addi %iota3A, %add3A_3270 : vector<16xi32>
        tpu.vector_store_idx %arg6[%min3A_3267], %add3A_3271 masked %ge3A_3256 : memref<64xi32, #tpu.memory_space<vmem>>[vector<16xi32>], vector<16xi32>, vector<16xi1>
        %all_reduce_population_count3A_3272 = tpu.all_reduce %ge3A_3256 {dim = 0 : i64, kind = #tpu.reduction_kind<sum>} : vector<16xi1> -> vector<16xi32>
        %add3A_3273 = arith.addi %add3A_3254, %all_reduce_population_count3A_3272 : vector<16xi32>
        %ge3A_3274 = vector.broadcast %squeeze3A : f32 to vector<16xf32>
        %ge3A_3275 = arith.cmpf oge, %get3A_3153, %ge3A_3274 : vector<16xf32>
        %convert_element_type3A_3276 = arith.extui %ge3A_3275 : vector<16xi1> to vector<16xi32>
        %broadcast_in_dim3A_3277 = arith.constant true
        %broadcast_in_dim3A_3278 = vector.broadcast %broadcast_in_dim3A_3277 : i1 to vector<16xi1>
        %masked_cumsum3A_3279 = tpu.scan <sum>, %convert_element_type3A_3276 masked %broadcast_in_dim3A_3278 : vector<16xi32>, vector<16xi1> -> vector<16xi32>
        %sub3A_3280 = arith.constant 1 : i32
        %sub3A_3281 = vector.broadcast %sub3A_3280 : i32 to vector<16xi32>
        %sub3A_3282 = arith.subi %masked_cumsum3A_3279, %sub3A_3281 : vector<16xi32>
        %add3A_3283 = arith.addi %sub3A_3282, %add3A_3273 : vector<16xi32>
        %min3A_3284 = arith.constant 63 : i32
        %min3A_3285 = vector.broadcast %min3A_3284 : i32 to vector<16xi32>
        %min3A_3286 = arith.minsi %add3A_3283, %min3A_3285 : vector<16xi32>
        tpu.vector_store_idx %arg5[%min3A_3286], %get3A_3153 masked %ge3A_3275 : memref<64xf32, #tpu.memory_space<vmem>>[vector<16xi32>], vector<16xf32>, vector<16xi1>
        %add3A_3287 = arith.constant 80 : i32
        %add3A_3288 = arith.addi %mul3A_3112, %add3A_3287 : i32
        %add3A_3289 = vector.broadcast %add3A_3288 : i32 to vector<16xi32>
        %add3A_3290 = arith.addi %iota3A, %add3A_3289 : vector<16xi32>
        tpu.vector_store_idx %arg6[%min3A_3286], %add3A_3290 masked %ge3A_3275 : memref<64xi32, #tpu.memory_space<vmem>>[vector<16xi32>], vector<16xi32>, vector<16xi1>
        %all_reduce_population_count3A_3291 = tpu.all_reduce %ge3A_3275 {dim = 0 : i64, kind = #tpu.reduction_kind<sum>} : vector<16xi1> -> vector<16xi32>
        %add3A_3292 = arith.addi %add3A_3273, %all_reduce_population_count3A_3291 : vector<16xi32>
        %ge3A_3293 = vector.broadcast %squeeze3A : f32 to vector<16xf32>
        %ge3A_3294 = arith.cmpf oge, %get3A_3160, %ge3A_3293 : vector<16xf32>
        %convert_element_type3A_3295 = arith.extui %ge3A_3294 : vector<16xi1> to vector<16xi32>
        %broadcast_in_dim3A_3296 = arith.constant true
        %broadcast_in_dim3A_3297 = vector.broadcast %broadcast_in_dim3A_3296 : i1 to vector<16xi1>
        %masked_cumsum3A_3298 = tpu.scan <sum>, %convert_element_type3A_3295 masked %broadcast_in_dim3A_3297 : vector<16xi32>, vector<16xi1> -> vector<16xi32>
        %sub3A_3299 = arith.constant 1 : i32
        %sub3A_3300 = vector.broadcast %sub3A_3299 : i32 to vector<16xi32>
        %sub3A_3301 = arith.subi %masked_cumsum3A_3298, %sub3A_3300 : vector<16xi32>
        %add3A_3302 = arith.addi %sub3A_3301, %add3A_3292 : vector<16xi32>
        %min3A_3303 = arith.constant 63 : i32
        %min3A_3304 = vector.broadcast %min3A_3303 : i32 to vector<16xi32>
        %min3A_3305 = arith.minsi %add3A_3302, %min3A_3304 : vector<16xi32>
        tpu.vector_store_idx %arg5[%min3A_3305], %get3A_3160 masked %ge3A_3294 : memref<64xf32, #tpu.memory_space<vmem>>[vector<16xi32>], vector<16xf32>, vector<16xi1>
        %add3A_3306 = arith.constant 96 : i32
        %add3A_3307 = arith.addi %mul3A_3112, %add3A_3306 : i32
        %add3A_3308 = vector.broadcast %add3A_3307 : i32 to vector<16xi32>
        %add3A_3309 = arith.addi %iota3A, %add3A_3308 : vector<16xi32>
        tpu.vector_store_idx %arg6[%min3A_3305], %add3A_3309 masked %ge3A_3294 : memref<64xi32, #tpu.memory_space<vmem>>[vector<16xi32>], vector<16xi32>, vector<16xi1>
        %all_reduce_population_count3A_3310 = tpu.all_reduce %ge3A_3294 {dim = 0 : i64, kind = #tpu.reduction_kind<sum>} : vector<16xi1> -> vector<16xi32>
        %add3A_3311 = arith.addi %add3A_3292, %all_reduce_population_count3A_3310 : vector<16xi32>
        %ge3A_3312 = vector.broadcast %squeeze3A : f32 to vector<16xf32>
        %ge3A_3313 = arith.cmpf oge, %get3A_3167, %ge3A_3312 : vector<16xf32>
        %convert_element_type3A_3314 = arith.extui %ge3A_3313 : vector<16xi1> to vector<16xi32>
        %broadcast_in_dim3A_3315 = arith.constant true
        %broadcast_in_dim3A_3316 = vector.broadcast %broadcast_in_dim3A_3315 : i1 to vector<16xi1>
        %masked_cumsum3A_3317 = tpu.scan <sum>, %convert_element_type3A_3314 masked %broadcast_in_dim3A_3316 : vector<16xi32>, vector<16xi1> -> vector<16xi32>
        %sub3A_3318 = arith.constant 1 : i32
        %sub3A_3319 = vector.broadcast %sub3A_3318 : i32 to vector<16xi32>
        %sub3A_3320 = arith.subi %masked_cumsum3A_3317, %sub3A_3319 : vector<16xi32>
        %add3A_3321 = arith.addi %sub3A_3320, %add3A_3311 : vector<16xi32>
        %min3A_3322 = arith.constant 63 : i32
        %min3A_3323 = vector.broadcast %min3A_3322 : i32 to vector<16xi32>
        %min3A_3324 = arith.minsi %add3A_3321, %min3A_3323 : vector<16xi32>
        tpu.vector_store_idx %arg5[%min3A_3324], %get3A_3167 masked %ge3A_3313 : memref<64xf32, #tpu.memory_space<vmem>>[vector<16xi32>], vector<16xf32>, vector<16xi1>
        %add3A_3325 = arith.constant 112 : i32
        %add3A_3326 = arith.addi %mul3A_3112, %add3A_3325 : i32
        %add3A_3327 = vector.broadcast %add3A_3326 : i32 to vector<16xi32>
        %add3A_3328 = arith.addi %iota3A, %add3A_3327 : vector<16xi32>
        tpu.vector_store_idx %arg6[%min3A_3324], %add3A_3328 masked %ge3A_3313 : memref<64xi32, #tpu.memory_space<vmem>>[vector<16xi32>], vector<16xi32>, vector<16xi1>
        %all_reduce_population_count3A_3329 = tpu.all_reduce %ge3A_3313 {dim = 0 : i64, kind = #tpu.reduction_kind<sum>} : vector<16xi1> -> vector<16xi32>
        %add3A_3330 = arith.addi %add3A_3311, %all_reduce_population_count3A_3329 : vector<16xi32>
        scf.yield %add3A_3330 : vector<16xi32>
      } else {
        scf.yield %scan3A_3110 : vector<16xi32>
      }
      scf.yield %cond3A_3180 : vector<16xi32>
    }
    %scan3A_98 = arith.constant 64 : i32
    %get3A = arith.constant 0 : index
    %get3A_99 = tpu.vector_load %arg5[%get3A] {strides = array<i32>} : memref<64xf32, #tpu.memory_space<vmem>>, vector<16xf32>,
    %get3A_100 = arith.constant 16 : index
    %get3A_101 = tpu.vector_load %arg5[%get3A_100] {strides = array<i32>} : memref<64xf32, #tpu.memory_space<vmem>>, vector<16xf32>,
    %get3A_102 = arith.constant 32 : index
    %get3A_103 = tpu.vector_load %arg5[%get3A_102] {strides = array<i32>} : memref<64xf32, #tpu.memory_space<vmem>>, vector<16xf32>,
    %get3A_104 = arith.constant 48 : index
    %get3A_105 = tpu.vector_load %arg5[%get3A_104] {strides = array<i32>} : memref<64xf32, #tpu.memory_space<vmem>>, vector<16xf32>,
    %get3A_106 = arith.constant 0 : index
    %get3A_107 = tpu.vector_load %arg6[%get3A_106] {strides = array<i32>} : memref<64xi32, #tpu.memory_space<vmem>>, vector<16xi32>,
    %get3A_108 = arith.constant 16 : index
    %get3A_109 = tpu.vector_load %arg6[%get3A_108] {strides = array<i32>} : memref<64xi32, #tpu.memory_space<vmem>>, vector<16xi32>,
    %get3A_110 = arith.constant 32 : index
    %get3A_111 = tpu.vector_load %arg6[%get3A_110] {strides = array<i32>} : memref<64xi32, #tpu.memory_space<vmem>>, vector<16xi32>,
    %get3A_112 = arith.constant 48 : index
    %get3A_113 = tpu.vector_load %arg6[%get3A_112] {strides = array<i32>} : memref<64xi32, #tpu.memory_space<vmem>>, vector<16xi32>,
    %max3A_114 = arith.maximumf %get3A_99, %get3A_101 : vector<16xf32>
    %max3A_115 = arith.maximumf %max3A_114, %get3A_103 : vector<16xf32>
    %max3A_116 = arith.maximumf %max3A_115, %get3A_105 : vector<16xf32>
    %reduce_max3A = arith.constant true
    %reduce_max3A_117 = vector.broadcast %reduce_max3A : i1 to vector<16xi1>
    %reduce_max3A_118 = tpu.scan <max>, %max3A_116 masked %reduce_max3A_117 : vector<16xf32>, vector<16xi1> -> vector<16xf32>
    %reduce_max3A_119 = vector.extract %reduce_max3A_118[15] : f32 from vector<16xf32>
    %eq3A = vector.broadcast %reduce_max3A_119 : f32 to vector<16xf32>
    %eq3A_120 = arith.cmpf oeq, %get3A_99, %eq3A : vector<16xf32>
    %jit3A = arith.constant 1073741824 : i32
    %broadcast_in_dim3A_121 = vector.broadcast %jit3A : i32 to vector<16xi32>
    %select_n3A = arith.select %eq3A_120, %get3A_107, %broadcast_in_dim3A_121 : vector<16xi1>, vector<16xi32>
    %reduce_min3A = arith.constant true
    %reduce_min3A_122 = vector.broadcast %reduce_min3A : i1 to vector<16xi1>
    %reduce_min3A_123 = arith.constant -2147483648 : i32
    %reduce_min3A_124 = vector.broadcast %reduce_min3A_123 : i32 to vector<16xi32>
    %reduce_min3A_125 = arith.xori %select_n3A, %reduce_min3A_124 : vector<16xi32>
    %reduce_min3A_126 = tpu.scan <min>, %reduce_min3A_125 masked %reduce_min3A_122 : vector<16xi32>, vector<16xi1> -> vector<16xi32>
    %reduce_min3A_127 = arith.xori %reduce_min3A_126, %reduce_min3A_124 : vector<16xi32>
    %reduce_min3A_128 = vector.extract %reduce_min3A_127[15] : i32 from vector<16xi32>
    %eq3A_129 = vector.broadcast %reduce_max3A_119 : f32 to vector<16xf32>
    %eq3A_130 = arith.cmpf oeq, %get3A_101, %eq3A_129 : vector<16xf32>
    %jit3A_131 = arith.constant 1073741824 : i32
    %broadcast_in_dim3A_132 = vector.broadcast %jit3A_131 : i32 to vector<16xi32>
    %select_n3A_133 = arith.select %eq3A_130, %get3A_109, %broadcast_in_dim3A_132 : vector<16xi1>, vector<16xi32>
    %reduce_min3A_134 = arith.constant true
    %reduce_min3A_135 = vector.broadcast %reduce_min3A_134 : i1 to vector<16xi1>
    %reduce_min3A_136 = arith.constant -2147483648 : i32
    %reduce_min3A_137 = vector.broadcast %reduce_min3A_136 : i32 to vector<16xi32>
    %reduce_min3A_138 = arith.xori %select_n3A_133, %reduce_min3A_137 : vector<16xi32>
    %reduce_min3A_139 = tpu.scan <min>, %reduce_min3A_138 masked %reduce_min3A_135 : vector<16xi32>, vector<16xi1> -> vector<16xi32>
    %reduce_min3A_140 = arith.xori %reduce_min3A_139, %reduce_min3A_137 : vector<16xi32>
    %reduce_min3A_141 = vector.extract %reduce_min3A_140[15] : i32 from vector<16xi32>
    %min3A = arith.minsi %reduce_min3A_128, %reduce_min3A_141 : i32
    %eq3A_142 = vector.broadcast %reduce_max3A_119 : f32 to vector<16xf32>
    %eq3A_143 = arith.cmpf oeq, %get3A_103, %eq3A_142 : vector<16xf32>
    %jit3A_144 = arith.constant 1073741824 : i32
    %broadcast_in_dim3A_145 = vector.broadcast %jit3A_144 : i32 to vector<16xi32>
    %select_n3A_146 = arith.select %eq3A_143, %get3A_111, %broadcast_in_dim3A_145 : vector<16xi1>, vector<16xi32>
    %reduce_min3A_147 = arith.constant true
    %reduce_min3A_148 = vector.broadcast %reduce_min3A_147 : i1 to vector<16xi1>
    %reduce_min3A_149 = arith.constant -2147483648 : i32
    %reduce_min3A_150 = vector.broadcast %reduce_min3A_149 : i32 to vector<16xi32>
    %reduce_min3A_151 = arith.xori %select_n3A_146, %reduce_min3A_150 : vector<16xi32>
    %reduce_min3A_152 = tpu.scan <min>, %reduce_min3A_151 masked %reduce_min3A_148 : vector<16xi32>, vector<16xi1> -> vector<16xi32>
    %reduce_min3A_153 = arith.xori %reduce_min3A_152, %reduce_min3A_150 : vector<16xi32>
    %reduce_min3A_154 = vector.extract %reduce_min3A_153[15] : i32 from vector<16xi32>
    %min3A_155 = arith.minsi %min3A, %reduce_min3A_154 : i32
    %eq3A_156 = vector.broadcast %reduce_max3A_119 : f32 to vector<16xf32>
    %eq3A_157 = arith.cmpf oeq, %get3A_105, %eq3A_156 : vector<16xf32>
    %jit3A_158 = arith.constant 1073741824 : i32
    %broadcast_in_dim3A_159 = vector.broadcast %jit3A_158 : i32 to vector<16xi32>
    %select_n3A_160 = arith.select %eq3A_157, %get3A_113, %broadcast_in_dim3A_159 : vector<16xi1>, vector<16xi32>
    %reduce_min3A_161 = arith.constant true
    %reduce_min3A_162 = vector.broadcast %reduce_min3A_161 : i1 to vector<16xi1>
    %reduce_min3A_163 = arith.constant -2147483648 : i32
    %reduce_min3A_164 = vector.broadcast %reduce_min3A_163 : i32 to vector<16xi32>
    %reduce_min3A_165 = arith.xori %select_n3A_160, %reduce_min3A_164 : vector<16xi32>
    %reduce_min3A_166 = tpu.scan <min>, %reduce_min3A_165 masked %reduce_min3A_162 : vector<16xi32>, vector<16xi1> -> vector<16xi32>
    %reduce_min3A_167 = arith.xori %reduce_min3A_166, %reduce_min3A_164 : vector<16xi32>
    %reduce_min3A_168 = vector.extract %reduce_min3A_167[15] : i32 from vector<16xi32>
    %min3A_169 = arith.minsi %min3A_155, %reduce_min3A_168 : i32
    %eq3A_170 = vector.broadcast %min3A_169 : i32 to vector<16xi32>
    %eq3A_171 = arith.cmpi eq, %get3A_107, %eq3A_170 : vector<16xi32>
    %jit3A_172 = arith.constant -3.000000e+38 : f32
    %broadcast_in_dim3A_173 = vector.broadcast %jit3A_172 : f32 to vector<16xf32>
    %select_n3A_174 = arith.select %eq3A_171, %broadcast_in_dim3A_173, %get3A_99 : vector<16xi1>, vector<16xf32>
    %eq3A_175 = vector.broadcast %min3A_169 : i32 to vector<16xi32>
    %eq3A_176 = arith.cmpi eq, %get3A_109, %eq3A_175 : vector<16xi32>
    %jit3A_177 = arith.constant -3.000000e+38 : f32
    %broadcast_in_dim3A_178 = vector.broadcast %jit3A_177 : f32 to vector<16xf32>
    %select_n3A_179 = arith.select %eq3A_176, %broadcast_in_dim3A_178, %get3A_101 : vector<16xi1>, vector<16xf32>
    %eq3A_180 = vector.broadcast %min3A_169 : i32 to vector<16xi32>
    %eq3A_181 = arith.cmpi eq, %get3A_111, %eq3A_180 : vector<16xi32>
    %jit3A_182 = arith.constant -3.000000e+38 : f32
    %broadcast_in_dim3A_183 = vector.broadcast %jit3A_182 : f32 to vector<16xf32>
    %select_n3A_184 = arith.select %eq3A_181, %broadcast_in_dim3A_183, %get3A_103 : vector<16xi1>, vector<16xf32>
    %eq3A_185 = vector.broadcast %min3A_169 : i32 to vector<16xi32>
    %eq3A_186 = arith.cmpi eq, %get3A_113, %eq3A_185 : vector<16xi32>
    %jit3A_187 = arith.constant -3.000000e+38 : f32
    %broadcast_in_dim3A_188 = vector.broadcast %jit3A_187 : f32 to vector<16xf32>
    %select_n3A_189 = arith.select %eq3A_186, %broadcast_in_dim3A_188, %get3A_105 : vector<16xi1>, vector<16xf32>
    %eq3A_190 = arith.constant 0 : i32
    %eq3A_191 = vector.broadcast %eq3A_190 : i32 to vector<16xi32>
    %eq3A_192 = arith.cmpi eq, %iota3A, %eq3A_191 : vector<16xi32>
    %broadcast_in_dim3A_193 = vector.broadcast %min3A_169 : i32 to vector<16xi32>
    %select_n3A_194 = arith.select %eq3A_192, %broadcast_in_dim3A_193, %broadcast_in_dim3A_54 : vector<16xi1>, vector<16xi32>
    %max3A_195 = arith.maximumf %select_n3A_174, %select_n3A_179 : vector<16xf32>
    %max3A_196 = arith.maximumf %max3A_195, %select_n3A_184 : vector<16xf32>
    %max3A_197 = arith.maximumf %max3A_196, %select_n3A_189 : vector<16xf32>
    %reduce_max3A_198 = arith.constant true
    %reduce_max3A_199 = vector.broadcast %reduce_max3A_198 : i1 to vector<16xi1>
    %reduce_max3A_200 = tpu.scan <max>, %max3A_197 masked %reduce_max3A_199 : vector<16xf32>, vector<16xi1> -> vector<16xf32>
    %reduce_max3A_201 = vector.extract %reduce_max3A_200[15] : f32 from vector<16xf32>
    %eq3A_202 = vector.broadcast %reduce_max3A_201 : f32 to vector<16xf32>
    %eq3A_203 = arith.cmpf oeq, %select_n3A_174, %eq3A_202 : vector<16xf32>
    %jit3A_204 = arith.constant 1073741824 : i32
    %broadcast_in_dim3A_205 = vector.broadcast %jit3A_204 : i32 to vector<16xi32>
    %select_n3A_206 = arith.select %eq3A_203, %get3A_107, %broadcast_in_dim3A_205 : vector<16xi1>, vector<16xi32>
    %reduce_min3A_207 = arith.constant true
    %reduce_min3A_208 = vector.broadcast %reduce_min3A_207 : i1 to vector<16xi1>
    %reduce_min3A_209 = arith.constant -2147483648 : i32
    %reduce_min3A_210 = vector.broadcast %reduce_min3A_209 : i32 to vector<16xi32>
    %reduce_min3A_211 = arith.xori %select_n3A_206, %reduce_min3A_210 : vector<16xi32>
    %reduce_min3A_212 = tpu.scan <min>, %reduce_min3A_211 masked %reduce_min3A_208 : vector<16xi32>, vector<16xi1> -> vector<16xi32>
    %reduce_min3A_213 = arith.xori %reduce_min3A_212, %reduce_min3A_210 : vector<16xi32>
    %reduce_min3A_214 = vector.extract %reduce_min3A_213[15] : i32 from vector<16xi32>
    %eq3A_215 = vector.broadcast %reduce_max3A_201 : f32 to vector<16xf32>
    %eq3A_216 = arith.cmpf oeq, %select_n3A_179, %eq3A_215 : vector<16xf32>
    %jit3A_217 = arith.constant 1073741824 : i32
    %broadcast_in_dim3A_218 = vector.broadcast %jit3A_217 : i32 to vector<16xi32>
    %select_n3A_219 = arith.select %eq3A_216, %get3A_109, %broadcast_in_dim3A_218 : vector<16xi1>, vector<16xi32>
    %reduce_min3A_220 = arith.constant true
    %reduce_min3A_221 = vector.broadcast %reduce_min3A_220 : i1 to vector<16xi1>
    %reduce_min3A_222 = arith.constant -2147483648 : i32
    %reduce_min3A_223 = vector.broadcast %reduce_min3A_222 : i32 to vector<16xi32>
    %reduce_min3A_224 = arith.xori %select_n3A_219, %reduce_min3A_223 : vector<16xi32>
    %reduce_min3A_225 = tpu.scan <min>, %reduce_min3A_224 masked %reduce_min3A_221 : vector<16xi32>, vector<16xi1> -> vector<16xi32>
    %reduce_min3A_226 = arith.xori %reduce_min3A_225, %reduce_min3A_223 : vector<16xi32>
    %reduce_min3A_227 = vector.extract %reduce_min3A_226[15] : i32 from vector<16xi32>
    %min3A_228 = arith.minsi %reduce_min3A_214, %reduce_min3A_227 : i32
    %eq3A_229 = vector.broadcast %reduce_max3A_201 : f32 to vector<16xf32>
    %eq3A_230 = arith.cmpf oeq, %select_n3A_184, %eq3A_229 : vector<16xf32>
    %jit3A_231 = arith.constant 1073741824 : i32
    %broadcast_in_dim3A_232 = vector.broadcast %jit3A_231 : i32 to vector<16xi32>
    %select_n3A_233 = arith.select %eq3A_230, %get3A_111, %broadcast_in_dim3A_232 : vector<16xi1>, vector<16xi32>
    %reduce_min3A_234 = arith.constant true
    %reduce_min3A_235 = vector.broadcast %reduce_min3A_234 : i1 to vector<16xi1>
    %reduce_min3A_236 = arith.constant -2147483648 : i32
    %reduce_min3A_237 = vector.broadcast %reduce_min3A_236 : i32 to vector<16xi32>
    %reduce_min3A_238 = arith.xori %select_n3A_233, %reduce_min3A_237 : vector<16xi32>
    %reduce_min3A_239 = tpu.scan <min>, %reduce_min3A_238 masked %reduce_min3A_235 : vector<16xi32>, vector<16xi1> -> vector<16xi32>
    %reduce_min3A_240 = arith.xori %reduce_min3A_239, %reduce_min3A_237 : vector<16xi32>
    %reduce_min3A_241 = vector.extract %reduce_min3A_240[15] : i32 from vector<16xi32>
    %min3A_242 = arith.minsi %min3A_228, %reduce_min3A_241 : i32
    %eq3A_243 = vector.broadcast %reduce_max3A_201 : f32 to vector<16xf32>
    %eq3A_244 = arith.cmpf oeq, %select_n3A_189, %eq3A_243 : vector<16xf32>
    %jit3A_245 = arith.constant 1073741824 : i32
    %broadcast_in_dim3A_246 = vector.broadcast %jit3A_245 : i32 to vector<16xi32>
    %select_n3A_247 = arith.select %eq3A_244, %get3A_113, %broadcast_in_dim3A_246 : vector<16xi1>, vector<16xi32>
    %reduce_min3A_248 = arith.constant true
    %reduce_min3A_249 = vector.broadcast %reduce_min3A_248 : i1 to vector<16xi1>
    %reduce_min3A_250 = arith.constant -2147483648 : i32
    %reduce_min3A_251 = vector.broadcast %reduce_min3A_250 : i32 to vector<16xi32>
    %reduce_min3A_252 = arith.xori %select_n3A_247, %reduce_min3A_251 : vector<16xi32>
    %reduce_min3A_253 = tpu.scan <min>, %reduce_min3A_252 masked %reduce_min3A_249 : vector<16xi32>, vector<16xi1> -> vector<16xi32>
    %reduce_min3A_254 = arith.xori %reduce_min3A_253, %reduce_min3A_251 : vector<16xi32>
    %reduce_min3A_255 = vector.extract %reduce_min3A_254[15] : i32 from vector<16xi32>
    %min3A_256 = arith.minsi %min3A_242, %reduce_min3A_255 : i32
    %eq3A_257 = vector.broadcast %min3A_256 : i32 to vector<16xi32>
    %eq3A_258 = arith.cmpi eq, %get3A_107, %eq3A_257 : vector<16xi32>
    %jit3A_259 = arith.constant -3.000000e+38 : f32
    %broadcast_in_dim3A_260 = vector.broadcast %jit3A_259 : f32 to vector<16xf32>
    %select_n3A_261 = arith.select %eq3A_258, %broadcast_in_dim3A_260, %select_n3A_174 : vector<16xi1>, vector<16xf32>
    %eq3A_262 = vector.broadcast %min3A_256 : i32 to vector<16xi32>
    %eq3A_263 = arith.cmpi eq, %get3A_109, %eq3A_262 : vector<16xi32>
    %jit3A_264 = arith.constant -3.000000e+38 : f32
    %broadcast_in_dim3A_265 = vector.broadcast %jit3A_264 : f32 to vector<16xf32>
    %select_n3A_266 = arith.select %eq3A_263, %broadcast_in_dim3A_265, %select_n3A_179 : vector<16xi1>, vector<16xf32>
    %eq3A_267 = vector.broadcast %min3A_256 : i32 to vector<16xi32>
    %eq3A_268 = arith.cmpi eq, %get3A_111, %eq3A_267 : vector<16xi32>
    %jit3A_269 = arith.constant -3.000000e+38 : f32
    %broadcast_in_dim3A_270 = vector.broadcast %jit3A_269 : f32 to vector<16xf32>
    %select_n3A_271 = arith.select %eq3A_268, %broadcast_in_dim3A_270, %select_n3A_184 : vector<16xi1>, vector<16xf32>
    %eq3A_272 = vector.broadcast %min3A_256 : i32 to vector<16xi32>
    %eq3A_273 = arith.cmpi eq, %get3A_113, %eq3A_272 : vector<16xi32>
    %jit3A_274 = arith.constant -3.000000e+38 : f32
    %broadcast_in_dim3A_275 = vector.broadcast %jit3A_274 : f32 to vector<16xf32>
    %select_n3A_276 = arith.select %eq3A_273, %broadcast_in_dim3A_275, %select_n3A_189 : vector<16xi1>, vector<16xf32>
    %eq3A_277 = arith.constant 1 : i32
    %eq3A_278 = vector.broadcast %eq3A_277 : i32 to vector<16xi32>
    %eq3A_279 = arith.cmpi eq, %iota3A, %eq3A_278 : vector<16xi32>
    %broadcast_in_dim3A_280 = vector.broadcast %min3A_256 : i32 to vector<16xi32>
    %select_n3A_281 = arith.select %eq3A_279, %broadcast_in_dim3A_280, %select_n3A_194 : vector<16xi1>, vector<16xi32>
    %max3A_282 = arith.maximumf %select_n3A_261, %select_n3A_266 : vector<16xf32>
    %max3A_283 = arith.maximumf %max3A_282, %select_n3A_271 : vector<16xf32>
    %max3A_284 = arith.maximumf %max3A_283, %select_n3A_276 : vector<16xf32>
    %reduce_max3A_285 = arith.constant true
    %reduce_max3A_286 = vector.broadcast %reduce_max3A_285 : i1 to vector<16xi1>
    %reduce_max3A_287 = tpu.scan <max>, %max3A_284 masked %reduce_max3A_286 : vector<16xf32>, vector<16xi1> -> vector<16xf32>
    %reduce_max3A_288 = vector.extract %reduce_max3A_287[15] : f32 from vector<16xf32>
    %eq3A_289 = vector.broadcast %reduce_max3A_288 : f32 to vector<16xf32>
    %eq3A_290 = arith.cmpf oeq, %select_n3A_261, %eq3A_289 : vector<16xf32>
    %jit3A_291 = arith.constant 1073741824 : i32
    %broadcast_in_dim3A_292 = vector.broadcast %jit3A_291 : i32 to vector<16xi32>
    %select_n3A_293 = arith.select %eq3A_290, %get3A_107, %broadcast_in_dim3A_292 : vector<16xi1>, vector<16xi32>
    %reduce_min3A_294 = arith.constant true
    %reduce_min3A_295 = vector.broadcast %reduce_min3A_294 : i1 to vector<16xi1>
    %reduce_min3A_296 = arith.constant -2147483648 : i32
    %reduce_min3A_297 = vector.broadcast %reduce_min3A_296 : i32 to vector<16xi32>
    %reduce_min3A_298 = arith.xori %select_n3A_293, %reduce_min3A_297 : vector<16xi32>
    %reduce_min3A_299 = tpu.scan <min>, %reduce_min3A_298 masked %reduce_min3A_295 : vector<16xi32>, vector<16xi1> -> vector<16xi32>
    %reduce_min3A_300 = arith.xori %reduce_min3A_299, %reduce_min3A_297 : vector<16xi32>
    %reduce_min3A_301 = vector.extract %reduce_min3A_300[15] : i32 from vector<16xi32>
    %eq3A_302 = vector.broadcast %reduce_max3A_288 : f32 to vector<16xf32>
    %eq3A_303 = arith.cmpf oeq, %select_n3A_266, %eq3A_302 : vector<16xf32>
    %jit3A_304 = arith.constant 1073741824 : i32
    %broadcast_in_dim3A_305 = vector.broadcast %jit3A_304 : i32 to vector<16xi32>
    %select_n3A_306 = arith.select %eq3A_303, %get3A_109, %broadcast_in_dim3A_305 : vector<16xi1>, vector<16xi32>
    %reduce_min3A_307 = arith.constant true
    %reduce_min3A_308 = vector.broadcast %reduce_min3A_307 : i1 to vector<16xi1>
    %reduce_min3A_309 = arith.constant -2147483648 : i32
    %reduce_min3A_310 = vector.broadcast %reduce_min3A_309 : i32 to vector<16xi32>
    %reduce_min3A_311 = arith.xori %select_n3A_306, %reduce_min3A_310 : vector<16xi32>
    %reduce_min3A_312 = tpu.scan <min>, %reduce_min3A_311 masked %reduce_min3A_308 : vector<16xi32>, vector<16xi1> -> vector<16xi32>
    %reduce_min3A_313 = arith.xori %reduce_min3A_312, %reduce_min3A_310 : vector<16xi32>
    %reduce_min3A_314 = vector.extract %reduce_min3A_313[15] : i32 from vector<16xi32>
    %min3A_315 = arith.minsi %reduce_min3A_301, %reduce_min3A_314 : i32
    %eq3A_316 = vector.broadcast %reduce_max3A_288 : f32 to vector<16xf32>
    %eq3A_317 = arith.cmpf oeq, %select_n3A_271, %eq3A_316 : vector<16xf32>
    %jit3A_318 = arith.constant 1073741824 : i32
    %broadcast_in_dim3A_319 = vector.broadcast %jit3A_318 : i32 to vector<16xi32>
    %select_n3A_320 = arith.select %eq3A_317, %get3A_111, %broadcast_in_dim3A_319 : vector<16xi1>, vector<16xi32>
    %reduce_min3A_321 = arith.constant true
    %reduce_min3A_322 = vector.broadcast %reduce_min3A_321 : i1 to vector<16xi1>
    %reduce_min3A_323 = arith.constant -2147483648 : i32
    %reduce_min3A_324 = vector.broadcast %reduce_min3A_323 : i32 to vector<16xi32>
    %reduce_min3A_325 = arith.xori %select_n3A_320, %reduce_min3A_324 : vector<16xi32>
    %reduce_min3A_326 = tpu.scan <min>, %reduce_min3A_325 masked %reduce_min3A_322 : vector<16xi32>, vector<16xi1> -> vector<16xi32>
    %reduce_min3A_327 = arith.xori %reduce_min3A_326, %reduce_min3A_324 : vector<16xi32>
    %reduce_min3A_328 = vector.extract %reduce_min3A_327[15] : i32 from vector<16xi32>
    %min3A_329 = arith.minsi %min3A_315, %reduce_min3A_328 : i32
    %eq3A_330 = vector.broadcast %reduce_max3A_288 : f32 to vector<16xf32>
    %eq3A_331 = arith.cmpf oeq, %select_n3A_276, %eq3A_330 : vector<16xf32>
    %jit3A_332 = arith.constant 1073741824 : i32
    %broadcast_in_dim3A_333 = vector.broadcast %jit3A_332 : i32 to vector<16xi32>
    %select_n3A_334 = arith.select %eq3A_331, %get3A_113, %broadcast_in_dim3A_333 : vector<16xi1>, vector<16xi32>
    %reduce_min3A_335 = arith.constant true
    %reduce_min3A_336 = vector.broadcast %reduce_min3A_335 : i1 to vector<16xi1>
    %reduce_min3A_337 = arith.constant -2147483648 : i32
    %reduce_min3A_338 = vector.broadcast %reduce_min3A_337 : i32 to vector<16xi32>
    %reduce_min3A_339 = arith.xori %select_n3A_334, %reduce_min3A_338 : vector<16xi32>
    %reduce_min3A_340 = tpu.scan <min>, %reduce_min3A_339 masked %reduce_min3A_336 : vector<16xi32>, vector<16xi1> -> vector<16xi32>
    %reduce_min3A_341 = arith.xori %reduce_min3A_340, %reduce_min3A_338 : vector<16xi32>
    %reduce_min3A_342 = vector.extract %reduce_min3A_341[15] : i32 from vector<16xi32>
    %min3A_343 = arith.minsi %min3A_329, %reduce_min3A_342 : i32
    %eq3A_344 = vector.broadcast %min3A_343 : i32 to vector<16xi32>
    %eq3A_345 = arith.cmpi eq, %get3A_107, %eq3A_344 : vector<16xi32>
    %jit3A_346 = arith.constant -3.000000e+38 : f32
    %broadcast_in_dim3A_347 = vector.broadcast %jit3A_346 : f32 to vector<16xf32>
    %select_n3A_348 = arith.select %eq3A_345, %broadcast_in_dim3A_347, %select_n3A_261 : vector<16xi1>, vector<16xf32>
    %eq3A_349 = vector.broadcast %min3A_343 : i32 to vector<16xi32>
    %eq3A_350 = arith.cmpi eq, %get3A_109, %eq3A_349 : vector<16xi32>
    %jit3A_351 = arith.constant -3.000000e+38 : f32
    %broadcast_in_dim3A_352 = vector.broadcast %jit3A_351 : f32 to vector<16xf32>
    %select_n3A_353 = arith.select %eq3A_350, %broadcast_in_dim3A_352, %select_n3A_266 : vector<16xi1>, vector<16xf32>
    %eq3A_354 = vector.broadcast %min3A_343 : i32 to vector<16xi32>
    %eq3A_355 = arith.cmpi eq, %get3A_111, %eq3A_354 : vector<16xi32>
    %jit3A_356 = arith.constant -3.000000e+38 : f32
    %broadcast_in_dim3A_357 = vector.broadcast %jit3A_356 : f32 to vector<16xf32>
    %select_n3A_358 = arith.select %eq3A_355, %broadcast_in_dim3A_357, %select_n3A_271 : vector<16xi1>, vector<16xf32>
    %eq3A_359 = vector.broadcast %min3A_343 : i32 to vector<16xi32>
    %eq3A_360 = arith.cmpi eq, %get3A_113, %eq3A_359 : vector<16xi32>
    %jit3A_361 = arith.constant -3.000000e+38 : f32
    %broadcast_in_dim3A_362 = vector.broadcast %jit3A_361 : f32 to vector<16xf32>
    %select_n3A_363 = arith.select %eq3A_360, %broadcast_in_dim3A_362, %select_n3A_276 : vector<16xi1>, vector<16xf32>
    %eq3A_364 = arith.constant 2 : i32
    %eq3A_365 = vector.broadcast %eq3A_364 : i32 to vector<16xi32>
    %eq3A_366 = arith.cmpi eq, %iota3A, %eq3A_365 : vector<16xi32>
    %broadcast_in_dim3A_367 = vector.broadcast %min3A_343 : i32 to vector<16xi32>
    %select_n3A_368 = arith.select %eq3A_366, %broadcast_in_dim3A_367, %select_n3A_281 : vector<16xi1>, vector<16xi32>
    %max3A_369 = arith.maximumf %select_n3A_348, %select_n3A_353 : vector<16xf32>
    %max3A_370 = arith.maximumf %max3A_369, %select_n3A_358 : vector<16xf32>
    %max3A_371 = arith.maximumf %max3A_370, %select_n3A_363 : vector<16xf32>
    %reduce_max3A_372 = arith.constant true
    %reduce_max3A_373 = vector.broadcast %reduce_max3A_372 : i1 to vector<16xi1>
    %reduce_max3A_374 = tpu.scan <max>, %max3A_371 masked %reduce_max3A_373 : vector<16xf32>, vector<16xi1> -> vector<16xf32>
    %reduce_max3A_375 = vector.extract %reduce_max3A_374[15] : f32 from vector<16xf32>
    %eq3A_376 = vector.broadcast %reduce_max3A_375 : f32 to vector<16xf32>
    %eq3A_377 = arith.cmpf oeq, %select_n3A_348, %eq3A_376 : vector<16xf32>
    %jit3A_378 = arith.constant 1073741824 : i32
    %broadcast_in_dim3A_379 = vector.broadcast %jit3A_378 : i32 to vector<16xi32>
    %select_n3A_380 = arith.select %eq3A_377, %get3A_107, %broadcast_in_dim3A_379 : vector<16xi1>, vector<16xi32>
    %reduce_min3A_381 = arith.constant true
    %reduce_min3A_382 = vector.broadcast %reduce_min3A_381 : i1 to vector<16xi1>
    %reduce_min3A_383 = arith.constant -2147483648 : i32
    %reduce_min3A_384 = vector.broadcast %reduce_min3A_383 : i32 to vector<16xi32>
    %reduce_min3A_385 = arith.xori %select_n3A_380, %reduce_min3A_384 : vector<16xi32>
    %reduce_min3A_386 = tpu.scan <min>, %reduce_min3A_385 masked %reduce_min3A_382 : vector<16xi32>, vector<16xi1> -> vector<16xi32>
    %reduce_min3A_387 = arith.xori %reduce_min3A_386, %reduce_min3A_384 : vector<16xi32>
    %reduce_min3A_388 = vector.extract %reduce_min3A_387[15] : i32 from vector<16xi32>
    %eq3A_389 = vector.broadcast %reduce_max3A_375 : f32 to vector<16xf32>
    %eq3A_390 = arith.cmpf oeq, %select_n3A_353, %eq3A_389 : vector<16xf32>
    %jit3A_391 = arith.constant 1073741824 : i32
    %broadcast_in_dim3A_392 = vector.broadcast %jit3A_391 : i32 to vector<16xi32>
    %select_n3A_393 = arith.select %eq3A_390, %get3A_109, %broadcast_in_dim3A_392 : vector<16xi1>, vector<16xi32>
    %reduce_min3A_394 = arith.constant true
    %reduce_min3A_395 = vector.broadcast %reduce_min3A_394 : i1 to vector<16xi1>
    %reduce_min3A_396 = arith.constant -2147483648 : i32
    %reduce_min3A_397 = vector.broadcast %reduce_min3A_396 : i32 to vector<16xi32>
    %reduce_min3A_398 = arith.xori %select_n3A_393, %reduce_min3A_397 : vector<16xi32>
    %reduce_min3A_399 = tpu.scan <min>, %reduce_min3A_398 masked %reduce_min3A_395 : vector<16xi32>, vector<16xi1> -> vector<16xi32>
    %reduce_min3A_400 = arith.xori %reduce_min3A_399, %reduce_min3A_397 : vector<16xi32>
    %reduce_min3A_401 = vector.extract %reduce_min3A_400[15] : i32 from vector<16xi32>
    %min3A_402 = arith.minsi %reduce_min3A_388, %reduce_min3A_401 : i32
    %eq3A_403 = vector.broadcast %reduce_max3A_375 : f32 to vector<16xf32>
    %eq3A_404 = arith.cmpf oeq, %select_n3A_358, %eq3A_403 : vector<16xf32>
    %jit3A_405 = arith.constant 1073741824 : i32
    %broadcast_in_dim3A_406 = vector.broadcast %jit3A_405 : i32 to vector<16xi32>
    %select_n3A_407 = arith.select %eq3A_404, %get3A_111, %broadcast_in_dim3A_406 : vector<16xi1>, vector<16xi32>
    %reduce_min3A_408 = arith.constant true
    %reduce_min3A_409 = vector.broadcast %reduce_min3A_408 : i1 to vector<16xi1>
    %reduce_min3A_410 = arith.constant -2147483648 : i32
    %reduce_min3A_411 = vector.broadcast %reduce_min3A_410 : i32 to vector<16xi32>
    %reduce_min3A_412 = arith.xori %select_n3A_407, %reduce_min3A_411 : vector<16xi32>
    %reduce_min3A_413 = tpu.scan <min>, %reduce_min3A_412 masked %reduce_min3A_409 : vector<16xi32>, vector<16xi1> -> vector<16xi32>
    %reduce_min3A_414 = arith.xori %reduce_min3A_413, %reduce_min3A_411 : vector<16xi32>
    %reduce_min3A_415 = vector.extract %reduce_min3A_414[15] : i32 from vector<16xi32>
    %min3A_416 = arith.minsi %min3A_402, %reduce_min3A_415 : i32
    %eq3A_417 = vector.broadcast %reduce_max3A_375 : f32 to vector<16xf32>
    %eq3A_418 = arith.cmpf oeq, %select_n3A_363, %eq3A_417 : vector<16xf32>
    %jit3A_419 = arith.constant 1073741824 : i32
    %broadcast_in_dim3A_420 = vector.broadcast %jit3A_419 : i32 to vector<16xi32>
    %select_n3A_421 = arith.select %eq3A_418, %get3A_113, %broadcast_in_dim3A_420 : vector<16xi1>, vector<16xi32>
    %reduce_min3A_422 = arith.constant true
    %reduce_min3A_423 = vector.broadcast %reduce_min3A_422 : i1 to vector<16xi1>
    %reduce_min3A_424 = arith.constant -2147483648 : i32
    %reduce_min3A_425 = vector.broadcast %reduce_min3A_424 : i32 to vector<16xi32>
    %reduce_min3A_426 = arith.xori %select_n3A_421, %reduce_min3A_425 : vector<16xi32>
    %reduce_min3A_427 = tpu.scan <min>, %reduce_min3A_426 masked %reduce_min3A_423 : vector<16xi32>, vector<16xi1> -> vector<16xi32>
    %reduce_min3A_428 = arith.xori %reduce_min3A_427, %reduce_min3A_425 : vector<16xi32>
    %reduce_min3A_429 = vector.extract %reduce_min3A_428[15] : i32 from vector<16xi32>
    %min3A_430 = arith.minsi %min3A_416, %reduce_min3A_429 : i32
    %eq3A_431 = vector.broadcast %min3A_430 : i32 to vector<16xi32>
    %eq3A_432 = arith.cmpi eq, %get3A_107, %eq3A_431 : vector<16xi32>
    %jit3A_433 = arith.constant -3.000000e+38 : f32
    %broadcast_in_dim3A_434 = vector.broadcast %jit3A_433 : f32 to vector<16xf32>
    %select_n3A_435 = arith.select %eq3A_432, %broadcast_in_dim3A_434, %select_n3A_348 : vector<16xi1>, vector<16xf32>
    %eq3A_436 = vector.broadcast %min3A_430 : i32 to vector<16xi32>
    %eq3A_437 = arith.cmpi eq, %get3A_109, %eq3A_436 : vector<16xi32>
    %jit3A_438 = arith.constant -3.000000e+38 : f32
    %broadcast_in_dim3A_439 = vector.broadcast %jit3A_438 : f32 to vector<16xf32>
    %select_n3A_440 = arith.select %eq3A_437, %broadcast_in_dim3A_439, %select_n3A_353 : vector<16xi1>, vector<16xf32>
    %eq3A_441 = vector.broadcast %min3A_430 : i32 to vector<16xi32>
    %eq3A_442 = arith.cmpi eq, %get3A_111, %eq3A_441 : vector<16xi32>
    %jit3A_443 = arith.constant -3.000000e+38 : f32
    %broadcast_in_dim3A_444 = vector.broadcast %jit3A_443 : f32 to vector<16xf32>
    %select_n3A_445 = arith.select %eq3A_442, %broadcast_in_dim3A_444, %select_n3A_358 : vector<16xi1>, vector<16xf32>
    %eq3A_446 = vector.broadcast %min3A_430 : i32 to vector<16xi32>
    %eq3A_447 = arith.cmpi eq, %get3A_113, %eq3A_446 : vector<16xi32>
    %jit3A_448 = arith.constant -3.000000e+38 : f32
    %broadcast_in_dim3A_449 = vector.broadcast %jit3A_448 : f32 to vector<16xf32>
    %select_n3A_450 = arith.select %eq3A_447, %broadcast_in_dim3A_449, %select_n3A_363 : vector<16xi1>, vector<16xf32>
    %eq3A_451 = arith.constant 3 : i32
    %eq3A_452 = vector.broadcast %eq3A_451 : i32 to vector<16xi32>
    %eq3A_453 = arith.cmpi eq, %iota3A, %eq3A_452 : vector<16xi32>
    %broadcast_in_dim3A_454 = vector.broadcast %min3A_430 : i32 to vector<16xi32>
    %select_n3A_455 = arith.select %eq3A_453, %broadcast_in_dim3A_454, %select_n3A_368 : vector<16xi1>, vector<16xi32>
    %max3A_456 = arith.maximumf %select_n3A_435, %select_n3A_440 : vector<16xf32>
    %max3A_457 = arith.maximumf %max3A_456, %select_n3A_445 : vector<16xf32>
    %max3A_458 = arith.maximumf %max3A_457, %select_n3A_450 : vector<16xf32>
    %reduce_max3A_459 = arith.constant true
    %reduce_max3A_460 = vector.broadcast %reduce_max3A_459 : i1 to vector<16xi1>
    %reduce_max3A_461 = tpu.scan <max>, %max3A_458 masked %reduce_max3A_460 : vector<16xf32>, vector<16xi1> -> vector<16xf32>
    %reduce_max3A_462 = vector.extract %reduce_max3A_461[15] : f32 from vector<16xf32>
    %eq3A_463 = vector.broadcast %reduce_max3A_462 : f32 to vector<16xf32>
    %eq3A_464 = arith.cmpf oeq, %select_n3A_435, %eq3A_463 : vector<16xf32>
    %jit3A_465 = arith.constant 1073741824 : i32
    %broadcast_in_dim3A_466 = vector.broadcast %jit3A_465 : i32 to vector<16xi32>
    %select_n3A_467 = arith.select %eq3A_464, %get3A_107, %broadcast_in_dim3A_466 : vector<16xi1>, vector<16xi32>
    %reduce_min3A_468 = arith.constant true
    %reduce_min3A_469 = vector.broadcast %reduce_min3A_468 : i1 to vector<16xi1>
    %reduce_min3A_470 = arith.constant -2147483648 : i32
    %reduce_min3A_471 = vector.broadcast %reduce_min3A_470 : i32 to vector<16xi32>
    %reduce_min3A_472 = arith.xori %select_n3A_467, %reduce_min3A_471 : vector<16xi32>
    %reduce_min3A_473 = tpu.scan <min>, %reduce_min3A_472 masked %reduce_min3A_469 : vector<16xi32>, vector<16xi1> -> vector<16xi32>
    %reduce_min3A_474 = arith.xori %reduce_min3A_473, %reduce_min3A_471 : vector<16xi32>
    %reduce_min3A_475 = vector.extract %reduce_min3A_474[15] : i32 from vector<16xi32>
    %eq3A_476 = vector.broadcast %reduce_max3A_462 : f32 to vector<16xf32>
    %eq3A_477 = arith.cmpf oeq, %select_n3A_440, %eq3A_476 : vector<16xf32>
    %jit3A_478 = arith.constant 1073741824 : i32
    %broadcast_in_dim3A_479 = vector.broadcast %jit3A_478 : i32 to vector<16xi32>
    %select_n3A_480 = arith.select %eq3A_477, %get3A_109, %broadcast_in_dim3A_479 : vector<16xi1>, vector<16xi32>
    %reduce_min3A_481 = arith.constant true
    %reduce_min3A_482 = vector.broadcast %reduce_min3A_481 : i1 to vector<16xi1>
    %reduce_min3A_483 = arith.constant -2147483648 : i32
    %reduce_min3A_484 = vector.broadcast %reduce_min3A_483 : i32 to vector<16xi32>
    %reduce_min3A_485 = arith.xori %select_n3A_480, %reduce_min3A_484 : vector<16xi32>
    %reduce_min3A_486 = tpu.scan <min>, %reduce_min3A_485 masked %reduce_min3A_482 : vector<16xi32>, vector<16xi1> -> vector<16xi32>
    %reduce_min3A_487 = arith.xori %reduce_min3A_486, %reduce_min3A_484 : vector<16xi32>
    %reduce_min3A_488 = vector.extract %reduce_min3A_487[15] : i32 from vector<16xi32>
    %min3A_489 = arith.minsi %reduce_min3A_475, %reduce_min3A_488 : i32
    %eq3A_490 = vector.broadcast %reduce_max3A_462 : f32 to vector<16xf32>
    %eq3A_491 = arith.cmpf oeq, %select_n3A_445, %eq3A_490 : vector<16xf32>
    %jit3A_492 = arith.constant 1073741824 : i32
    %broadcast_in_dim3A_493 = vector.broadcast %jit3A_492 : i32 to vector<16xi32>
    %select_n3A_494 = arith.select %eq3A_491, %get3A_111, %broadcast_in_dim3A_493 : vector<16xi1>, vector<16xi32>
    %reduce_min3A_495 = arith.constant true
    %reduce_min3A_496 = vector.broadcast %reduce_min3A_495 : i1 to vector<16xi1>
    %reduce_min3A_497 = arith.constant -2147483648 : i32
    %reduce_min3A_498 = vector.broadcast %reduce_min3A_497 : i32 to vector<16xi32>
    %reduce_min3A_499 = arith.xori %select_n3A_494, %reduce_min3A_498 : vector<16xi32>
    %reduce_min3A_500 = tpu.scan <min>, %reduce_min3A_499 masked %reduce_min3A_496 : vector<16xi32>, vector<16xi1> -> vector<16xi32>
    %reduce_min3A_501 = arith.xori %reduce_min3A_500, %reduce_min3A_498 : vector<16xi32>
    %reduce_min3A_502 = vector.extract %reduce_min3A_501[15] : i32 from vector<16xi32>
    %min3A_503 = arith.minsi %min3A_489, %reduce_min3A_502 : i32
    %eq3A_504 = vector.broadcast %reduce_max3A_462 : f32 to vector<16xf32>
    %eq3A_505 = arith.cmpf oeq, %select_n3A_450, %eq3A_504 : vector<16xf32>
    %jit3A_506 = arith.constant 1073741824 : i32
    %broadcast_in_dim3A_507 = vector.broadcast %jit3A_506 : i32 to vector<16xi32>
    %select_n3A_508 = arith.select %eq3A_505, %get3A_113, %broadcast_in_dim3A_507 : vector<16xi1>, vector<16xi32>
    %reduce_min3A_509 = arith.constant true
    %reduce_min3A_510 = vector.broadcast %reduce_min3A_509 : i1 to vector<16xi1>
    %reduce_min3A_511 = arith.constant -2147483648 : i32
    %reduce_min3A_512 = vector.broadcast %reduce_min3A_511 : i32 to vector<16xi32>
    %reduce_min3A_513 = arith.xori %select_n3A_508, %reduce_min3A_512 : vector<16xi32>
    %reduce_min3A_514 = tpu.scan <min>, %reduce_min3A_513 masked %reduce_min3A_510 : vector<16xi32>, vector<16xi1> -> vector<16xi32>
    %reduce_min3A_515 = arith.xori %reduce_min3A_514, %reduce_min3A_512 : vector<16xi32>
    %reduce_min3A_516 = vector.extract %reduce_min3A_515[15] : i32 from vector<16xi32>
    %min3A_517 = arith.minsi %min3A_503, %reduce_min3A_516 : i32
    %eq3A_518 = vector.broadcast %min3A_517 : i32 to vector<16xi32>
    %eq3A_519 = arith.cmpi eq, %get3A_107, %eq3A_518 : vector<16xi32>
    %jit3A_520 = arith.constant -3.000000e+38 : f32
    %broadcast_in_dim3A_521 = vector.broadcast %jit3A_520 : f32 to vector<16xf32>
    %select_n3A_522 = arith.select %eq3A_519, %broadcast_in_dim3A_521, %select_n3A_435 : vector<16xi1>, vector<16xf32>
    %eq3A_523 = vector.broadcast %min3A_517 : i32 to vector<16xi32>
    %eq3A_524 = arith.cmpi eq, %get3A_109, %eq3A_523 : vector<16xi32>
    %jit3A_525 = arith.constant -3.000000e+38 : f32
    %broadcast_in_dim3A_526 = vector.broadcast %jit3A_525 : f32 to vector<16xf32>
    %select_n3A_527 = arith.select %eq3A_524, %broadcast_in_dim3A_526, %select_n3A_440 : vector<16xi1>, vector<16xf32>
    %eq3A_528 = vector.broadcast %min3A_517 : i32 to vector<16xi32>
    %eq3A_529 = arith.cmpi eq, %get3A_111, %eq3A_528 : vector<16xi32>
    %jit3A_530 = arith.constant -3.000000e+38 : f32
    %broadcast_in_dim3A_531 = vector.broadcast %jit3A_530 : f32 to vector<16xf32>
    %select_n3A_532 = arith.select %eq3A_529, %broadcast_in_dim3A_531, %select_n3A_445 : vector<16xi1>, vector<16xf32>
    %eq3A_533 = vector.broadcast %min3A_517 : i32 to vector<16xi32>
    %eq3A_534 = arith.cmpi eq, %get3A_113, %eq3A_533 : vector<16xi32>
    %jit3A_535 = arith.constant -3.000000e+38 : f32
    %broadcast_in_dim3A_536 = vector.broadcast %jit3A_535 : f32 to vector<16xf32>
    %select_n3A_537 = arith.select %eq3A_534, %broadcast_in_dim3A_536, %select_n3A_450 : vector<16xi1>, vector<16xf32>
    %eq3A_538 = arith.constant 4 : i32
    %eq3A_539 = vector.broadcast %eq3A_538 : i32 to vector<16xi32>
    %eq3A_540 = arith.cmpi eq, %iota3A, %eq3A_539 : vector<16xi32>
    %broadcast_in_dim3A_541 = vector.broadcast %min3A_517 : i32 to vector<16xi32>
    %select_n3A_542 = arith.select %eq3A_540, %broadcast_in_dim3A_541, %select_n3A_455 : vector<16xi1>, vector<16xi32>
    %max3A_543 = arith.maximumf %select_n3A_522, %select_n3A_527 : vector<16xf32>
    %max3A_544 = arith.maximumf %max3A_543, %select_n3A_532 : vector<16xf32>
    %max3A_545 = arith.maximumf %max3A_544, %select_n3A_537 : vector<16xf32>
    %reduce_max3A_546 = arith.constant true
    %reduce_max3A_547 = vector.broadcast %reduce_max3A_546 : i1 to vector<16xi1>
    %reduce_max3A_548 = tpu.scan <max>, %max3A_545 masked %reduce_max3A_547 : vector<16xf32>, vector<16xi1> -> vector<16xf32>
    %reduce_max3A_549 = vector.extract %reduce_max3A_548[15] : f32 from vector<16xf32>
    %eq3A_550 = vector.broadcast %reduce_max3A_549 : f32 to vector<16xf32>
    %eq3A_551 = arith.cmpf oeq, %select_n3A_522, %eq3A_550 : vector<16xf32>
    %jit3A_552 = arith.constant 1073741824 : i32
    %broadcast_in_dim3A_553 = vector.broadcast %jit3A_552 : i32 to vector<16xi32>
    %select_n3A_554 = arith.select %eq3A_551, %get3A_107, %broadcast_in_dim3A_553 : vector<16xi1>, vector<16xi32>
    %reduce_min3A_555 = arith.constant true
    %reduce_min3A_556 = vector.broadcast %reduce_min3A_555 : i1 to vector<16xi1>
    %reduce_min3A_557 = arith.constant -2147483648 : i32
    %reduce_min3A_558 = vector.broadcast %reduce_min3A_557 : i32 to vector<16xi32>
    %reduce_min3A_559 = arith.xori %select_n3A_554, %reduce_min3A_558 : vector<16xi32>
    %reduce_min3A_560 = tpu.scan <min>, %reduce_min3A_559 masked %reduce_min3A_556 : vector<16xi32>, vector<16xi1> -> vector<16xi32>
    %reduce_min3A_561 = arith.xori %reduce_min3A_560, %reduce_min3A_558 : vector<16xi32>
    %reduce_min3A_562 = vector.extract %reduce_min3A_561[15] : i32 from vector<16xi32>
    %eq3A_563 = vector.broadcast %reduce_max3A_549 : f32 to vector<16xf32>
    %eq3A_564 = arith.cmpf oeq, %select_n3A_527, %eq3A_563 : vector<16xf32>
    %jit3A_565 = arith.constant 1073741824 : i32
    %broadcast_in_dim3A_566 = vector.broadcast %jit3A_565 : i32 to vector<16xi32>
    %select_n3A_567 = arith.select %eq3A_564, %get3A_109, %broadcast_in_dim3A_566 : vector<16xi1>, vector<16xi32>
    %reduce_min3A_568 = arith.constant true
    %reduce_min3A_569 = vector.broadcast %reduce_min3A_568 : i1 to vector<16xi1>
    %reduce_min3A_570 = arith.constant -2147483648 : i32
    %reduce_min3A_571 = vector.broadcast %reduce_min3A_570 : i32 to vector<16xi32>
    %reduce_min3A_572 = arith.xori %select_n3A_567, %reduce_min3A_571 : vector<16xi32>
    %reduce_min3A_573 = tpu.scan <min>, %reduce_min3A_572 masked %reduce_min3A_569 : vector<16xi32>, vector<16xi1> -> vector<16xi32>
    %reduce_min3A_574 = arith.xori %reduce_min3A_573, %reduce_min3A_571 : vector<16xi32>
    %reduce_min3A_575 = vector.extract %reduce_min3A_574[15] : i32 from vector<16xi32>
    %min3A_576 = arith.minsi %reduce_min3A_562, %reduce_min3A_575 : i32
    %eq3A_577 = vector.broadcast %reduce_max3A_549 : f32 to vector<16xf32>
    %eq3A_578 = arith.cmpf oeq, %select_n3A_532, %eq3A_577 : vector<16xf32>
    %jit3A_579 = arith.constant 1073741824 : i32
    %broadcast_in_dim3A_580 = vector.broadcast %jit3A_579 : i32 to vector<16xi32>
    %select_n3A_581 = arith.select %eq3A_578, %get3A_111, %broadcast_in_dim3A_580 : vector<16xi1>, vector<16xi32>
    %reduce_min3A_582 = arith.constant true
    %reduce_min3A_583 = vector.broadcast %reduce_min3A_582 : i1 to vector<16xi1>
    %reduce_min3A_584 = arith.constant -2147483648 : i32
    %reduce_min3A_585 = vector.broadcast %reduce_min3A_584 : i32 to vector<16xi32>
    %reduce_min3A_586 = arith.xori %select_n3A_581, %reduce_min3A_585 : vector<16xi32>
    %reduce_min3A_587 = tpu.scan <min>, %reduce_min3A_586 masked %reduce_min3A_583 : vector<16xi32>, vector<16xi1> -> vector<16xi32>
    %reduce_min3A_588 = arith.xori %reduce_min3A_587, %reduce_min3A_585 : vector<16xi32>
    %reduce_min3A_589 = vector.extract %reduce_min3A_588[15] : i32 from vector<16xi32>
    %min3A_590 = arith.minsi %min3A_576, %reduce_min3A_589 : i32
    %eq3A_591 = vector.broadcast %reduce_max3A_549 : f32 to vector<16xf32>
    %eq3A_592 = arith.cmpf oeq, %select_n3A_537, %eq3A_591 : vector<16xf32>
    %jit3A_593 = arith.constant 1073741824 : i32
    %broadcast_in_dim3A_594 = vector.broadcast %jit3A_593 : i32 to vector<16xi32>
    %select_n3A_595 = arith.select %eq3A_592, %get3A_113, %broadcast_in_dim3A_594 : vector<16xi1>, vector<16xi32>
    %reduce_min3A_596 = arith.constant true
    %reduce_min3A_597 = vector.broadcast %reduce_min3A_596 : i1 to vector<16xi1>
    %reduce_min3A_598 = arith.constant -2147483648 : i32
    %reduce_min3A_599 = vector.broadcast %reduce_min3A_598 : i32 to vector<16xi32>
    %reduce_min3A_600 = arith.xori %select_n3A_595, %reduce_min3A_599 : vector<16xi32>
    %reduce_min3A_601 = tpu.scan <min>, %reduce_min3A_600 masked %reduce_min3A_597 : vector<16xi32>, vector<16xi1> -> vector<16xi32>
    %reduce_min3A_602 = arith.xori %reduce_min3A_601, %reduce_min3A_599 : vector<16xi32>
    %reduce_min3A_603 = vector.extract %reduce_min3A_602[15] : i32 from vector<16xi32>
    %min3A_604 = arith.minsi %min3A_590, %reduce_min3A_603 : i32
    %eq3A_605 = vector.broadcast %min3A_604 : i32 to vector<16xi32>
    %eq3A_606 = arith.cmpi eq, %get3A_107, %eq3A_605 : vector<16xi32>
    %jit3A_607 = arith.constant -3.000000e+38 : f32
    %broadcast_in_dim3A_608 = vector.broadcast %jit3A_607 : f32 to vector<16xf32>
    %select_n3A_609 = arith.select %eq3A_606, %broadcast_in_dim3A_608, %select_n3A_522 : vector<16xi1>, vector<16xf32>
    %eq3A_610 = vector.broadcast %min3A_604 : i32 to vector<16xi32>
    %eq3A_611 = arith.cmpi eq, %get3A_109, %eq3A_610 : vector<16xi32>
    %jit3A_612 = arith.constant -3.000000e+38 : f32
    %broadcast_in_dim3A_613 = vector.broadcast %jit3A_612 : f32 to vector<16xf32>
    %select_n3A_614 = arith.select %eq3A_611, %broadcast_in_dim3A_613, %select_n3A_527 : vector<16xi1>, vector<16xf32>
    %eq3A_615 = vector.broadcast %min3A_604 : i32 to vector<16xi32>
    %eq3A_616 = arith.cmpi eq, %get3A_111, %eq3A_615 : vector<16xi32>
    %jit3A_617 = arith.constant -3.000000e+38 : f32
    %broadcast_in_dim3A_618 = vector.broadcast %jit3A_617 : f32 to vector<16xf32>
    %select_n3A_619 = arith.select %eq3A_616, %broadcast_in_dim3A_618, %select_n3A_532 : vector<16xi1>, vector<16xf32>
    %eq3A_620 = vector.broadcast %min3A_604 : i32 to vector<16xi32>
    %eq3A_621 = arith.cmpi eq, %get3A_113, %eq3A_620 : vector<16xi32>
    %jit3A_622 = arith.constant -3.000000e+38 : f32
    %broadcast_in_dim3A_623 = vector.broadcast %jit3A_622 : f32 to vector<16xf32>
    %select_n3A_624 = arith.select %eq3A_621, %broadcast_in_dim3A_623, %select_n3A_537 : vector<16xi1>, vector<16xf32>
    %eq3A_625 = arith.constant 5 : i32
    %eq3A_626 = vector.broadcast %eq3A_625 : i32 to vector<16xi32>
    %eq3A_627 = arith.cmpi eq, %iota3A, %eq3A_626 : vector<16xi32>
    %broadcast_in_dim3A_628 = vector.broadcast %min3A_604 : i32 to vector<16xi32>
    %select_n3A_629 = arith.select %eq3A_627, %broadcast_in_dim3A_628, %select_n3A_542 : vector<16xi1>, vector<16xi32>
    %max3A_630 = arith.maximumf %select_n3A_609, %select_n3A_614 : vector<16xf32>
    %max3A_631 = arith.maximumf %max3A_630, %select_n3A_619 : vector<16xf32>
    %max3A_632 = arith.maximumf %max3A_631, %select_n3A_624 : vector<16xf32>
    %reduce_max3A_633 = arith.constant true
    %reduce_max3A_634 = vector.broadcast %reduce_max3A_633 : i1 to vector<16xi1>
    %reduce_max3A_635 = tpu.scan <max>, %max3A_632 masked %reduce_max3A_634 : vector<16xf32>, vector<16xi1> -> vector<16xf32>
    %reduce_max3A_636 = vector.extract %reduce_max3A_635[15] : f32 from vector<16xf32>
    %eq3A_637 = vector.broadcast %reduce_max3A_636 : f32 to vector<16xf32>
    %eq3A_638 = arith.cmpf oeq, %select_n3A_609, %eq3A_637 : vector<16xf32>
    %jit3A_639 = arith.constant 1073741824 : i32
    %broadcast_in_dim3A_640 = vector.broadcast %jit3A_639 : i32 to vector<16xi32>
    %select_n3A_641 = arith.select %eq3A_638, %get3A_107, %broadcast_in_dim3A_640 : vector<16xi1>, vector<16xi32>
    %reduce_min3A_642 = arith.constant true
    %reduce_min3A_643 = vector.broadcast %reduce_min3A_642 : i1 to vector<16xi1>
    %reduce_min3A_644 = arith.constant -2147483648 : i32
    %reduce_min3A_645 = vector.broadcast %reduce_min3A_644 : i32 to vector<16xi32>
    %reduce_min3A_646 = arith.xori %select_n3A_641, %reduce_min3A_645 : vector<16xi32>
    %reduce_min3A_647 = tpu.scan <min>, %reduce_min3A_646 masked %reduce_min3A_643 : vector<16xi32>, vector<16xi1> -> vector<16xi32>
    %reduce_min3A_648 = arith.xori %reduce_min3A_647, %reduce_min3A_645 : vector<16xi32>
    %reduce_min3A_649 = vector.extract %reduce_min3A_648[15] : i32 from vector<16xi32>
    %eq3A_650 = vector.broadcast %reduce_max3A_636 : f32 to vector<16xf32>
    %eq3A_651 = arith.cmpf oeq, %select_n3A_614, %eq3A_650 : vector<16xf32>
    %jit3A_652 = arith.constant 1073741824 : i32
    %broadcast_in_dim3A_653 = vector.broadcast %jit3A_652 : i32 to vector<16xi32>
    %select_n3A_654 = arith.select %eq3A_651, %get3A_109, %broadcast_in_dim3A_653 : vector<16xi1>, vector<16xi32>
    %reduce_min3A_655 = arith.constant true
    %reduce_min3A_656 = vector.broadcast %reduce_min3A_655 : i1 to vector<16xi1>
    %reduce_min3A_657 = arith.constant -2147483648 : i32
    %reduce_min3A_658 = vector.broadcast %reduce_min3A_657 : i32 to vector<16xi32>
    %reduce_min3A_659 = arith.xori %select_n3A_654, %reduce_min3A_658 : vector<16xi32>
    %reduce_min3A_660 = tpu.scan <min>, %reduce_min3A_659 masked %reduce_min3A_656 : vector<16xi32>, vector<16xi1> -> vector<16xi32>
    %reduce_min3A_661 = arith.xori %reduce_min3A_660, %reduce_min3A_658 : vector<16xi32>
    %reduce_min3A_662 = vector.extract %reduce_min3A_661[15] : i32 from vector<16xi32>
    %min3A_663 = arith.minsi %reduce_min3A_649, %reduce_min3A_662 : i32
    %eq3A_664 = vector.broadcast %reduce_max3A_636 : f32 to vector<16xf32>
    %eq3A_665 = arith.cmpf oeq, %select_n3A_619, %eq3A_664 : vector<16xf32>
    %jit3A_666 = arith.constant 1073741824 : i32
    %broadcast_in_dim3A_667 = vector.broadcast %jit3A_666 : i32 to vector<16xi32>
    %select_n3A_668 = arith.select %eq3A_665, %get3A_111, %broadcast_in_dim3A_667 : vector<16xi1>, vector<16xi32>
    %reduce_min3A_669 = arith.constant true
    %reduce_min3A_670 = vector.broadcast %reduce_min3A_669 : i1 to vector<16xi1>
    %reduce_min3A_671 = arith.constant -2147483648 : i32
    %reduce_min3A_672 = vector.broadcast %reduce_min3A_671 : i32 to vector<16xi32>
    %reduce_min3A_673 = arith.xori %select_n3A_668, %reduce_min3A_672 : vector<16xi32>
    %reduce_min3A_674 = tpu.scan <min>, %reduce_min3A_673 masked %reduce_min3A_670 : vector<16xi32>, vector<16xi1> -> vector<16xi32>
    %reduce_min3A_675 = arith.xori %reduce_min3A_674, %reduce_min3A_672 : vector<16xi32>
    %reduce_min3A_676 = vector.extract %reduce_min3A_675[15] : i32 from vector<16xi32>
    %min3A_677 = arith.minsi %min3A_663, %reduce_min3A_676 : i32
    %eq3A_678 = vector.broadcast %reduce_max3A_636 : f32 to vector<16xf32>
    %eq3A_679 = arith.cmpf oeq, %select_n3A_624, %eq3A_678 : vector<16xf32>
    %jit3A_680 = arith.constant 1073741824 : i32
    %broadcast_in_dim3A_681 = vector.broadcast %jit3A_680 : i32 to vector<16xi32>
    %select_n3A_682 = arith.select %eq3A_679, %get3A_113, %broadcast_in_dim3A_681 : vector<16xi1>, vector<16xi32>
    %reduce_min3A_683 = arith.constant true
    %reduce_min3A_684 = vector.broadcast %reduce_min3A_683 : i1 to vector<16xi1>
    %reduce_min3A_685 = arith.constant -2147483648 : i32
    %reduce_min3A_686 = vector.broadcast %reduce_min3A_685 : i32 to vector<16xi32>
    %reduce_min3A_687 = arith.xori %select_n3A_682, %reduce_min3A_686 : vector<16xi32>
    %reduce_min3A_688 = tpu.scan <min>, %reduce_min3A_687 masked %reduce_min3A_684 : vector<16xi32>, vector<16xi1> -> vector<16xi32>
    %reduce_min3A_689 = arith.xori %reduce_min3A_688, %reduce_min3A_686 : vector<16xi32>
    %reduce_min3A_690 = vector.extract %reduce_min3A_689[15] : i32 from vector<16xi32>
    %min3A_691 = arith.minsi %min3A_677, %reduce_min3A_690 : i32
    %eq3A_692 = vector.broadcast %min3A_691 : i32 to vector<16xi32>
    %eq3A_693 = arith.cmpi eq, %get3A_107, %eq3A_692 : vector<16xi32>
    %jit3A_694 = arith.constant -3.000000e+38 : f32
    %broadcast_in_dim3A_695 = vector.broadcast %jit3A_694 : f32 to vector<16xf32>
    %select_n3A_696 = arith.select %eq3A_693, %broadcast_in_dim3A_695, %select_n3A_609 : vector<16xi1>, vector<16xf32>
    %eq3A_697 = vector.broadcast %min3A_691 : i32 to vector<16xi32>
    %eq3A_698 = arith.cmpi eq, %get3A_109, %eq3A_697 : vector<16xi32>
    %jit3A_699 = arith.constant -3.000000e+38 : f32
    %broadcast_in_dim3A_700 = vector.broadcast %jit3A_699 : f32 to vector<16xf32>
    %select_n3A_701 = arith.select %eq3A_698, %broadcast_in_dim3A_700, %select_n3A_614 : vector<16xi1>, vector<16xf32>
    %eq3A_702 = vector.broadcast %min3A_691 : i32 to vector<16xi32>
    %eq3A_703 = arith.cmpi eq, %get3A_111, %eq3A_702 : vector<16xi32>
    %jit3A_704 = arith.constant -3.000000e+38 : f32
    %broadcast_in_dim3A_705 = vector.broadcast %jit3A_704 : f32 to vector<16xf32>
    %select_n3A_706 = arith.select %eq3A_703, %broadcast_in_dim3A_705, %select_n3A_619 : vector<16xi1>, vector<16xf32>
    %eq3A_707 = vector.broadcast %min3A_691 : i32 to vector<16xi32>
    %eq3A_708 = arith.cmpi eq, %get3A_113, %eq3A_707 : vector<16xi32>
    %jit3A_709 = arith.constant -3.000000e+38 : f32
    %broadcast_in_dim3A_710 = vector.broadcast %jit3A_709 : f32 to vector<16xf32>
    %select_n3A_711 = arith.select %eq3A_708, %broadcast_in_dim3A_710, %select_n3A_624 : vector<16xi1>, vector<16xf32>
    %eq3A_712 = arith.constant 6 : i32
    %eq3A_713 = vector.broadcast %eq3A_712 : i32 to vector<16xi32>
    %eq3A_714 = arith.cmpi eq, %iota3A, %eq3A_713 : vector<16xi32>
    %broadcast_in_dim3A_715 = vector.broadcast %min3A_691 : i32 to vector<16xi32>
    %select_n3A_716 = arith.select %eq3A_714, %broadcast_in_dim3A_715, %select_n3A_629 : vector<16xi1>, vector<16xi32>
    %max3A_717 = arith.maximumf %select_n3A_696, %select_n3A_701 : vector<16xf32>
    %max3A_718 = arith.maximumf %max3A_717, %select_n3A_706 : vector<16xf32>
    %max3A_719 = arith.maximumf %max3A_718, %select_n3A_711 : vector<16xf32>
    %reduce_max3A_720 = arith.constant true
    %reduce_max3A_721 = vector.broadcast %reduce_max3A_720 : i1 to vector<16xi1>
    %reduce_max3A_722 = tpu.scan <max>, %max3A_719 masked %reduce_max3A_721 : vector<16xf32>, vector<16xi1> -> vector<16xf32>
    %reduce_max3A_723 = vector.extract %reduce_max3A_722[15] : f32 from vector<16xf32>
    %eq3A_724 = vector.broadcast %reduce_max3A_723 : f32 to vector<16xf32>
    %eq3A_725 = arith.cmpf oeq, %select_n3A_696, %eq3A_724 : vector<16xf32>
    %jit3A_726 = arith.constant 1073741824 : i32
    %broadcast_in_dim3A_727 = vector.broadcast %jit3A_726 : i32 to vector<16xi32>
    %select_n3A_728 = arith.select %eq3A_725, %get3A_107, %broadcast_in_dim3A_727 : vector<16xi1>, vector<16xi32>
    %reduce_min3A_729 = arith.constant true
    %reduce_min3A_730 = vector.broadcast %reduce_min3A_729 : i1 to vector<16xi1>
    %reduce_min3A_731 = arith.constant -2147483648 : i32
    %reduce_min3A_732 = vector.broadcast %reduce_min3A_731 : i32 to vector<16xi32>
    %reduce_min3A_733 = arith.xori %select_n3A_728, %reduce_min3A_732 : vector<16xi32>
    %reduce_min3A_734 = tpu.scan <min>, %reduce_min3A_733 masked %reduce_min3A_730 : vector<16xi32>, vector<16xi1> -> vector<16xi32>
    %reduce_min3A_735 = arith.xori %reduce_min3A_734, %reduce_min3A_732 : vector<16xi32>
    %reduce_min3A_736 = vector.extract %reduce_min3A_735[15] : i32 from vector<16xi32>
    %eq3A_737 = vector.broadcast %reduce_max3A_723 : f32 to vector<16xf32>
    %eq3A_738 = arith.cmpf oeq, %select_n3A_701, %eq3A_737 : vector<16xf32>
    %jit3A_739 = arith.constant 1073741824 : i32
    %broadcast_in_dim3A_740 = vector.broadcast %jit3A_739 : i32 to vector<16xi32>
    %select_n3A_741 = arith.select %eq3A_738, %get3A_109, %broadcast_in_dim3A_740 : vector<16xi1>, vector<16xi32>
    %reduce_min3A_742 = arith.constant true
    %reduce_min3A_743 = vector.broadcast %reduce_min3A_742 : i1 to vector<16xi1>
    %reduce_min3A_744 = arith.constant -2147483648 : i32
    %reduce_min3A_745 = vector.broadcast %reduce_min3A_744 : i32 to vector<16xi32>
    %reduce_min3A_746 = arith.xori %select_n3A_741, %reduce_min3A_745 : vector<16xi32>
    %reduce_min3A_747 = tpu.scan <min>, %reduce_min3A_746 masked %reduce_min3A_743 : vector<16xi32>, vector<16xi1> -> vector<16xi32>
    %reduce_min3A_748 = arith.xori %reduce_min3A_747, %reduce_min3A_745 : vector<16xi32>
    %reduce_min3A_749 = vector.extract %reduce_min3A_748[15] : i32 from vector<16xi32>
    %min3A_750 = arith.minsi %reduce_min3A_736, %reduce_min3A_749 : i32
    %eq3A_751 = vector.broadcast %reduce_max3A_723 : f32 to vector<16xf32>
    %eq3A_752 = arith.cmpf oeq, %select_n3A_706, %eq3A_751 : vector<16xf32>
    %jit3A_753 = arith.constant 1073741824 : i32
    %broadcast_in_dim3A_754 = vector.broadcast %jit3A_753 : i32 to vector<16xi32>
    %select_n3A_755 = arith.select %eq3A_752, %get3A_111, %broadcast_in_dim3A_754 : vector<16xi1>, vector<16xi32>
    %reduce_min3A_756 = arith.constant true
    %reduce_min3A_757 = vector.broadcast %reduce_min3A_756 : i1 to vector<16xi1>
    %reduce_min3A_758 = arith.constant -2147483648 : i32
    %reduce_min3A_759 = vector.broadcast %reduce_min3A_758 : i32 to vector<16xi32>
    %reduce_min3A_760 = arith.xori %select_n3A_755, %reduce_min3A_759 : vector<16xi32>
    %reduce_min3A_761 = tpu.scan <min>, %reduce_min3A_760 masked %reduce_min3A_757 : vector<16xi32>, vector<16xi1> -> vector<16xi32>
    %reduce_min3A_762 = arith.xori %reduce_min3A_761, %reduce_min3A_759 : vector<16xi32>
    %reduce_min3A_763 = vector.extract %reduce_min3A_762[15] : i32 from vector<16xi32>
    %min3A_764 = arith.minsi %min3A_750, %reduce_min3A_763 : i32
    %eq3A_765 = vector.broadcast %reduce_max3A_723 : f32 to vector<16xf32>
    %eq3A_766 = arith.cmpf oeq, %select_n3A_711, %eq3A_765 : vector<16xf32>
    %jit3A_767 = arith.constant 1073741824 : i32
    %broadcast_in_dim3A_768 = vector.broadcast %jit3A_767 : i32 to vector<16xi32>
    %select_n3A_769 = arith.select %eq3A_766, %get3A_113, %broadcast_in_dim3A_768 : vector<16xi1>, vector<16xi32>
    %reduce_min3A_770 = arith.constant true
    %reduce_min3A_771 = vector.broadcast %reduce_min3A_770 : i1 to vector<16xi1>
    %reduce_min3A_772 = arith.constant -2147483648 : i32
    %reduce_min3A_773 = vector.broadcast %reduce_min3A_772 : i32 to vector<16xi32>
    %reduce_min3A_774 = arith.xori %select_n3A_769, %reduce_min3A_773 : vector<16xi32>
    %reduce_min3A_775 = tpu.scan <min>, %reduce_min3A_774 masked %reduce_min3A_771 : vector<16xi32>, vector<16xi1> -> vector<16xi32>
    %reduce_min3A_776 = arith.xori %reduce_min3A_775, %reduce_min3A_773 : vector<16xi32>
    %reduce_min3A_777 = vector.extract %reduce_min3A_776[15] : i32 from vector<16xi32>
    %min3A_778 = arith.minsi %min3A_764, %reduce_min3A_777 : i32
    %eq3A_779 = vector.broadcast %min3A_778 : i32 to vector<16xi32>
    %eq3A_780 = arith.cmpi eq, %get3A_107, %eq3A_779 : vector<16xi32>
    %jit3A_781 = arith.constant -3.000000e+38 : f32
    %broadcast_in_dim3A_782 = vector.broadcast %jit3A_781 : f32 to vector<16xf32>
    %select_n3A_783 = arith.select %eq3A_780, %broadcast_in_dim3A_782, %select_n3A_696 : vector<16xi1>, vector<16xf32>
    %eq3A_784 = vector.broadcast %min3A_778 : i32 to vector<16xi32>
    %eq3A_785 = arith.cmpi eq, %get3A_109, %eq3A_784 : vector<16xi32>
    %jit3A_786 = arith.constant -3.000000e+38 : f32
    %broadcast_in_dim3A_787 = vector.broadcast %jit3A_786 : f32 to vector<16xf32>
    %select_n3A_788 = arith.select %eq3A_785, %broadcast_in_dim3A_787, %select_n3A_701 : vector<16xi1>, vector<16xf32>
    %eq3A_789 = vector.broadcast %min3A_778 : i32 to vector<16xi32>
    %eq3A_790 = arith.cmpi eq, %get3A_111, %eq3A_789 : vector<16xi32>
    %jit3A_791 = arith.constant -3.000000e+38 : f32
    %broadcast_in_dim3A_792 = vector.broadcast %jit3A_791 : f32 to vector<16xf32>
    %select_n3A_793 = arith.select %eq3A_790, %broadcast_in_dim3A_792, %select_n3A_706 : vector<16xi1>, vector<16xf32>
    %eq3A_794 = vector.broadcast %min3A_778 : i32 to vector<16xi32>
    %eq3A_795 = arith.cmpi eq, %get3A_113, %eq3A_794 : vector<16xi32>
    %jit3A_796 = arith.constant -3.000000e+38 : f32
    %broadcast_in_dim3A_797 = vector.broadcast %jit3A_796 : f32 to vector<16xf32>
    %select_n3A_798 = arith.select %eq3A_795, %broadcast_in_dim3A_797, %select_n3A_711 : vector<16xi1>, vector<16xf32>
    %eq3A_799 = arith.constant 7 : i32
    %eq3A_800 = vector.broadcast %eq3A_799 : i32 to vector<16xi32>
    %eq3A_801 = arith.cmpi eq, %iota3A, %eq3A_800 : vector<16xi32>
    %broadcast_in_dim3A_802 = vector.broadcast %min3A_778 : i32 to vector<16xi32>
    %select_n3A_803 = arith.select %eq3A_801, %broadcast_in_dim3A_802, %select_n3A_716 : vector<16xi1>, vector<16xi32>
    %swap3A_804 = arith.constant 0 : i32
    %swap3A_805 = arith.index_cast %swap3A_804 : i32 to index
    %swap3A_806 = arith.constant 0 : index
    %swap3A_807 = tpu.vector_load %arg7[%swap3A_805, %swap3A_806] {strides = array<i32>} : memref<4x16xi32, #tpu.memory_space<vmem>>, vector<16xi32>,
    tpu.vector_store %arg7[%swap3A_805, %swap3A_806], %select_n3A_803 {strides = array<i32>} : memref<4x16xi32, #tpu.memory_space<vmem>>, vector<16xi32>,
    %dma_wait3A_808 = arith.constant 1 : i32
    %dma_wait3A_809 = arith.constant 0 : i32
    %dma_wait3A_810 = tpu.memref_slice %arg4[%dma_wait3A_808, %dma_wait3A_809] : memref<4x8192xf32, #tpu.memory_space<vmem>> -> memref<1x8192xf32, #tpu.memory_space<vmem>>
    %dma_wait3A_811 = arith.constant 0 : i32
    %dma_wait3A_812 = tpu.memref_slice %arg2[%add3A_15, %dma_wait3A_811] : memref<128x8192xf32, #tpu.memory_space<hbm>> -> memref<1x8192xf32, #tpu.memory_space<hbm>>
    %dma_wait3A_813 = arith.constant 1 : i32
    %dma_wait3A_814 = arith.constant 0 : i32
    %dma_wait3A_815 = tpu.memref_slice %arg4[%dma_wait3A_813, %dma_wait3A_814] : memref<4x8192xf32, #tpu.memory_space<vmem>> -> memref<1x8192xf32, #tpu.memory_space<vmem>>
    %dma_wait3A_816 = arith.constant 0 : i32
    %dma_wait3A_817 = tpu.memref_slice %arg2[%add3A_15, %dma_wait3A_816] : memref<128x8192xf32, #tpu.memory_space<hbm>> -> memref<1x8192xf32, #tpu.memory_space<hbm>>
    tpu.wait_dma2 semaphore(%arg8 : memref<!tpu.dma_semaphore, #tpu.memory_space<semaphore_mem>>) src(%dma_wait3A_817 : memref<1x8192xf32, #tpu.memory_space<hbm>>) dst(%dma_wait3A_815 : memref<1x8192xf32, #tpu.memory_space<vmem>>)
    %scan3A_818 = arith.constant 0 : i32
    %scan3A_819 = arith.constant 64 : i32
    %scan3A_820 = arith.addi %scan3A_818, %scan3A_819 : i32
    %scan3A_821 = arith.constant 1 : i32
    %scan3A_822:8 = scf.for %scan3A_3109 = %scan3A_818 to %scan3A_820 step %scan3A_821 iter_args(%scan3A_3110 = %broadcast_in_dim3A_50, %scan3A_3111 = %broadcast_in_dim3A_50, %scan3A_3112 = %broadcast_in_dim3A_50, %scan3A_3113 = %broadcast_in_dim3A_50, %scan3A_3114 = %broadcast_in_dim3A_50, %scan3A_3115 = %broadcast_in_dim3A_50, %scan3A_3116 = %broadcast_in_dim3A_50, %scan3A_3117 = %broadcast_in_dim3A_50) -> (vector<16xf32>, vector<16xf32>, vector<16xf32>, vector<16xf32>, vector<16xf32>, vector<16xf32>, vector<16xf32>, vector<16xf32>)  : i32 {
      %mul3A_3118 = arith.constant 128 : i32
      %mul3A_3119 = arith.muli %scan3A_3109, %mul3A_3118 : i32
      %add3A_3120 = arith.constant 0 : i32
      %add3A_3121 = arith.addi %mul3A_3119, %add3A_3120 : i32
      %multiple_of3A = tpu.assume_multiple %add3A_3121, 16 : i32
      %get3A_3122 = arith.constant 1 : i32
      %get3A_3123 = arith.index_cast %get3A_3122 : i32 to index
      %get3A_3124 = arith.index_cast %multiple_of3A : i32 to index
      %get3A_3125 = tpu.vector_load %arg4[%get3A_3123, %get3A_3124] {strides = array<i32>} : memref<4x8192xf32, #tpu.memory_space<vmem>>, vector<16xf32>,
      %max3A_3126 = arith.maximumf %scan3A_3110, %get3A_3125 : vector<16xf32>
      %mul3A_3127 = arith.constant 128 : i32
      %mul3A_3128 = arith.muli %scan3A_3109, %mul3A_3127 : i32
      %add3A_3129 = arith.constant 16 : i32
      %add3A_3130 = arith.addi %mul3A_3128, %add3A_3129 : i32
      %multiple_of3A_3131 = tpu.assume_multiple %add3A_3130, 16 : i32
      %get3A_3132 = arith.constant 1 : i32
      %get3A_3133 = arith.index_cast %get3A_3132 : i32 to index
      %get3A_3134 = arith.index_cast %multiple_of3A_3131 : i32 to index
      %get3A_3135 = tpu.vector_load %arg4[%get3A_3133, %get3A_3134] {strides = array<i32>} : memref<4x8192xf32, #tpu.memory_space<vmem>>, vector<16xf32>,
      %max3A_3136 = arith.maximumf %scan3A_3111, %get3A_3135 : vector<16xf32>
      %mul3A_3137 = arith.constant 128 : i32
      %mul3A_3138 = arith.muli %scan3A_3109, %mul3A_3137 : i32
      %add3A_3139 = arith.constant 32 : i32
      %add3A_3140 = arith.addi %mul3A_3138, %add3A_3139 : i32
      %multiple_of3A_3141 = tpu.assume_multiple %add3A_3140, 16 : i32
      %get3A_3142 = arith.constant 1 : i32
      %get3A_3143 = arith.index_cast %get3A_3142 : i32 to index
      %get3A_3144 = arith.index_cast %multiple_of3A_3141 : i32 to index
      %get3A_3145 = tpu.vector_load %arg4[%get3A_3143, %get3A_3144] {strides = array<i32>} : memref<4x8192xf32, #tpu.memory_space<vmem>>, vector<16xf32>,
      %max3A_3146 = arith.maximumf %scan3A_3112, %get3A_3145 : vector<16xf32>
      %mul3A_3147 = arith.constant 128 : i32
      %mul3A_3148 = arith.muli %scan3A_3109, %mul3A_3147 : i32
      %add3A_3149 = arith.constant 48 : i32
      %add3A_3150 = arith.addi %mul3A_3148, %add3A_3149 : i32
      %multiple_of3A_3151 = tpu.assume_multiple %add3A_3150, 16 : i32
      %get3A_3152 = arith.constant 1 : i32
      %get3A_3153 = arith.index_cast %get3A_3152 : i32 to index
      %get3A_3154 = arith.index_cast %multiple_of3A_3151 : i32 to index
      %get3A_3155 = tpu.vector_load %arg4[%get3A_3153, %get3A_3154] {strides = array<i32>} : memref<4x8192xf32, #tpu.memory_space<vmem>>, vector<16xf32>,
      %max3A_3156 = arith.maximumf %scan3A_3113, %get3A_3155 : vector<16xf32>
      %mul3A_3157 = arith.constant 128 : i32
      %mul3A_3158 = arith.muli %scan3A_3109, %mul3A_3157 : i32
      %add3A_3159 = arith.constant 64 : i32
      %add3A_3160 = arith.addi %mul3A_3158, %add3A_3159 : i32
      %multiple_of3A_3161 = tpu.assume_multiple %add3A_3160, 16 : i32
      %get3A_3162 = arith.constant 1 : i32
      %get3A_3163 = arith.index_cast %get3A_3162 : i32 to index
      %get3A_3164 = arith.index_cast %multiple_of3A_3161 : i32 to index
      %get3A_3165 = tpu.vector_load %arg4[%get3A_3163, %get3A_3164] {strides = array<i32>} : memref<4x8192xf32, #tpu.memory_space<vmem>>, vector<16xf32>,
      %max3A_3166 = arith.maximumf %scan3A_3114, %get3A_3165 : vector<16xf32>
      %mul3A_3167 = arith.constant 128 : i32
      %mul3A_3168 = arith.muli %scan3A_3109, %mul3A_3167 : i32
      %add3A_3169 = arith.constant 80 : i32
      %add3A_3170 = arith.addi %mul3A_3168, %add3A_3169 : i32
      %multiple_of3A_3171 = tpu.assume_multiple %add3A_3170, 16 : i32
      %get3A_3172 = arith.constant 1 : i32
      %get3A_3173 = arith.index_cast %get3A_3172 : i32 to index
      %get3A_3174 = arith.index_cast %multiple_of3A_3171 : i32 to index
      %get3A_3175 = tpu.vector_load %arg4[%get3A_3173, %get3A_3174] {strides = array<i32>} : memref<4x8192xf32, #tpu.memory_space<vmem>>, vector<16xf32>,
      %max3A_3176 = arith.maximumf %scan3A_3115, %get3A_3175 : vector<16xf32>
      %mul3A_3177 = arith.constant 128 : i32
      %mul3A_3178 = arith.muli %scan3A_3109, %mul3A_3177 : i32
      %add3A_3179 = arith.constant 96 : i32
      %add3A_3180 = arith.addi %mul3A_3178, %add3A_3179 : i32
      %multiple_of3A_3181 = tpu.assume_multiple %add3A_3180, 16 : i32
      %get3A_3182 = arith.constant 1 : i32
      %get3A_3183 = arith.index_cast %get3A_3182 : i32 to index
      %get3A_3184 = arith.index_cast %multiple_of3A_3181 : i32 to index
      %get3A_3185 = tpu.vector_load %arg4[%get3A_3183, %get3A_3184] {strides = array<i32>} : memref<4x8192xf32, #tpu.memory_space<vmem>>, vector<16xf32>,
      %max3A_3186 = arith.maximumf %scan3A_3116, %get3A_3185 : vector<16xf32>
      %mul3A_3187 = arith.constant 128 : i32
      %mul3A_3188 = arith.muli %scan3A_3109, %mul3A_3187 : i32
      %add3A_3189 = arith.constant 112 : i32
      %add3A_3190 = arith.addi %mul3A_3188, %add3A_3189 : i32
      %multiple_of3A_3191 = tpu.assume_multiple %add3A_3190, 16 : i32
      %get3A_3192 = arith.constant 1 : i32
      %get3A_3193 = arith.index_cast %get3A_3192 : i32 to index
      %get3A_3194 = arith.index_cast %multiple_of3A_3191 : i32 to index
      %get3A_3195 = tpu.vector_load %arg4[%get3A_3193, %get3A_3194] {strides = array<i32>} : memref<4x8192xf32, #tpu.memory_space<vmem>>, vector<16xf32>,
      %max3A_3196 = arith.maximumf %scan3A_3117, %get3A_3195 : vector<16xf32>
      scf.yield %max3A_3126, %max3A_3136, %max3A_3146, %max3A_3156, %max3A_3166, %max3A_3176, %max3A_3186, %max3A_3196 : vector<16xf32>, vector<16xf32>, vector<16xf32>, vector<16xf32>, vector<16xf32>, vector<16xf32>, vector<16xf32>, vector<16xf32>
    }
    %scan3A_823 = arith.constant 64 : i32
    %max3A_824 = arith.maximumf %scan3A_822#0, %scan3A_822#1 : vector<16xf32>
    %max3A_825 = arith.maximumf %max3A_824, %scan3A_822#2 : vector<16xf32>
    %max3A_826 = arith.maximumf %max3A_825, %scan3A_822#3 : vector<16xf32>
    %max3A_827 = arith.maximumf %max3A_826, %scan3A_822#4 : vector<16xf32>
    %max3A_828 = arith.maximumf %max3A_827, %scan3A_822#5 : vector<16xf32>
    %max3A_829 = arith.maximumf %max3A_828, %scan3A_822#6 : vector<16xf32>
    %max3A_830 = arith.maximumf %max3A_829, %scan3A_822#7 : vector<16xf32>
    %masked_sort3A_831 = arith.constant dense<true> : vector<16xi1>
    %masked_sort3A_832, %masked_sort3A_833, %masked_sort3A_834 = tpu.sort %max3A_830, %max3A_830 masked %masked_sort3A_831 {descending = true} : (vector<16xf32>, vector<16xf32>, vector<16xi1>) -> (vector<16xi1>, vector<16xf32>, vector<16xf32>)
    %slice3A_835 = vector.extract_strided_slice %masked_sort3A_833 {offsets = [7], sizes = [1], strides = [1]} : vector<16xf32> to vector<1xf32>
    %squeeze3A_836 = vector.extract %slice3A_835[0] : f32 from vector<1xf32>
    %swap3A_837 = arith.constant 0 : index
    %swap3A_838 = tpu.vector_load %arg5[%swap3A_837] {strides = array<i32>} : memref<64xf32, #tpu.memory_space<vmem>>, vector<16xf32>,
    tpu.vector_store %arg5[%swap3A_837], %broadcast_in_dim3A_50 {strides = array<i32>} : memref<64xf32, #tpu.memory_space<vmem>>, vector<16xf32>,
    %swap3A_839 = arith.constant 0 : index
    %swap3A_840 = tpu.vector_load %arg6[%swap3A_839] {strides = array<i32>} : memref<64xi32, #tpu.memory_space<vmem>>, vector<16xi32>,
    tpu.vector_store %arg6[%swap3A_839], %broadcast_in_dim3A_52 {strides = array<i32>} : memref<64xi32, #tpu.memory_space<vmem>>, vector<16xi32>,
    %swap3A_841 = arith.constant 16 : index
    %swap3A_842 = tpu.vector_load %arg5[%swap3A_841] {strides = array<i32>} : memref<64xf32, #tpu.memory_space<vmem>>, vector<16xf32>,
    tpu.vector_store %arg5[%swap3A_841], %broadcast_in_dim3A_50 {strides = array<i32>} : memref<64xf32, #tpu.memory_space<vmem>>, vector<16xf32>,
    %swap3A_843 = arith.constant 16 : index
    %swap3A_844 = tpu.vector_load %arg6[%swap3A_843] {strides = array<i32>} : memref<64xi32, #tpu.memory_space<vmem>>, vector<16xi32>,
    tpu.vector_store %arg6[%swap3A_843], %broadcast_in_dim3A_52 {strides = array<i32>} : memref<64xi32, #tpu.memory_space<vmem>>, vector<16xi32>,
    %swap3A_845 = arith.constant 32 : index
    %swap3A_846 = tpu.vector_load %arg5[%swap3A_845] {strides = array<i32>} : memref<64xf32, #tpu.memory_space<vmem>>, vector<16xf32>,
    tpu.vector_store %arg5[%swap3A_845], %broadcast_in_dim3A_50 {strides = array<i32>} : memref<64xf32, #tpu.memory_space<vmem>>, vector<16xf32>,
    %swap3A_847 = arith.constant 32 : index
    %swap3A_848 = tpu.vector_load %arg6[%swap3A_847] {strides = array<i32>} : memref<64xi32, #tpu.memory_space<vmem>>, vector<16xi32>,
    tpu.vector_store %arg6[%swap3A_847], %broadcast_in_dim3A_52 {strides = array<i32>} : memref<64xi32, #tpu.memory_space<vmem>>, vector<16xi32>,
    %swap3A_849 = arith.constant 48 : index
    %swap3A_850 = tpu.vector_load %arg5[%swap3A_849] {strides = array<i32>} : memref<64xf32, #tpu.memory_space<vmem>>, vector<16xf32>,
    tpu.vector_store %arg5[%swap3A_849], %broadcast_in_dim3A_50 {strides = array<i32>} : memref<64xf32, #tpu.memory_space<vmem>>, vector<16xf32>,
    %swap3A_851 = arith.constant 48 : index
    %swap3A_852 = tpu.vector_load %arg6[%swap3A_851] {strides = array<i32>} : memref<64xi32, #tpu.memory_space<vmem>>, vector<16xi32>,
    tpu.vector_store %arg6[%swap3A_851], %broadcast_in_dim3A_52 {strides = array<i32>} : memref<64xi32, #tpu.memory_space<vmem>>, vector<16xi32>,
    %scan3A_853 = arith.constant 0 : i32
    %scan3A_854 = arith.constant 64 : i32
    %scan3A_855 = arith.addi %scan3A_853, %scan3A_854 : i32
    %scan3A_856 = arith.constant 1 : i32
    %scan3A_857 = scf.for %scan3A_3109 = %scan3A_853 to %scan3A_855 step %scan3A_856 iter_args(%scan3A_3110 = %broadcast_in_dim3A_54) -> (vector<16xi32>)  : i32 {
      %mul3A_3111 = arith.constant 128 : i32
      %mul3A_3112 = arith.muli %scan3A_3109, %mul3A_3111 : i32
      %add3A_3113 = arith.constant 0 : i32
      %add3A_3114 = arith.addi %mul3A_3112, %add3A_3113 : i32
      %multiple_of3A = tpu.assume_multiple %add3A_3114, 16 : i32
      %get3A_3115 = arith.constant 1 : i32
      %get3A_3116 = arith.index_cast %get3A_3115 : i32 to index
      %get3A_3117 = arith.index_cast %multiple_of3A : i32 to index
      %get3A_3118 = tpu.vector_load %arg4[%get3A_3116, %get3A_3117] {strides = array<i32>} : memref<4x8192xf32, #tpu.memory_space<vmem>>, vector<16xf32>,
      %add3A_3119 = arith.constant 16 : i32
      %add3A_3120 = arith.addi %mul3A_3112, %add3A_3119 : i32
      %multiple_of3A_3121 = tpu.assume_multiple %add3A_3120, 16 : i32
      %get3A_3122 = arith.constant 1 : i32
      %get3A_3123 = arith.index_cast %get3A_3122 : i32 to index
      %get3A_3124 = arith.index_cast %multiple_of3A_3121 : i32 to index
      %get3A_3125 = tpu.vector_load %arg4[%get3A_3123, %get3A_3124] {strides = array<i32>} : memref<4x8192xf32, #tpu.memory_space<vmem>>, vector<16xf32>,
      %add3A_3126 = arith.constant 32 : i32
      %add3A_3127 = arith.addi %mul3A_3112, %add3A_3126 : i32
      %multiple_of3A_3128 = tpu.assume_multiple %add3A_3127, 16 : i32
      %get3A_3129 = arith.constant 1 : i32
      %get3A_3130 = arith.index_cast %get3A_3129 : i32 to index
      %get3A_3131 = arith.index_cast %multiple_of3A_3128 : i32 to index
      %get3A_3132 = tpu.vector_load %arg4[%get3A_3130, %get3A_3131] {strides = array<i32>} : memref<4x8192xf32, #tpu.memory_space<vmem>>, vector<16xf32>,
      %add3A_3133 = arith.constant 48 : i32
      %add3A_3134 = arith.addi %mul3A_3112, %add3A_3133 : i32
      %multiple_of3A_3135 = tpu.assume_multiple %add3A_3134, 16 : i32
      %get3A_3136 = arith.constant 1 : i32
      %get3A_3137 = arith.index_cast %get3A_3136 : i32 to index
      %get3A_3138 = arith.index_cast %multiple_of3A_3135 : i32 to index
      %get3A_3139 = tpu.vector_load %arg4[%get3A_3137, %get3A_3138] {strides = array<i32>} : memref<4x8192xf32, #tpu.memory_space<vmem>>, vector<16xf32>,
      %add3A_3140 = arith.constant 64 : i32
      %add3A_3141 = arith.addi %mul3A_3112, %add3A_3140 : i32
      %multiple_of3A_3142 = tpu.assume_multiple %add3A_3141, 16 : i32
      %get3A_3143 = arith.constant 1 : i32
      %get3A_3144 = arith.index_cast %get3A_3143 : i32 to index
      %get3A_3145 = arith.index_cast %multiple_of3A_3142 : i32 to index
      %get3A_3146 = tpu.vector_load %arg4[%get3A_3144, %get3A_3145] {strides = array<i32>} : memref<4x8192xf32, #tpu.memory_space<vmem>>, vector<16xf32>,
      %add3A_3147 = arith.constant 80 : i32
      %add3A_3148 = arith.addi %mul3A_3112, %add3A_3147 : i32
      %multiple_of3A_3149 = tpu.assume_multiple %add3A_3148, 16 : i32
      %get3A_3150 = arith.constant 1 : i32
      %get3A_3151 = arith.index_cast %get3A_3150 : i32 to index
      %get3A_3152 = arith.index_cast %multiple_of3A_3149 : i32 to index
      %get3A_3153 = tpu.vector_load %arg4[%get3A_3151, %get3A_3152] {strides = array<i32>} : memref<4x8192xf32, #tpu.memory_space<vmem>>, vector<16xf32>,
      %add3A_3154 = arith.constant 96 : i32
      %add3A_3155 = arith.addi %mul3A_3112, %add3A_3154 : i32
      %multiple_of3A_3156 = tpu.assume_multiple %add3A_3155, 16 : i32
      %get3A_3157 = arith.constant 1 : i32
      %get3A_3158 = arith.index_cast %get3A_3157 : i32 to index
      %get3A_3159 = arith.index_cast %multiple_of3A_3156 : i32 to index
      %get3A_3160 = tpu.vector_load %arg4[%get3A_3158, %get3A_3159] {strides = array<i32>} : memref<4x8192xf32, #tpu.memory_space<vmem>>, vector<16xf32>,
      %add3A_3161 = arith.constant 112 : i32
      %add3A_3162 = arith.addi %mul3A_3112, %add3A_3161 : i32
      %multiple_of3A_3163 = tpu.assume_multiple %add3A_3162, 16 : i32
      %get3A_3164 = arith.constant 1 : i32
      %get3A_3165 = arith.index_cast %get3A_3164 : i32 to index
      %get3A_3166 = arith.index_cast %multiple_of3A_3163 : i32 to index
      %get3A_3167 = tpu.vector_load %arg4[%get3A_3165, %get3A_3166] {strides = array<i32>} : memref<4x8192xf32, #tpu.memory_space<vmem>>, vector<16xf32>,
      %max3A_3168 = arith.maximumf %get3A_3118, %get3A_3125 : vector<16xf32>
      %max3A_3169 = arith.maximumf %max3A_3168, %get3A_3132 : vector<16xf32>
      %max3A_3170 = arith.maximumf %max3A_3169, %get3A_3139 : vector<16xf32>
      %max3A_3171 = arith.maximumf %max3A_3170, %get3A_3146 : vector<16xf32>
      %max3A_3172 = arith.maximumf %max3A_3171, %get3A_3153 : vector<16xf32>
      %max3A_3173 = arith.maximumf %max3A_3172, %get3A_3160 : vector<16xf32>
      %max3A_3174 = arith.maximumf %max3A_3173, %get3A_3167 : vector<16xf32>
      %ge3A = vector.broadcast %squeeze3A_836 : f32 to vector<16xf32>
      %ge3A_3175 = arith.cmpf oge, %max3A_3174, %ge3A : vector<16xf32>
      %all_reduce_population_count3A = tpu.all_reduce %ge3A_3175 {dim = 0 : i64, kind = #tpu.reduction_kind<sum>} : vector<16xi1> -> vector<16xi32>
      %slice3A_3176 = vector.extract_strided_slice %all_reduce_population_count3A {offsets = [0], sizes = [1], strides = [1]} : vector<16xi32> to vector<1xi32>
      %squeeze3A_3177 = vector.extract %slice3A_3176[0] : i32 from vector<1xi32>
      %gt3A = arith.constant 0 : i32
      %gt3A_3178 = arith.cmpi sgt, %squeeze3A_3177, %gt3A : i32
      %convert_element_type3A = arith.extui %gt3A_3178 : i1 to i32
      %cond3A = arith.constant 0 : i32
      %cond3A_3179 = arith.cmpi ne, %convert_element_type3A, %cond3A : i32
      %cond3A_3180 = scf.if %cond3A_3179 -> (vector<16xi32>) {
        %ge3A_3181 = vector.broadcast %squeeze3A_836 : f32 to vector<16xf32>
        %ge3A_3182 = arith.cmpf oge, %get3A_3118, %ge3A_3181 : vector<16xf32>
        %convert_element_type3A_3183 = arith.extui %ge3A_3182 : vector<16xi1> to vector<16xi32>
        %broadcast_in_dim3A_3184 = arith.constant true
        %broadcast_in_dim3A_3185 = vector.broadcast %broadcast_in_dim3A_3184 : i1 to vector<16xi1>
        %masked_cumsum3A = tpu.scan <sum>, %convert_element_type3A_3183 masked %broadcast_in_dim3A_3185 : vector<16xi32>, vector<16xi1> -> vector<16xi32>
        %sub3A = arith.constant 1 : i32
        %sub3A_3186 = vector.broadcast %sub3A : i32 to vector<16xi32>
        %sub3A_3187 = arith.subi %masked_cumsum3A, %sub3A_3186 : vector<16xi32>
        %add3A_3188 = arith.addi %sub3A_3187, %scan3A_3110 : vector<16xi32>
        %min3A_3189 = arith.constant 63 : i32
        %min3A_3190 = vector.broadcast %min3A_3189 : i32 to vector<16xi32>
        %min3A_3191 = arith.minsi %add3A_3188, %min3A_3190 : vector<16xi32>
        tpu.vector_store_idx %arg5[%min3A_3191], %get3A_3118 masked %ge3A_3182 : memref<64xf32, #tpu.memory_space<vmem>>[vector<16xi32>], vector<16xf32>, vector<16xi1>
        %add3A_3192 = arith.constant 0 : i32
        %add3A_3193 = arith.addi %mul3A_3112, %add3A_3192 : i32
        %add3A_3194 = vector.broadcast %add3A_3193 : i32 to vector<16xi32>
        %add3A_3195 = arith.addi %iota3A, %add3A_3194 : vector<16xi32>
        tpu.vector_store_idx %arg6[%min3A_3191], %add3A_3195 masked %ge3A_3182 : memref<64xi32, #tpu.memory_space<vmem>>[vector<16xi32>], vector<16xi32>, vector<16xi1>
        %all_reduce_population_count3A_3196 = tpu.all_reduce %ge3A_3182 {dim = 0 : i64, kind = #tpu.reduction_kind<sum>} : vector<16xi1> -> vector<16xi32>
        %add3A_3197 = arith.addi %scan3A_3110, %all_reduce_population_count3A_3196 : vector<16xi32>
        %ge3A_3198 = vector.broadcast %squeeze3A_836 : f32 to vector<16xf32>
        %ge3A_3199 = arith.cmpf oge, %get3A_3125, %ge3A_3198 : vector<16xf32>
        %convert_element_type3A_3200 = arith.extui %ge3A_3199 : vector<16xi1> to vector<16xi32>
        %broadcast_in_dim3A_3201 = arith.constant true
        %broadcast_in_dim3A_3202 = vector.broadcast %broadcast_in_dim3A_3201 : i1 to vector<16xi1>
        %masked_cumsum3A_3203 = tpu.scan <sum>, %convert_element_type3A_3200 masked %broadcast_in_dim3A_3202 : vector<16xi32>, vector<16xi1> -> vector<16xi32>
        %sub3A_3204 = arith.constant 1 : i32
        %sub3A_3205 = vector.broadcast %sub3A_3204 : i32 to vector<16xi32>
        %sub3A_3206 = arith.subi %masked_cumsum3A_3203, %sub3A_3205 : vector<16xi32>
        %add3A_3207 = arith.addi %sub3A_3206, %add3A_3197 : vector<16xi32>
        %min3A_3208 = arith.constant 63 : i32
        %min3A_3209 = vector.broadcast %min3A_3208 : i32 to vector<16xi32>
        %min3A_3210 = arith.minsi %add3A_3207, %min3A_3209 : vector<16xi32>
        tpu.vector_store_idx %arg5[%min3A_3210], %get3A_3125 masked %ge3A_3199 : memref<64xf32, #tpu.memory_space<vmem>>[vector<16xi32>], vector<16xf32>, vector<16xi1>
        %add3A_3211 = arith.constant 16 : i32
        %add3A_3212 = arith.addi %mul3A_3112, %add3A_3211 : i32
        %add3A_3213 = vector.broadcast %add3A_3212 : i32 to vector<16xi32>
        %add3A_3214 = arith.addi %iota3A, %add3A_3213 : vector<16xi32>
        tpu.vector_store_idx %arg6[%min3A_3210], %add3A_3214 masked %ge3A_3199 : memref<64xi32, #tpu.memory_space<vmem>>[vector<16xi32>], vector<16xi32>, vector<16xi1>
        %all_reduce_population_count3A_3215 = tpu.all_reduce %ge3A_3199 {dim = 0 : i64, kind = #tpu.reduction_kind<sum>} : vector<16xi1> -> vector<16xi32>
        %add3A_3216 = arith.addi %add3A_3197, %all_reduce_population_count3A_3215 : vector<16xi32>
        %ge3A_3217 = vector.broadcast %squeeze3A_836 : f32 to vector<16xf32>
        %ge3A_3218 = arith.cmpf oge, %get3A_3132, %ge3A_3217 : vector<16xf32>
        %convert_element_type3A_3219 = arith.extui %ge3A_3218 : vector<16xi1> to vector<16xi32>
        %broadcast_in_dim3A_3220 = arith.constant true
        %broadcast_in_dim3A_3221 = vector.broadcast %broadcast_in_dim3A_3220 : i1 to vector<16xi1>
        %masked_cumsum3A_3222 = tpu.scan <sum>, %convert_element_type3A_3219 masked %broadcast_in_dim3A_3221 : vector<16xi32>, vector<16xi1> -> vector<16xi32>
        %sub3A_3223 = arith.constant 1 : i32
        %sub3A_3224 = vector.broadcast %sub3A_3223 : i32 to vector<16xi32>
        %sub3A_3225 = arith.subi %masked_cumsum3A_3222, %sub3A_3224 : vector<16xi32>
        %add3A_3226 = arith.addi %sub3A_3225, %add3A_3216 : vector<16xi32>
        %min3A_3227 = arith.constant 63 : i32
        %min3A_3228 = vector.broadcast %min3A_3227 : i32 to vector<16xi32>
        %min3A_3229 = arith.minsi %add3A_3226, %min3A_3228 : vector<16xi32>
        tpu.vector_store_idx %arg5[%min3A_3229], %get3A_3132 masked %ge3A_3218 : memref<64xf32, #tpu.memory_space<vmem>>[vector<16xi32>], vector<16xf32>, vector<16xi1>
        %add3A_3230 = arith.constant 32 : i32
        %add3A_3231 = arith.addi %mul3A_3112, %add3A_3230 : i32
        %add3A_3232 = vector.broadcast %add3A_3231 : i32 to vector<16xi32>
        %add3A_3233 = arith.addi %iota3A, %add3A_3232 : vector<16xi32>
        tpu.vector_store_idx %arg6[%min3A_3229], %add3A_3233 masked %ge3A_3218 : memref<64xi32, #tpu.memory_space<vmem>>[vector<16xi32>], vector<16xi32>, vector<16xi1>
        %all_reduce_population_count3A_3234 = tpu.all_reduce %ge3A_3218 {dim = 0 : i64, kind = #tpu.reduction_kind<sum>} : vector<16xi1> -> vector<16xi32>
        %add3A_3235 = arith.addi %add3A_3216, %all_reduce_population_count3A_3234 : vector<16xi32>
        %ge3A_3236 = vector.broadcast %squeeze3A_836 : f32 to vector<16xf32>
        %ge3A_3237 = arith.cmpf oge, %get3A_3139, %ge3A_3236 : vector<16xf32>
        %convert_element_type3A_3238 = arith.extui %ge3A_3237 : vector<16xi1> to vector<16xi32>
        %broadcast_in_dim3A_3239 = arith.constant true
        %broadcast_in_dim3A_3240 = vector.broadcast %broadcast_in_dim3A_3239 : i1 to vector<16xi1>
        %masked_cumsum3A_3241 = tpu.scan <sum>, %convert_element_type3A_3238 masked %broadcast_in_dim3A_3240 : vector<16xi32>, vector<16xi1> -> vector<16xi32>
        %sub3A_3242 = arith.constant 1 : i32
        %sub3A_3243 = vector.broadcast %sub3A_3242 : i32 to vector<16xi32>
        %sub3A_3244 = arith.subi %masked_cumsum3A_3241, %sub3A_3243 : vector<16xi32>
        %add3A_3245 = arith.addi %sub3A_3244, %add3A_3235 : vector<16xi32>
        %min3A_3246 = arith.constant 63 : i32
        %min3A_3247 = vector.broadcast %min3A_3246 : i32 to vector<16xi32>
        %min3A_3248 = arith.minsi %add3A_3245, %min3A_3247 : vector<16xi32>
        tpu.vector_store_idx %arg5[%min3A_3248], %get3A_3139 masked %ge3A_3237 : memref<64xf32, #tpu.memory_space<vmem>>[vector<16xi32>], vector<16xf32>, vector<16xi1>
        %add3A_3249 = arith.constant 48 : i32
        %add3A_3250 = arith.addi %mul3A_3112, %add3A_3249 : i32
        %add3A_3251 = vector.broadcast %add3A_3250 : i32 to vector<16xi32>
        %add3A_3252 = arith.addi %iota3A, %add3A_3251 : vector<16xi32>
        tpu.vector_store_idx %arg6[%min3A_3248], %add3A_3252 masked %ge3A_3237 : memref<64xi32, #tpu.memory_space<vmem>>[vector<16xi32>], vector<16xi32>, vector<16xi1>
        %all_reduce_population_count3A_3253 = tpu.all_reduce %ge3A_3237 {dim = 0 : i64, kind = #tpu.reduction_kind<sum>} : vector<16xi1> -> vector<16xi32>
        %add3A_3254 = arith.addi %add3A_3235, %all_reduce_population_count3A_3253 : vector<16xi32>
        %ge3A_3255 = vector.broadcast %squeeze3A_836 : f32 to vector<16xf32>
        %ge3A_3256 = arith.cmpf oge, %get3A_3146, %ge3A_3255 : vector<16xf32>
        %convert_element_type3A_3257 = arith.extui %ge3A_3256 : vector<16xi1> to vector<16xi32>
        %broadcast_in_dim3A_3258 = arith.constant true
        %broadcast_in_dim3A_3259 = vector.broadcast %broadcast_in_dim3A_3258 : i1 to vector<16xi1>
        %masked_cumsum3A_3260 = tpu.scan <sum>, %convert_element_type3A_3257 masked %broadcast_in_dim3A_3259 : vector<16xi32>, vector<16xi1> -> vector<16xi32>
        %sub3A_3261 = arith.constant 1 : i32
        %sub3A_3262 = vector.broadcast %sub3A_3261 : i32 to vector<16xi32>
        %sub3A_3263 = arith.subi %masked_cumsum3A_3260, %sub3A_3262 : vector<16xi32>
        %add3A_3264 = arith.addi %sub3A_3263, %add3A_3254 : vector<16xi32>
        %min3A_3265 = arith.constant 63 : i32
        %min3A_3266 = vector.broadcast %min3A_3265 : i32 to vector<16xi32>
        %min3A_3267 = arith.minsi %add3A_3264, %min3A_3266 : vector<16xi32>
        tpu.vector_store_idx %arg5[%min3A_3267], %get3A_3146 masked %ge3A_3256 : memref<64xf32, #tpu.memory_space<vmem>>[vector<16xi32>], vector<16xf32>, vector<16xi1>
        %add3A_3268 = arith.constant 64 : i32
        %add3A_3269 = arith.addi %mul3A_3112, %add3A_3268 : i32
        %add3A_3270 = vector.broadcast %add3A_3269 : i32 to vector<16xi32>
        %add3A_3271 = arith.addi %iota3A, %add3A_3270 : vector<16xi32>
        tpu.vector_store_idx %arg6[%min3A_3267], %add3A_3271 masked %ge3A_3256 : memref<64xi32, #tpu.memory_space<vmem>>[vector<16xi32>], vector<16xi32>, vector<16xi1>
        %all_reduce_population_count3A_3272 = tpu.all_reduce %ge3A_3256 {dim = 0 : i64, kind = #tpu.reduction_kind<sum>} : vector<16xi1> -> vector<16xi32>
        %add3A_3273 = arith.addi %add3A_3254, %all_reduce_population_count3A_3272 : vector<16xi32>
        %ge3A_3274 = vector.broadcast %squeeze3A_836 : f32 to vector<16xf32>
        %ge3A_3275 = arith.cmpf oge, %get3A_3153, %ge3A_3274 : vector<16xf32>
        %convert_element_type3A_3276 = arith.extui %ge3A_3275 : vector<16xi1> to vector<16xi32>
        %broadcast_in_dim3A_3277 = arith.constant true
        %broadcast_in_dim3A_3278 = vector.broadcast %broadcast_in_dim3A_3277 : i1 to vector<16xi1>
        %masked_cumsum3A_3279 = tpu.scan <sum>, %convert_element_type3A_3276 masked %broadcast_in_dim3A_3278 : vector<16xi32>, vector<16xi1> -> vector<16xi32>
        %sub3A_3280 = arith.constant 1 : i32
        %sub3A_3281 = vector.broadcast %sub3A_3280 : i32 to vector<16xi32>
        %sub3A_3282 = arith.subi %masked_cumsum3A_3279, %sub3A_3281 : vector<16xi32>
        %add3A_3283 = arith.addi %sub3A_3282, %add3A_3273 : vector<16xi32>
        %min3A_3284 = arith.constant 63 : i32
        %min3A_3285 = vector.broadcast %min3A_3284 : i32 to vector<16xi32>
        %min3A_3286 = arith.minsi %add3A_3283, %min3A_3285 : vector<16xi32>
        tpu.vector_store_idx %arg5[%min3A_3286], %get3A_3153 masked %ge3A_3275 : memref<64xf32, #tpu.memory_space<vmem>>[vector<16xi32>], vector<16xf32>, vector<16xi1>
        %add3A_3287 = arith.constant 80 : i32
        %add3A_3288 = arith.addi %mul3A_3112, %add3A_3287 : i32
        %add3A_3289 = vector.broadcast %add3A_3288 : i32 to vector<16xi32>
        %add3A_3290 = arith.addi %iota3A, %add3A_3289 : vector<16xi32>
        tpu.vector_store_idx %arg6[%min3A_3286], %add3A_3290 masked %ge3A_3275 : memref<64xi32, #tpu.memory_space<vmem>>[vector<16xi32>], vector<16xi32>, vector<16xi1>
        %all_reduce_population_count3A_3291 = tpu.all_reduce %ge3A_3275 {dim = 0 : i64, kind = #tpu.reduction_kind<sum>} : vector<16xi1> -> vector<16xi32>
        %add3A_3292 = arith.addi %add3A_3273, %all_reduce_population_count3A_3291 : vector<16xi32>
        %ge3A_3293 = vector.broadcast %squeeze3A_836 : f32 to vector<16xf32>
        %ge3A_3294 = arith.cmpf oge, %get3A_3160, %ge3A_3293 : vector<16xf32>
        %convert_element_type3A_3295 = arith.extui %ge3A_3294 : vector<16xi1> to vector<16xi32>
        %broadcast_in_dim3A_3296 = arith.constant true
        %broadcast_in_dim3A_3297 = vector.broadcast %broadcast_in_dim3A_3296 : i1 to vector<16xi1>
        %masked_cumsum3A_3298 = tpu.scan <sum>, %convert_element_type3A_3295 masked %broadcast_in_dim3A_3297 : vector<16xi32>, vector<16xi1> -> vector<16xi32>
        %sub3A_3299 = arith.constant 1 : i32
        %sub3A_3300 = vector.broadcast %sub3A_3299 : i32 to vector<16xi32>
        %sub3A_3301 = arith.subi %masked_cumsum3A_3298, %sub3A_3300 : vector<16xi32>
        %add3A_3302 = arith.addi %sub3A_3301, %add3A_3292 : vector<16xi32>
        %min3A_3303 = arith.constant 63 : i32
        %min3A_3304 = vector.broadcast %min3A_3303 : i32 to vector<16xi32>
        %min3A_3305 = arith.minsi %add3A_3302, %min3A_3304 : vector<16xi32>
        tpu.vector_store_idx %arg5[%min3A_3305], %get3A_3160 masked %ge3A_3294 : memref<64xf32, #tpu.memory_space<vmem>>[vector<16xi32>], vector<16xf32>, vector<16xi1>
        %add3A_3306 = arith.constant 96 : i32
        %add3A_3307 = arith.addi %mul3A_3112, %add3A_3306 : i32
        %add3A_3308 = vector.broadcast %add3A_3307 : i32 to vector<16xi32>
        %add3A_3309 = arith.addi %iota3A, %add3A_3308 : vector<16xi32>
        tpu.vector_store_idx %arg6[%min3A_3305], %add3A_3309 masked %ge3A_3294 : memref<64xi32, #tpu.memory_space<vmem>>[vector<16xi32>], vector<16xi32>, vector<16xi1>
        %all_reduce_population_count3A_3310 = tpu.all_reduce %ge3A_3294 {dim = 0 : i64, kind = #tpu.reduction_kind<sum>} : vector<16xi1> -> vector<16xi32>
        %add3A_3311 = arith.addi %add3A_3292, %all_reduce_population_count3A_3310 : vector<16xi32>
        %ge3A_3312 = vector.broadcast %squeeze3A_836 : f32 to vector<16xf32>
        %ge3A_3313 = arith.cmpf oge, %get3A_3167, %ge3A_3312 : vector<16xf32>
        %convert_element_type3A_3314 = arith.extui %ge3A_3313 : vector<16xi1> to vector<16xi32>
        %broadcast_in_dim3A_3315 = arith.constant true
        %broadcast_in_dim3A_3316 = vector.broadcast %broadcast_in_dim3A_3315 : i1 to vector<16xi1>
        %masked_cumsum3A_3317 = tpu.scan <sum>, %convert_element_type3A_3314 masked %broadcast_in_dim3A_3316 : vector<16xi32>, vector<16xi1> -> vector<16xi32>
        %sub3A_3318 = arith.constant 1 : i32
        %sub3A_3319 = vector.broadcast %sub3A_3318 : i32 to vector<16xi32>
        %sub3A_3320 = arith.subi %masked_cumsum3A_3317, %sub3A_3319 : vector<16xi32>
        %add3A_3321 = arith.addi %sub3A_3320, %add3A_3311 : vector<16xi32>
        %min3A_3322 = arith.constant 63 : i32
        %min3A_3323 = vector.broadcast %min3A_3322 : i32 to vector<16xi32>
        %min3A_3324 = arith.minsi %add3A_3321, %min3A_3323 : vector<16xi32>
        tpu.vector_store_idx %arg5[%min3A_3324], %get3A_3167 masked %ge3A_3313 : memref<64xf32, #tpu.memory_space<vmem>>[vector<16xi32>], vector<16xf32>, vector<16xi1>
        %add3A_3325 = arith.constant 112 : i32
        %add3A_3326 = arith.addi %mul3A_3112, %add3A_3325 : i32
        %add3A_3327 = vector.broadcast %add3A_3326 : i32 to vector<16xi32>
        %add3A_3328 = arith.addi %iota3A, %add3A_3327 : vector<16xi32>
        tpu.vector_store_idx %arg6[%min3A_3324], %add3A_3328 masked %ge3A_3313 : memref<64xi32, #tpu.memory_space<vmem>>[vector<16xi32>], vector<16xi32>, vector<16xi1>
        %all_reduce_population_count3A_3329 = tpu.all_reduce %ge3A_3313 {dim = 0 : i64, kind = #tpu.reduction_kind<sum>} : vector<16xi1> -> vector<16xi32>
        %add3A_3330 = arith.addi %add3A_3311, %all_reduce_population_count3A_3329 : vector<16xi32>
        scf.yield %add3A_3330 : vector<16xi32>
      } else {
        scf.yield %scan3A_3110 : vector<16xi32>
      }
      scf.yield %cond3A_3180 : vector<16xi32>
    }
    %scan3A_858 = arith.constant 64 : i32
    %get3A_859 = arith.constant 0 : index
    %get3A_860 = tpu.vector_load %arg5[%get3A_859] {strides = array<i32>} : memref<64xf32, #tpu.memory_space<vmem>>, vector<16xf32>,
    %get3A_861 = arith.constant 16 : index
    %get3A_862 = tpu.vector_load %arg5[%get3A_861] {strides = array<i32>} : memref<64xf32, #tpu.memory_space<vmem>>, vector<16xf32>,
    %get3A_863 = arith.constant 32 : index
    %get3A_864 = tpu.vector_load %arg5[%get3A_863] {strides = array<i32>} : memref<64xf32, #tpu.memory_space<vmem>>, vector<16xf32>,
    %get3A_865 = arith.constant 48 : index
    %get3A_866 = tpu.vector_load %arg5[%get3A_865] {strides = array<i32>} : memref<64xf32, #tpu.memory_space<vmem>>, vector<16xf32>,
    %get3A_867 = arith.constant 0 : index
    %get3A_868 = tpu.vector_load %arg6[%get3A_867] {strides = array<i32>} : memref<64xi32, #tpu.memory_space<vmem>>, vector<16xi32>,
    %get3A_869 = arith.constant 16 : index
    %get3A_870 = tpu.vector_load %arg6[%get3A_869] {strides = array<i32>} : memref<64xi32, #tpu.memory_space<vmem>>, vector<16xi32>,
    %get3A_871 = arith.constant 32 : index
    %get3A_872 = tpu.vector_load %arg6[%get3A_871] {strides = array<i32>} : memref<64xi32, #tpu.memory_space<vmem>>, vector<16xi32>,
    %get3A_873 = arith.constant 48 : index
    %get3A_874 = tpu.vector_load %arg6[%get3A_873] {strides = array<i32>} : memref<64xi32, #tpu.memory_space<vmem>>, vector<16xi32>,
    %max3A_875 = arith.maximumf %get3A_860, %get3A_862 : vector<16xf32>
    %max3A_876 = arith.maximumf %max3A_875, %get3A_864 : vector<16xf32>
    %max3A_877 = arith.maximumf %max3A_876, %get3A_866 : vector<16xf32>
    %reduce_max3A_878 = arith.constant true
    %reduce_max3A_879 = vector.broadcast %reduce_max3A_878 : i1 to vector<16xi1>
    %reduce_max3A_880 = tpu.scan <max>, %max3A_877 masked %reduce_max3A_879 : vector<16xf32>, vector<16xi1> -> vector<16xf32>
    %reduce_max3A_881 = vector.extract %reduce_max3A_880[15] : f32 from vector<16xf32>
    %eq3A_882 = vector.broadcast %reduce_max3A_881 : f32 to vector<16xf32>
    %eq3A_883 = arith.cmpf oeq, %get3A_860, %eq3A_882 : vector<16xf32>
    %jit3A_884 = arith.constant 1073741824 : i32
    %broadcast_in_dim3A_885 = vector.broadcast %jit3A_884 : i32 to vector<16xi32>
    %select_n3A_886 = arith.select %eq3A_883, %get3A_868, %broadcast_in_dim3A_885 : vector<16xi1>, vector<16xi32>
    %reduce_min3A_887 = arith.constant true
    %reduce_min3A_888 = vector.broadcast %reduce_min3A_887 : i1 to vector<16xi1>
    %reduce_min3A_889 = arith.constant -2147483648 : i32
    %reduce_min3A_890 = vector.broadcast %reduce_min3A_889 : i32 to vector<16xi32>
    %reduce_min3A_891 = arith.xori %select_n3A_886, %reduce_min3A_890 : vector<16xi32>
    %reduce_min3A_892 = tpu.scan <min>, %reduce_min3A_891 masked %reduce_min3A_888 : vector<16xi32>, vector<16xi1> -> vector<16xi32>
    %reduce_min3A_893 = arith.xori %reduce_min3A_892, %reduce_min3A_890 : vector<16xi32>
    %reduce_min3A_894 = vector.extract %reduce_min3A_893[15] : i32 from vector<16xi32>
    %eq3A_895 = vector.broadcast %reduce_max3A_881 : f32 to vector<16xf32>
    %eq3A_896 = arith.cmpf oeq, %get3A_862, %eq3A_895 : vector<16xf32>
    %jit3A_897 = arith.constant 1073741824 : i32
    %broadcast_in_dim3A_898 = vector.broadcast %jit3A_897 : i32 to vector<16xi32>
    %select_n3A_899 = arith.select %eq3A_896, %get3A_870, %broadcast_in_dim3A_898 : vector<16xi1>, vector<16xi32>
    %reduce_min3A_900 = arith.constant true
    %reduce_min3A_901 = vector.broadcast %reduce_min3A_900 : i1 to vector<16xi1>
    %reduce_min3A_902 = arith.constant -2147483648 : i32
    %reduce_min3A_903 = vector.broadcast %reduce_min3A_902 : i32 to vector<16xi32>
    %reduce_min3A_904 = arith.xori %select_n3A_899, %reduce_min3A_903 : vector<16xi32>
    %reduce_min3A_905 = tpu.scan <min>, %reduce_min3A_904 masked %reduce_min3A_901 : vector<16xi32>, vector<16xi1> -> vector<16xi32>
    %reduce_min3A_906 = arith.xori %reduce_min3A_905, %reduce_min3A_903 : vector<16xi32>
    %reduce_min3A_907 = vector.extract %reduce_min3A_906[15] : i32 from vector<16xi32>
    %min3A_908 = arith.minsi %reduce_min3A_894, %reduce_min3A_907 : i32
    %eq3A_909 = vector.broadcast %reduce_max3A_881 : f32 to vector<16xf32>
    %eq3A_910 = arith.cmpf oeq, %get3A_864, %eq3A_909 : vector<16xf32>
    %jit3A_911 = arith.constant 1073741824 : i32
    %broadcast_in_dim3A_912 = vector.broadcast %jit3A_911 : i32 to vector<16xi32>
    %select_n3A_913 = arith.select %eq3A_910, %get3A_872, %broadcast_in_dim3A_912 : vector<16xi1>, vector<16xi32>
    %reduce_min3A_914 = arith.constant true
    %reduce_min3A_915 = vector.broadcast %reduce_min3A_914 : i1 to vector<16xi1>
    %reduce_min3A_916 = arith.constant -2147483648 : i32
    %reduce_min3A_917 = vector.broadcast %reduce_min3A_916 : i32 to vector<16xi32>
    %reduce_min3A_918 = arith.xori %select_n3A_913, %reduce_min3A_917 : vector<16xi32>
    %reduce_min3A_919 = tpu.scan <min>, %reduce_min3A_918 masked %reduce_min3A_915 : vector<16xi32>, vector<16xi1> -> vector<16xi32>
    %reduce_min3A_920 = arith.xori %reduce_min3A_919, %reduce_min3A_917 : vector<16xi32>
    %reduce_min3A_921 = vector.extract %reduce_min3A_920[15] : i32 from vector<16xi32>
    %min3A_922 = arith.minsi %min3A_908, %reduce_min3A_921 : i32
    %eq3A_923 = vector.broadcast %reduce_max3A_881 : f32 to vector<16xf32>
    %eq3A_924 = arith.cmpf oeq, %get3A_866, %eq3A_923 : vector<16xf32>
    %jit3A_925 = arith.constant 1073741824 : i32
    %broadcast_in_dim3A_926 = vector.broadcast %jit3A_925 : i32 to vector<16xi32>
    %select_n3A_927 = arith.select %eq3A_924, %get3A_874, %broadcast_in_dim3A_926 : vector<16xi1>, vector<16xi32>
    %reduce_min3A_928 = arith.constant true
    %reduce_min3A_929 = vector.broadcast %reduce_min3A_928 : i1 to vector<16xi1>
    %reduce_min3A_930 = arith.constant -2147483648 : i32
    %reduce_min3A_931 = vector.broadcast %reduce_min3A_930 : i32 to vector<16xi32>
    %reduce_min3A_932 = arith.xori %select_n3A_927, %reduce_min3A_931 : vector<16xi32>
    %reduce_min3A_933 = tpu.scan <min>, %reduce_min3A_932 masked %reduce_min3A_929 : vector<16xi32>, vector<16xi1> -> vector<16xi32>
    %reduce_min3A_934 = arith.xori %reduce_min3A_933, %reduce_min3A_931 : vector<16xi32>
    %reduce_min3A_935 = vector.extract %reduce_min3A_934[15] : i32 from vector<16xi32>
    %min3A_936 = arith.minsi %min3A_922, %reduce_min3A_935 : i32
    %eq3A_937 = vector.broadcast %min3A_936 : i32 to vector<16xi32>
    %eq3A_938 = arith.cmpi eq, %get3A_868, %eq3A_937 : vector<16xi32>
    %jit3A_939 = arith.constant -3.000000e+38 : f32
    %broadcast_in_dim3A_940 = vector.broadcast %jit3A_939 : f32 to vector<16xf32>
    %select_n3A_941 = arith.select %eq3A_938, %broadcast_in_dim3A_940, %get3A_860 : vector<16xi1>, vector<16xf32>
    %eq3A_942 = vector.broadcast %min3A_936 : i32 to vector<16xi32>
    %eq3A_943 = arith.cmpi eq, %get3A_870, %eq3A_942 : vector<16xi32>
    %jit3A_944 = arith.constant -3.000000e+38 : f32
    %broadcast_in_dim3A_945 = vector.broadcast %jit3A_944 : f32 to vector<16xf32>
    %select_n3A_946 = arith.select %eq3A_943, %broadcast_in_dim3A_945, %get3A_862 : vector<16xi1>, vector<16xf32>
    %eq3A_947 = vector.broadcast %min3A_936 : i32 to vector<16xi32>
    %eq3A_948 = arith.cmpi eq, %get3A_872, %eq3A_947 : vector<16xi32>
    %jit3A_949 = arith.constant -3.000000e+38 : f32
    %broadcast_in_dim3A_950 = vector.broadcast %jit3A_949 : f32 to vector<16xf32>
    %select_n3A_951 = arith.select %eq3A_948, %broadcast_in_dim3A_950, %get3A_864 : vector<16xi1>, vector<16xf32>
    %eq3A_952 = vector.broadcast %min3A_936 : i32 to vector<16xi32>
    %eq3A_953 = arith.cmpi eq, %get3A_874, %eq3A_952 : vector<16xi32>
    %jit3A_954 = arith.constant -3.000000e+38 : f32
    %broadcast_in_dim3A_955 = vector.broadcast %jit3A_954 : f32 to vector<16xf32>
    %select_n3A_956 = arith.select %eq3A_953, %broadcast_in_dim3A_955, %get3A_866 : vector<16xi1>, vector<16xf32>
    %eq3A_957 = arith.constant 0 : i32
    %eq3A_958 = vector.broadcast %eq3A_957 : i32 to vector<16xi32>
    %eq3A_959 = arith.cmpi eq, %iota3A, %eq3A_958 : vector<16xi32>
    %broadcast_in_dim3A_960 = vector.broadcast %min3A_936 : i32 to vector<16xi32>
    %select_n3A_961 = arith.select %eq3A_959, %broadcast_in_dim3A_960, %broadcast_in_dim3A_54 : vector<16xi1>, vector<16xi32>
    %max3A_962 = arith.maximumf %select_n3A_941, %select_n3A_946 : vector<16xf32>
    %max3A_963 = arith.maximumf %max3A_962, %select_n3A_951 : vector<16xf32>
    %max3A_964 = arith.maximumf %max3A_963, %select_n3A_956 : vector<16xf32>
    %reduce_max3A_965 = arith.constant true
    %reduce_max3A_966 = vector.broadcast %reduce_max3A_965 : i1 to vector<16xi1>
    %reduce_max3A_967 = tpu.scan <max>, %max3A_964 masked %reduce_max3A_966 : vector<16xf32>, vector<16xi1> -> vector<16xf32>
    %reduce_max3A_968 = vector.extract %reduce_max3A_967[15] : f32 from vector<16xf32>
    %eq3A_969 = vector.broadcast %reduce_max3A_968 : f32 to vector<16xf32>
    %eq3A_970 = arith.cmpf oeq, %select_n3A_941, %eq3A_969 : vector<16xf32>
    %jit3A_971 = arith.constant 1073741824 : i32
    %broadcast_in_dim3A_972 = vector.broadcast %jit3A_971 : i32 to vector<16xi32>
    %select_n3A_973 = arith.select %eq3A_970, %get3A_868, %broadcast_in_dim3A_972 : vector<16xi1>, vector<16xi32>
    %reduce_min3A_974 = arith.constant true
    %reduce_min3A_975 = vector.broadcast %reduce_min3A_974 : i1 to vector<16xi1>
    %reduce_min3A_976 = arith.constant -2147483648 : i32
    %reduce_min3A_977 = vector.broadcast %reduce_min3A_976 : i32 to vector<16xi32>
    %reduce_min3A_978 = arith.xori %select_n3A_973, %reduce_min3A_977 : vector<16xi32>
    %reduce_min3A_979 = tpu.scan <min>, %reduce_min3A_978 masked %reduce_min3A_975 : vector<16xi32>, vector<16xi1> -> vector<16xi32>
    %reduce_min3A_980 = arith.xori %reduce_min3A_979, %reduce_min3A_977 : vector<16xi32>
    %reduce_min3A_981 = vector.extract %reduce_min3A_980[15] : i32 from vector<16xi32>
    %eq3A_982 = vector.broadcast %reduce_max3A_968 : f32 to vector<16xf32>
    %eq3A_983 = arith.cmpf oeq, %select_n3A_946, %eq3A_982 : vector<16xf32>
    %jit3A_984 = arith.constant 1073741824 : i32
    %broadcast_in_dim3A_985 = vector.broadcast %jit3A_984 : i32 to vector<16xi32>
    %select_n3A_986 = arith.select %eq3A_983, %get3A_870, %broadcast_in_dim3A_985 : vector<16xi1>, vector<16xi32>
    %reduce_min3A_987 = arith.constant true
    %reduce_min3A_988 = vector.broadcast %reduce_min3A_987 : i1 to vector<16xi1>
    %reduce_min3A_989 = arith.constant -2147483648 : i32
    %reduce_min3A_990 = vector.broadcast %reduce_min3A_989 : i32 to vector<16xi32>
    %reduce_min3A_991 = arith.xori %select_n3A_986, %reduce_min3A_990 : vector<16xi32>
    %reduce_min3A_992 = tpu.scan <min>, %reduce_min3A_991 masked %reduce_min3A_988 : vector<16xi32>, vector<16xi1> -> vector<16xi32>
    %reduce_min3A_993 = arith.xori %reduce_min3A_992, %reduce_min3A_990 : vector<16xi32>
    %reduce_min3A_994 = vector.extract %reduce_min3A_993[15] : i32 from vector<16xi32>
    %min3A_995 = arith.minsi %reduce_min3A_981, %reduce_min3A_994 : i32
    %eq3A_996 = vector.broadcast %reduce_max3A_968 : f32 to vector<16xf32>
    %eq3A_997 = arith.cmpf oeq, %select_n3A_951, %eq3A_996 : vector<16xf32>
    %jit3A_998 = arith.constant 1073741824 : i32
    %broadcast_in_dim3A_999 = vector.broadcast %jit3A_998 : i32 to vector<16xi32>
    %select_n3A_1000 = arith.select %eq3A_997, %get3A_872, %broadcast_in_dim3A_999 : vector<16xi1>, vector<16xi32>
    %reduce_min3A_1001 = arith.constant true
    %reduce_min3A_1002 = vector.broadcast %reduce_min3A_1001 : i1 to vector<16xi1>
    %reduce_min3A_1003 = arith.constant -2147483648 : i32
    %reduce_min3A_1004 = vector.broadcast %reduce_min3A_1003 : i32 to vector<16xi32>
    %reduce_min3A_1005 = arith.xori %select_n3A_1000, %reduce_min3A_1004 : vector<16xi32>
    %reduce_min3A_1006 = tpu.scan <min>, %reduce_min3A_1005 masked %reduce_min3A_1002 : vector<16xi32>, vector<16xi1> -> vector<16xi32>
    %reduce_min3A_1007 = arith.xori %reduce_min3A_1006, %reduce_min3A_1004 : vector<16xi32>
    %reduce_min3A_1008 = vector.extract %reduce_min3A_1007[15] : i32 from vector<16xi32>
    %min3A_1009 = arith.minsi %min3A_995, %reduce_min3A_1008 : i32
    %eq3A_1010 = vector.broadcast %reduce_max3A_968 : f32 to vector<16xf32>
    %eq3A_1011 = arith.cmpf oeq, %select_n3A_956, %eq3A_1010 : vector<16xf32>
    %jit3A_1012 = arith.constant 1073741824 : i32
    %broadcast_in_dim3A_1013 = vector.broadcast %jit3A_1012 : i32 to vector<16xi32>
    %select_n3A_1014 = arith.select %eq3A_1011, %get3A_874, %broadcast_in_dim3A_1013 : vector<16xi1>, vector<16xi32>
    %reduce_min3A_1015 = arith.constant true
    %reduce_min3A_1016 = vector.broadcast %reduce_min3A_1015 : i1 to vector<16xi1>
    %reduce_min3A_1017 = arith.constant -2147483648 : i32
    %reduce_min3A_1018 = vector.broadcast %reduce_min3A_1017 : i32 to vector<16xi32>
    %reduce_min3A_1019 = arith.xori %select_n3A_1014, %reduce_min3A_1018 : vector<16xi32>
    %reduce_min3A_1020 = tpu.scan <min>, %reduce_min3A_1019 masked %reduce_min3A_1016 : vector<16xi32>, vector<16xi1> -> vector<16xi32>
    %reduce_min3A_1021 = arith.xori %reduce_min3A_1020, %reduce_min3A_1018 : vector<16xi32>
    %reduce_min3A_1022 = vector.extract %reduce_min3A_1021[15] : i32 from vector<16xi32>
    %min3A_1023 = arith.minsi %min3A_1009, %reduce_min3A_1022 : i32
    %eq3A_1024 = vector.broadcast %min3A_1023 : i32 to vector<16xi32>
    %eq3A_1025 = arith.cmpi eq, %get3A_868, %eq3A_1024 : vector<16xi32>
    %jit3A_1026 = arith.constant -3.000000e+38 : f32
    %broadcast_in_dim3A_1027 = vector.broadcast %jit3A_1026 : f32 to vector<16xf32>
    %select_n3A_1028 = arith.select %eq3A_1025, %broadcast_in_dim3A_1027, %select_n3A_941 : vector<16xi1>, vector<16xf32>
    %eq3A_1029 = vector.broadcast %min3A_1023 : i32 to vector<16xi32>
    %eq3A_1030 = arith.cmpi eq, %get3A_870, %eq3A_1029 : vector<16xi32>
    %jit3A_1031 = arith.constant -3.000000e+38 : f32
    %broadcast_in_dim3A_1032 = vector.broadcast %jit3A_1031 : f32 to vector<16xf32>
    %select_n3A_1033 = arith.select %eq3A_1030, %broadcast_in_dim3A_1032, %select_n3A_946 : vector<16xi1>, vector<16xf32>
    %eq3A_1034 = vector.broadcast %min3A_1023 : i32 to vector<16xi32>
    %eq3A_1035 = arith.cmpi eq, %get3A_872, %eq3A_1034 : vector<16xi32>
    %jit3A_1036 = arith.constant -3.000000e+38 : f32
    %broadcast_in_dim3A_1037 = vector.broadcast %jit3A_1036 : f32 to vector<16xf32>
    %select_n3A_1038 = arith.select %eq3A_1035, %broadcast_in_dim3A_1037, %select_n3A_951 : vector<16xi1>, vector<16xf32>
    %eq3A_1039 = vector.broadcast %min3A_1023 : i32 to vector<16xi32>
    %eq3A_1040 = arith.cmpi eq, %get3A_874, %eq3A_1039 : vector<16xi32>
    %jit3A_1041 = arith.constant -3.000000e+38 : f32
    %broadcast_in_dim3A_1042 = vector.broadcast %jit3A_1041 : f32 to vector<16xf32>
    %select_n3A_1043 = arith.select %eq3A_1040, %broadcast_in_dim3A_1042, %select_n3A_956 : vector<16xi1>, vector<16xf32>
    %eq3A_1044 = arith.constant 1 : i32
    %eq3A_1045 = vector.broadcast %eq3A_1044 : i32 to vector<16xi32>
    %eq3A_1046 = arith.cmpi eq, %iota3A, %eq3A_1045 : vector<16xi32>
    %broadcast_in_dim3A_1047 = vector.broadcast %min3A_1023 : i32 to vector<16xi32>
    %select_n3A_1048 = arith.select %eq3A_1046, %broadcast_in_dim3A_1047, %select_n3A_961 : vector<16xi1>, vector<16xi32>
    %max3A_1049 = arith.maximumf %select_n3A_1028, %select_n3A_1033 : vector<16xf32>
    %max3A_1050 = arith.maximumf %max3A_1049, %select_n3A_1038 : vector<16xf32>
    %max3A_1051 = arith.maximumf %max3A_1050, %select_n3A_1043 : vector<16xf32>
    %reduce_max3A_1052 = arith.constant true
    %reduce_max3A_1053 = vector.broadcast %reduce_max3A_1052 : i1 to vector<16xi1>
    %reduce_max3A_1054 = tpu.scan <max>, %max3A_1051 masked %reduce_max3A_1053 : vector<16xf32>, vector<16xi1> -> vector<16xf32>
    %reduce_max3A_1055 = vector.extract %reduce_max3A_1054[15] : f32 from vector<16xf32>
    %eq3A_1056 = vector.broadcast %reduce_max3A_1055 : f32 to vector<16xf32>
    %eq3A_1057 = arith.cmpf oeq, %select_n3A_1028, %eq3A_1056 : vector<16xf32>
    %jit3A_1058 = arith.constant 1073741824 : i32
    %broadcast_in_dim3A_1059 = vector.broadcast %jit3A_1058 : i32 to vector<16xi32>
    %select_n3A_1060 = arith.select %eq3A_1057, %get3A_868, %broadcast_in_dim3A_1059 : vector<16xi1>, vector<16xi32>
    %reduce_min3A_1061 = arith.constant true
    %reduce_min3A_1062 = vector.broadcast %reduce_min3A_1061 : i1 to vector<16xi1>
    %reduce_min3A_1063 = arith.constant -2147483648 : i32
    %reduce_min3A_1064 = vector.broadcast %reduce_min3A_1063 : i32 to vector<16xi32>
    %reduce_min3A_1065 = arith.xori %select_n3A_1060, %reduce_min3A_1064 : vector<16xi32>
    %reduce_min3A_1066 = tpu.scan <min>, %reduce_min3A_1065 masked %reduce_min3A_1062 : vector<16xi32>, vector<16xi1> -> vector<16xi32>
    %reduce_min3A_1067 = arith.xori %reduce_min3A_1066, %reduce_min3A_1064 : vector<16xi32>
    %reduce_min3A_1068 = vector.extract %reduce_min3A_1067[15] : i32 from vector<16xi32>
    %eq3A_1069 = vector.broadcast %reduce_max3A_1055 : f32 to vector<16xf32>
    %eq3A_1070 = arith.cmpf oeq, %select_n3A_1033, %eq3A_1069 : vector<16xf32>
    %jit3A_1071 = arith.constant 1073741824 : i32
    %broadcast_in_dim3A_1072 = vector.broadcast %jit3A_1071 : i32 to vector<16xi32>
    %select_n3A_1073 = arith.select %eq3A_1070, %get3A_870, %broadcast_in_dim3A_1072 : vector<16xi1>, vector<16xi32>
    %reduce_min3A_1074 = arith.constant true
    %reduce_min3A_1075 = vector.broadcast %reduce_min3A_1074 : i1 to vector<16xi1>
    %reduce_min3A_1076 = arith.constant -2147483648 : i32
    %reduce_min3A_1077 = vector.broadcast %reduce_min3A_1076 : i32 to vector<16xi32>
    %reduce_min3A_1078 = arith.xori %select_n3A_1073, %reduce_min3A_1077 : vector<16xi32>
    %reduce_min3A_1079 = tpu.scan <min>, %reduce_min3A_1078 masked %reduce_min3A_1075 : vector<16xi32>, vector<16xi1> -> vector<16xi32>
    %reduce_min3A_1080 = arith.xori %reduce_min3A_1079, %reduce_min3A_1077 : vector<16xi32>
    %reduce_min3A_1081 = vector.extract %reduce_min3A_1080[15] : i32 from vector<16xi32>
    %min3A_1082 = arith.minsi %reduce_min3A_1068, %reduce_min3A_1081 : i32
    %eq3A_1083 = vector.broadcast %reduce_max3A_1055 : f32 to vector<16xf32>
    %eq3A_1084 = arith.cmpf oeq, %select_n3A_1038, %eq3A_1083 : vector<16xf32>
    %jit3A_1085 = arith.constant 1073741824 : i32
    %broadcast_in_dim3A_1086 = vector.broadcast %jit3A_1085 : i32 to vector<16xi32>
    %select_n3A_1087 = arith.select %eq3A_1084, %get3A_872, %broadcast_in_dim3A_1086 : vector<16xi1>, vector<16xi32>
    %reduce_min3A_1088 = arith.constant true
    %reduce_min3A_1089 = vector.broadcast %reduce_min3A_1088 : i1 to vector<16xi1>
    %reduce_min3A_1090 = arith.constant -2147483648 : i32
    %reduce_min3A_1091 = vector.broadcast %reduce_min3A_1090 : i32 to vector<16xi32>
    %reduce_min3A_1092 = arith.xori %select_n3A_1087, %reduce_min3A_1091 : vector<16xi32>
    %reduce_min3A_1093 = tpu.scan <min>, %reduce_min3A_1092 masked %reduce_min3A_1089 : vector<16xi32>, vector<16xi1> -> vector<16xi32>
    %reduce_min3A_1094 = arith.xori %reduce_min3A_1093, %reduce_min3A_1091 : vector<16xi32>
    %reduce_min3A_1095 = vector.extract %reduce_min3A_1094[15] : i32 from vector<16xi32>
    %min3A_1096 = arith.minsi %min3A_1082, %reduce_min3A_1095 : i32
    %eq3A_1097 = vector.broadcast %reduce_max3A_1055 : f32 to vector<16xf32>
    %eq3A_1098 = arith.cmpf oeq, %select_n3A_1043, %eq3A_1097 : vector<16xf32>
    %jit3A_1099 = arith.constant 1073741824 : i32
    %broadcast_in_dim3A_1100 = vector.broadcast %jit3A_1099 : i32 to vector<16xi32>
    %select_n3A_1101 = arith.select %eq3A_1098, %get3A_874, %broadcast_in_dim3A_1100 : vector<16xi1>, vector<16xi32>
    %reduce_min3A_1102 = arith.constant true
    %reduce_min3A_1103 = vector.broadcast %reduce_min3A_1102 : i1 to vector<16xi1>
    %reduce_min3A_1104 = arith.constant -2147483648 : i32
    %reduce_min3A_1105 = vector.broadcast %reduce_min3A_1104 : i32 to vector<16xi32>
    %reduce_min3A_1106 = arith.xori %select_n3A_1101, %reduce_min3A_1105 : vector<16xi32>
    %reduce_min3A_1107 = tpu.scan <min>, %reduce_min3A_1106 masked %reduce_min3A_1103 : vector<16xi32>, vector<16xi1> -> vector<16xi32>
    %reduce_min3A_1108 = arith.xori %reduce_min3A_1107, %reduce_min3A_1105 : vector<16xi32>
    %reduce_min3A_1109 = vector.extract %reduce_min3A_1108[15] : i32 from vector<16xi32>
    %min3A_1110 = arith.minsi %min3A_1096, %reduce_min3A_1109 : i32
    %eq3A_1111 = vector.broadcast %min3A_1110 : i32 to vector<16xi32>
    %eq3A_1112 = arith.cmpi eq, %get3A_868, %eq3A_1111 : vector<16xi32>
    %jit3A_1113 = arith.constant -3.000000e+38 : f32
    %broadcast_in_dim3A_1114 = vector.broadcast %jit3A_1113 : f32 to vector<16xf32>
    %select_n3A_1115 = arith.select %eq3A_1112, %broadcast_in_dim3A_1114, %select_n3A_1028 : vector<16xi1>, vector<16xf32>
    %eq3A_1116 = vector.broadcast %min3A_1110 : i32 to vector<16xi32>
    %eq3A_1117 = arith.cmpi eq, %get3A_870, %eq3A_1116 : vector<16xi32>
    %jit3A_1118 = arith.constant -3.000000e+38 : f32
    %broadcast_in_dim3A_1119 = vector.broadcast %jit3A_1118 : f32 to vector<16xf32>
    %select_n3A_1120 = arith.select %eq3A_1117, %broadcast_in_dim3A_1119, %select_n3A_1033 : vector<16xi1>, vector<16xf32>
    %eq3A_1121 = vector.broadcast %min3A_1110 : i32 to vector<16xi32>
    %eq3A_1122 = arith.cmpi eq, %get3A_872, %eq3A_1121 : vector<16xi32>
    %jit3A_1123 = arith.constant -3.000000e+38 : f32
    %broadcast_in_dim3A_1124 = vector.broadcast %jit3A_1123 : f32 to vector<16xf32>
    %select_n3A_1125 = arith.select %eq3A_1122, %broadcast_in_dim3A_1124, %select_n3A_1038 : vector<16xi1>, vector<16xf32>
    %eq3A_1126 = vector.broadcast %min3A_1110 : i32 to vector<16xi32>
    %eq3A_1127 = arith.cmpi eq, %get3A_874, %eq3A_1126 : vector<16xi32>
    %jit3A_1128 = arith.constant -3.000000e+38 : f32
    %broadcast_in_dim3A_1129 = vector.broadcast %jit3A_1128 : f32 to vector<16xf32>
    %select_n3A_1130 = arith.select %eq3A_1127, %broadcast_in_dim3A_1129, %select_n3A_1043 : vector<16xi1>, vector<16xf32>
    %eq3A_1131 = arith.constant 2 : i32
    %eq3A_1132 = vector.broadcast %eq3A_1131 : i32 to vector<16xi32>
    %eq3A_1133 = arith.cmpi eq, %iota3A, %eq3A_1132 : vector<16xi32>
    %broadcast_in_dim3A_1134 = vector.broadcast %min3A_1110 : i32 to vector<16xi32>
    %select_n3A_1135 = arith.select %eq3A_1133, %broadcast_in_dim3A_1134, %select_n3A_1048 : vector<16xi1>, vector<16xi32>
    %max3A_1136 = arith.maximumf %select_n3A_1115, %select_n3A_1120 : vector<16xf32>
    %max3A_1137 = arith.maximumf %max3A_1136, %select_n3A_1125 : vector<16xf32>
    %max3A_1138 = arith.maximumf %max3A_1137, %select_n3A_1130 : vector<16xf32>
    %reduce_max3A_1139 = arith.constant true
    %reduce_max3A_1140 = vector.broadcast %reduce_max3A_1139 : i1 to vector<16xi1>
    %reduce_max3A_1141 = tpu.scan <max>, %max3A_1138 masked %reduce_max3A_1140 : vector<16xf32>, vector<16xi1> -> vector<16xf32>
    %reduce_max3A_1142 = vector.extract %reduce_max3A_1141[15] : f32 from vector<16xf32>
    %eq3A_1143 = vector.broadcast %reduce_max3A_1142 : f32 to vector<16xf32>
    %eq3A_1144 = arith.cmpf oeq, %select_n3A_1115, %eq3A_1143 : vector<16xf32>
    %jit3A_1145 = arith.constant 1073741824 : i32
    %broadcast_in_dim3A_1146 = vector.broadcast %jit3A_1145 : i32 to vector<16xi32>
    %select_n3A_1147 = arith.select %eq3A_1144, %get3A_868, %broadcast_in_dim3A_1146 : vector<16xi1>, vector<16xi32>
    %reduce_min3A_1148 = arith.constant true
    %reduce_min3A_1149 = vector.broadcast %reduce_min3A_1148 : i1 to vector<16xi1>
    %reduce_min3A_1150 = arith.constant -2147483648 : i32
    %reduce_min3A_1151 = vector.broadcast %reduce_min3A_1150 : i32 to vector<16xi32>
    %reduce_min3A_1152 = arith.xori %select_n3A_1147, %reduce_min3A_1151 : vector<16xi32>
    %reduce_min3A_1153 = tpu.scan <min>, %reduce_min3A_1152 masked %reduce_min3A_1149 : vector<16xi32>, vector<16xi1> -> vector<16xi32>
    %reduce_min3A_1154 = arith.xori %reduce_min3A_1153, %reduce_min3A_1151 : vector<16xi32>
    %reduce_min3A_1155 = vector.extract %reduce_min3A_1154[15] : i32 from vector<16xi32>
    %eq3A_1156 = vector.broadcast %reduce_max3A_1142 : f32 to vector<16xf32>
    %eq3A_1157 = arith.cmpf oeq, %select_n3A_1120, %eq3A_1156 : vector<16xf32>
    %jit3A_1158 = arith.constant 1073741824 : i32
    %broadcast_in_dim3A_1159 = vector.broadcast %jit3A_1158 : i32 to vector<16xi32>
    %select_n3A_1160 = arith.select %eq3A_1157, %get3A_870, %broadcast_in_dim3A_1159 : vector<16xi1>, vector<16xi32>
    %reduce_min3A_1161 = arith.constant true
    %reduce_min3A_1162 = vector.broadcast %reduce_min3A_1161 : i1 to vector<16xi1>
    %reduce_min3A_1163 = arith.constant -2147483648 : i32
    %reduce_min3A_1164 = vector.broadcast %reduce_min3A_1163 : i32 to vector<16xi32>
    %reduce_min3A_1165 = arith.xori %select_n3A_1160, %reduce_min3A_1164 : vector<16xi32>
    %reduce_min3A_1166 = tpu.scan <min>, %reduce_min3A_1165 masked %reduce_min3A_1162 : vector<16xi32>, vector<16xi1> -> vector<16xi32>
    %reduce_min3A_1167 = arith.xori %reduce_min3A_1166, %reduce_min3A_1164 : vector<16xi32>
    %reduce_min3A_1168 = vector.extract %reduce_min3A_1167[15] : i32 from vector<16xi32>
    %min3A_1169 = arith.minsi %reduce_min3A_1155, %reduce_min3A_1168 : i32
    %eq3A_1170 = vector.broadcast %reduce_max3A_1142 : f32 to vector<16xf32>
    %eq3A_1171 = arith.cmpf oeq, %select_n3A_1125, %eq3A_1170 : vector<16xf32>
    %jit3A_1172 = arith.constant 1073741824 : i32
    %broadcast_in_dim3A_1173 = vector.broadcast %jit3A_1172 : i32 to vector<16xi32>
    %select_n3A_1174 = arith.select %eq3A_1171, %get3A_872, %broadcast_in_dim3A_1173 : vector<16xi1>, vector<16xi32>
    %reduce_min3A_1175 = arith.constant true
    %reduce_min3A_1176 = vector.broadcast %reduce_min3A_1175 : i1 to vector<16xi1>
    %reduce_min3A_1177 = arith.constant -2147483648 : i32
    %reduce_min3A_1178 = vector.broadcast %reduce_min3A_1177 : i32 to vector<16xi32>
    %reduce_min3A_1179 = arith.xori %select_n3A_1174, %reduce_min3A_1178 : vector<16xi32>
    %reduce_min3A_1180 = tpu.scan <min>, %reduce_min3A_1179 masked %reduce_min3A_1176 : vector<16xi32>, vector<16xi1> -> vector<16xi32>
    %reduce_min3A_1181 = arith.xori %reduce_min3A_1180, %reduce_min3A_1178 : vector<16xi32>
    %reduce_min3A_1182 = vector.extract %reduce_min3A_1181[15] : i32 from vector<16xi32>
    %min3A_1183 = arith.minsi %min3A_1169, %reduce_min3A_1182 : i32
    %eq3A_1184 = vector.broadcast %reduce_max3A_1142 : f32 to vector<16xf32>
    %eq3A_1185 = arith.cmpf oeq, %select_n3A_1130, %eq3A_1184 : vector<16xf32>
    %jit3A_1186 = arith.constant 1073741824 : i32
    %broadcast_in_dim3A_1187 = vector.broadcast %jit3A_1186 : i32 to vector<16xi32>
    %select_n3A_1188 = arith.select %eq3A_1185, %get3A_874, %broadcast_in_dim3A_1187 : vector<16xi1>, vector<16xi32>
    %reduce_min3A_1189 = arith.constant true
    %reduce_min3A_1190 = vector.broadcast %reduce_min3A_1189 : i1 to vector<16xi1>
    %reduce_min3A_1191 = arith.constant -2147483648 : i32
    %reduce_min3A_1192 = vector.broadcast %reduce_min3A_1191 : i32 to vector<16xi32>
    %reduce_min3A_1193 = arith.xori %select_n3A_1188, %reduce_min3A_1192 : vector<16xi32>
    %reduce_min3A_1194 = tpu.scan <min>, %reduce_min3A_1193 masked %reduce_min3A_1190 : vector<16xi32>, vector<16xi1> -> vector<16xi32>
    %reduce_min3A_1195 = arith.xori %reduce_min3A_1194, %reduce_min3A_1192 : vector<16xi32>
    %reduce_min3A_1196 = vector.extract %reduce_min3A_1195[15] : i32 from vector<16xi32>
    %min3A_1197 = arith.minsi %min3A_1183, %reduce_min3A_1196 : i32
    %eq3A_1198 = vector.broadcast %min3A_1197 : i32 to vector<16xi32>
    %eq3A_1199 = arith.cmpi eq, %get3A_868, %eq3A_1198 : vector<16xi32>
    %jit3A_1200 = arith.constant -3.000000e+38 : f32
    %broadcast_in_dim3A_1201 = vector.broadcast %jit3A_1200 : f32 to vector<16xf32>
    %select_n3A_1202 = arith.select %eq3A_1199, %broadcast_in_dim3A_1201, %select_n3A_1115 : vector<16xi1>, vector<16xf32>
    %eq3A_1203 = vector.broadcast %min3A_1197 : i32 to vector<16xi32>
    %eq3A_1204 = arith.cmpi eq, %get3A_870, %eq3A_1203 : vector<16xi32>
    %jit3A_1205 = arith.constant -3.000000e+38 : f32
    %broadcast_in_dim3A_1206 = vector.broadcast %jit3A_1205 : f32 to vector<16xf32>
    %select_n3A_1207 = arith.select %eq3A_1204, %broadcast_in_dim3A_1206, %select_n3A_1120 : vector<16xi1>, vector<16xf32>
    %eq3A_1208 = vector.broadcast %min3A_1197 : i32 to vector<16xi32>
    %eq3A_1209 = arith.cmpi eq, %get3A_872, %eq3A_1208 : vector<16xi32>
    %jit3A_1210 = arith.constant -3.000000e+38 : f32
    %broadcast_in_dim3A_1211 = vector.broadcast %jit3A_1210 : f32 to vector<16xf32>
    %select_n3A_1212 = arith.select %eq3A_1209, %broadcast_in_dim3A_1211, %select_n3A_1125 : vector<16xi1>, vector<16xf32>
    %eq3A_1213 = vector.broadcast %min3A_1197 : i32 to vector<16xi32>
    %eq3A_1214 = arith.cmpi eq, %get3A_874, %eq3A_1213 : vector<16xi32>
    %jit3A_1215 = arith.constant -3.000000e+38 : f32
    %broadcast_in_dim3A_1216 = vector.broadcast %jit3A_1215 : f32 to vector<16xf32>
    %select_n3A_1217 = arith.select %eq3A_1214, %broadcast_in_dim3A_1216, %select_n3A_1130 : vector<16xi1>, vector<16xf32>
    %eq3A_1218 = arith.constant 3 : i32
    %eq3A_1219 = vector.broadcast %eq3A_1218 : i32 to vector<16xi32>
    %eq3A_1220 = arith.cmpi eq, %iota3A, %eq3A_1219 : vector<16xi32>
    %broadcast_in_dim3A_1221 = vector.broadcast %min3A_1197 : i32 to vector<16xi32>
    %select_n3A_1222 = arith.select %eq3A_1220, %broadcast_in_dim3A_1221, %select_n3A_1135 : vector<16xi1>, vector<16xi32>
    %max3A_1223 = arith.maximumf %select_n3A_1202, %select_n3A_1207 : vector<16xf32>
    %max3A_1224 = arith.maximumf %max3A_1223, %select_n3A_1212 : vector<16xf32>
    %max3A_1225 = arith.maximumf %max3A_1224, %select_n3A_1217 : vector<16xf32>
    %reduce_max3A_1226 = arith.constant true
    %reduce_max3A_1227 = vector.broadcast %reduce_max3A_1226 : i1 to vector<16xi1>
    %reduce_max3A_1228 = tpu.scan <max>, %max3A_1225 masked %reduce_max3A_1227 : vector<16xf32>, vector<16xi1> -> vector<16xf32>
    %reduce_max3A_1229 = vector.extract %reduce_max3A_1228[15] : f32 from vector<16xf32>
    %eq3A_1230 = vector.broadcast %reduce_max3A_1229 : f32 to vector<16xf32>
    %eq3A_1231 = arith.cmpf oeq, %select_n3A_1202, %eq3A_1230 : vector<16xf32>
    %jit3A_1232 = arith.constant 1073741824 : i32
    %broadcast_in_dim3A_1233 = vector.broadcast %jit3A_1232 : i32 to vector<16xi32>
    %select_n3A_1234 = arith.select %eq3A_1231, %get3A_868, %broadcast_in_dim3A_1233 : vector<16xi1>, vector<16xi32>
    %reduce_min3A_1235 = arith.constant true
    %reduce_min3A_1236 = vector.broadcast %reduce_min3A_1235 : i1 to vector<16xi1>
    %reduce_min3A_1237 = arith.constant -2147483648 : i32
    %reduce_min3A_1238 = vector.broadcast %reduce_min3A_1237 : i32 to vector<16xi32>
    %reduce_min3A_1239 = arith.xori %select_n3A_1234, %reduce_min3A_1238 : vector<16xi32>
    %reduce_min3A_1240 = tpu.scan <min>, %reduce_min3A_1239 masked %reduce_min3A_1236 : vector<16xi32>, vector<16xi1> -> vector<16xi32>
    %reduce_min3A_1241 = arith.xori %reduce_min3A_1240, %reduce_min3A_1238 : vector<16xi32>
    %reduce_min3A_1242 = vector.extract %reduce_min3A_1241[15] : i32 from vector<16xi32>
    %eq3A_1243 = vector.broadcast %reduce_max3A_1229 : f32 to vector<16xf32>
    %eq3A_1244 = arith.cmpf oeq, %select_n3A_1207, %eq3A_1243 : vector<16xf32>
    %jit3A_1245 = arith.constant 1073741824 : i32
    %broadcast_in_dim3A_1246 = vector.broadcast %jit3A_1245 : i32 to vector<16xi32>
    %select_n3A_1247 = arith.select %eq3A_1244, %get3A_870, %broadcast_in_dim3A_1246 : vector<16xi1>, vector<16xi32>
    %reduce_min3A_1248 = arith.constant true
    %reduce_min3A_1249 = vector.broadcast %reduce_min3A_1248 : i1 to vector<16xi1>
    %reduce_min3A_1250 = arith.constant -2147483648 : i32
    %reduce_min3A_1251 = vector.broadcast %reduce_min3A_1250 : i32 to vector<16xi32>
    %reduce_min3A_1252 = arith.xori %select_n3A_1247, %reduce_min3A_1251 : vector<16xi32>
    %reduce_min3A_1253 = tpu.scan <min>, %reduce_min3A_1252 masked %reduce_min3A_1249 : vector<16xi32>, vector<16xi1> -> vector<16xi32>
    %reduce_min3A_1254 = arith.xori %reduce_min3A_1253, %reduce_min3A_1251 : vector<16xi32>
    %reduce_min3A_1255 = vector.extract %reduce_min3A_1254[15] : i32 from vector<16xi32>
    %min3A_1256 = arith.minsi %reduce_min3A_1242, %reduce_min3A_1255 : i32
    %eq3A_1257 = vector.broadcast %reduce_max3A_1229 : f32 to vector<16xf32>
    %eq3A_1258 = arith.cmpf oeq, %select_n3A_1212, %eq3A_1257 : vector<16xf32>
    %jit3A_1259 = arith.constant 1073741824 : i32
    %broadcast_in_dim3A_1260 = vector.broadcast %jit3A_1259 : i32 to vector<16xi32>
    %select_n3A_1261 = arith.select %eq3A_1258, %get3A_872, %broadcast_in_dim3A_1260 : vector<16xi1>, vector<16xi32>
    %reduce_min3A_1262 = arith.constant true
    %reduce_min3A_1263 = vector.broadcast %reduce_min3A_1262 : i1 to vector<16xi1>
    %reduce_min3A_1264 = arith.constant -2147483648 : i32
    %reduce_min3A_1265 = vector.broadcast %reduce_min3A_1264 : i32 to vector<16xi32>
    %reduce_min3A_1266 = arith.xori %select_n3A_1261, %reduce_min3A_1265 : vector<16xi32>
    %reduce_min3A_1267 = tpu.scan <min>, %reduce_min3A_1266 masked %reduce_min3A_1263 : vector<16xi32>, vector<16xi1> -> vector<16xi32>
    %reduce_min3A_1268 = arith.xori %reduce_min3A_1267, %reduce_min3A_1265 : vector<16xi32>
    %reduce_min3A_1269 = vector.extract %reduce_min3A_1268[15] : i32 from vector<16xi32>
    %min3A_1270 = arith.minsi %min3A_1256, %reduce_min3A_1269 : i32
    %eq3A_1271 = vector.broadcast %reduce_max3A_1229 : f32 to vector<16xf32>
    %eq3A_1272 = arith.cmpf oeq, %select_n3A_1217, %eq3A_1271 : vector<16xf32>
    %jit3A_1273 = arith.constant 1073741824 : i32
    %broadcast_in_dim3A_1274 = vector.broadcast %jit3A_1273 : i32 to vector<16xi32>
    %select_n3A_1275 = arith.select %eq3A_1272, %get3A_874, %broadcast_in_dim3A_1274 : vector<16xi1>, vector<16xi32>
    %reduce_min3A_1276 = arith.constant true
    %reduce_min3A_1277 = vector.broadcast %reduce_min3A_1276 : i1 to vector<16xi1>
    %reduce_min3A_1278 = arith.constant -2147483648 : i32
    %reduce_min3A_1279 = vector.broadcast %reduce_min3A_1278 : i32 to vector<16xi32>
    %reduce_min3A_1280 = arith.xori %select_n3A_1275, %reduce_min3A_1279 : vector<16xi32>
    %reduce_min3A_1281 = tpu.scan <min>, %reduce_min3A_1280 masked %reduce_min3A_1277 : vector<16xi32>, vector<16xi1> -> vector<16xi32>
    %reduce_min3A_1282 = arith.xori %reduce_min3A_1281, %reduce_min3A_1279 : vector<16xi32>
    %reduce_min3A_1283 = vector.extract %reduce_min3A_1282[15] : i32 from vector<16xi32>
    %min3A_1284 = arith.minsi %min3A_1270, %reduce_min3A_1283 : i32
    %eq3A_1285 = vector.broadcast %min3A_1284 : i32 to vector<16xi32>
    %eq3A_1286 = arith.cmpi eq, %get3A_868, %eq3A_1285 : vector<16xi32>
    %jit3A_1287 = arith.constant -3.000000e+38 : f32
    %broadcast_in_dim3A_1288 = vector.broadcast %jit3A_1287 : f32 to vector<16xf32>
    %select_n3A_1289 = arith.select %eq3A_1286, %broadcast_in_dim3A_1288, %select_n3A_1202 : vector<16xi1>, vector<16xf32>
    %eq3A_1290 = vector.broadcast %min3A_1284 : i32 to vector<16xi32>
    %eq3A_1291 = arith.cmpi eq, %get3A_870, %eq3A_1290 : vector<16xi32>
    %jit3A_1292 = arith.constant -3.000000e+38 : f32
    %broadcast_in_dim3A_1293 = vector.broadcast %jit3A_1292 : f32 to vector<16xf32>
    %select_n3A_1294 = arith.select %eq3A_1291, %broadcast_in_dim3A_1293, %select_n3A_1207 : vector<16xi1>, vector<16xf32>
    %eq3A_1295 = vector.broadcast %min3A_1284 : i32 to vector<16xi32>
    %eq3A_1296 = arith.cmpi eq, %get3A_872, %eq3A_1295 : vector<16xi32>
    %jit3A_1297 = arith.constant -3.000000e+38 : f32
    %broadcast_in_dim3A_1298 = vector.broadcast %jit3A_1297 : f32 to vector<16xf32>
    %select_n3A_1299 = arith.select %eq3A_1296, %broadcast_in_dim3A_1298, %select_n3A_1212 : vector<16xi1>, vector<16xf32>
    %eq3A_1300 = vector.broadcast %min3A_1284 : i32 to vector<16xi32>
    %eq3A_1301 = arith.cmpi eq, %get3A_874, %eq3A_1300 : vector<16xi32>
    %jit3A_1302 = arith.constant -3.000000e+38 : f32
    %broadcast_in_dim3A_1303 = vector.broadcast %jit3A_1302 : f32 to vector<16xf32>
    %select_n3A_1304 = arith.select %eq3A_1301, %broadcast_in_dim3A_1303, %select_n3A_1217 : vector<16xi1>, vector<16xf32>
    %eq3A_1305 = arith.constant 4 : i32
    %eq3A_1306 = vector.broadcast %eq3A_1305 : i32 to vector<16xi32>
    %eq3A_1307 = arith.cmpi eq, %iota3A, %eq3A_1306 : vector<16xi32>
    %broadcast_in_dim3A_1308 = vector.broadcast %min3A_1284 : i32 to vector<16xi32>
    %select_n3A_1309 = arith.select %eq3A_1307, %broadcast_in_dim3A_1308, %select_n3A_1222 : vector<16xi1>, vector<16xi32>
    %max3A_1310 = arith.maximumf %select_n3A_1289, %select_n3A_1294 : vector<16xf32>
    %max3A_1311 = arith.maximumf %max3A_1310, %select_n3A_1299 : vector<16xf32>
    %max3A_1312 = arith.maximumf %max3A_1311, %select_n3A_1304 : vector<16xf32>
    %reduce_max3A_1313 = arith.constant true
    %reduce_max3A_1314 = vector.broadcast %reduce_max3A_1313 : i1 to vector<16xi1>
    %reduce_max3A_1315 = tpu.scan <max>, %max3A_1312 masked %reduce_max3A_1314 : vector<16xf32>, vector<16xi1> -> vector<16xf32>
    %reduce_max3A_1316 = vector.extract %reduce_max3A_1315[15] : f32 from vector<16xf32>
    %eq3A_1317 = vector.broadcast %reduce_max3A_1316 : f32 to vector<16xf32>
    %eq3A_1318 = arith.cmpf oeq, %select_n3A_1289, %eq3A_1317 : vector<16xf32>
    %jit3A_1319 = arith.constant 1073741824 : i32
    %broadcast_in_dim3A_1320 = vector.broadcast %jit3A_1319 : i32 to vector<16xi32>
    %select_n3A_1321 = arith.select %eq3A_1318, %get3A_868, %broadcast_in_dim3A_1320 : vector<16xi1>, vector<16xi32>
    %reduce_min3A_1322 = arith.constant true
    %reduce_min3A_1323 = vector.broadcast %reduce_min3A_1322 : i1 to vector<16xi1>
    %reduce_min3A_1324 = arith.constant -2147483648 : i32
    %reduce_min3A_1325 = vector.broadcast %reduce_min3A_1324 : i32 to vector<16xi32>
    %reduce_min3A_1326 = arith.xori %select_n3A_1321, %reduce_min3A_1325 : vector<16xi32>
    %reduce_min3A_1327 = tpu.scan <min>, %reduce_min3A_1326 masked %reduce_min3A_1323 : vector<16xi32>, vector<16xi1> -> vector<16xi32>
    %reduce_min3A_1328 = arith.xori %reduce_min3A_1327, %reduce_min3A_1325 : vector<16xi32>
    %reduce_min3A_1329 = vector.extract %reduce_min3A_1328[15] : i32 from vector<16xi32>
    %eq3A_1330 = vector.broadcast %reduce_max3A_1316 : f32 to vector<16xf32>
    %eq3A_1331 = arith.cmpf oeq, %select_n3A_1294, %eq3A_1330 : vector<16xf32>
    %jit3A_1332 = arith.constant 1073741824 : i32
    %broadcast_in_dim3A_1333 = vector.broadcast %jit3A_1332 : i32 to vector<16xi32>
    %select_n3A_1334 = arith.select %eq3A_1331, %get3A_870, %broadcast_in_dim3A_1333 : vector<16xi1>, vector<16xi32>
    %reduce_min3A_1335 = arith.constant true
    %reduce_min3A_1336 = vector.broadcast %reduce_min3A_1335 : i1 to vector<16xi1>
    %reduce_min3A_1337 = arith.constant -2147483648 : i32
    %reduce_min3A_1338 = vector.broadcast %reduce_min3A_1337 : i32 to vector<16xi32>
    %reduce_min3A_1339 = arith.xori %select_n3A_1334, %reduce_min3A_1338 : vector<16xi32>
    %reduce_min3A_1340 = tpu.scan <min>, %reduce_min3A_1339 masked %reduce_min3A_1336 : vector<16xi32>, vector<16xi1> -> vector<16xi32>
    %reduce_min3A_1341 = arith.xori %reduce_min3A_1340, %reduce_min3A_1338 : vector<16xi32>
    %reduce_min3A_1342 = vector.extract %reduce_min3A_1341[15] : i32 from vector<16xi32>
    %min3A_1343 = arith.minsi %reduce_min3A_1329, %reduce_min3A_1342 : i32
    %eq3A_1344 = vector.broadcast %reduce_max3A_1316 : f32 to vector<16xf32>
    %eq3A_1345 = arith.cmpf oeq, %select_n3A_1299, %eq3A_1344 : vector<16xf32>
    %jit3A_1346 = arith.constant 1073741824 : i32
    %broadcast_in_dim3A_1347 = vector.broadcast %jit3A_1346 : i32 to vector<16xi32>
    %select_n3A_1348 = arith.select %eq3A_1345, %get3A_872, %broadcast_in_dim3A_1347 : vector<16xi1>, vector<16xi32>
    %reduce_min3A_1349 = arith.constant true
    %reduce_min3A_1350 = vector.broadcast %reduce_min3A_1349 : i1 to vector<16xi1>
    %reduce_min3A_1351 = arith.constant -2147483648 : i32
    %reduce_min3A_1352 = vector.broadcast %reduce_min3A_1351 : i32 to vector<16xi32>
    %reduce_min3A_1353 = arith.xori %select_n3A_1348, %reduce_min3A_1352 : vector<16xi32>
    %reduce_min3A_1354 = tpu.scan <min>, %reduce_min3A_1353 masked %reduce_min3A_1350 : vector<16xi32>, vector<16xi1> -> vector<16xi32>
    %reduce_min3A_1355 = arith.xori %reduce_min3A_1354, %reduce_min3A_1352 : vector<16xi32>
    %reduce_min3A_1356 = vector.extract %reduce_min3A_1355[15] : i32 from vector<16xi32>
    %min3A_1357 = arith.minsi %min3A_1343, %reduce_min3A_1356 : i32
    %eq3A_1358 = vector.broadcast %reduce_max3A_1316 : f32 to vector<16xf32>
    %eq3A_1359 = arith.cmpf oeq, %select_n3A_1304, %eq3A_1358 : vector<16xf32>
    %jit3A_1360 = arith.constant 1073741824 : i32
    %broadcast_in_dim3A_1361 = vector.broadcast %jit3A_1360 : i32 to vector<16xi32>
    %select_n3A_1362 = arith.select %eq3A_1359, %get3A_874, %broadcast_in_dim3A_1361 : vector<16xi1>, vector<16xi32>
    %reduce_min3A_1363 = arith.constant true
    %reduce_min3A_1364 = vector.broadcast %reduce_min3A_1363 : i1 to vector<16xi1>
    %reduce_min3A_1365 = arith.constant -2147483648 : i32
    %reduce_min3A_1366 = vector.broadcast %reduce_min3A_1365 : i32 to vector<16xi32>
    %reduce_min3A_1367 = arith.xori %select_n3A_1362, %reduce_min3A_1366 : vector<16xi32>
    %reduce_min3A_1368 = tpu.scan <min>, %reduce_min3A_1367 masked %reduce_min3A_1364 : vector<16xi32>, vector<16xi1> -> vector<16xi32>
    %reduce_min3A_1369 = arith.xori %reduce_min3A_1368, %reduce_min3A_1366 : vector<16xi32>
    %reduce_min3A_1370 = vector.extract %reduce_min3A_1369[15] : i32 from vector<16xi32>
    %min3A_1371 = arith.minsi %min3A_1357, %reduce_min3A_1370 : i32
    %eq3A_1372 = vector.broadcast %min3A_1371 : i32 to vector<16xi32>
    %eq3A_1373 = arith.cmpi eq, %get3A_868, %eq3A_1372 : vector<16xi32>
    %jit3A_1374 = arith.constant -3.000000e+38 : f32
    %broadcast_in_dim3A_1375 = vector.broadcast %jit3A_1374 : f32 to vector<16xf32>
    %select_n3A_1376 = arith.select %eq3A_1373, %broadcast_in_dim3A_1375, %select_n3A_1289 : vector<16xi1>, vector<16xf32>
    %eq3A_1377 = vector.broadcast %min3A_1371 : i32 to vector<16xi32>
    %eq3A_1378 = arith.cmpi eq, %get3A_870, %eq3A_1377 : vector<16xi32>
    %jit3A_1379 = arith.constant -3.000000e+38 : f32
    %broadcast_in_dim3A_1380 = vector.broadcast %jit3A_1379 : f32 to vector<16xf32>
    %select_n3A_1381 = arith.select %eq3A_1378, %broadcast_in_dim3A_1380, %select_n3A_1294 : vector<16xi1>, vector<16xf32>
    %eq3A_1382 = vector.broadcast %min3A_1371 : i32 to vector<16xi32>
    %eq3A_1383 = arith.cmpi eq, %get3A_872, %eq3A_1382 : vector<16xi32>
    %jit3A_1384 = arith.constant -3.000000e+38 : f32
    %broadcast_in_dim3A_1385 = vector.broadcast %jit3A_1384 : f32 to vector<16xf32>
    %select_n3A_1386 = arith.select %eq3A_1383, %broadcast_in_dim3A_1385, %select_n3A_1299 : vector<16xi1>, vector<16xf32>
    %eq3A_1387 = vector.broadcast %min3A_1371 : i32 to vector<16xi32>
    %eq3A_1388 = arith.cmpi eq, %get3A_874, %eq3A_1387 : vector<16xi32>
    %jit3A_1389 = arith.constant -3.000000e+38 : f32
    %broadcast_in_dim3A_1390 = vector.broadcast %jit3A_1389 : f32 to vector<16xf32>
    %select_n3A_1391 = arith.select %eq3A_1388, %broadcast_in_dim3A_1390, %select_n3A_1304 : vector<16xi1>, vector<16xf32>
    %eq3A_1392 = arith.constant 5 : i32
    %eq3A_1393 = vector.broadcast %eq3A_1392 : i32 to vector<16xi32>
    %eq3A_1394 = arith.cmpi eq, %iota3A, %eq3A_1393 : vector<16xi32>
    %broadcast_in_dim3A_1395 = vector.broadcast %min3A_1371 : i32 to vector<16xi32>
    %select_n3A_1396 = arith.select %eq3A_1394, %broadcast_in_dim3A_1395, %select_n3A_1309 : vector<16xi1>, vector<16xi32>
    %max3A_1397 = arith.maximumf %select_n3A_1376, %select_n3A_1381 : vector<16xf32>
    %max3A_1398 = arith.maximumf %max3A_1397, %select_n3A_1386 : vector<16xf32>
    %max3A_1399 = arith.maximumf %max3A_1398, %select_n3A_1391 : vector<16xf32>
    %reduce_max3A_1400 = arith.constant true
    %reduce_max3A_1401 = vector.broadcast %reduce_max3A_1400 : i1 to vector<16xi1>
    %reduce_max3A_1402 = tpu.scan <max>, %max3A_1399 masked %reduce_max3A_1401 : vector<16xf32>, vector<16xi1> -> vector<16xf32>
    %reduce_max3A_1403 = vector.extract %reduce_max3A_1402[15] : f32 from vector<16xf32>
    %eq3A_1404 = vector.broadcast %reduce_max3A_1403 : f32 to vector<16xf32>
    %eq3A_1405 = arith.cmpf oeq, %select_n3A_1376, %eq3A_1404 : vector<16xf32>
    %jit3A_1406 = arith.constant 1073741824 : i32
    %broadcast_in_dim3A_1407 = vector.broadcast %jit3A_1406 : i32 to vector<16xi32>
    %select_n3A_1408 = arith.select %eq3A_1405, %get3A_868, %broadcast_in_dim3A_1407 : vector<16xi1>, vector<16xi32>
    %reduce_min3A_1409 = arith.constant true
    %reduce_min3A_1410 = vector.broadcast %reduce_min3A_1409 : i1 to vector<16xi1>
    %reduce_min3A_1411 = arith.constant -2147483648 : i32
    %reduce_min3A_1412 = vector.broadcast %reduce_min3A_1411 : i32 to vector<16xi32>
    %reduce_min3A_1413 = arith.xori %select_n3A_1408, %reduce_min3A_1412 : vector<16xi32>
    %reduce_min3A_1414 = tpu.scan <min>, %reduce_min3A_1413 masked %reduce_min3A_1410 : vector<16xi32>, vector<16xi1> -> vector<16xi32>
    %reduce_min3A_1415 = arith.xori %reduce_min3A_1414, %reduce_min3A_1412 : vector<16xi32>
    %reduce_min3A_1416 = vector.extract %reduce_min3A_1415[15] : i32 from vector<16xi32>
    %eq3A_1417 = vector.broadcast %reduce_max3A_1403 : f32 to vector<16xf32>
    %eq3A_1418 = arith.cmpf oeq, %select_n3A_1381, %eq3A_1417 : vector<16xf32>
    %jit3A_1419 = arith.constant 1073741824 : i32
    %broadcast_in_dim3A_1420 = vector.broadcast %jit3A_1419 : i32 to vector<16xi32>
    %select_n3A_1421 = arith.select %eq3A_1418, %get3A_870, %broadcast_in_dim3A_1420 : vector<16xi1>, vector<16xi32>
    %reduce_min3A_1422 = arith.constant true
    %reduce_min3A_1423 = vector.broadcast %reduce_min3A_1422 : i1 to vector<16xi1>
    %reduce_min3A_1424 = arith.constant -2147483648 : i32
    %reduce_min3A_1425 = vector.broadcast %reduce_min3A_1424 : i32 to vector<16xi32>
    %reduce_min3A_1426 = arith.xori %select_n3A_1421, %reduce_min3A_1425 : vector<16xi32>
    %reduce_min3A_1427 = tpu.scan <min>, %reduce_min3A_1426 masked %reduce_min3A_1423 : vector<16xi32>, vector<16xi1> -> vector<16xi32>
    %reduce_min3A_1428 = arith.xori %reduce_min3A_1427, %reduce_min3A_1425 : vector<16xi32>
    %reduce_min3A_1429 = vector.extract %reduce_min3A_1428[15] : i32 from vector<16xi32>
    %min3A_1430 = arith.minsi %reduce_min3A_1416, %reduce_min3A_1429 : i32
    %eq3A_1431 = vector.broadcast %reduce_max3A_1403 : f32 to vector<16xf32>
    %eq3A_1432 = arith.cmpf oeq, %select_n3A_1386, %eq3A_1431 : vector<16xf32>
    %jit3A_1433 = arith.constant 1073741824 : i32
    %broadcast_in_dim3A_1434 = vector.broadcast %jit3A_1433 : i32 to vector<16xi32>
    %select_n3A_1435 = arith.select %eq3A_1432, %get3A_872, %broadcast_in_dim3A_1434 : vector<16xi1>, vector<16xi32>
    %reduce_min3A_1436 = arith.constant true
    %reduce_min3A_1437 = vector.broadcast %reduce_min3A_1436 : i1 to vector<16xi1>
    %reduce_min3A_1438 = arith.constant -2147483648 : i32
    %reduce_min3A_1439 = vector.broadcast %reduce_min3A_1438 : i32 to vector<16xi32>
    %reduce_min3A_1440 = arith.xori %select_n3A_1435, %reduce_min3A_1439 : vector<16xi32>
    %reduce_min3A_1441 = tpu.scan <min>, %reduce_min3A_1440 masked %reduce_min3A_1437 : vector<16xi32>, vector<16xi1> -> vector<16xi32>
    %reduce_min3A_1442 = arith.xori %reduce_min3A_1441, %reduce_min3A_1439 : vector<16xi32>
    %reduce_min3A_1443 = vector.extract %reduce_min3A_1442[15] : i32 from vector<16xi32>
    %min3A_1444 = arith.minsi %min3A_1430, %reduce_min3A_1443 : i32
    %eq3A_1445 = vector.broadcast %reduce_max3A_1403 : f32 to vector<16xf32>
    %eq3A_1446 = arith.cmpf oeq, %select_n3A_1391, %eq3A_1445 : vector<16xf32>
    %jit3A_1447 = arith.constant 1073741824 : i32
    %broadcast_in_dim3A_1448 = vector.broadcast %jit3A_1447 : i32 to vector<16xi32>
    %select_n3A_1449 = arith.select %eq3A_1446, %get3A_874, %broadcast_in_dim3A_1448 : vector<16xi1>, vector<16xi32>
    %reduce_min3A_1450 = arith.constant true
    %reduce_min3A_1451 = vector.broadcast %reduce_min3A_1450 : i1 to vector<16xi1>
    %reduce_min3A_1452 = arith.constant -2147483648 : i32
    %reduce_min3A_1453 = vector.broadcast %reduce_min3A_1452 : i32 to vector<16xi32>
    %reduce_min3A_1454 = arith.xori %select_n3A_1449, %reduce_min3A_1453 : vector<16xi32>
    %reduce_min3A_1455 = tpu.scan <min>, %reduce_min3A_1454 masked %reduce_min3A_1451 : vector<16xi32>, vector<16xi1> -> vector<16xi32>
    %reduce_min3A_1456 = arith.xori %reduce_min3A_1455, %reduce_min3A_1453 : vector<16xi32>
    %reduce_min3A_1457 = vector.extract %reduce_min3A_1456[15] : i32 from vector<16xi32>
    %min3A_1458 = arith.minsi %min3A_1444, %reduce_min3A_1457 : i32
    %eq3A_1459 = vector.broadcast %min3A_1458 : i32 to vector<16xi32>
    %eq3A_1460 = arith.cmpi eq, %get3A_868, %eq3A_1459 : vector<16xi32>
    %jit3A_1461 = arith.constant -3.000000e+38 : f32
    %broadcast_in_dim3A_1462 = vector.broadcast %jit3A_1461 : f32 to vector<16xf32>
    %select_n3A_1463 = arith.select %eq3A_1460, %broadcast_in_dim3A_1462, %select_n3A_1376 : vector<16xi1>, vector<16xf32>
    %eq3A_1464 = vector.broadcast %min3A_1458 : i32 to vector<16xi32>
    %eq3A_1465 = arith.cmpi eq, %get3A_870, %eq3A_1464 : vector<16xi32>
    %jit3A_1466 = arith.constant -3.000000e+38 : f32
    %broadcast_in_dim3A_1467 = vector.broadcast %jit3A_1466 : f32 to vector<16xf32>
    %select_n3A_1468 = arith.select %eq3A_1465, %broadcast_in_dim3A_1467, %select_n3A_1381 : vector<16xi1>, vector<16xf32>
    %eq3A_1469 = vector.broadcast %min3A_1458 : i32 to vector<16xi32>
    %eq3A_1470 = arith.cmpi eq, %get3A_872, %eq3A_1469 : vector<16xi32>
    %jit3A_1471 = arith.constant -3.000000e+38 : f32
    %broadcast_in_dim3A_1472 = vector.broadcast %jit3A_1471 : f32 to vector<16xf32>
    %select_n3A_1473 = arith.select %eq3A_1470, %broadcast_in_dim3A_1472, %select_n3A_1386 : vector<16xi1>, vector<16xf32>
    %eq3A_1474 = vector.broadcast %min3A_1458 : i32 to vector<16xi32>
    %eq3A_1475 = arith.cmpi eq, %get3A_874, %eq3A_1474 : vector<16xi32>
    %jit3A_1476 = arith.constant -3.000000e+38 : f32
    %broadcast_in_dim3A_1477 = vector.broadcast %jit3A_1476 : f32 to vector<16xf32>
    %select_n3A_1478 = arith.select %eq3A_1475, %broadcast_in_dim3A_1477, %select_n3A_1391 : vector<16xi1>, vector<16xf32>
    %eq3A_1479 = arith.constant 6 : i32
    %eq3A_1480 = vector.broadcast %eq3A_1479 : i32 to vector<16xi32>
    %eq3A_1481 = arith.cmpi eq, %iota3A, %eq3A_1480 : vector<16xi32>
    %broadcast_in_dim3A_1482 = vector.broadcast %min3A_1458 : i32 to vector<16xi32>
    %select_n3A_1483 = arith.select %eq3A_1481, %broadcast_in_dim3A_1482, %select_n3A_1396 : vector<16xi1>, vector<16xi32>
    %max3A_1484 = arith.maximumf %select_n3A_1463, %select_n3A_1468 : vector<16xf32>
    %max3A_1485 = arith.maximumf %max3A_1484, %select_n3A_1473 : vector<16xf32>
    %max3A_1486 = arith.maximumf %max3A_1485, %select_n3A_1478 : vector<16xf32>
    %reduce_max3A_1487 = arith.constant true
    %reduce_max3A_1488 = vector.broadcast %reduce_max3A_1487 : i1 to vector<16xi1>
    %reduce_max3A_1489 = tpu.scan <max>, %max3A_1486 masked %reduce_max3A_1488 : vector<16xf32>, vector<16xi1> -> vector<16xf32>
    %reduce_max3A_1490 = vector.extract %reduce_max3A_1489[15] : f32 from vector<16xf32>
    %eq3A_1491 = vector.broadcast %reduce_max3A_1490 : f32 to vector<16xf32>
    %eq3A_1492 = arith.cmpf oeq, %select_n3A_1463, %eq3A_1491 : vector<16xf32>
    %jit3A_1493 = arith.constant 1073741824 : i32
    %broadcast_in_dim3A_1494 = vector.broadcast %jit3A_1493 : i32 to vector<16xi32>
    %select_n3A_1495 = arith.select %eq3A_1492, %get3A_868, %broadcast_in_dim3A_1494 : vector<16xi1>, vector<16xi32>
    %reduce_min3A_1496 = arith.constant true
    %reduce_min3A_1497 = vector.broadcast %reduce_min3A_1496 : i1 to vector<16xi1>
    %reduce_min3A_1498 = arith.constant -2147483648 : i32
    %reduce_min3A_1499 = vector.broadcast %reduce_min3A_1498 : i32 to vector<16xi32>
    %reduce_min3A_1500 = arith.xori %select_n3A_1495, %reduce_min3A_1499 : vector<16xi32>
    %reduce_min3A_1501 = tpu.scan <min>, %reduce_min3A_1500 masked %reduce_min3A_1497 : vector<16xi32>, vector<16xi1> -> vector<16xi32>
    %reduce_min3A_1502 = arith.xori %reduce_min3A_1501, %reduce_min3A_1499 : vector<16xi32>
    %reduce_min3A_1503 = vector.extract %reduce_min3A_1502[15] : i32 from vector<16xi32>
    %eq3A_1504 = vector.broadcast %reduce_max3A_1490 : f32 to vector<16xf32>
    %eq3A_1505 = arith.cmpf oeq, %select_n3A_1468, %eq3A_1504 : vector<16xf32>
    %jit3A_1506 = arith.constant 1073741824 : i32
    %broadcast_in_dim3A_1507 = vector.broadcast %jit3A_1506 : i32 to vector<16xi32>
    %select_n3A_1508 = arith.select %eq3A_1505, %get3A_870, %broadcast_in_dim3A_1507 : vector<16xi1>, vector<16xi32>
    %reduce_min3A_1509 = arith.constant true
    %reduce_min3A_1510 = vector.broadcast %reduce_min3A_1509 : i1 to vector<16xi1>
    %reduce_min3A_1511 = arith.constant -2147483648 : i32
    %reduce_min3A_1512 = vector.broadcast %reduce_min3A_1511 : i32 to vector<16xi32>
    %reduce_min3A_1513 = arith.xori %select_n3A_1508, %reduce_min3A_1512 : vector<16xi32>
    %reduce_min3A_1514 = tpu.scan <min>, %reduce_min3A_1513 masked %reduce_min3A_1510 : vector<16xi32>, vector<16xi1> -> vector<16xi32>
    %reduce_min3A_1515 = arith.xori %reduce_min3A_1514, %reduce_min3A_1512 : vector<16xi32>
    %reduce_min3A_1516 = vector.extract %reduce_min3A_1515[15] : i32 from vector<16xi32>
    %min3A_1517 = arith.minsi %reduce_min3A_1503, %reduce_min3A_1516 : i32
    %eq3A_1518 = vector.broadcast %reduce_max3A_1490 : f32 to vector<16xf32>
    %eq3A_1519 = arith.cmpf oeq, %select_n3A_1473, %eq3A_1518 : vector<16xf32>
    %jit3A_1520 = arith.constant 1073741824 : i32
    %broadcast_in_dim3A_1521 = vector.broadcast %jit3A_1520 : i32 to vector<16xi32>
    %select_n3A_1522 = arith.select %eq3A_1519, %get3A_872, %broadcast_in_dim3A_1521 : vector<16xi1>, vector<16xi32>
    %reduce_min3A_1523 = arith.constant true
    %reduce_min3A_1524 = vector.broadcast %reduce_min3A_1523 : i1 to vector<16xi1>
    %reduce_min3A_1525 = arith.constant -2147483648 : i32
    %reduce_min3A_1526 = vector.broadcast %reduce_min3A_1525 : i32 to vector<16xi32>
    %reduce_min3A_1527 = arith.xori %select_n3A_1522, %reduce_min3A_1526 : vector<16xi32>
    %reduce_min3A_1528 = tpu.scan <min>, %reduce_min3A_1527 masked %reduce_min3A_1524 : vector<16xi32>, vector<16xi1> -> vector<16xi32>
    %reduce_min3A_1529 = arith.xori %reduce_min3A_1528, %reduce_min3A_1526 : vector<16xi32>
    %reduce_min3A_1530 = vector.extract %reduce_min3A_1529[15] : i32 from vector<16xi32>
    %min3A_1531 = arith.minsi %min3A_1517, %reduce_min3A_1530 : i32
    %eq3A_1532 = vector.broadcast %reduce_max3A_1490 : f32 to vector<16xf32>
    %eq3A_1533 = arith.cmpf oeq, %select_n3A_1478, %eq3A_1532 : vector<16xf32>
    %jit3A_1534 = arith.constant 1073741824 : i32
    %broadcast_in_dim3A_1535 = vector.broadcast %jit3A_1534 : i32 to vector<16xi32>
    %select_n3A_1536 = arith.select %eq3A_1533, %get3A_874, %broadcast_in_dim3A_1535 : vector<16xi1>, vector<16xi32>
    %reduce_min3A_1537 = arith.constant true
    %reduce_min3A_1538 = vector.broadcast %reduce_min3A_1537 : i1 to vector<16xi1>
    %reduce_min3A_1539 = arith.constant -2147483648 : i32
    %reduce_min3A_1540 = vector.broadcast %reduce_min3A_1539 : i32 to vector<16xi32>
    %reduce_min3A_1541 = arith.xori %select_n3A_1536, %reduce_min3A_1540 : vector<16xi32>
    %reduce_min3A_1542 = tpu.scan <min>, %reduce_min3A_1541 masked %reduce_min3A_1538 : vector<16xi32>, vector<16xi1> -> vector<16xi32>
    %reduce_min3A_1543 = arith.xori %reduce_min3A_1542, %reduce_min3A_1540 : vector<16xi32>
    %reduce_min3A_1544 = vector.extract %reduce_min3A_1543[15] : i32 from vector<16xi32>
    %min3A_1545 = arith.minsi %min3A_1531, %reduce_min3A_1544 : i32
    %eq3A_1546 = vector.broadcast %min3A_1545 : i32 to vector<16xi32>
    %eq3A_1547 = arith.cmpi eq, %get3A_868, %eq3A_1546 : vector<16xi32>
    %jit3A_1548 = arith.constant -3.000000e+38 : f32
    %broadcast_in_dim3A_1549 = vector.broadcast %jit3A_1548 : f32 to vector<16xf32>
    %select_n3A_1550 = arith.select %eq3A_1547, %broadcast_in_dim3A_1549, %select_n3A_1463 : vector<16xi1>, vector<16xf32>
    %eq3A_1551 = vector.broadcast %min3A_1545 : i32 to vector<16xi32>
    %eq3A_1552 = arith.cmpi eq, %get3A_870, %eq3A_1551 : vector<16xi32>
    %jit3A_1553 = arith.constant -3.000000e+38 : f32
    %broadcast_in_dim3A_1554 = vector.broadcast %jit3A_1553 : f32 to vector<16xf32>
    %select_n3A_1555 = arith.select %eq3A_1552, %broadcast_in_dim3A_1554, %select_n3A_1468 : vector<16xi1>, vector<16xf32>
    %eq3A_1556 = vector.broadcast %min3A_1545 : i32 to vector<16xi32>
    %eq3A_1557 = arith.cmpi eq, %get3A_872, %eq3A_1556 : vector<16xi32>
    %jit3A_1558 = arith.constant -3.000000e+38 : f32
    %broadcast_in_dim3A_1559 = vector.broadcast %jit3A_1558 : f32 to vector<16xf32>
    %select_n3A_1560 = arith.select %eq3A_1557, %broadcast_in_dim3A_1559, %select_n3A_1473 : vector<16xi1>, vector<16xf32>
    %eq3A_1561 = vector.broadcast %min3A_1545 : i32 to vector<16xi32>
    %eq3A_1562 = arith.cmpi eq, %get3A_874, %eq3A_1561 : vector<16xi32>
    %jit3A_1563 = arith.constant -3.000000e+38 : f32
    %broadcast_in_dim3A_1564 = vector.broadcast %jit3A_1563 : f32 to vector<16xf32>
    %select_n3A_1565 = arith.select %eq3A_1562, %broadcast_in_dim3A_1564, %select_n3A_1478 : vector<16xi1>, vector<16xf32>
    %eq3A_1566 = arith.constant 7 : i32
    %eq3A_1567 = vector.broadcast %eq3A_1566 : i32 to vector<16xi32>
    %eq3A_1568 = arith.cmpi eq, %iota3A, %eq3A_1567 : vector<16xi32>
    %broadcast_in_dim3A_1569 = vector.broadcast %min3A_1545 : i32 to vector<16xi32>
    %select_n3A_1570 = arith.select %eq3A_1568, %broadcast_in_dim3A_1569, %select_n3A_1483 : vector<16xi1>, vector<16xi32>
    %swap3A_1571 = arith.constant 1 : i32
    %swap3A_1572 = arith.index_cast %swap3A_1571 : i32 to index
    %swap3A_1573 = arith.constant 0 : index
    %swap3A_1574 = tpu.vector_load %arg7[%swap3A_1572, %swap3A_1573] {strides = array<i32>} : memref<4x16xi32, #tpu.memory_space<vmem>>, vector<16xi32>,
    tpu.vector_store %arg7[%swap3A_1572, %swap3A_1573], %select_n3A_1570 {strides = array<i32>} : memref<4x16xi32, #tpu.memory_space<vmem>>, vector<16xi32>,
    %dma_wait3A_1575 = arith.constant 2 : i32
    %dma_wait3A_1576 = arith.constant 0 : i32
    %dma_wait3A_1577 = tpu.memref_slice %arg4[%dma_wait3A_1575, %dma_wait3A_1576] : memref<4x8192xf32, #tpu.memory_space<vmem>> -> memref<1x8192xf32, #tpu.memory_space<vmem>>
    %dma_wait3A_1578 = arith.constant 0 : i32
    %dma_wait3A_1579 = tpu.memref_slice %arg2[%add3A_27, %dma_wait3A_1578] : memref<128x8192xf32, #tpu.memory_space<hbm>> -> memref<1x8192xf32, #tpu.memory_space<hbm>>
    %dma_wait3A_1580 = arith.constant 2 : i32
    %dma_wait3A_1581 = arith.constant 0 : i32
    %dma_wait3A_1582 = tpu.memref_slice %arg4[%dma_wait3A_1580, %dma_wait3A_1581] : memref<4x8192xf32, #tpu.memory_space<vmem>> -> memref<1x8192xf32, #tpu.memory_space<vmem>>
    %dma_wait3A_1583 = arith.constant 0 : i32
    %dma_wait3A_1584 = tpu.memref_slice %arg2[%add3A_27, %dma_wait3A_1583] : memref<128x8192xf32, #tpu.memory_space<hbm>> -> memref<1x8192xf32, #tpu.memory_space<hbm>>
    tpu.wait_dma2 semaphore(%arg8 : memref<!tpu.dma_semaphore, #tpu.memory_space<semaphore_mem>>) src(%dma_wait3A_1584 : memref<1x8192xf32, #tpu.memory_space<hbm>>) dst(%dma_wait3A_1582 : memref<1x8192xf32, #tpu.memory_space<vmem>>)
    %scan3A_1585 = arith.constant 0 : i32
    %scan3A_1586 = arith.constant 64 : i32
    %scan3A_1587 = arith.addi %scan3A_1585, %scan3A_1586 : i32
    %scan3A_1588 = arith.constant 1 : i32
    %scan3A_1589:8 = scf.for %scan3A_3109 = %scan3A_1585 to %scan3A_1587 step %scan3A_1588 iter_args(%scan3A_3110 = %broadcast_in_dim3A_50, %scan3A_3111 = %broadcast_in_dim3A_50, %scan3A_3112 = %broadcast_in_dim3A_50, %scan3A_3113 = %broadcast_in_dim3A_50, %scan3A_3114 = %broadcast_in_dim3A_50, %scan3A_3115 = %broadcast_in_dim3A_50, %scan3A_3116 = %broadcast_in_dim3A_50, %scan3A_3117 = %broadcast_in_dim3A_50) -> (vector<16xf32>, vector<16xf32>, vector<16xf32>, vector<16xf32>, vector<16xf32>, vector<16xf32>, vector<16xf32>, vector<16xf32>)  : i32 {
      %mul3A_3118 = arith.constant 128 : i32
      %mul3A_3119 = arith.muli %scan3A_3109, %mul3A_3118 : i32
      %add3A_3120 = arith.constant 0 : i32
      %add3A_3121 = arith.addi %mul3A_3119, %add3A_3120 : i32
      %multiple_of3A = tpu.assume_multiple %add3A_3121, 16 : i32
      %get3A_3122 = arith.constant 2 : i32
      %get3A_3123 = arith.index_cast %get3A_3122 : i32 to index
      %get3A_3124 = arith.index_cast %multiple_of3A : i32 to index
      %get3A_3125 = tpu.vector_load %arg4[%get3A_3123, %get3A_3124] {strides = array<i32>} : memref<4x8192xf32, #tpu.memory_space<vmem>>, vector<16xf32>,
      %max3A_3126 = arith.maximumf %scan3A_3110, %get3A_3125 : vector<16xf32>
      %mul3A_3127 = arith.constant 128 : i32
      %mul3A_3128 = arith.muli %scan3A_3109, %mul3A_3127 : i32
      %add3A_3129 = arith.constant 16 : i32
      %add3A_3130 = arith.addi %mul3A_3128, %add3A_3129 : i32
      %multiple_of3A_3131 = tpu.assume_multiple %add3A_3130, 16 : i32
      %get3A_3132 = arith.constant 2 : i32
      %get3A_3133 = arith.index_cast %get3A_3132 : i32 to index
      %get3A_3134 = arith.index_cast %multiple_of3A_3131 : i32 to index
      %get3A_3135 = tpu.vector_load %arg4[%get3A_3133, %get3A_3134] {strides = array<i32>} : memref<4x8192xf32, #tpu.memory_space<vmem>>, vector<16xf32>,
      %max3A_3136 = arith.maximumf %scan3A_3111, %get3A_3135 : vector<16xf32>
      %mul3A_3137 = arith.constant 128 : i32
      %mul3A_3138 = arith.muli %scan3A_3109, %mul3A_3137 : i32
      %add3A_3139 = arith.constant 32 : i32
      %add3A_3140 = arith.addi %mul3A_3138, %add3A_3139 : i32
      %multiple_of3A_3141 = tpu.assume_multiple %add3A_3140, 16 : i32
      %get3A_3142 = arith.constant 2 : i32
      %get3A_3143 = arith.index_cast %get3A_3142 : i32 to index
      %get3A_3144 = arith.index_cast %multiple_of3A_3141 : i32 to index
      %get3A_3145 = tpu.vector_load %arg4[%get3A_3143, %get3A_3144] {strides = array<i32>} : memref<4x8192xf32, #tpu.memory_space<vmem>>, vector<16xf32>,
      %max3A_3146 = arith.maximumf %scan3A_3112, %get3A_3145 : vector<16xf32>
      %mul3A_3147 = arith.constant 128 : i32
      %mul3A_3148 = arith.muli %scan3A_3109, %mul3A_3147 : i32
      %add3A_3149 = arith.constant 48 : i32
      %add3A_3150 = arith.addi %mul3A_3148, %add3A_3149 : i32
      %multiple_of3A_3151 = tpu.assume_multiple %add3A_3150, 16 : i32
      %get3A_3152 = arith.constant 2 : i32
      %get3A_3153 = arith.index_cast %get3A_3152 : i32 to index
      %get3A_3154 = arith.index_cast %multiple_of3A_3151 : i32 to index
      %get3A_3155 = tpu.vector_load %arg4[%get3A_3153, %get3A_3154] {strides = array<i32>} : memref<4x8192xf32, #tpu.memory_space<vmem>>, vector<16xf32>,
      %max3A_3156 = arith.maximumf %scan3A_3113, %get3A_3155 : vector<16xf32>
      %mul3A_3157 = arith.constant 128 : i32
      %mul3A_3158 = arith.muli %scan3A_3109, %mul3A_3157 : i32
      %add3A_3159 = arith.constant 64 : i32
      %add3A_3160 = arith.addi %mul3A_3158, %add3A_3159 : i32
      %multiple_of3A_3161 = tpu.assume_multiple %add3A_3160, 16 : i32
      %get3A_3162 = arith.constant 2 : i32
      %get3A_3163 = arith.index_cast %get3A_3162 : i32 to index
      %get3A_3164 = arith.index_cast %multiple_of3A_3161 : i32 to index
      %get3A_3165 = tpu.vector_load %arg4[%get3A_3163, %get3A_3164] {strides = array<i32>} : memref<4x8192xf32, #tpu.memory_space<vmem>>, vector<16xf32>,
      %max3A_3166 = arith.maximumf %scan3A_3114, %get3A_3165 : vector<16xf32>
      %mul3A_3167 = arith.constant 128 : i32
      %mul3A_3168 = arith.muli %scan3A_3109, %mul3A_3167 : i32
      %add3A_3169 = arith.constant 80 : i32
      %add3A_3170 = arith.addi %mul3A_3168, %add3A_3169 : i32
      %multiple_of3A_3171 = tpu.assume_multiple %add3A_3170, 16 : i32
      %get3A_3172 = arith.constant 2 : i32
      %get3A_3173 = arith.index_cast %get3A_3172 : i32 to index
      %get3A_3174 = arith.index_cast %multiple_of3A_3171 : i32 to index
      %get3A_3175 = tpu.vector_load %arg4[%get3A_3173, %get3A_3174] {strides = array<i32>} : memref<4x8192xf32, #tpu.memory_space<vmem>>, vector<16xf32>,
      %max3A_3176 = arith.maximumf %scan3A_3115, %get3A_3175 : vector<16xf32>
      %mul3A_3177 = arith.constant 128 : i32
      %mul3A_3178 = arith.muli %scan3A_3109, %mul3A_3177 : i32
      %add3A_3179 = arith.constant 96 : i32
      %add3A_3180 = arith.addi %mul3A_3178, %add3A_3179 : i32
      %multiple_of3A_3181 = tpu.assume_multiple %add3A_3180, 16 : i32
      %get3A_3182 = arith.constant 2 : i32
      %get3A_3183 = arith.index_cast %get3A_3182 : i32 to index
      %get3A_3184 = arith.index_cast %multiple_of3A_3181 : i32 to index
      %get3A_3185 = tpu.vector_load %arg4[%get3A_3183, %get3A_3184] {strides = array<i32>} : memref<4x8192xf32, #tpu.memory_space<vmem>>, vector<16xf32>,
      %max3A_3186 = arith.maximumf %scan3A_3116, %get3A_3185 : vector<16xf32>
      %mul3A_3187 = arith.constant 128 : i32
      %mul3A_3188 = arith.muli %scan3A_3109, %mul3A_3187 : i32
      %add3A_3189 = arith.constant 112 : i32
      %add3A_3190 = arith.addi %mul3A_3188, %add3A_3189 : i32
      %multiple_of3A_3191 = tpu.assume_multiple %add3A_3190, 16 : i32
      %get3A_3192 = arith.constant 2 : i32
      %get3A_3193 = arith.index_cast %get3A_3192 : i32 to index
      %get3A_3194 = arith.index_cast %multiple_of3A_3191 : i32 to index
      %get3A_3195 = tpu.vector_load %arg4[%get3A_3193, %get3A_3194] {strides = array<i32>} : memref<4x8192xf32, #tpu.memory_space<vmem>>, vector<16xf32>,
      %max3A_3196 = arith.maximumf %scan3A_3117, %get3A_3195 : vector<16xf32>
      scf.yield %max3A_3126, %max3A_3136, %max3A_3146, %max3A_3156, %max3A_3166, %max3A_3176, %max3A_3186, %max3A_3196 : vector<16xf32>, vector<16xf32>, vector<16xf32>, vector<16xf32>, vector<16xf32>, vector<16xf32>, vector<16xf32>, vector<16xf32>
    }
    %scan3A_1590 = arith.constant 64 : i32
    %max3A_1591 = arith.maximumf %scan3A_1589#0, %scan3A_1589#1 : vector<16xf32>
    %max3A_1592 = arith.maximumf %max3A_1591, %scan3A_1589#2 : vector<16xf32>
    %max3A_1593 = arith.maximumf %max3A_1592, %scan3A_1589#3 : vector<16xf32>
    %max3A_1594 = arith.maximumf %max3A_1593, %scan3A_1589#4 : vector<16xf32>
    %max3A_1595 = arith.maximumf %max3A_1594, %scan3A_1589#5 : vector<16xf32>
    %max3A_1596 = arith.maximumf %max3A_1595, %scan3A_1589#6 : vector<16xf32>
    %max3A_1597 = arith.maximumf %max3A_1596, %scan3A_1589#7 : vector<16xf32>
    %masked_sort3A_1598 = arith.constant dense<true> : vector<16xi1>
    %masked_sort3A_1599, %masked_sort3A_1600, %masked_sort3A_1601 = tpu.sort %max3A_1597, %max3A_1597 masked %masked_sort3A_1598 {descending = true} : (vector<16xf32>, vector<16xf32>, vector<16xi1>) -> (vector<16xi1>, vector<16xf32>, vector<16xf32>)
    %slice3A_1602 = vector.extract_strided_slice %masked_sort3A_1600 {offsets = [7], sizes = [1], strides = [1]} : vector<16xf32> to vector<1xf32>
    %squeeze3A_1603 = vector.extract %slice3A_1602[0] : f32 from vector<1xf32>
    %swap3A_1604 = arith.constant 0 : index
    %swap3A_1605 = tpu.vector_load %arg5[%swap3A_1604] {strides = array<i32>} : memref<64xf32, #tpu.memory_space<vmem>>, vector<16xf32>,
    tpu.vector_store %arg5[%swap3A_1604], %broadcast_in_dim3A_50 {strides = array<i32>} : memref<64xf32, #tpu.memory_space<vmem>>, vector<16xf32>,
    %swap3A_1606 = arith.constant 0 : index
    %swap3A_1607 = tpu.vector_load %arg6[%swap3A_1606] {strides = array<i32>} : memref<64xi32, #tpu.memory_space<vmem>>, vector<16xi32>,
    tpu.vector_store %arg6[%swap3A_1606], %broadcast_in_dim3A_52 {strides = array<i32>} : memref<64xi32, #tpu.memory_space<vmem>>, vector<16xi32>,
    %swap3A_1608 = arith.constant 16 : index
    %swap3A_1609 = tpu.vector_load %arg5[%swap3A_1608] {strides = array<i32>} : memref<64xf32, #tpu.memory_space<vmem>>, vector<16xf32>,
    tpu.vector_store %arg5[%swap3A_1608], %broadcast_in_dim3A_50 {strides = array<i32>} : memref<64xf32, #tpu.memory_space<vmem>>, vector<16xf32>,
    %swap3A_1610 = arith.constant 16 : index
    %swap3A_1611 = tpu.vector_load %arg6[%swap3A_1610] {strides = array<i32>} : memref<64xi32, #tpu.memory_space<vmem>>, vector<16xi32>,
    tpu.vector_store %arg6[%swap3A_1610], %broadcast_in_dim3A_52 {strides = array<i32>} : memref<64xi32, #tpu.memory_space<vmem>>, vector<16xi32>,
    %swap3A_1612 = arith.constant 32 : index
    %swap3A_1613 = tpu.vector_load %arg5[%swap3A_1612] {strides = array<i32>} : memref<64xf32, #tpu.memory_space<vmem>>, vector<16xf32>,
    tpu.vector_store %arg5[%swap3A_1612], %broadcast_in_dim3A_50 {strides = array<i32>} : memref<64xf32, #tpu.memory_space<vmem>>, vector<16xf32>,
    %swap3A_1614 = arith.constant 32 : index
    %swap3A_1615 = tpu.vector_load %arg6[%swap3A_1614] {strides = array<i32>} : memref<64xi32, #tpu.memory_space<vmem>>, vector<16xi32>,
    tpu.vector_store %arg6[%swap3A_1614], %broadcast_in_dim3A_52 {strides = array<i32>} : memref<64xi32, #tpu.memory_space<vmem>>, vector<16xi32>,
    %swap3A_1616 = arith.constant 48 : index
    %swap3A_1617 = tpu.vector_load %arg5[%swap3A_1616] {strides = array<i32>} : memref<64xf32, #tpu.memory_space<vmem>>, vector<16xf32>,
    tpu.vector_store %arg5[%swap3A_1616], %broadcast_in_dim3A_50 {strides = array<i32>} : memref<64xf32, #tpu.memory_space<vmem>>, vector<16xf32>,
    %swap3A_1618 = arith.constant 48 : index
    %swap3A_1619 = tpu.vector_load %arg6[%swap3A_1618] {strides = array<i32>} : memref<64xi32, #tpu.memory_space<vmem>>, vector<16xi32>,
    tpu.vector_store %arg6[%swap3A_1618], %broadcast_in_dim3A_52 {strides = array<i32>} : memref<64xi32, #tpu.memory_space<vmem>>, vector<16xi32>,
    %scan3A_1620 = arith.constant 0 : i32
    %scan3A_1621 = arith.constant 64 : i32
    %scan3A_1622 = arith.addi %scan3A_1620, %scan3A_1621 : i32
    %scan3A_1623 = arith.constant 1 : i32
    %scan3A_1624 = scf.for %scan3A_3109 = %scan3A_1620 to %scan3A_1622 step %scan3A_1623 iter_args(%scan3A_3110 = %broadcast_in_dim3A_54) -> (vector<16xi32>)  : i32 {
      %mul3A_3111 = arith.constant 128 : i32
      %mul3A_3112 = arith.muli %scan3A_3109, %mul3A_3111 : i32
      %add3A_3113 = arith.constant 0 : i32
      %add3A_3114 = arith.addi %mul3A_3112, %add3A_3113 : i32
      %multiple_of3A = tpu.assume_multiple %add3A_3114, 16 : i32
      %get3A_3115 = arith.constant 2 : i32
      %get3A_3116 = arith.index_cast %get3A_3115 : i32 to index
      %get3A_3117 = arith.index_cast %multiple_of3A : i32 to index
      %get3A_3118 = tpu.vector_load %arg4[%get3A_3116, %get3A_3117] {strides = array<i32>} : memref<4x8192xf32, #tpu.memory_space<vmem>>, vector<16xf32>,
      %add3A_3119 = arith.constant 16 : i32
      %add3A_3120 = arith.addi %mul3A_3112, %add3A_3119 : i32
      %multiple_of3A_3121 = tpu.assume_multiple %add3A_3120, 16 : i32
      %get3A_3122 = arith.constant 2 : i32
      %get3A_3123 = arith.index_cast %get3A_3122 : i32 to index
      %get3A_3124 = arith.index_cast %multiple_of3A_3121 : i32 to index
      %get3A_3125 = tpu.vector_load %arg4[%get3A_3123, %get3A_3124] {strides = array<i32>} : memref<4x8192xf32, #tpu.memory_space<vmem>>, vector<16xf32>,
      %add3A_3126 = arith.constant 32 : i32
      %add3A_3127 = arith.addi %mul3A_3112, %add3A_3126 : i32
      %multiple_of3A_3128 = tpu.assume_multiple %add3A_3127, 16 : i32
      %get3A_3129 = arith.constant 2 : i32
      %get3A_3130 = arith.index_cast %get3A_3129 : i32 to index
      %get3A_3131 = arith.index_cast %multiple_of3A_3128 : i32 to index
      %get3A_3132 = tpu.vector_load %arg4[%get3A_3130, %get3A_3131] {strides = array<i32>} : memref<4x8192xf32, #tpu.memory_space<vmem>>, vector<16xf32>,
      %add3A_3133 = arith.constant 48 : i32
      %add3A_3134 = arith.addi %mul3A_3112, %add3A_3133 : i32
      %multiple_of3A_3135 = tpu.assume_multiple %add3A_3134, 16 : i32
      %get3A_3136 = arith.constant 2 : i32
      %get3A_3137 = arith.index_cast %get3A_3136 : i32 to index
      %get3A_3138 = arith.index_cast %multiple_of3A_3135 : i32 to index
      %get3A_3139 = tpu.vector_load %arg4[%get3A_3137, %get3A_3138] {strides = array<i32>} : memref<4x8192xf32, #tpu.memory_space<vmem>>, vector<16xf32>,
      %add3A_3140 = arith.constant 64 : i32
      %add3A_3141 = arith.addi %mul3A_3112, %add3A_3140 : i32
      %multiple_of3A_3142 = tpu.assume_multiple %add3A_3141, 16 : i32
      %get3A_3143 = arith.constant 2 : i32
      %get3A_3144 = arith.index_cast %get3A_3143 : i32 to index
      %get3A_3145 = arith.index_cast %multiple_of3A_3142 : i32 to index
      %get3A_3146 = tpu.vector_load %arg4[%get3A_3144, %get3A_3145] {strides = array<i32>} : memref<4x8192xf32, #tpu.memory_space<vmem>>, vector<16xf32>,
      %add3A_3147 = arith.constant 80 : i32
      %add3A_3148 = arith.addi %mul3A_3112, %add3A_3147 : i32
      %multiple_of3A_3149 = tpu.assume_multiple %add3A_3148, 16 : i32
      %get3A_3150 = arith.constant 2 : i32
      %get3A_3151 = arith.index_cast %get3A_3150 : i32 to index
      %get3A_3152 = arith.index_cast %multiple_of3A_3149 : i32 to index
      %get3A_3153 = tpu.vector_load %arg4[%get3A_3151, %get3A_3152] {strides = array<i32>} : memref<4x8192xf32, #tpu.memory_space<vmem>>, vector<16xf32>,
      %add3A_3154 = arith.constant 96 : i32
      %add3A_3155 = arith.addi %mul3A_3112, %add3A_3154 : i32
      %multiple_of3A_3156 = tpu.assume_multiple %add3A_3155, 16 : i32
      %get3A_3157 = arith.constant 2 : i32
      %get3A_3158 = arith.index_cast %get3A_3157 : i32 to index
      %get3A_3159 = arith.index_cast %multiple_of3A_3156 : i32 to index
      %get3A_3160 = tpu.vector_load %arg4[%get3A_3158, %get3A_3159] {strides = array<i32>} : memref<4x8192xf32, #tpu.memory_space<vmem>>, vector<16xf32>,
      %add3A_3161 = arith.constant 112 : i32
      %add3A_3162 = arith.addi %mul3A_3112, %add3A_3161 : i32
      %multiple_of3A_3163 = tpu.assume_multiple %add3A_3162, 16 : i32
      %get3A_3164 = arith.constant 2 : i32
      %get3A_3165 = arith.index_cast %get3A_3164 : i32 to index
      %get3A_3166 = arith.index_cast %multiple_of3A_3163 : i32 to index
      %get3A_3167 = tpu.vector_load %arg4[%get3A_3165, %get3A_3166] {strides = array<i32>} : memref<4x8192xf32, #tpu.memory_space<vmem>>, vector<16xf32>,
      %max3A_3168 = arith.maximumf %get3A_3118, %get3A_3125 : vector<16xf32>
      %max3A_3169 = arith.maximumf %max3A_3168, %get3A_3132 : vector<16xf32>
      %max3A_3170 = arith.maximumf %max3A_3169, %get3A_3139 : vector<16xf32>
      %max3A_3171 = arith.maximumf %max3A_3170, %get3A_3146 : vector<16xf32>
      %max3A_3172 = arith.maximumf %max3A_3171, %get3A_3153 : vector<16xf32>
      %max3A_3173 = arith.maximumf %max3A_3172, %get3A_3160 : vector<16xf32>
      %max3A_3174 = arith.maximumf %max3A_3173, %get3A_3167 : vector<16xf32>
      %ge3A = vector.broadcast %squeeze3A_1603 : f32 to vector<16xf32>
      %ge3A_3175 = arith.cmpf oge, %max3A_3174, %ge3A : vector<16xf32>
      %all_reduce_population_count3A = tpu.all_reduce %ge3A_3175 {dim = 0 : i64, kind = #tpu.reduction_kind<sum>} : vector<16xi1> -> vector<16xi32>
      %slice3A_3176 = vector.extract_strided_slice %all_reduce_population_count3A {offsets = [0], sizes = [1], strides = [1]} : vector<16xi32> to vector<1xi32>
      %squeeze3A_3177 = vector.extract %slice3A_3176[0] : i32 from vector<1xi32>
      %gt3A = arith.constant 0 : i32
      %gt3A_3178 = arith.cmpi sgt, %squeeze3A_3177, %gt3A : i32
      %convert_element_type3A = arith.extui %gt3A_3178 : i1 to i32
      %cond3A = arith.constant 0 : i32
      %cond3A_3179 = arith.cmpi ne, %convert_element_type3A, %cond3A : i32
      %cond3A_3180 = scf.if %cond3A_3179 -> (vector<16xi32>) {
        %ge3A_3181 = vector.broadcast %squeeze3A_1603 : f32 to vector<16xf32>
        %ge3A_3182 = arith.cmpf oge, %get3A_3118, %ge3A_3181 : vector<16xf32>
        %convert_element_type3A_3183 = arith.extui %ge3A_3182 : vector<16xi1> to vector<16xi32>
        %broadcast_in_dim3A_3184 = arith.constant true
        %broadcast_in_dim3A_3185 = vector.broadcast %broadcast_in_dim3A_3184 : i1 to vector<16xi1>
        %masked_cumsum3A = tpu.scan <sum>, %convert_element_type3A_3183 masked %broadcast_in_dim3A_3185 : vector<16xi32>, vector<16xi1> -> vector<16xi32>
        %sub3A = arith.constant 1 : i32
        %sub3A_3186 = vector.broadcast %sub3A : i32 to vector<16xi32>
        %sub3A_3187 = arith.subi %masked_cumsum3A, %sub3A_3186 : vector<16xi32>
        %add3A_3188 = arith.addi %sub3A_3187, %scan3A_3110 : vector<16xi32>
        %min3A_3189 = arith.constant 63 : i32
        %min3A_3190 = vector.broadcast %min3A_3189 : i32 to vector<16xi32>
        %min3A_3191 = arith.minsi %add3A_3188, %min3A_3190 : vector<16xi32>
        tpu.vector_store_idx %arg5[%min3A_3191], %get3A_3118 masked %ge3A_3182 : memref<64xf32, #tpu.memory_space<vmem>>[vector<16xi32>], vector<16xf32>, vector<16xi1>
        %add3A_3192 = arith.constant 0 : i32
        %add3A_3193 = arith.addi %mul3A_3112, %add3A_3192 : i32
        %add3A_3194 = vector.broadcast %add3A_3193 : i32 to vector<16xi32>
        %add3A_3195 = arith.addi %iota3A, %add3A_3194 : vector<16xi32>
        tpu.vector_store_idx %arg6[%min3A_3191], %add3A_3195 masked %ge3A_3182 : memref<64xi32, #tpu.memory_space<vmem>>[vector<16xi32>], vector<16xi32>, vector<16xi1>
        %all_reduce_population_count3A_3196 = tpu.all_reduce %ge3A_3182 {dim = 0 : i64, kind = #tpu.reduction_kind<sum>} : vector<16xi1> -> vector<16xi32>
        %add3A_3197 = arith.addi %scan3A_3110, %all_reduce_population_count3A_3196 : vector<16xi32>
        %ge3A_3198 = vector.broadcast %squeeze3A_1603 : f32 to vector<16xf32>
        %ge3A_3199 = arith.cmpf oge, %get3A_3125, %ge3A_3198 : vector<16xf32>
        %convert_element_type3A_3200 = arith.extui %ge3A_3199 : vector<16xi1> to vector<16xi32>
        %broadcast_in_dim3A_3201 = arith.constant true
        %broadcast_in_dim3A_3202 = vector.broadcast %broadcast_in_dim3A_3201 : i1 to vector<16xi1>
        %masked_cumsum3A_3203 = tpu.scan <sum>, %convert_element_type3A_3200 masked %broadcast_in_dim3A_3202 : vector<16xi32>, vector<16xi1> -> vector<16xi32>
        %sub3A_3204 = arith.constant 1 : i32
        %sub3A_3205 = vector.broadcast %sub3A_3204 : i32 to vector<16xi32>
        %sub3A_3206 = arith.subi %masked_cumsum3A_3203, %sub3A_3205 : vector<16xi32>
        %add3A_3207 = arith.addi %sub3A_3206, %add3A_3197 : vector<16xi32>
        %min3A_3208 = arith.constant 63 : i32
        %min3A_3209 = vector.broadcast %min3A_3208 : i32 to vector<16xi32>
        %min3A_3210 = arith.minsi %add3A_3207, %min3A_3209 : vector<16xi32>
        tpu.vector_store_idx %arg5[%min3A_3210], %get3A_3125 masked %ge3A_3199 : memref<64xf32, #tpu.memory_space<vmem>>[vector<16xi32>], vector<16xf32>, vector<16xi1>
        %add3A_3211 = arith.constant 16 : i32
        %add3A_3212 = arith.addi %mul3A_3112, %add3A_3211 : i32
        %add3A_3213 = vector.broadcast %add3A_3212 : i32 to vector<16xi32>
        %add3A_3214 = arith.addi %iota3A, %add3A_3213 : vector<16xi32>
        tpu.vector_store_idx %arg6[%min3A_3210], %add3A_3214 masked %ge3A_3199 : memref<64xi32, #tpu.memory_space<vmem>>[vector<16xi32>], vector<16xi32>, vector<16xi1>
        %all_reduce_population_count3A_3215 = tpu.all_reduce %ge3A_3199 {dim = 0 : i64, kind = #tpu.reduction_kind<sum>} : vector<16xi1> -> vector<16xi32>
        %add3A_3216 = arith.addi %add3A_3197, %all_reduce_population_count3A_3215 : vector<16xi32>
        %ge3A_3217 = vector.broadcast %squeeze3A_1603 : f32 to vector<16xf32>
        %ge3A_3218 = arith.cmpf oge, %get3A_3132, %ge3A_3217 : vector<16xf32>
        %convert_element_type3A_3219 = arith.extui %ge3A_3218 : vector<16xi1> to vector<16xi32>
        %broadcast_in_dim3A_3220 = arith.constant true
        %broadcast_in_dim3A_3221 = vector.broadcast %broadcast_in_dim3A_3220 : i1 to vector<16xi1>
        %masked_cumsum3A_3222 = tpu.scan <sum>, %convert_element_type3A_3219 masked %broadcast_in_dim3A_3221 : vector<16xi32>, vector<16xi1> -> vector<16xi32>
        %sub3A_3223 = arith.constant 1 : i32
        %sub3A_3224 = vector.broadcast %sub3A_3223 : i32 to vector<16xi32>
        %sub3A_3225 = arith.subi %masked_cumsum3A_3222, %sub3A_3224 : vector<16xi32>
        %add3A_3226 = arith.addi %sub3A_3225, %add3A_3216 : vector<16xi32>
        %min3A_3227 = arith.constant 63 : i32
        %min3A_3228 = vector.broadcast %min3A_3227 : i32 to vector<16xi32>
        %min3A_3229 = arith.minsi %add3A_3226, %min3A_3228 : vector<16xi32>
        tpu.vector_store_idx %arg5[%min3A_3229], %get3A_3132 masked %ge3A_3218 : memref<64xf32, #tpu.memory_space<vmem>>[vector<16xi32>], vector<16xf32>, vector<16xi1>
        %add3A_3230 = arith.constant 32 : i32
        %add3A_3231 = arith.addi %mul3A_3112, %add3A_3230 : i32
        %add3A_3232 = vector.broadcast %add3A_3231 : i32 to vector<16xi32>
        %add3A_3233 = arith.addi %iota3A, %add3A_3232 : vector<16xi32>
        tpu.vector_store_idx %arg6[%min3A_3229], %add3A_3233 masked %ge3A_3218 : memref<64xi32, #tpu.memory_space<vmem>>[vector<16xi32>], vector<16xi32>, vector<16xi1>
        %all_reduce_population_count3A_3234 = tpu.all_reduce %ge3A_3218 {dim = 0 : i64, kind = #tpu.reduction_kind<sum>} : vector<16xi1> -> vector<16xi32>
        %add3A_3235 = arith.addi %add3A_3216, %all_reduce_population_count3A_3234 : vector<16xi32>
        %ge3A_3236 = vector.broadcast %squeeze3A_1603 : f32 to vector<16xf32>
        %ge3A_3237 = arith.cmpf oge, %get3A_3139, %ge3A_3236 : vector<16xf32>
        %convert_element_type3A_3238 = arith.extui %ge3A_3237 : vector<16xi1> to vector<16xi32>
        %broadcast_in_dim3A_3239 = arith.constant true
        %broadcast_in_dim3A_3240 = vector.broadcast %broadcast_in_dim3A_3239 : i1 to vector<16xi1>
        %masked_cumsum3A_3241 = tpu.scan <sum>, %convert_element_type3A_3238 masked %broadcast_in_dim3A_3240 : vector<16xi32>, vector<16xi1> -> vector<16xi32>
        %sub3A_3242 = arith.constant 1 : i32
        %sub3A_3243 = vector.broadcast %sub3A_3242 : i32 to vector<16xi32>
        %sub3A_3244 = arith.subi %masked_cumsum3A_3241, %sub3A_3243 : vector<16xi32>
        %add3A_3245 = arith.addi %sub3A_3244, %add3A_3235 : vector<16xi32>
        %min3A_3246 = arith.constant 63 : i32
        %min3A_3247 = vector.broadcast %min3A_3246 : i32 to vector<16xi32>
        %min3A_3248 = arith.minsi %add3A_3245, %min3A_3247 : vector<16xi32>
        tpu.vector_store_idx %arg5[%min3A_3248], %get3A_3139 masked %ge3A_3237 : memref<64xf32, #tpu.memory_space<vmem>>[vector<16xi32>], vector<16xf32>, vector<16xi1>
        %add3A_3249 = arith.constant 48 : i32
        %add3A_3250 = arith.addi %mul3A_3112, %add3A_3249 : i32
        %add3A_3251 = vector.broadcast %add3A_3250 : i32 to vector<16xi32>
        %add3A_3252 = arith.addi %iota3A, %add3A_3251 : vector<16xi32>
        tpu.vector_store_idx %arg6[%min3A_3248], %add3A_3252 masked %ge3A_3237 : memref<64xi32, #tpu.memory_space<vmem>>[vector<16xi32>], vector<16xi32>, vector<16xi1>
        %all_reduce_population_count3A_3253 = tpu.all_reduce %ge3A_3237 {dim = 0 : i64, kind = #tpu.reduction_kind<sum>} : vector<16xi1> -> vector<16xi32>
        %add3A_3254 = arith.addi %add3A_3235, %all_reduce_population_count3A_3253 : vector<16xi32>
        %ge3A_3255 = vector.broadcast %squeeze3A_1603 : f32 to vector<16xf32>
        %ge3A_3256 = arith.cmpf oge, %get3A_3146, %ge3A_3255 : vector<16xf32>
        %convert_element_type3A_3257 = arith.extui %ge3A_3256 : vector<16xi1> to vector<16xi32>
        %broadcast_in_dim3A_3258 = arith.constant true
        %broadcast_in_dim3A_3259 = vector.broadcast %broadcast_in_dim3A_3258 : i1 to vector<16xi1>
        %masked_cumsum3A_3260 = tpu.scan <sum>, %convert_element_type3A_3257 masked %broadcast_in_dim3A_3259 : vector<16xi32>, vector<16xi1> -> vector<16xi32>
        %sub3A_3261 = arith.constant 1 : i32
        %sub3A_3262 = vector.broadcast %sub3A_3261 : i32 to vector<16xi32>
        %sub3A_3263 = arith.subi %masked_cumsum3A_3260, %sub3A_3262 : vector<16xi32>
        %add3A_3264 = arith.addi %sub3A_3263, %add3A_3254 : vector<16xi32>
        %min3A_3265 = arith.constant 63 : i32
        %min3A_3266 = vector.broadcast %min3A_3265 : i32 to vector<16xi32>
        %min3A_3267 = arith.minsi %add3A_3264, %min3A_3266 : vector<16xi32>
        tpu.vector_store_idx %arg5[%min3A_3267], %get3A_3146 masked %ge3A_3256 : memref<64xf32, #tpu.memory_space<vmem>>[vector<16xi32>], vector<16xf32>, vector<16xi1>
        %add3A_3268 = arith.constant 64 : i32
        %add3A_3269 = arith.addi %mul3A_3112, %add3A_3268 : i32
        %add3A_3270 = vector.broadcast %add3A_3269 : i32 to vector<16xi32>
        %add3A_3271 = arith.addi %iota3A, %add3A_3270 : vector<16xi32>
        tpu.vector_store_idx %arg6[%min3A_3267], %add3A_3271 masked %ge3A_3256 : memref<64xi32, #tpu.memory_space<vmem>>[vector<16xi32>], vector<16xi32>, vector<16xi1>
        %all_reduce_population_count3A_3272 = tpu.all_reduce %ge3A_3256 {dim = 0 : i64, kind = #tpu.reduction_kind<sum>} : vector<16xi1> -> vector<16xi32>
        %add3A_3273 = arith.addi %add3A_3254, %all_reduce_population_count3A_3272 : vector<16xi32>
        %ge3A_3274 = vector.broadcast %squeeze3A_1603 : f32 to vector<16xf32>
        %ge3A_3275 = arith.cmpf oge, %get3A_3153, %ge3A_3274 : vector<16xf32>
        %convert_element_type3A_3276 = arith.extui %ge3A_3275 : vector<16xi1> to vector<16xi32>
        %broadcast_in_dim3A_3277 = arith.constant true
        %broadcast_in_dim3A_3278 = vector.broadcast %broadcast_in_dim3A_3277 : i1 to vector<16xi1>
        %masked_cumsum3A_3279 = tpu.scan <sum>, %convert_element_type3A_3276 masked %broadcast_in_dim3A_3278 : vector<16xi32>, vector<16xi1> -> vector<16xi32>
        %sub3A_3280 = arith.constant 1 : i32
        %sub3A_3281 = vector.broadcast %sub3A_3280 : i32 to vector<16xi32>
        %sub3A_3282 = arith.subi %masked_cumsum3A_3279, %sub3A_3281 : vector<16xi32>
        %add3A_3283 = arith.addi %sub3A_3282, %add3A_3273 : vector<16xi32>
        %min3A_3284 = arith.constant 63 : i32
        %min3A_3285 = vector.broadcast %min3A_3284 : i32 to vector<16xi32>
        %min3A_3286 = arith.minsi %add3A_3283, %min3A_3285 : vector<16xi32>
        tpu.vector_store_idx %arg5[%min3A_3286], %get3A_3153 masked %ge3A_3275 : memref<64xf32, #tpu.memory_space<vmem>>[vector<16xi32>], vector<16xf32>, vector<16xi1>
        %add3A_3287 = arith.constant 80 : i32
        %add3A_3288 = arith.addi %mul3A_3112, %add3A_3287 : i32
        %add3A_3289 = vector.broadcast %add3A_3288 : i32 to vector<16xi32>
        %add3A_3290 = arith.addi %iota3A, %add3A_3289 : vector<16xi32>
        tpu.vector_store_idx %arg6[%min3A_3286], %add3A_3290 masked %ge3A_3275 : memref<64xi32, #tpu.memory_space<vmem>>[vector<16xi32>], vector<16xi32>, vector<16xi1>
        %all_reduce_population_count3A_3291 = tpu.all_reduce %ge3A_3275 {dim = 0 : i64, kind = #tpu.reduction_kind<sum>} : vector<16xi1> -> vector<16xi32>
        %add3A_3292 = arith.addi %add3A_3273, %all_reduce_population_count3A_3291 : vector<16xi32>
        %ge3A_3293 = vector.broadcast %squeeze3A_1603 : f32 to vector<16xf32>
        %ge3A_3294 = arith.cmpf oge, %get3A_3160, %ge3A_3293 : vector<16xf32>
        %convert_element_type3A_3295 = arith.extui %ge3A_3294 : vector<16xi1> to vector<16xi32>
        %broadcast_in_dim3A_3296 = arith.constant true
        %broadcast_in_dim3A_3297 = vector.broadcast %broadcast_in_dim3A_3296 : i1 to vector<16xi1>
        %masked_cumsum3A_3298 = tpu.scan <sum>, %convert_element_type3A_3295 masked %broadcast_in_dim3A_3297 : vector<16xi32>, vector<16xi1> -> vector<16xi32>
        %sub3A_3299 = arith.constant 1 : i32
        %sub3A_3300 = vector.broadcast %sub3A_3299 : i32 to vector<16xi32>
        %sub3A_3301 = arith.subi %masked_cumsum3A_3298, %sub3A_3300 : vector<16xi32>
        %add3A_3302 = arith.addi %sub3A_3301, %add3A_3292 : vector<16xi32>
        %min3A_3303 = arith.constant 63 : i32
        %min3A_3304 = vector.broadcast %min3A_3303 : i32 to vector<16xi32>
        %min3A_3305 = arith.minsi %add3A_3302, %min3A_3304 : vector<16xi32>
        tpu.vector_store_idx %arg5[%min3A_3305], %get3A_3160 masked %ge3A_3294 : memref<64xf32, #tpu.memory_space<vmem>>[vector<16xi32>], vector<16xf32>, vector<16xi1>
        %add3A_3306 = arith.constant 96 : i32
        %add3A_3307 = arith.addi %mul3A_3112, %add3A_3306 : i32
        %add3A_3308 = vector.broadcast %add3A_3307 : i32 to vector<16xi32>
        %add3A_3309 = arith.addi %iota3A, %add3A_3308 : vector<16xi32>
        tpu.vector_store_idx %arg6[%min3A_3305], %add3A_3309 masked %ge3A_3294 : memref<64xi32, #tpu.memory_space<vmem>>[vector<16xi32>], vector<16xi32>, vector<16xi1>
        %all_reduce_population_count3A_3310 = tpu.all_reduce %ge3A_3294 {dim = 0 : i64, kind = #tpu.reduction_kind<sum>} : vector<16xi1> -> vector<16xi32>
        %add3A_3311 = arith.addi %add3A_3292, %all_reduce_population_count3A_3310 : vector<16xi32>
        %ge3A_3312 = vector.broadcast %squeeze3A_1603 : f32 to vector<16xf32>
        %ge3A_3313 = arith.cmpf oge, %get3A_3167, %ge3A_3312 : vector<16xf32>
        %convert_element_type3A_3314 = arith.extui %ge3A_3313 : vector<16xi1> to vector<16xi32>
        %broadcast_in_dim3A_3315 = arith.constant true
        %broadcast_in_dim3A_3316 = vector.broadcast %broadcast_in_dim3A_3315 : i1 to vector<16xi1>
        %masked_cumsum3A_3317 = tpu.scan <sum>, %convert_element_type3A_3314 masked %broadcast_in_dim3A_3316 : vector<16xi32>, vector<16xi1> -> vector<16xi32>
        %sub3A_3318 = arith.constant 1 : i32
        %sub3A_3319 = vector.broadcast %sub3A_3318 : i32 to vector<16xi32>
        %sub3A_3320 = arith.subi %masked_cumsum3A_3317, %sub3A_3319 : vector<16xi32>
        %add3A_3321 = arith.addi %sub3A_3320, %add3A_3311 : vector<16xi32>
        %min3A_3322 = arith.constant 63 : i32
        %min3A_3323 = vector.broadcast %min3A_3322 : i32 to vector<16xi32>
        %min3A_3324 = arith.minsi %add3A_3321, %min3A_3323 : vector<16xi32>
        tpu.vector_store_idx %arg5[%min3A_3324], %get3A_3167 masked %ge3A_3313 : memref<64xf32, #tpu.memory_space<vmem>>[vector<16xi32>], vector<16xf32>, vector<16xi1>
        %add3A_3325 = arith.constant 112 : i32
        %add3A_3326 = arith.addi %mul3A_3112, %add3A_3325 : i32
        %add3A_3327 = vector.broadcast %add3A_3326 : i32 to vector<16xi32>
        %add3A_3328 = arith.addi %iota3A, %add3A_3327 : vector<16xi32>
        tpu.vector_store_idx %arg6[%min3A_3324], %add3A_3328 masked %ge3A_3313 : memref<64xi32, #tpu.memory_space<vmem>>[vector<16xi32>], vector<16xi32>, vector<16xi1>
        %all_reduce_population_count3A_3329 = tpu.all_reduce %ge3A_3313 {dim = 0 : i64, kind = #tpu.reduction_kind<sum>} : vector<16xi1> -> vector<16xi32>
        %add3A_3330 = arith.addi %add3A_3311, %all_reduce_population_count3A_3329 : vector<16xi32>
        scf.yield %add3A_3330 : vector<16xi32>
      } else {
        scf.yield %scan3A_3110 : vector<16xi32>
      }
      scf.yield %cond3A_3180 : vector<16xi32>
    }
    %scan3A_1625 = arith.constant 64 : i32
    %get3A_1626 = arith.constant 0 : index
    %get3A_1627 = tpu.vector_load %arg5[%get3A_1626] {strides = array<i32>} : memref<64xf32, #tpu.memory_space<vmem>>, vector<16xf32>,
    %get3A_1628 = arith.constant 16 : index
    %get3A_1629 = tpu.vector_load %arg5[%get3A_1628] {strides = array<i32>} : memref<64xf32, #tpu.memory_space<vmem>>, vector<16xf32>,
    %get3A_1630 = arith.constant 32 : index
    %get3A_1631 = tpu.vector_load %arg5[%get3A_1630] {strides = array<i32>} : memref<64xf32, #tpu.memory_space<vmem>>, vector<16xf32>,
    %get3A_1632 = arith.constant 48 : index
    %get3A_1633 = tpu.vector_load %arg5[%get3A_1632] {strides = array<i32>} : memref<64xf32, #tpu.memory_space<vmem>>, vector<16xf32>,
    %get3A_1634 = arith.constant 0 : index
    %get3A_1635 = tpu.vector_load %arg6[%get3A_1634] {strides = array<i32>} : memref<64xi32, #tpu.memory_space<vmem>>, vector<16xi32>,
    %get3A_1636 = arith.constant 16 : index
    %get3A_1637 = tpu.vector_load %arg6[%get3A_1636] {strides = array<i32>} : memref<64xi32, #tpu.memory_space<vmem>>, vector<16xi32>,
    %get3A_1638 = arith.constant 32 : index
    %get3A_1639 = tpu.vector_load %arg6[%get3A_1638] {strides = array<i32>} : memref<64xi32, #tpu.memory_space<vmem>>, vector<16xi32>,
    %get3A_1640 = arith.constant 48 : index
    %get3A_1641 = tpu.vector_load %arg6[%get3A_1640] {strides = array<i32>} : memref<64xi32, #tpu.memory_space<vmem>>, vector<16xi32>,
    %max3A_1642 = arith.maximumf %get3A_1627, %get3A_1629 : vector<16xf32>
    %max3A_1643 = arith.maximumf %max3A_1642, %get3A_1631 : vector<16xf32>
    %max3A_1644 = arith.maximumf %max3A_1643, %get3A_1633 : vector<16xf32>
    %reduce_max3A_1645 = arith.constant true
    %reduce_max3A_1646 = vector.broadcast %reduce_max3A_1645 : i1 to vector<16xi1>
    %reduce_max3A_1647 = tpu.scan <max>, %max3A_1644 masked %reduce_max3A_1646 : vector<16xf32>, vector<16xi1> -> vector<16xf32>
    %reduce_max3A_1648 = vector.extract %reduce_max3A_1647[15] : f32 from vector<16xf32>
    %eq3A_1649 = vector.broadcast %reduce_max3A_1648 : f32 to vector<16xf32>
    %eq3A_1650 = arith.cmpf oeq, %get3A_1627, %eq3A_1649 : vector<16xf32>
    %jit3A_1651 = arith.constant 1073741824 : i32
    %broadcast_in_dim3A_1652 = vector.broadcast %jit3A_1651 : i32 to vector<16xi32>
    %select_n3A_1653 = arith.select %eq3A_1650, %get3A_1635, %broadcast_in_dim3A_1652 : vector<16xi1>, vector<16xi32>
    %reduce_min3A_1654 = arith.constant true
    %reduce_min3A_1655 = vector.broadcast %reduce_min3A_1654 : i1 to vector<16xi1>
    %reduce_min3A_1656 = arith.constant -2147483648 : i32
    %reduce_min3A_1657 = vector.broadcast %reduce_min3A_1656 : i32 to vector<16xi32>
    %reduce_min3A_1658 = arith.xori %select_n3A_1653, %reduce_min3A_1657 : vector<16xi32>
    %reduce_min3A_1659 = tpu.scan <min>, %reduce_min3A_1658 masked %reduce_min3A_1655 : vector<16xi32>, vector<16xi1> -> vector<16xi32>
    %reduce_min3A_1660 = arith.xori %reduce_min3A_1659, %reduce_min3A_1657 : vector<16xi32>
    %reduce_min3A_1661 = vector.extract %reduce_min3A_1660[15] : i32 from vector<16xi32>
    %eq3A_1662 = vector.broadcast %reduce_max3A_1648 : f32 to vector<16xf32>
    %eq3A_1663 = arith.cmpf oeq, %get3A_1629, %eq3A_1662 : vector<16xf32>
    %jit3A_1664 = arith.constant 1073741824 : i32
    %broadcast_in_dim3A_1665 = vector.broadcast %jit3A_1664 : i32 to vector<16xi32>
    %select_n3A_1666 = arith.select %eq3A_1663, %get3A_1637, %broadcast_in_dim3A_1665 : vector<16xi1>, vector<16xi32>
    %reduce_min3A_1667 = arith.constant true
    %reduce_min3A_1668 = vector.broadcast %reduce_min3A_1667 : i1 to vector<16xi1>
    %reduce_min3A_1669 = arith.constant -2147483648 : i32
    %reduce_min3A_1670 = vector.broadcast %reduce_min3A_1669 : i32 to vector<16xi32>
    %reduce_min3A_1671 = arith.xori %select_n3A_1666, %reduce_min3A_1670 : vector<16xi32>
    %reduce_min3A_1672 = tpu.scan <min>, %reduce_min3A_1671 masked %reduce_min3A_1668 : vector<16xi32>, vector<16xi1> -> vector<16xi32>
    %reduce_min3A_1673 = arith.xori %reduce_min3A_1672, %reduce_min3A_1670 : vector<16xi32>
    %reduce_min3A_1674 = vector.extract %reduce_min3A_1673[15] : i32 from vector<16xi32>
    %min3A_1675 = arith.minsi %reduce_min3A_1661, %reduce_min3A_1674 : i32
    %eq3A_1676 = vector.broadcast %reduce_max3A_1648 : f32 to vector<16xf32>
    %eq3A_1677 = arith.cmpf oeq, %get3A_1631, %eq3A_1676 : vector<16xf32>
    %jit3A_1678 = arith.constant 1073741824 : i32
    %broadcast_in_dim3A_1679 = vector.broadcast %jit3A_1678 : i32 to vector<16xi32>
    %select_n3A_1680 = arith.select %eq3A_1677, %get3A_1639, %broadcast_in_dim3A_1679 : vector<16xi1>, vector<16xi32>
    %reduce_min3A_1681 = arith.constant true
    %reduce_min3A_1682 = vector.broadcast %reduce_min3A_1681 : i1 to vector<16xi1>
    %reduce_min3A_1683 = arith.constant -2147483648 : i32
    %reduce_min3A_1684 = vector.broadcast %reduce_min3A_1683 : i32 to vector<16xi32>
    %reduce_min3A_1685 = arith.xori %select_n3A_1680, %reduce_min3A_1684 : vector<16xi32>
    %reduce_min3A_1686 = tpu.scan <min>, %reduce_min3A_1685 masked %reduce_min3A_1682 : vector<16xi32>, vector<16xi1> -> vector<16xi32>
    %reduce_min3A_1687 = arith.xori %reduce_min3A_1686, %reduce_min3A_1684 : vector<16xi32>
    %reduce_min3A_1688 = vector.extract %reduce_min3A_1687[15] : i32 from vector<16xi32>
    %min3A_1689 = arith.minsi %min3A_1675, %reduce_min3A_1688 : i32
    %eq3A_1690 = vector.broadcast %reduce_max3A_1648 : f32 to vector<16xf32>
    %eq3A_1691 = arith.cmpf oeq, %get3A_1633, %eq3A_1690 : vector<16xf32>
    %jit3A_1692 = arith.constant 1073741824 : i32
    %broadcast_in_dim3A_1693 = vector.broadcast %jit3A_1692 : i32 to vector<16xi32>
    %select_n3A_1694 = arith.select %eq3A_1691, %get3A_1641, %broadcast_in_dim3A_1693 : vector<16xi1>, vector<16xi32>
    %reduce_min3A_1695 = arith.constant true
    %reduce_min3A_1696 = vector.broadcast %reduce_min3A_1695 : i1 to vector<16xi1>
    %reduce_min3A_1697 = arith.constant -2147483648 : i32
    %reduce_min3A_1698 = vector.broadcast %reduce_min3A_1697 : i32 to vector<16xi32>
    %reduce_min3A_1699 = arith.xori %select_n3A_1694, %reduce_min3A_1698 : vector<16xi32>
    %reduce_min3A_1700 = tpu.scan <min>, %reduce_min3A_1699 masked %reduce_min3A_1696 : vector<16xi32>, vector<16xi1> -> vector<16xi32>
    %reduce_min3A_1701 = arith.xori %reduce_min3A_1700, %reduce_min3A_1698 : vector<16xi32>
    %reduce_min3A_1702 = vector.extract %reduce_min3A_1701[15] : i32 from vector<16xi32>
    %min3A_1703 = arith.minsi %min3A_1689, %reduce_min3A_1702 : i32
    %eq3A_1704 = vector.broadcast %min3A_1703 : i32 to vector<16xi32>
    %eq3A_1705 = arith.cmpi eq, %get3A_1635, %eq3A_1704 : vector<16xi32>
    %jit3A_1706 = arith.constant -3.000000e+38 : f32
    %broadcast_in_dim3A_1707 = vector.broadcast %jit3A_1706 : f32 to vector<16xf32>
    %select_n3A_1708 = arith.select %eq3A_1705, %broadcast_in_dim3A_1707, %get3A_1627 : vector<16xi1>, vector<16xf32>
    %eq3A_1709 = vector.broadcast %min3A_1703 : i32 to vector<16xi32>
    %eq3A_1710 = arith.cmpi eq, %get3A_1637, %eq3A_1709 : vector<16xi32>
    %jit3A_1711 = arith.constant -3.000000e+38 : f32
    %broadcast_in_dim3A_1712 = vector.broadcast %jit3A_1711 : f32 to vector<16xf32>
    %select_n3A_1713 = arith.select %eq3A_1710, %broadcast_in_dim3A_1712, %get3A_1629 : vector<16xi1>, vector<16xf32>
    %eq3A_1714 = vector.broadcast %min3A_1703 : i32 to vector<16xi32>
    %eq3A_1715 = arith.cmpi eq, %get3A_1639, %eq3A_1714 : vector<16xi32>
    %jit3A_1716 = arith.constant -3.000000e+38 : f32
    %broadcast_in_dim3A_1717 = vector.broadcast %jit3A_1716 : f32 to vector<16xf32>
    %select_n3A_1718 = arith.select %eq3A_1715, %broadcast_in_dim3A_1717, %get3A_1631 : vector<16xi1>, vector<16xf32>
    %eq3A_1719 = vector.broadcast %min3A_1703 : i32 to vector<16xi32>
    %eq3A_1720 = arith.cmpi eq, %get3A_1641, %eq3A_1719 : vector<16xi32>
    %jit3A_1721 = arith.constant -3.000000e+38 : f32
    %broadcast_in_dim3A_1722 = vector.broadcast %jit3A_1721 : f32 to vector<16xf32>
    %select_n3A_1723 = arith.select %eq3A_1720, %broadcast_in_dim3A_1722, %get3A_1633 : vector<16xi1>, vector<16xf32>
    %eq3A_1724 = arith.constant 0 : i32
    %eq3A_1725 = vector.broadcast %eq3A_1724 : i32 to vector<16xi32>
    %eq3A_1726 = arith.cmpi eq, %iota3A, %eq3A_1725 : vector<16xi32>
    %broadcast_in_dim3A_1727 = vector.broadcast %min3A_1703 : i32 to vector<16xi32>
    %select_n3A_1728 = arith.select %eq3A_1726, %broadcast_in_dim3A_1727, %broadcast_in_dim3A_54 : vector<16xi1>, vector<16xi32>
    %max3A_1729 = arith.maximumf %select_n3A_1708, %select_n3A_1713 : vector<16xf32>
    %max3A_1730 = arith.maximumf %max3A_1729, %select_n3A_1718 : vector<16xf32>
    %max3A_1731 = arith.maximumf %max3A_1730, %select_n3A_1723 : vector<16xf32>
    %reduce_max3A_1732 = arith.constant true
    %reduce_max3A_1733 = vector.broadcast %reduce_max3A_1732 : i1 to vector<16xi1>
    %reduce_max3A_1734 = tpu.scan <max>, %max3A_1731 masked %reduce_max3A_1733 : vector<16xf32>, vector<16xi1> -> vector<16xf32>
    %reduce_max3A_1735 = vector.extract %reduce_max3A_1734[15] : f32 from vector<16xf32>
    %eq3A_1736 = vector.broadcast %reduce_max3A_1735 : f32 to vector<16xf32>
    %eq3A_1737 = arith.cmpf oeq, %select_n3A_1708, %eq3A_1736 : vector<16xf32>
    %jit3A_1738 = arith.constant 1073741824 : i32
    %broadcast_in_dim3A_1739 = vector.broadcast %jit3A_1738 : i32 to vector<16xi32>
    %select_n3A_1740 = arith.select %eq3A_1737, %get3A_1635, %broadcast_in_dim3A_1739 : vector<16xi1>, vector<16xi32>
    %reduce_min3A_1741 = arith.constant true
    %reduce_min3A_1742 = vector.broadcast %reduce_min3A_1741 : i1 to vector<16xi1>
    %reduce_min3A_1743 = arith.constant -2147483648 : i32
    %reduce_min3A_1744 = vector.broadcast %reduce_min3A_1743 : i32 to vector<16xi32>
    %reduce_min3A_1745 = arith.xori %select_n3A_1740, %reduce_min3A_1744 : vector<16xi32>
    %reduce_min3A_1746 = tpu.scan <min>, %reduce_min3A_1745 masked %reduce_min3A_1742 : vector<16xi32>, vector<16xi1> -> vector<16xi32>
    %reduce_min3A_1747 = arith.xori %reduce_min3A_1746, %reduce_min3A_1744 : vector<16xi32>
    %reduce_min3A_1748 = vector.extract %reduce_min3A_1747[15] : i32 from vector<16xi32>
    %eq3A_1749 = vector.broadcast %reduce_max3A_1735 : f32 to vector<16xf32>
    %eq3A_1750 = arith.cmpf oeq, %select_n3A_1713, %eq3A_1749 : vector<16xf32>
    %jit3A_1751 = arith.constant 1073741824 : i32
    %broadcast_in_dim3A_1752 = vector.broadcast %jit3A_1751 : i32 to vector<16xi32>
    %select_n3A_1753 = arith.select %eq3A_1750, %get3A_1637, %broadcast_in_dim3A_1752 : vector<16xi1>, vector<16xi32>
    %reduce_min3A_1754 = arith.constant true
    %reduce_min3A_1755 = vector.broadcast %reduce_min3A_1754 : i1 to vector<16xi1>
    %reduce_min3A_1756 = arith.constant -2147483648 : i32
    %reduce_min3A_1757 = vector.broadcast %reduce_min3A_1756 : i32 to vector<16xi32>
    %reduce_min3A_1758 = arith.xori %select_n3A_1753, %reduce_min3A_1757 : vector<16xi32>
    %reduce_min3A_1759 = tpu.scan <min>, %reduce_min3A_1758 masked %reduce_min3A_1755 : vector<16xi32>, vector<16xi1> -> vector<16xi32>
    %reduce_min3A_1760 = arith.xori %reduce_min3A_1759, %reduce_min3A_1757 : vector<16xi32>
    %reduce_min3A_1761 = vector.extract %reduce_min3A_1760[15] : i32 from vector<16xi32>
    %min3A_1762 = arith.minsi %reduce_min3A_1748, %reduce_min3A_1761 : i32
    %eq3A_1763 = vector.broadcast %reduce_max3A_1735 : f32 to vector<16xf32>
    %eq3A_1764 = arith.cmpf oeq, %select_n3A_1718, %eq3A_1763 : vector<16xf32>
    %jit3A_1765 = arith.constant 1073741824 : i32
    %broadcast_in_dim3A_1766 = vector.broadcast %jit3A_1765 : i32 to vector<16xi32>
    %select_n3A_1767 = arith.select %eq3A_1764, %get3A_1639, %broadcast_in_dim3A_1766 : vector<16xi1>, vector<16xi32>
    %reduce_min3A_1768 = arith.constant true
    %reduce_min3A_1769 = vector.broadcast %reduce_min3A_1768 : i1 to vector<16xi1>
    %reduce_min3A_1770 = arith.constant -2147483648 : i32
    %reduce_min3A_1771 = vector.broadcast %reduce_min3A_1770 : i32 to vector<16xi32>
    %reduce_min3A_1772 = arith.xori %select_n3A_1767, %reduce_min3A_1771 : vector<16xi32>
    %reduce_min3A_1773 = tpu.scan <min>, %reduce_min3A_1772 masked %reduce_min3A_1769 : vector<16xi32>, vector<16xi1> -> vector<16xi32>
    %reduce_min3A_1774 = arith.xori %reduce_min3A_1773, %reduce_min3A_1771 : vector<16xi32>
    %reduce_min3A_1775 = vector.extract %reduce_min3A_1774[15] : i32 from vector<16xi32>
    %min3A_1776 = arith.minsi %min3A_1762, %reduce_min3A_1775 : i32
    %eq3A_1777 = vector.broadcast %reduce_max3A_1735 : f32 to vector<16xf32>
    %eq3A_1778 = arith.cmpf oeq, %select_n3A_1723, %eq3A_1777 : vector<16xf32>
    %jit3A_1779 = arith.constant 1073741824 : i32
    %broadcast_in_dim3A_1780 = vector.broadcast %jit3A_1779 : i32 to vector<16xi32>
    %select_n3A_1781 = arith.select %eq3A_1778, %get3A_1641, %broadcast_in_dim3A_1780 : vector<16xi1>, vector<16xi32>
    %reduce_min3A_1782 = arith.constant true
    %reduce_min3A_1783 = vector.broadcast %reduce_min3A_1782 : i1 to vector<16xi1>
    %reduce_min3A_1784 = arith.constant -2147483648 : i32
    %reduce_min3A_1785 = vector.broadcast %reduce_min3A_1784 : i32 to vector<16xi32>
    %reduce_min3A_1786 = arith.xori %select_n3A_1781, %reduce_min3A_1785 : vector<16xi32>
    %reduce_min3A_1787 = tpu.scan <min>, %reduce_min3A_1786 masked %reduce_min3A_1783 : vector<16xi32>, vector<16xi1> -> vector<16xi32>
    %reduce_min3A_1788 = arith.xori %reduce_min3A_1787, %reduce_min3A_1785 : vector<16xi32>
    %reduce_min3A_1789 = vector.extract %reduce_min3A_1788[15] : i32 from vector<16xi32>
    %min3A_1790 = arith.minsi %min3A_1776, %reduce_min3A_1789 : i32
    %eq3A_1791 = vector.broadcast %min3A_1790 : i32 to vector<16xi32>
    %eq3A_1792 = arith.cmpi eq, %get3A_1635, %eq3A_1791 : vector<16xi32>
    %jit3A_1793 = arith.constant -3.000000e+38 : f32
    %broadcast_in_dim3A_1794 = vector.broadcast %jit3A_1793 : f32 to vector<16xf32>
    %select_n3A_1795 = arith.select %eq3A_1792, %broadcast_in_dim3A_1794, %select_n3A_1708 : vector<16xi1>, vector<16xf32>
    %eq3A_1796 = vector.broadcast %min3A_1790 : i32 to vector<16xi32>
    %eq3A_1797 = arith.cmpi eq, %get3A_1637, %eq3A_1796 : vector<16xi32>
    %jit3A_1798 = arith.constant -3.000000e+38 : f32
    %broadcast_in_dim3A_1799 = vector.broadcast %jit3A_1798 : f32 to vector<16xf32>
    %select_n3A_1800 = arith.select %eq3A_1797, %broadcast_in_dim3A_1799, %select_n3A_1713 : vector<16xi1>, vector<16xf32>
    %eq3A_1801 = vector.broadcast %min3A_1790 : i32 to vector<16xi32>
    %eq3A_1802 = arith.cmpi eq, %get3A_1639, %eq3A_1801 : vector<16xi32>
    %jit3A_1803 = arith.constant -3.000000e+38 : f32
    %broadcast_in_dim3A_1804 = vector.broadcast %jit3A_1803 : f32 to vector<16xf32>
    %select_n3A_1805 = arith.select %eq3A_1802, %broadcast_in_dim3A_1804, %select_n3A_1718 : vector<16xi1>, vector<16xf32>
    %eq3A_1806 = vector.broadcast %min3A_1790 : i32 to vector<16xi32>
    %eq3A_1807 = arith.cmpi eq, %get3A_1641, %eq3A_1806 : vector<16xi32>
    %jit3A_1808 = arith.constant -3.000000e+38 : f32
    %broadcast_in_dim3A_1809 = vector.broadcast %jit3A_1808 : f32 to vector<16xf32>
    %select_n3A_1810 = arith.select %eq3A_1807, %broadcast_in_dim3A_1809, %select_n3A_1723 : vector<16xi1>, vector<16xf32>
    %eq3A_1811 = arith.constant 1 : i32
    %eq3A_1812 = vector.broadcast %eq3A_1811 : i32 to vector<16xi32>
    %eq3A_1813 = arith.cmpi eq, %iota3A, %eq3A_1812 : vector<16xi32>
    %broadcast_in_dim3A_1814 = vector.broadcast %min3A_1790 : i32 to vector<16xi32>
    %select_n3A_1815 = arith.select %eq3A_1813, %broadcast_in_dim3A_1814, %select_n3A_1728 : vector<16xi1>, vector<16xi32>
    %max3A_1816 = arith.maximumf %select_n3A_1795, %select_n3A_1800 : vector<16xf32>
    %max3A_1817 = arith.maximumf %max3A_1816, %select_n3A_1805 : vector<16xf32>
    %max3A_1818 = arith.maximumf %max3A_1817, %select_n3A_1810 : vector<16xf32>
    %reduce_max3A_1819 = arith.constant true
    %reduce_max3A_1820 = vector.broadcast %reduce_max3A_1819 : i1 to vector<16xi1>
    %reduce_max3A_1821 = tpu.scan <max>, %max3A_1818 masked %reduce_max3A_1820 : vector<16xf32>, vector<16xi1> -> vector<16xf32>
    %reduce_max3A_1822 = vector.extract %reduce_max3A_1821[15] : f32 from vector<16xf32>
    %eq3A_1823 = vector.broadcast %reduce_max3A_1822 : f32 to vector<16xf32>
    %eq3A_1824 = arith.cmpf oeq, %select_n3A_1795, %eq3A_1823 : vector<16xf32>
    %jit3A_1825 = arith.constant 1073741824 : i32
    %broadcast_in_dim3A_1826 = vector.broadcast %jit3A_1825 : i32 to vector<16xi32>
    %select_n3A_1827 = arith.select %eq3A_1824, %get3A_1635, %broadcast_in_dim3A_1826 : vector<16xi1>, vector<16xi32>
    %reduce_min3A_1828 = arith.constant true
    %reduce_min3A_1829 = vector.broadcast %reduce_min3A_1828 : i1 to vector<16xi1>
    %reduce_min3A_1830 = arith.constant -2147483648 : i32
    %reduce_min3A_1831 = vector.broadcast %reduce_min3A_1830 : i32 to vector<16xi32>
    %reduce_min3A_1832 = arith.xori %select_n3A_1827, %reduce_min3A_1831 : vector<16xi32>
    %reduce_min3A_1833 = tpu.scan <min>, %reduce_min3A_1832 masked %reduce_min3A_1829 : vector<16xi32>, vector<16xi1> -> vector<16xi32>
    %reduce_min3A_1834 = arith.xori %reduce_min3A_1833, %reduce_min3A_1831 : vector<16xi32>
    %reduce_min3A_1835 = vector.extract %reduce_min3A_1834[15] : i32 from vector<16xi32>
    %eq3A_1836 = vector.broadcast %reduce_max3A_1822 : f32 to vector<16xf32>
    %eq3A_1837 = arith.cmpf oeq, %select_n3A_1800, %eq3A_1836 : vector<16xf32>
    %jit3A_1838 = arith.constant 1073741824 : i32
    %broadcast_in_dim3A_1839 = vector.broadcast %jit3A_1838 : i32 to vector<16xi32>
    %select_n3A_1840 = arith.select %eq3A_1837, %get3A_1637, %broadcast_in_dim3A_1839 : vector<16xi1>, vector<16xi32>
    %reduce_min3A_1841 = arith.constant true
    %reduce_min3A_1842 = vector.broadcast %reduce_min3A_1841 : i1 to vector<16xi1>
    %reduce_min3A_1843 = arith.constant -2147483648 : i32
    %reduce_min3A_1844 = vector.broadcast %reduce_min3A_1843 : i32 to vector<16xi32>
    %reduce_min3A_1845 = arith.xori %select_n3A_1840, %reduce_min3A_1844 : vector<16xi32>
    %reduce_min3A_1846 = tpu.scan <min>, %reduce_min3A_1845 masked %reduce_min3A_1842 : vector<16xi32>, vector<16xi1> -> vector<16xi32>
    %reduce_min3A_1847 = arith.xori %reduce_min3A_1846, %reduce_min3A_1844 : vector<16xi32>
    %reduce_min3A_1848 = vector.extract %reduce_min3A_1847[15] : i32 from vector<16xi32>
    %min3A_1849 = arith.minsi %reduce_min3A_1835, %reduce_min3A_1848 : i32
    %eq3A_1850 = vector.broadcast %reduce_max3A_1822 : f32 to vector<16xf32>
    %eq3A_1851 = arith.cmpf oeq, %select_n3A_1805, %eq3A_1850 : vector<16xf32>
    %jit3A_1852 = arith.constant 1073741824 : i32
    %broadcast_in_dim3A_1853 = vector.broadcast %jit3A_1852 : i32 to vector<16xi32>
    %select_n3A_1854 = arith.select %eq3A_1851, %get3A_1639, %broadcast_in_dim3A_1853 : vector<16xi1>, vector<16xi32>
    %reduce_min3A_1855 = arith.constant true
    %reduce_min3A_1856 = vector.broadcast %reduce_min3A_1855 : i1 to vector<16xi1>
    %reduce_min3A_1857 = arith.constant -2147483648 : i32
    %reduce_min3A_1858 = vector.broadcast %reduce_min3A_1857 : i32 to vector<16xi32>
    %reduce_min3A_1859 = arith.xori %select_n3A_1854, %reduce_min3A_1858 : vector<16xi32>
    %reduce_min3A_1860 = tpu.scan <min>, %reduce_min3A_1859 masked %reduce_min3A_1856 : vector<16xi32>, vector<16xi1> -> vector<16xi32>
    %reduce_min3A_1861 = arith.xori %reduce_min3A_1860, %reduce_min3A_1858 : vector<16xi32>
    %reduce_min3A_1862 = vector.extract %reduce_min3A_1861[15] : i32 from vector<16xi32>
    %min3A_1863 = arith.minsi %min3A_1849, %reduce_min3A_1862 : i32
    %eq3A_1864 = vector.broadcast %reduce_max3A_1822 : f32 to vector<16xf32>
    %eq3A_1865 = arith.cmpf oeq, %select_n3A_1810, %eq3A_1864 : vector<16xf32>
    %jit3A_1866 = arith.constant 1073741824 : i32
    %broadcast_in_dim3A_1867 = vector.broadcast %jit3A_1866 : i32 to vector<16xi32>
    %select_n3A_1868 = arith.select %eq3A_1865, %get3A_1641, %broadcast_in_dim3A_1867 : vector<16xi1>, vector<16xi32>
    %reduce_min3A_1869 = arith.constant true
    %reduce_min3A_1870 = vector.broadcast %reduce_min3A_1869 : i1 to vector<16xi1>
    %reduce_min3A_1871 = arith.constant -2147483648 : i32
    %reduce_min3A_1872 = vector.broadcast %reduce_min3A_1871 : i32 to vector<16xi32>
    %reduce_min3A_1873 = arith.xori %select_n3A_1868, %reduce_min3A_1872 : vector<16xi32>
    %reduce_min3A_1874 = tpu.scan <min>, %reduce_min3A_1873 masked %reduce_min3A_1870 : vector<16xi32>, vector<16xi1> -> vector<16xi32>
    %reduce_min3A_1875 = arith.xori %reduce_min3A_1874, %reduce_min3A_1872 : vector<16xi32>
    %reduce_min3A_1876 = vector.extract %reduce_min3A_1875[15] : i32 from vector<16xi32>
    %min3A_1877 = arith.minsi %min3A_1863, %reduce_min3A_1876 : i32
    %eq3A_1878 = vector.broadcast %min3A_1877 : i32 to vector<16xi32>
    %eq3A_1879 = arith.cmpi eq, %get3A_1635, %eq3A_1878 : vector<16xi32>
    %jit3A_1880 = arith.constant -3.000000e+38 : f32
    %broadcast_in_dim3A_1881 = vector.broadcast %jit3A_1880 : f32 to vector<16xf32>
    %select_n3A_1882 = arith.select %eq3A_1879, %broadcast_in_dim3A_1881, %select_n3A_1795 : vector<16xi1>, vector<16xf32>
    %eq3A_1883 = vector.broadcast %min3A_1877 : i32 to vector<16xi32>
    %eq3A_1884 = arith.cmpi eq, %get3A_1637, %eq3A_1883 : vector<16xi32>
    %jit3A_1885 = arith.constant -3.000000e+38 : f32
    %broadcast_in_dim3A_1886 = vector.broadcast %jit3A_1885 : f32 to vector<16xf32>
    %select_n3A_1887 = arith.select %eq3A_1884, %broadcast_in_dim3A_1886, %select_n3A_1800 : vector<16xi1>, vector<16xf32>
    %eq3A_1888 = vector.broadcast %min3A_1877 : i32 to vector<16xi32>
    %eq3A_1889 = arith.cmpi eq, %get3A_1639, %eq3A_1888 : vector<16xi32>
    %jit3A_1890 = arith.constant -3.000000e+38 : f32
    %broadcast_in_dim3A_1891 = vector.broadcast %jit3A_1890 : f32 to vector<16xf32>
    %select_n3A_1892 = arith.select %eq3A_1889, %broadcast_in_dim3A_1891, %select_n3A_1805 : vector<16xi1>, vector<16xf32>
    %eq3A_1893 = vector.broadcast %min3A_1877 : i32 to vector<16xi32>
    %eq3A_1894 = arith.cmpi eq, %get3A_1641, %eq3A_1893 : vector<16xi32>
    %jit3A_1895 = arith.constant -3.000000e+38 : f32
    %broadcast_in_dim3A_1896 = vector.broadcast %jit3A_1895 : f32 to vector<16xf32>
    %select_n3A_1897 = arith.select %eq3A_1894, %broadcast_in_dim3A_1896, %select_n3A_1810 : vector<16xi1>, vector<16xf32>
    %eq3A_1898 = arith.constant 2 : i32
    %eq3A_1899 = vector.broadcast %eq3A_1898 : i32 to vector<16xi32>
    %eq3A_1900 = arith.cmpi eq, %iota3A, %eq3A_1899 : vector<16xi32>
    %broadcast_in_dim3A_1901 = vector.broadcast %min3A_1877 : i32 to vector<16xi32>
    %select_n3A_1902 = arith.select %eq3A_1900, %broadcast_in_dim3A_1901, %select_n3A_1815 : vector<16xi1>, vector<16xi32>
    %max3A_1903 = arith.maximumf %select_n3A_1882, %select_n3A_1887 : vector<16xf32>
    %max3A_1904 = arith.maximumf %max3A_1903, %select_n3A_1892 : vector<16xf32>
    %max3A_1905 = arith.maximumf %max3A_1904, %select_n3A_1897 : vector<16xf32>
    %reduce_max3A_1906 = arith.constant true
    %reduce_max3A_1907 = vector.broadcast %reduce_max3A_1906 : i1 to vector<16xi1>
    %reduce_max3A_1908 = tpu.scan <max>, %max3A_1905 masked %reduce_max3A_1907 : vector<16xf32>, vector<16xi1> -> vector<16xf32>
    %reduce_max3A_1909 = vector.extract %reduce_max3A_1908[15] : f32 from vector<16xf32>
    %eq3A_1910 = vector.broadcast %reduce_max3A_1909 : f32 to vector<16xf32>
    %eq3A_1911 = arith.cmpf oeq, %select_n3A_1882, %eq3A_1910 : vector<16xf32>
    %jit3A_1912 = arith.constant 1073741824 : i32
    %broadcast_in_dim3A_1913 = vector.broadcast %jit3A_1912 : i32 to vector<16xi32>
    %select_n3A_1914 = arith.select %eq3A_1911, %get3A_1635, %broadcast_in_dim3A_1913 : vector<16xi1>, vector<16xi32>
    %reduce_min3A_1915 = arith.constant true
    %reduce_min3A_1916 = vector.broadcast %reduce_min3A_1915 : i1 to vector<16xi1>
    %reduce_min3A_1917 = arith.constant -2147483648 : i32
    %reduce_min3A_1918 = vector.broadcast %reduce_min3A_1917 : i32 to vector<16xi32>
    %reduce_min3A_1919 = arith.xori %select_n3A_1914, %reduce_min3A_1918 : vector<16xi32>
    %reduce_min3A_1920 = tpu.scan <min>, %reduce_min3A_1919 masked %reduce_min3A_1916 : vector<16xi32>, vector<16xi1> -> vector<16xi32>
    %reduce_min3A_1921 = arith.xori %reduce_min3A_1920, %reduce_min3A_1918 : vector<16xi32>
    %reduce_min3A_1922 = vector.extract %reduce_min3A_1921[15] : i32 from vector<16xi32>
    %eq3A_1923 = vector.broadcast %reduce_max3A_1909 : f32 to vector<16xf32>
    %eq3A_1924 = arith.cmpf oeq, %select_n3A_1887, %eq3A_1923 : vector<16xf32>
    %jit3A_1925 = arith.constant 1073741824 : i32
    %broadcast_in_dim3A_1926 = vector.broadcast %jit3A_1925 : i32 to vector<16xi32>
    %select_n3A_1927 = arith.select %eq3A_1924, %get3A_1637, %broadcast_in_dim3A_1926 : vector<16xi1>, vector<16xi32>
    %reduce_min3A_1928 = arith.constant true
    %reduce_min3A_1929 = vector.broadcast %reduce_min3A_1928 : i1 to vector<16xi1>
    %reduce_min3A_1930 = arith.constant -2147483648 : i32
    %reduce_min3A_1931 = vector.broadcast %reduce_min3A_1930 : i32 to vector<16xi32>
    %reduce_min3A_1932 = arith.xori %select_n3A_1927, %reduce_min3A_1931 : vector<16xi32>
    %reduce_min3A_1933 = tpu.scan <min>, %reduce_min3A_1932 masked %reduce_min3A_1929 : vector<16xi32>, vector<16xi1> -> vector<16xi32>
    %reduce_min3A_1934 = arith.xori %reduce_min3A_1933, %reduce_min3A_1931 : vector<16xi32>
    %reduce_min3A_1935 = vector.extract %reduce_min3A_1934[15] : i32 from vector<16xi32>
    %min3A_1936 = arith.minsi %reduce_min3A_1922, %reduce_min3A_1935 : i32
    %eq3A_1937 = vector.broadcast %reduce_max3A_1909 : f32 to vector<16xf32>
    %eq3A_1938 = arith.cmpf oeq, %select_n3A_1892, %eq3A_1937 : vector<16xf32>
    %jit3A_1939 = arith.constant 1073741824 : i32
    %broadcast_in_dim3A_1940 = vector.broadcast %jit3A_1939 : i32 to vector<16xi32>
    %select_n3A_1941 = arith.select %eq3A_1938, %get3A_1639, %broadcast_in_dim3A_1940 : vector<16xi1>, vector<16xi32>
    %reduce_min3A_1942 = arith.constant true
    %reduce_min3A_1943 = vector.broadcast %reduce_min3A_1942 : i1 to vector<16xi1>
    %reduce_min3A_1944 = arith.constant -2147483648 : i32
    %reduce_min3A_1945 = vector.broadcast %reduce_min3A_1944 : i32 to vector<16xi32>
    %reduce_min3A_1946 = arith.xori %select_n3A_1941, %reduce_min3A_1945 : vector<16xi32>
    %reduce_min3A_1947 = tpu.scan <min>, %reduce_min3A_1946 masked %reduce_min3A_1943 : vector<16xi32>, vector<16xi1> -> vector<16xi32>
    %reduce_min3A_1948 = arith.xori %reduce_min3A_1947, %reduce_min3A_1945 : vector<16xi32>
    %reduce_min3A_1949 = vector.extract %reduce_min3A_1948[15] : i32 from vector<16xi32>
    %min3A_1950 = arith.minsi %min3A_1936, %reduce_min3A_1949 : i32
    %eq3A_1951 = vector.broadcast %reduce_max3A_1909 : f32 to vector<16xf32>
    %eq3A_1952 = arith.cmpf oeq, %select_n3A_1897, %eq3A_1951 : vector<16xf32>
    %jit3A_1953 = arith.constant 1073741824 : i32
    %broadcast_in_dim3A_1954 = vector.broadcast %jit3A_1953 : i32 to vector<16xi32>
    %select_n3A_1955 = arith.select %eq3A_1952, %get3A_1641, %broadcast_in_dim3A_1954 : vector<16xi1>, vector<16xi32>
    %reduce_min3A_1956 = arith.constant true
    %reduce_min3A_1957 = vector.broadcast %reduce_min3A_1956 : i1 to vector<16xi1>
    %reduce_min3A_1958 = arith.constant -2147483648 : i32
    %reduce_min3A_1959 = vector.broadcast %reduce_min3A_1958 : i32 to vector<16xi32>
    %reduce_min3A_1960 = arith.xori %select_n3A_1955, %reduce_min3A_1959 : vector<16xi32>
    %reduce_min3A_1961 = tpu.scan <min>, %reduce_min3A_1960 masked %reduce_min3A_1957 : vector<16xi32>, vector<16xi1> -> vector<16xi32>
    %reduce_min3A_1962 = arith.xori %reduce_min3A_1961, %reduce_min3A_1959 : vector<16xi32>
    %reduce_min3A_1963 = vector.extract %reduce_min3A_1962[15] : i32 from vector<16xi32>
    %min3A_1964 = arith.minsi %min3A_1950, %reduce_min3A_1963 : i32
    %eq3A_1965 = vector.broadcast %min3A_1964 : i32 to vector<16xi32>
    %eq3A_1966 = arith.cmpi eq, %get3A_1635, %eq3A_1965 : vector<16xi32>
    %jit3A_1967 = arith.constant -3.000000e+38 : f32
    %broadcast_in_dim3A_1968 = vector.broadcast %jit3A_1967 : f32 to vector<16xf32>
    %select_n3A_1969 = arith.select %eq3A_1966, %broadcast_in_dim3A_1968, %select_n3A_1882 : vector<16xi1>, vector<16xf32>
    %eq3A_1970 = vector.broadcast %min3A_1964 : i32 to vector<16xi32>
    %eq3A_1971 = arith.cmpi eq, %get3A_1637, %eq3A_1970 : vector<16xi32>
    %jit3A_1972 = arith.constant -3.000000e+38 : f32
    %broadcast_in_dim3A_1973 = vector.broadcast %jit3A_1972 : f32 to vector<16xf32>
    %select_n3A_1974 = arith.select %eq3A_1971, %broadcast_in_dim3A_1973, %select_n3A_1887 : vector<16xi1>, vector<16xf32>
    %eq3A_1975 = vector.broadcast %min3A_1964 : i32 to vector<16xi32>
    %eq3A_1976 = arith.cmpi eq, %get3A_1639, %eq3A_1975 : vector<16xi32>
    %jit3A_1977 = arith.constant -3.000000e+38 : f32
    %broadcast_in_dim3A_1978 = vector.broadcast %jit3A_1977 : f32 to vector<16xf32>
    %select_n3A_1979 = arith.select %eq3A_1976, %broadcast_in_dim3A_1978, %select_n3A_1892 : vector<16xi1>, vector<16xf32>
    %eq3A_1980 = vector.broadcast %min3A_1964 : i32 to vector<16xi32>
    %eq3A_1981 = arith.cmpi eq, %get3A_1641, %eq3A_1980 : vector<16xi32>
    %jit3A_1982 = arith.constant -3.000000e+38 : f32
    %broadcast_in_dim3A_1983 = vector.broadcast %jit3A_1982 : f32 to vector<16xf32>
    %select_n3A_1984 = arith.select %eq3A_1981, %broadcast_in_dim3A_1983, %select_n3A_1897 : vector<16xi1>, vector<16xf32>
    %eq3A_1985 = arith.constant 3 : i32
    %eq3A_1986 = vector.broadcast %eq3A_1985 : i32 to vector<16xi32>
    %eq3A_1987 = arith.cmpi eq, %iota3A, %eq3A_1986 : vector<16xi32>
    %broadcast_in_dim3A_1988 = vector.broadcast %min3A_1964 : i32 to vector<16xi32>
    %select_n3A_1989 = arith.select %eq3A_1987, %broadcast_in_dim3A_1988, %select_n3A_1902 : vector<16xi1>, vector<16xi32>
    %max3A_1990 = arith.maximumf %select_n3A_1969, %select_n3A_1974 : vector<16xf32>
    %max3A_1991 = arith.maximumf %max3A_1990, %select_n3A_1979 : vector<16xf32>
    %max3A_1992 = arith.maximumf %max3A_1991, %select_n3A_1984 : vector<16xf32>
    %reduce_max3A_1993 = arith.constant true
    %reduce_max3A_1994 = vector.broadcast %reduce_max3A_1993 : i1 to vector<16xi1>
    %reduce_max3A_1995 = tpu.scan <max>, %max3A_1992 masked %reduce_max3A_1994 : vector<16xf32>, vector<16xi1> -> vector<16xf32>
    %reduce_max3A_1996 = vector.extract %reduce_max3A_1995[15] : f32 from vector<16xf32>
    %eq3A_1997 = vector.broadcast %reduce_max3A_1996 : f32 to vector<16xf32>
    %eq3A_1998 = arith.cmpf oeq, %select_n3A_1969, %eq3A_1997 : vector<16xf32>
    %jit3A_1999 = arith.constant 1073741824 : i32
    %broadcast_in_dim3A_2000 = vector.broadcast %jit3A_1999 : i32 to vector<16xi32>
    %select_n3A_2001 = arith.select %eq3A_1998, %get3A_1635, %broadcast_in_dim3A_2000 : vector<16xi1>, vector<16xi32>
    %reduce_min3A_2002 = arith.constant true
    %reduce_min3A_2003 = vector.broadcast %reduce_min3A_2002 : i1 to vector<16xi1>
    %reduce_min3A_2004 = arith.constant -2147483648 : i32
    %reduce_min3A_2005 = vector.broadcast %reduce_min3A_2004 : i32 to vector<16xi32>
    %reduce_min3A_2006 = arith.xori %select_n3A_2001, %reduce_min3A_2005 : vector<16xi32>
    %reduce_min3A_2007 = tpu.scan <min>, %reduce_min3A_2006 masked %reduce_min3A_2003 : vector<16xi32>, vector<16xi1> -> vector<16xi32>
    %reduce_min3A_2008 = arith.xori %reduce_min3A_2007, %reduce_min3A_2005 : vector<16xi32>
    %reduce_min3A_2009 = vector.extract %reduce_min3A_2008[15] : i32 from vector<16xi32>
    %eq3A_2010 = vector.broadcast %reduce_max3A_1996 : f32 to vector<16xf32>
    %eq3A_2011 = arith.cmpf oeq, %select_n3A_1974, %eq3A_2010 : vector<16xf32>
    %jit3A_2012 = arith.constant 1073741824 : i32
    %broadcast_in_dim3A_2013 = vector.broadcast %jit3A_2012 : i32 to vector<16xi32>
    %select_n3A_2014 = arith.select %eq3A_2011, %get3A_1637, %broadcast_in_dim3A_2013 : vector<16xi1>, vector<16xi32>
    %reduce_min3A_2015 = arith.constant true
    %reduce_min3A_2016 = vector.broadcast %reduce_min3A_2015 : i1 to vector<16xi1>
    %reduce_min3A_2017 = arith.constant -2147483648 : i32
    %reduce_min3A_2018 = vector.broadcast %reduce_min3A_2017 : i32 to vector<16xi32>
    %reduce_min3A_2019 = arith.xori %select_n3A_2014, %reduce_min3A_2018 : vector<16xi32>
    %reduce_min3A_2020 = tpu.scan <min>, %reduce_min3A_2019 masked %reduce_min3A_2016 : vector<16xi32>, vector<16xi1> -> vector<16xi32>
    %reduce_min3A_2021 = arith.xori %reduce_min3A_2020, %reduce_min3A_2018 : vector<16xi32>
    %reduce_min3A_2022 = vector.extract %reduce_min3A_2021[15] : i32 from vector<16xi32>
    %min3A_2023 = arith.minsi %reduce_min3A_2009, %reduce_min3A_2022 : i32
    %eq3A_2024 = vector.broadcast %reduce_max3A_1996 : f32 to vector<16xf32>
    %eq3A_2025 = arith.cmpf oeq, %select_n3A_1979, %eq3A_2024 : vector<16xf32>
    %jit3A_2026 = arith.constant 1073741824 : i32
    %broadcast_in_dim3A_2027 = vector.broadcast %jit3A_2026 : i32 to vector<16xi32>
    %select_n3A_2028 = arith.select %eq3A_2025, %get3A_1639, %broadcast_in_dim3A_2027 : vector<16xi1>, vector<16xi32>
    %reduce_min3A_2029 = arith.constant true
    %reduce_min3A_2030 = vector.broadcast %reduce_min3A_2029 : i1 to vector<16xi1>
    %reduce_min3A_2031 = arith.constant -2147483648 : i32
    %reduce_min3A_2032 = vector.broadcast %reduce_min3A_2031 : i32 to vector<16xi32>
    %reduce_min3A_2033 = arith.xori %select_n3A_2028, %reduce_min3A_2032 : vector<16xi32>
    %reduce_min3A_2034 = tpu.scan <min>, %reduce_min3A_2033 masked %reduce_min3A_2030 : vector<16xi32>, vector<16xi1> -> vector<16xi32>
    %reduce_min3A_2035 = arith.xori %reduce_min3A_2034, %reduce_min3A_2032 : vector<16xi32>
    %reduce_min3A_2036 = vector.extract %reduce_min3A_2035[15] : i32 from vector<16xi32>
    %min3A_2037 = arith.minsi %min3A_2023, %reduce_min3A_2036 : i32
    %eq3A_2038 = vector.broadcast %reduce_max3A_1996 : f32 to vector<16xf32>
    %eq3A_2039 = arith.cmpf oeq, %select_n3A_1984, %eq3A_2038 : vector<16xf32>
    %jit3A_2040 = arith.constant 1073741824 : i32
    %broadcast_in_dim3A_2041 = vector.broadcast %jit3A_2040 : i32 to vector<16xi32>
    %select_n3A_2042 = arith.select %eq3A_2039, %get3A_1641, %broadcast_in_dim3A_2041 : vector<16xi1>, vector<16xi32>
    %reduce_min3A_2043 = arith.constant true
    %reduce_min3A_2044 = vector.broadcast %reduce_min3A_2043 : i1 to vector<16xi1>
    %reduce_min3A_2045 = arith.constant -2147483648 : i32
    %reduce_min3A_2046 = vector.broadcast %reduce_min3A_2045 : i32 to vector<16xi32>
    %reduce_min3A_2047 = arith.xori %select_n3A_2042, %reduce_min3A_2046 : vector<16xi32>
    %reduce_min3A_2048 = tpu.scan <min>, %reduce_min3A_2047 masked %reduce_min3A_2044 : vector<16xi32>, vector<16xi1> -> vector<16xi32>
    %reduce_min3A_2049 = arith.xori %reduce_min3A_2048, %reduce_min3A_2046 : vector<16xi32>
    %reduce_min3A_2050 = vector.extract %reduce_min3A_2049[15] : i32 from vector<16xi32>
    %min3A_2051 = arith.minsi %min3A_2037, %reduce_min3A_2050 : i32
    %eq3A_2052 = vector.broadcast %min3A_2051 : i32 to vector<16xi32>
    %eq3A_2053 = arith.cmpi eq, %get3A_1635, %eq3A_2052 : vector<16xi32>
    %jit3A_2054 = arith.constant -3.000000e+38 : f32
    %broadcast_in_dim3A_2055 = vector.broadcast %jit3A_2054 : f32 to vector<16xf32>
    %select_n3A_2056 = arith.select %eq3A_2053, %broadcast_in_dim3A_2055, %select_n3A_1969 : vector<16xi1>, vector<16xf32>
    %eq3A_2057 = vector.broadcast %min3A_2051 : i32 to vector<16xi32>
    %eq3A_2058 = arith.cmpi eq, %get3A_1637, %eq3A_2057 : vector<16xi32>
    %jit3A_2059 = arith.constant -3.000000e+38 : f32
    %broadcast_in_dim3A_2060 = vector.broadcast %jit3A_2059 : f32 to vector<16xf32>
    %select_n3A_2061 = arith.select %eq3A_2058, %broadcast_in_dim3A_2060, %select_n3A_1974 : vector<16xi1>, vector<16xf32>
    %eq3A_2062 = vector.broadcast %min3A_2051 : i32 to vector<16xi32>
    %eq3A_2063 = arith.cmpi eq, %get3A_1639, %eq3A_2062 : vector<16xi32>
    %jit3A_2064 = arith.constant -3.000000e+38 : f32
    %broadcast_in_dim3A_2065 = vector.broadcast %jit3A_2064 : f32 to vector<16xf32>
    %select_n3A_2066 = arith.select %eq3A_2063, %broadcast_in_dim3A_2065, %select_n3A_1979 : vector<16xi1>, vector<16xf32>
    %eq3A_2067 = vector.broadcast %min3A_2051 : i32 to vector<16xi32>
    %eq3A_2068 = arith.cmpi eq, %get3A_1641, %eq3A_2067 : vector<16xi32>
    %jit3A_2069 = arith.constant -3.000000e+38 : f32
    %broadcast_in_dim3A_2070 = vector.broadcast %jit3A_2069 : f32 to vector<16xf32>
    %select_n3A_2071 = arith.select %eq3A_2068, %broadcast_in_dim3A_2070, %select_n3A_1984 : vector<16xi1>, vector<16xf32>
    %eq3A_2072 = arith.constant 4 : i32
    %eq3A_2073 = vector.broadcast %eq3A_2072 : i32 to vector<16xi32>
    %eq3A_2074 = arith.cmpi eq, %iota3A, %eq3A_2073 : vector<16xi32>
    %broadcast_in_dim3A_2075 = vector.broadcast %min3A_2051 : i32 to vector<16xi32>
    %select_n3A_2076 = arith.select %eq3A_2074, %broadcast_in_dim3A_2075, %select_n3A_1989 : vector<16xi1>, vector<16xi32>
    %max3A_2077 = arith.maximumf %select_n3A_2056, %select_n3A_2061 : vector<16xf32>
    %max3A_2078 = arith.maximumf %max3A_2077, %select_n3A_2066 : vector<16xf32>
    %max3A_2079 = arith.maximumf %max3A_2078, %select_n3A_2071 : vector<16xf32>
    %reduce_max3A_2080 = arith.constant true
    %reduce_max3A_2081 = vector.broadcast %reduce_max3A_2080 : i1 to vector<16xi1>
    %reduce_max3A_2082 = tpu.scan <max>, %max3A_2079 masked %reduce_max3A_2081 : vector<16xf32>, vector<16xi1> -> vector<16xf32>
    %reduce_max3A_2083 = vector.extract %reduce_max3A_2082[15] : f32 from vector<16xf32>
    %eq3A_2084 = vector.broadcast %reduce_max3A_2083 : f32 to vector<16xf32>
    %eq3A_2085 = arith.cmpf oeq, %select_n3A_2056, %eq3A_2084 : vector<16xf32>
    %jit3A_2086 = arith.constant 1073741824 : i32
    %broadcast_in_dim3A_2087 = vector.broadcast %jit3A_2086 : i32 to vector<16xi32>
    %select_n3A_2088 = arith.select %eq3A_2085, %get3A_1635, %broadcast_in_dim3A_2087 : vector<16xi1>, vector<16xi32>
    %reduce_min3A_2089 = arith.constant true
    %reduce_min3A_2090 = vector.broadcast %reduce_min3A_2089 : i1 to vector<16xi1>
    %reduce_min3A_2091 = arith.constant -2147483648 : i32
    %reduce_min3A_2092 = vector.broadcast %reduce_min3A_2091 : i32 to vector<16xi32>
    %reduce_min3A_2093 = arith.xori %select_n3A_2088, %reduce_min3A_2092 : vector<16xi32>
    %reduce_min3A_2094 = tpu.scan <min>, %reduce_min3A_2093 masked %reduce_min3A_2090 : vector<16xi32>, vector<16xi1> -> vector<16xi32>
    %reduce_min3A_2095 = arith.xori %reduce_min3A_2094, %reduce_min3A_2092 : vector<16xi32>
    %reduce_min3A_2096 = vector.extract %reduce_min3A_2095[15] : i32 from vector<16xi32>
    %eq3A_2097 = vector.broadcast %reduce_max3A_2083 : f32 to vector<16xf32>
    %eq3A_2098 = arith.cmpf oeq, %select_n3A_2061, %eq3A_2097 : vector<16xf32>
    %jit3A_2099 = arith.constant 1073741824 : i32
    %broadcast_in_dim3A_2100 = vector.broadcast %jit3A_2099 : i32 to vector<16xi32>
    %select_n3A_2101 = arith.select %eq3A_2098, %get3A_1637, %broadcast_in_dim3A_2100 : vector<16xi1>, vector<16xi32>
    %reduce_min3A_2102 = arith.constant true
    %reduce_min3A_2103 = vector.broadcast %reduce_min3A_2102 : i1 to vector<16xi1>
    %reduce_min3A_2104 = arith.constant -2147483648 : i32
    %reduce_min3A_2105 = vector.broadcast %reduce_min3A_2104 : i32 to vector<16xi32>
    %reduce_min3A_2106 = arith.xori %select_n3A_2101, %reduce_min3A_2105 : vector<16xi32>
    %reduce_min3A_2107 = tpu.scan <min>, %reduce_min3A_2106 masked %reduce_min3A_2103 : vector<16xi32>, vector<16xi1> -> vector<16xi32>
    %reduce_min3A_2108 = arith.xori %reduce_min3A_2107, %reduce_min3A_2105 : vector<16xi32>
    %reduce_min3A_2109 = vector.extract %reduce_min3A_2108[15] : i32 from vector<16xi32>
    %min3A_2110 = arith.minsi %reduce_min3A_2096, %reduce_min3A_2109 : i32
    %eq3A_2111 = vector.broadcast %reduce_max3A_2083 : f32 to vector<16xf32>
    %eq3A_2112 = arith.cmpf oeq, %select_n3A_2066, %eq3A_2111 : vector<16xf32>
    %jit3A_2113 = arith.constant 1073741824 : i32
    %broadcast_in_dim3A_2114 = vector.broadcast %jit3A_2113 : i32 to vector<16xi32>
    %select_n3A_2115 = arith.select %eq3A_2112, %get3A_1639, %broadcast_in_dim3A_2114 : vector<16xi1>, vector<16xi32>
    %reduce_min3A_2116 = arith.constant true
    %reduce_min3A_2117 = vector.broadcast %reduce_min3A_2116 : i1 to vector<16xi1>
    %reduce_min3A_2118 = arith.constant -2147483648 : i32
    %reduce_min3A_2119 = vector.broadcast %reduce_min3A_2118 : i32 to vector<16xi32>
    %reduce_min3A_2120 = arith.xori %select_n3A_2115, %reduce_min3A_2119 : vector<16xi32>
    %reduce_min3A_2121 = tpu.scan <min>, %reduce_min3A_2120 masked %reduce_min3A_2117 : vector<16xi32>, vector<16xi1> -> vector<16xi32>
    %reduce_min3A_2122 = arith.xori %reduce_min3A_2121, %reduce_min3A_2119 : vector<16xi32>
    %reduce_min3A_2123 = vector.extract %reduce_min3A_2122[15] : i32 from vector<16xi32>
    %min3A_2124 = arith.minsi %min3A_2110, %reduce_min3A_2123 : i32
    %eq3A_2125 = vector.broadcast %reduce_max3A_2083 : f32 to vector<16xf32>
    %eq3A_2126 = arith.cmpf oeq, %select_n3A_2071, %eq3A_2125 : vector<16xf32>
    %jit3A_2127 = arith.constant 1073741824 : i32
    %broadcast_in_dim3A_2128 = vector.broadcast %jit3A_2127 : i32 to vector<16xi32>
    %select_n3A_2129 = arith.select %eq3A_2126, %get3A_1641, %broadcast_in_dim3A_2128 : vector<16xi1>, vector<16xi32>
    %reduce_min3A_2130 = arith.constant true
    %reduce_min3A_2131 = vector.broadcast %reduce_min3A_2130 : i1 to vector<16xi1>
    %reduce_min3A_2132 = arith.constant -2147483648 : i32
    %reduce_min3A_2133 = vector.broadcast %reduce_min3A_2132 : i32 to vector<16xi32>
    %reduce_min3A_2134 = arith.xori %select_n3A_2129, %reduce_min3A_2133 : vector<16xi32>
    %reduce_min3A_2135 = tpu.scan <min>, %reduce_min3A_2134 masked %reduce_min3A_2131 : vector<16xi32>, vector<16xi1> -> vector<16xi32>
    %reduce_min3A_2136 = arith.xori %reduce_min3A_2135, %reduce_min3A_2133 : vector<16xi32>
    %reduce_min3A_2137 = vector.extract %reduce_min3A_2136[15] : i32 from vector<16xi32>
    %min3A_2138 = arith.minsi %min3A_2124, %reduce_min3A_2137 : i32
    %eq3A_2139 = vector.broadcast %min3A_2138 : i32 to vector<16xi32>
    %eq3A_2140 = arith.cmpi eq, %get3A_1635, %eq3A_2139 : vector<16xi32>
    %jit3A_2141 = arith.constant -3.000000e+38 : f32
    %broadcast_in_dim3A_2142 = vector.broadcast %jit3A_2141 : f32 to vector<16xf32>
    %select_n3A_2143 = arith.select %eq3A_2140, %broadcast_in_dim3A_2142, %select_n3A_2056 : vector<16xi1>, vector<16xf32>
    %eq3A_2144 = vector.broadcast %min3A_2138 : i32 to vector<16xi32>
    %eq3A_2145 = arith.cmpi eq, %get3A_1637, %eq3A_2144 : vector<16xi32>
    %jit3A_2146 = arith.constant -3.000000e+38 : f32
    %broadcast_in_dim3A_2147 = vector.broadcast %jit3A_2146 : f32 to vector<16xf32>
    %select_n3A_2148 = arith.select %eq3A_2145, %broadcast_in_dim3A_2147, %select_n3A_2061 : vector<16xi1>, vector<16xf32>
    %eq3A_2149 = vector.broadcast %min3A_2138 : i32 to vector<16xi32>
    %eq3A_2150 = arith.cmpi eq, %get3A_1639, %eq3A_2149 : vector<16xi32>
    %jit3A_2151 = arith.constant -3.000000e+38 : f32
    %broadcast_in_dim3A_2152 = vector.broadcast %jit3A_2151 : f32 to vector<16xf32>
    %select_n3A_2153 = arith.select %eq3A_2150, %broadcast_in_dim3A_2152, %select_n3A_2066 : vector<16xi1>, vector<16xf32>
    %eq3A_2154 = vector.broadcast %min3A_2138 : i32 to vector<16xi32>
    %eq3A_2155 = arith.cmpi eq, %get3A_1641, %eq3A_2154 : vector<16xi32>
    %jit3A_2156 = arith.constant -3.000000e+38 : f32
    %broadcast_in_dim3A_2157 = vector.broadcast %jit3A_2156 : f32 to vector<16xf32>
    %select_n3A_2158 = arith.select %eq3A_2155, %broadcast_in_dim3A_2157, %select_n3A_2071 : vector<16xi1>, vector<16xf32>
    %eq3A_2159 = arith.constant 5 : i32
    %eq3A_2160 = vector.broadcast %eq3A_2159 : i32 to vector<16xi32>
    %eq3A_2161 = arith.cmpi eq, %iota3A, %eq3A_2160 : vector<16xi32>
    %broadcast_in_dim3A_2162 = vector.broadcast %min3A_2138 : i32 to vector<16xi32>
    %select_n3A_2163 = arith.select %eq3A_2161, %broadcast_in_dim3A_2162, %select_n3A_2076 : vector<16xi1>, vector<16xi32>
    %max3A_2164 = arith.maximumf %select_n3A_2143, %select_n3A_2148 : vector<16xf32>
    %max3A_2165 = arith.maximumf %max3A_2164, %select_n3A_2153 : vector<16xf32>
    %max3A_2166 = arith.maximumf %max3A_2165, %select_n3A_2158 : vector<16xf32>
    %reduce_max3A_2167 = arith.constant true
    %reduce_max3A_2168 = vector.broadcast %reduce_max3A_2167 : i1 to vector<16xi1>
    %reduce_max3A_2169 = tpu.scan <max>, %max3A_2166 masked %reduce_max3A_2168 : vector<16xf32>, vector<16xi1> -> vector<16xf32>
    %reduce_max3A_2170 = vector.extract %reduce_max3A_2169[15] : f32 from vector<16xf32>
    %eq3A_2171 = vector.broadcast %reduce_max3A_2170 : f32 to vector<16xf32>
    %eq3A_2172 = arith.cmpf oeq, %select_n3A_2143, %eq3A_2171 : vector<16xf32>
    %jit3A_2173 = arith.constant 1073741824 : i32
    %broadcast_in_dim3A_2174 = vector.broadcast %jit3A_2173 : i32 to vector<16xi32>
    %select_n3A_2175 = arith.select %eq3A_2172, %get3A_1635, %broadcast_in_dim3A_2174 : vector<16xi1>, vector<16xi32>
    %reduce_min3A_2176 = arith.constant true
    %reduce_min3A_2177 = vector.broadcast %reduce_min3A_2176 : i1 to vector<16xi1>
    %reduce_min3A_2178 = arith.constant -2147483648 : i32
    %reduce_min3A_2179 = vector.broadcast %reduce_min3A_2178 : i32 to vector<16xi32>
    %reduce_min3A_2180 = arith.xori %select_n3A_2175, %reduce_min3A_2179 : vector<16xi32>
    %reduce_min3A_2181 = tpu.scan <min>, %reduce_min3A_2180 masked %reduce_min3A_2177 : vector<16xi32>, vector<16xi1> -> vector<16xi32>
    %reduce_min3A_2182 = arith.xori %reduce_min3A_2181, %reduce_min3A_2179 : vector<16xi32>
    %reduce_min3A_2183 = vector.extract %reduce_min3A_2182[15] : i32 from vector<16xi32>
    %eq3A_2184 = vector.broadcast %reduce_max3A_2170 : f32 to vector<16xf32>
    %eq3A_2185 = arith.cmpf oeq, %select_n3A_2148, %eq3A_2184 : vector<16xf32>
    %jit3A_2186 = arith.constant 1073741824 : i32
    %broadcast_in_dim3A_2187 = vector.broadcast %jit3A_2186 : i32 to vector<16xi32>
    %select_n3A_2188 = arith.select %eq3A_2185, %get3A_1637, %broadcast_in_dim3A_2187 : vector<16xi1>, vector<16xi32>
    %reduce_min3A_2189 = arith.constant true
    %reduce_min3A_2190 = vector.broadcast %reduce_min3A_2189 : i1 to vector<16xi1>
    %reduce_min3A_2191 = arith.constant -2147483648 : i32
    %reduce_min3A_2192 = vector.broadcast %reduce_min3A_2191 : i32 to vector<16xi32>
    %reduce_min3A_2193 = arith.xori %select_n3A_2188, %reduce_min3A_2192 : vector<16xi32>
    %reduce_min3A_2194 = tpu.scan <min>, %reduce_min3A_2193 masked %reduce_min3A_2190 : vector<16xi32>, vector<16xi1> -> vector<16xi32>
    %reduce_min3A_2195 = arith.xori %reduce_min3A_2194, %reduce_min3A_2192 : vector<16xi32>
    %reduce_min3A_2196 = vector.extract %reduce_min3A_2195[15] : i32 from vector<16xi32>
    %min3A_2197 = arith.minsi %reduce_min3A_2183, %reduce_min3A_2196 : i32
    %eq3A_2198 = vector.broadcast %reduce_max3A_2170 : f32 to vector<16xf32>
    %eq3A_2199 = arith.cmpf oeq, %select_n3A_2153, %eq3A_2198 : vector<16xf32>
    %jit3A_2200 = arith.constant 1073741824 : i32
    %broadcast_in_dim3A_2201 = vector.broadcast %jit3A_2200 : i32 to vector<16xi32>
    %select_n3A_2202 = arith.select %eq3A_2199, %get3A_1639, %broadcast_in_dim3A_2201 : vector<16xi1>, vector<16xi32>
    %reduce_min3A_2203 = arith.constant true
    %reduce_min3A_2204 = vector.broadcast %reduce_min3A_2203 : i1 to vector<16xi1>
    %reduce_min3A_2205 = arith.constant -2147483648 : i32
    %reduce_min3A_2206 = vector.broadcast %reduce_min3A_2205 : i32 to vector<16xi32>
    %reduce_min3A_2207 = arith.xori %select_n3A_2202, %reduce_min3A_2206 : vector<16xi32>
    %reduce_min3A_2208 = tpu.scan <min>, %reduce_min3A_2207 masked %reduce_min3A_2204 : vector<16xi32>, vector<16xi1> -> vector<16xi32>
    %reduce_min3A_2209 = arith.xori %reduce_min3A_2208, %reduce_min3A_2206 : vector<16xi32>
    %reduce_min3A_2210 = vector.extract %reduce_min3A_2209[15] : i32 from vector<16xi32>
    %min3A_2211 = arith.minsi %min3A_2197, %reduce_min3A_2210 : i32
    %eq3A_2212 = vector.broadcast %reduce_max3A_2170 : f32 to vector<16xf32>
    %eq3A_2213 = arith.cmpf oeq, %select_n3A_2158, %eq3A_2212 : vector<16xf32>
    %jit3A_2214 = arith.constant 1073741824 : i32
    %broadcast_in_dim3A_2215 = vector.broadcast %jit3A_2214 : i32 to vector<16xi32>
    %select_n3A_2216 = arith.select %eq3A_2213, %get3A_1641, %broadcast_in_dim3A_2215 : vector<16xi1>, vector<16xi32>
    %reduce_min3A_2217 = arith.constant true
    %reduce_min3A_2218 = vector.broadcast %reduce_min3A_2217 : i1 to vector<16xi1>
    %reduce_min3A_2219 = arith.constant -2147483648 : i32
    %reduce_min3A_2220 = vector.broadcast %reduce_min3A_2219 : i32 to vector<16xi32>
    %reduce_min3A_2221 = arith.xori %select_n3A_2216, %reduce_min3A_2220 : vector<16xi32>
    %reduce_min3A_2222 = tpu.scan <min>, %reduce_min3A_2221 masked %reduce_min3A_2218 : vector<16xi32>, vector<16xi1> -> vector<16xi32>
    %reduce_min3A_2223 = arith.xori %reduce_min3A_2222, %reduce_min3A_2220 : vector<16xi32>
    %reduce_min3A_2224 = vector.extract %reduce_min3A_2223[15] : i32 from vector<16xi32>
    %min3A_2225 = arith.minsi %min3A_2211, %reduce_min3A_2224 : i32
    %eq3A_2226 = vector.broadcast %min3A_2225 : i32 to vector<16xi32>
    %eq3A_2227 = arith.cmpi eq, %get3A_1635, %eq3A_2226 : vector<16xi32>
    %jit3A_2228 = arith.constant -3.000000e+38 : f32
    %broadcast_in_dim3A_2229 = vector.broadcast %jit3A_2228 : f32 to vector<16xf32>
    %select_n3A_2230 = arith.select %eq3A_2227, %broadcast_in_dim3A_2229, %select_n3A_2143 : vector<16xi1>, vector<16xf32>
    %eq3A_2231 = vector.broadcast %min3A_2225 : i32 to vector<16xi32>
    %eq3A_2232 = arith.cmpi eq, %get3A_1637, %eq3A_2231 : vector<16xi32>
    %jit3A_2233 = arith.constant -3.000000e+38 : f32
    %broadcast_in_dim3A_2234 = vector.broadcast %jit3A_2233 : f32 to vector<16xf32>
    %select_n3A_2235 = arith.select %eq3A_2232, %broadcast_in_dim3A_2234, %select_n3A_2148 : vector<16xi1>, vector<16xf32>
    %eq3A_2236 = vector.broadcast %min3A_2225 : i32 to vector<16xi32>
    %eq3A_2237 = arith.cmpi eq, %get3A_1639, %eq3A_2236 : vector<16xi32>
    %jit3A_2238 = arith.constant -3.000000e+38 : f32
    %broadcast_in_dim3A_2239 = vector.broadcast %jit3A_2238 : f32 to vector<16xf32>
    %select_n3A_2240 = arith.select %eq3A_2237, %broadcast_in_dim3A_2239, %select_n3A_2153 : vector<16xi1>, vector<16xf32>
    %eq3A_2241 = vector.broadcast %min3A_2225 : i32 to vector<16xi32>
    %eq3A_2242 = arith.cmpi eq, %get3A_1641, %eq3A_2241 : vector<16xi32>
    %jit3A_2243 = arith.constant -3.000000e+38 : f32
    %broadcast_in_dim3A_2244 = vector.broadcast %jit3A_2243 : f32 to vector<16xf32>
    %select_n3A_2245 = arith.select %eq3A_2242, %broadcast_in_dim3A_2244, %select_n3A_2158 : vector<16xi1>, vector<16xf32>
    %eq3A_2246 = arith.constant 6 : i32
    %eq3A_2247 = vector.broadcast %eq3A_2246 : i32 to vector<16xi32>
    %eq3A_2248 = arith.cmpi eq, %iota3A, %eq3A_2247 : vector<16xi32>
    %broadcast_in_dim3A_2249 = vector.broadcast %min3A_2225 : i32 to vector<16xi32>
    %select_n3A_2250 = arith.select %eq3A_2248, %broadcast_in_dim3A_2249, %select_n3A_2163 : vector<16xi1>, vector<16xi32>
    %max3A_2251 = arith.maximumf %select_n3A_2230, %select_n3A_2235 : vector<16xf32>
    %max3A_2252 = arith.maximumf %max3A_2251, %select_n3A_2240 : vector<16xf32>
    %max3A_2253 = arith.maximumf %max3A_2252, %select_n3A_2245 : vector<16xf32>
    %reduce_max3A_2254 = arith.constant true
    %reduce_max3A_2255 = vector.broadcast %reduce_max3A_2254 : i1 to vector<16xi1>
    %reduce_max3A_2256 = tpu.scan <max>, %max3A_2253 masked %reduce_max3A_2255 : vector<16xf32>, vector<16xi1> -> vector<16xf32>
    %reduce_max3A_2257 = vector.extract %reduce_max3A_2256[15] : f32 from vector<16xf32>
    %eq3A_2258 = vector.broadcast %reduce_max3A_2257 : f32 to vector<16xf32>
    %eq3A_2259 = arith.cmpf oeq, %select_n3A_2230, %eq3A_2258 : vector<16xf32>
    %jit3A_2260 = arith.constant 1073741824 : i32
    %broadcast_in_dim3A_2261 = vector.broadcast %jit3A_2260 : i32 to vector<16xi32>
    %select_n3A_2262 = arith.select %eq3A_2259, %get3A_1635, %broadcast_in_dim3A_2261 : vector<16xi1>, vector<16xi32>
    %reduce_min3A_2263 = arith.constant true
    %reduce_min3A_2264 = vector.broadcast %reduce_min3A_2263 : i1 to vector<16xi1>
    %reduce_min3A_2265 = arith.constant -2147483648 : i32
    %reduce_min3A_2266 = vector.broadcast %reduce_min3A_2265 : i32 to vector<16xi32>
    %reduce_min3A_2267 = arith.xori %select_n3A_2262, %reduce_min3A_2266 : vector<16xi32>
    %reduce_min3A_2268 = tpu.scan <min>, %reduce_min3A_2267 masked %reduce_min3A_2264 : vector<16xi32>, vector<16xi1> -> vector<16xi32>
    %reduce_min3A_2269 = arith.xori %reduce_min3A_2268, %reduce_min3A_2266 : vector<16xi32>
    %reduce_min3A_2270 = vector.extract %reduce_min3A_2269[15] : i32 from vector<16xi32>
    %eq3A_2271 = vector.broadcast %reduce_max3A_2257 : f32 to vector<16xf32>
    %eq3A_2272 = arith.cmpf oeq, %select_n3A_2235, %eq3A_2271 : vector<16xf32>
    %jit3A_2273 = arith.constant 1073741824 : i32
    %broadcast_in_dim3A_2274 = vector.broadcast %jit3A_2273 : i32 to vector<16xi32>
    %select_n3A_2275 = arith.select %eq3A_2272, %get3A_1637, %broadcast_in_dim3A_2274 : vector<16xi1>, vector<16xi32>
    %reduce_min3A_2276 = arith.constant true
    %reduce_min3A_2277 = vector.broadcast %reduce_min3A_2276 : i1 to vector<16xi1>
    %reduce_min3A_2278 = arith.constant -2147483648 : i32
    %reduce_min3A_2279 = vector.broadcast %reduce_min3A_2278 : i32 to vector<16xi32>
    %reduce_min3A_2280 = arith.xori %select_n3A_2275, %reduce_min3A_2279 : vector<16xi32>
    %reduce_min3A_2281 = tpu.scan <min>, %reduce_min3A_2280 masked %reduce_min3A_2277 : vector<16xi32>, vector<16xi1> -> vector<16xi32>
    %reduce_min3A_2282 = arith.xori %reduce_min3A_2281, %reduce_min3A_2279 : vector<16xi32>
    %reduce_min3A_2283 = vector.extract %reduce_min3A_2282[15] : i32 from vector<16xi32>
    %min3A_2284 = arith.minsi %reduce_min3A_2270, %reduce_min3A_2283 : i32
    %eq3A_2285 = vector.broadcast %reduce_max3A_2257 : f32 to vector<16xf32>
    %eq3A_2286 = arith.cmpf oeq, %select_n3A_2240, %eq3A_2285 : vector<16xf32>
    %jit3A_2287 = arith.constant 1073741824 : i32
    %broadcast_in_dim3A_2288 = vector.broadcast %jit3A_2287 : i32 to vector<16xi32>
    %select_n3A_2289 = arith.select %eq3A_2286, %get3A_1639, %broadcast_in_dim3A_2288 : vector<16xi1>, vector<16xi32>
    %reduce_min3A_2290 = arith.constant true
    %reduce_min3A_2291 = vector.broadcast %reduce_min3A_2290 : i1 to vector<16xi1>
    %reduce_min3A_2292 = arith.constant -2147483648 : i32
    %reduce_min3A_2293 = vector.broadcast %reduce_min3A_2292 : i32 to vector<16xi32>
    %reduce_min3A_2294 = arith.xori %select_n3A_2289, %reduce_min3A_2293 : vector<16xi32>
    %reduce_min3A_2295 = tpu.scan <min>, %reduce_min3A_2294 masked %reduce_min3A_2291 : vector<16xi32>, vector<16xi1> -> vector<16xi32>
    %reduce_min3A_2296 = arith.xori %reduce_min3A_2295, %reduce_min3A_2293 : vector<16xi32>
    %reduce_min3A_2297 = vector.extract %reduce_min3A_2296[15] : i32 from vector<16xi32>
    %min3A_2298 = arith.minsi %min3A_2284, %reduce_min3A_2297 : i32
    %eq3A_2299 = vector.broadcast %reduce_max3A_2257 : f32 to vector<16xf32>
    %eq3A_2300 = arith.cmpf oeq, %select_n3A_2245, %eq3A_2299 : vector<16xf32>
    %jit3A_2301 = arith.constant 1073741824 : i32
    %broadcast_in_dim3A_2302 = vector.broadcast %jit3A_2301 : i32 to vector<16xi32>
    %select_n3A_2303 = arith.select %eq3A_2300, %get3A_1641, %broadcast_in_dim3A_2302 : vector<16xi1>, vector<16xi32>
    %reduce_min3A_2304 = arith.constant true
    %reduce_min3A_2305 = vector.broadcast %reduce_min3A_2304 : i1 to vector<16xi1>
    %reduce_min3A_2306 = arith.constant -2147483648 : i32
    %reduce_min3A_2307 = vector.broadcast %reduce_min3A_2306 : i32 to vector<16xi32>
    %reduce_min3A_2308 = arith.xori %select_n3A_2303, %reduce_min3A_2307 : vector<16xi32>
    %reduce_min3A_2309 = tpu.scan <min>, %reduce_min3A_2308 masked %reduce_min3A_2305 : vector<16xi32>, vector<16xi1> -> vector<16xi32>
    %reduce_min3A_2310 = arith.xori %reduce_min3A_2309, %reduce_min3A_2307 : vector<16xi32>
    %reduce_min3A_2311 = vector.extract %reduce_min3A_2310[15] : i32 from vector<16xi32>
    %min3A_2312 = arith.minsi %min3A_2298, %reduce_min3A_2311 : i32
    %eq3A_2313 = vector.broadcast %min3A_2312 : i32 to vector<16xi32>
    %eq3A_2314 = arith.cmpi eq, %get3A_1635, %eq3A_2313 : vector<16xi32>
    %jit3A_2315 = arith.constant -3.000000e+38 : f32
    %broadcast_in_dim3A_2316 = vector.broadcast %jit3A_2315 : f32 to vector<16xf32>
    %select_n3A_2317 = arith.select %eq3A_2314, %broadcast_in_dim3A_2316, %select_n3A_2230 : vector<16xi1>, vector<16xf32>
    %eq3A_2318 = vector.broadcast %min3A_2312 : i32 to vector<16xi32>
    %eq3A_2319 = arith.cmpi eq, %get3A_1637, %eq3A_2318 : vector<16xi32>
    %jit3A_2320 = arith.constant -3.000000e+38 : f32
    %broadcast_in_dim3A_2321 = vector.broadcast %jit3A_2320 : f32 to vector<16xf32>
    %select_n3A_2322 = arith.select %eq3A_2319, %broadcast_in_dim3A_2321, %select_n3A_2235 : vector<16xi1>, vector<16xf32>
    %eq3A_2323 = vector.broadcast %min3A_2312 : i32 to vector<16xi32>
    %eq3A_2324 = arith.cmpi eq, %get3A_1639, %eq3A_2323 : vector<16xi32>
    %jit3A_2325 = arith.constant -3.000000e+38 : f32
    %broadcast_in_dim3A_2326 = vector.broadcast %jit3A_2325 : f32 to vector<16xf32>
    %select_n3A_2327 = arith.select %eq3A_2324, %broadcast_in_dim3A_2326, %select_n3A_2240 : vector<16xi1>, vector<16xf32>
    %eq3A_2328 = vector.broadcast %min3A_2312 : i32 to vector<16xi32>
    %eq3A_2329 = arith.cmpi eq, %get3A_1641, %eq3A_2328 : vector<16xi32>
    %jit3A_2330 = arith.constant -3.000000e+38 : f32
    %broadcast_in_dim3A_2331 = vector.broadcast %jit3A_2330 : f32 to vector<16xf32>
    %select_n3A_2332 = arith.select %eq3A_2329, %broadcast_in_dim3A_2331, %select_n3A_2245 : vector<16xi1>, vector<16xf32>
    %eq3A_2333 = arith.constant 7 : i32
    %eq3A_2334 = vector.broadcast %eq3A_2333 : i32 to vector<16xi32>
    %eq3A_2335 = arith.cmpi eq, %iota3A, %eq3A_2334 : vector<16xi32>
    %broadcast_in_dim3A_2336 = vector.broadcast %min3A_2312 : i32 to vector<16xi32>
    %select_n3A_2337 = arith.select %eq3A_2335, %broadcast_in_dim3A_2336, %select_n3A_2250 : vector<16xi1>, vector<16xi32>
    %swap3A_2338 = arith.constant 2 : i32
    %swap3A_2339 = arith.index_cast %swap3A_2338 : i32 to index
    %swap3A_2340 = arith.constant 0 : index
    %swap3A_2341 = tpu.vector_load %arg7[%swap3A_2339, %swap3A_2340] {strides = array<i32>} : memref<4x16xi32, #tpu.memory_space<vmem>>, vector<16xi32>,
    tpu.vector_store %arg7[%swap3A_2339, %swap3A_2340], %select_n3A_2337 {strides = array<i32>} : memref<4x16xi32, #tpu.memory_space<vmem>>, vector<16xi32>,
    %dma_wait3A_2342 = arith.constant 3 : i32
    %dma_wait3A_2343 = arith.constant 0 : i32
    %dma_wait3A_2344 = tpu.memref_slice %arg4[%dma_wait3A_2342, %dma_wait3A_2343] : memref<4x8192xf32, #tpu.memory_space<vmem>> -> memref<1x8192xf32, #tpu.memory_space<vmem>>
    %dma_wait3A_2345 = arith.constant 0 : i32
    %dma_wait3A_2346 = tpu.memref_slice %arg2[%add3A_39, %dma_wait3A_2345] : memref<128x8192xf32, #tpu.memory_space<hbm>> -> memref<1x8192xf32, #tpu.memory_space<hbm>>
    %dma_wait3A_2347 = arith.constant 3 : i32
    %dma_wait3A_2348 = arith.constant 0 : i32
    %dma_wait3A_2349 = tpu.memref_slice %arg4[%dma_wait3A_2347, %dma_wait3A_2348] : memref<4x8192xf32, #tpu.memory_space<vmem>> -> memref<1x8192xf32, #tpu.memory_space<vmem>>
    %dma_wait3A_2350 = arith.constant 0 : i32
    %dma_wait3A_2351 = tpu.memref_slice %arg2[%add3A_39, %dma_wait3A_2350] : memref<128x8192xf32, #tpu.memory_space<hbm>> -> memref<1x8192xf32, #tpu.memory_space<hbm>>
    tpu.wait_dma2 semaphore(%arg8 : memref<!tpu.dma_semaphore, #tpu.memory_space<semaphore_mem>>) src(%dma_wait3A_2351 : memref<1x8192xf32, #tpu.memory_space<hbm>>) dst(%dma_wait3A_2349 : memref<1x8192xf32, #tpu.memory_space<vmem>>)
    %scan3A_2352 = arith.constant 0 : i32
    %scan3A_2353 = arith.constant 64 : i32
    %scan3A_2354 = arith.addi %scan3A_2352, %scan3A_2353 : i32
    %scan3A_2355 = arith.constant 1 : i32
    %scan3A_2356:8 = scf.for %scan3A_3109 = %scan3A_2352 to %scan3A_2354 step %scan3A_2355 iter_args(%scan3A_3110 = %broadcast_in_dim3A_50, %scan3A_3111 = %broadcast_in_dim3A_50, %scan3A_3112 = %broadcast_in_dim3A_50, %scan3A_3113 = %broadcast_in_dim3A_50, %scan3A_3114 = %broadcast_in_dim3A_50, %scan3A_3115 = %broadcast_in_dim3A_50, %scan3A_3116 = %broadcast_in_dim3A_50, %scan3A_3117 = %broadcast_in_dim3A_50) -> (vector<16xf32>, vector<16xf32>, vector<16xf32>, vector<16xf32>, vector<16xf32>, vector<16xf32>, vector<16xf32>, vector<16xf32>)  : i32 {
      %mul3A_3118 = arith.constant 128 : i32
      %mul3A_3119 = arith.muli %scan3A_3109, %mul3A_3118 : i32
      %add3A_3120 = arith.constant 0 : i32
      %add3A_3121 = arith.addi %mul3A_3119, %add3A_3120 : i32
      %multiple_of3A = tpu.assume_multiple %add3A_3121, 16 : i32
      %get3A_3122 = arith.constant 3 : i32
      %get3A_3123 = arith.index_cast %get3A_3122 : i32 to index
      %get3A_3124 = arith.index_cast %multiple_of3A : i32 to index
      %get3A_3125 = tpu.vector_load %arg4[%get3A_3123, %get3A_3124] {strides = array<i32>} : memref<4x8192xf32, #tpu.memory_space<vmem>>, vector<16xf32>,
      %max3A_3126 = arith.maximumf %scan3A_3110, %get3A_3125 : vector<16xf32>
      %mul3A_3127 = arith.constant 128 : i32
      %mul3A_3128 = arith.muli %scan3A_3109, %mul3A_3127 : i32
      %add3A_3129 = arith.constant 16 : i32
      %add3A_3130 = arith.addi %mul3A_3128, %add3A_3129 : i32
      %multiple_of3A_3131 = tpu.assume_multiple %add3A_3130, 16 : i32
      %get3A_3132 = arith.constant 3 : i32
      %get3A_3133 = arith.index_cast %get3A_3132 : i32 to index
      %get3A_3134 = arith.index_cast %multiple_of3A_3131 : i32 to index
      %get3A_3135 = tpu.vector_load %arg4[%get3A_3133, %get3A_3134] {strides = array<i32>} : memref<4x8192xf32, #tpu.memory_space<vmem>>, vector<16xf32>,
      %max3A_3136 = arith.maximumf %scan3A_3111, %get3A_3135 : vector<16xf32>
      %mul3A_3137 = arith.constant 128 : i32
      %mul3A_3138 = arith.muli %scan3A_3109, %mul3A_3137 : i32
      %add3A_3139 = arith.constant 32 : i32
      %add3A_3140 = arith.addi %mul3A_3138, %add3A_3139 : i32
      %multiple_of3A_3141 = tpu.assume_multiple %add3A_3140, 16 : i32
      %get3A_3142 = arith.constant 3 : i32
      %get3A_3143 = arith.index_cast %get3A_3142 : i32 to index
      %get3A_3144 = arith.index_cast %multiple_of3A_3141 : i32 to index
      %get3A_3145 = tpu.vector_load %arg4[%get3A_3143, %get3A_3144] {strides = array<i32>} : memref<4x8192xf32, #tpu.memory_space<vmem>>, vector<16xf32>,
      %max3A_3146 = arith.maximumf %scan3A_3112, %get3A_3145 : vector<16xf32>
      %mul3A_3147 = arith.constant 128 : i32
      %mul3A_3148 = arith.muli %scan3A_3109, %mul3A_3147 : i32
      %add3A_3149 = arith.constant 48 : i32
      %add3A_3150 = arith.addi %mul3A_3148, %add3A_3149 : i32
      %multiple_of3A_3151 = tpu.assume_multiple %add3A_3150, 16 : i32
      %get3A_3152 = arith.constant 3 : i32
      %get3A_3153 = arith.index_cast %get3A_3152 : i32 to index
      %get3A_3154 = arith.index_cast %multiple_of3A_3151 : i32 to index
      %get3A_3155 = tpu.vector_load %arg4[%get3A_3153, %get3A_3154] {strides = array<i32>} : memref<4x8192xf32, #tpu.memory_space<vmem>>, vector<16xf32>,
      %max3A_3156 = arith.maximumf %scan3A_3113, %get3A_3155 : vector<16xf32>
      %mul3A_3157 = arith.constant 128 : i32
      %mul3A_3158 = arith.muli %scan3A_3109, %mul3A_3157 : i32
      %add3A_3159 = arith.constant 64 : i32
      %add3A_3160 = arith.addi %mul3A_3158, %add3A_3159 : i32
      %multiple_of3A_3161 = tpu.assume_multiple %add3A_3160, 16 : i32
      %get3A_3162 = arith.constant 3 : i32
      %get3A_3163 = arith.index_cast %get3A_3162 : i32 to index
      %get3A_3164 = arith.index_cast %multiple_of3A_3161 : i32 to index
      %get3A_3165 = tpu.vector_load %arg4[%get3A_3163, %get3A_3164] {strides = array<i32>} : memref<4x8192xf32, #tpu.memory_space<vmem>>, vector<16xf32>,
      %max3A_3166 = arith.maximumf %scan3A_3114, %get3A_3165 : vector<16xf32>
      %mul3A_3167 = arith.constant 128 : i32
      %mul3A_3168 = arith.muli %scan3A_3109, %mul3A_3167 : i32
      %add3A_3169 = arith.constant 80 : i32
      %add3A_3170 = arith.addi %mul3A_3168, %add3A_3169 : i32
      %multiple_of3A_3171 = tpu.assume_multiple %add3A_3170, 16 : i32
      %get3A_3172 = arith.constant 3 : i32
      %get3A_3173 = arith.index_cast %get3A_3172 : i32 to index
      %get3A_3174 = arith.index_cast %multiple_of3A_3171 : i32 to index
      %get3A_3175 = tpu.vector_load %arg4[%get3A_3173, %get3A_3174] {strides = array<i32>} : memref<4x8192xf32, #tpu.memory_space<vmem>>, vector<16xf32>,
      %max3A_3176 = arith.maximumf %scan3A_3115, %get3A_3175 : vector<16xf32>
      %mul3A_3177 = arith.constant 128 : i32
      %mul3A_3178 = arith.muli %scan3A_3109, %mul3A_3177 : i32
      %add3A_3179 = arith.constant 96 : i32
      %add3A_3180 = arith.addi %mul3A_3178, %add3A_3179 : i32
      %multiple_of3A_3181 = tpu.assume_multiple %add3A_3180, 16 : i32
      %get3A_3182 = arith.constant 3 : i32
      %get3A_3183 = arith.index_cast %get3A_3182 : i32 to index
      %get3A_3184 = arith.index_cast %multiple_of3A_3181 : i32 to index
      %get3A_3185 = tpu.vector_load %arg4[%get3A_3183, %get3A_3184] {strides = array<i32>} : memref<4x8192xf32, #tpu.memory_space<vmem>>, vector<16xf32>,
      %max3A_3186 = arith.maximumf %scan3A_3116, %get3A_3185 : vector<16xf32>
      %mul3A_3187 = arith.constant 128 : i32
      %mul3A_3188 = arith.muli %scan3A_3109, %mul3A_3187 : i32
      %add3A_3189 = arith.constant 112 : i32
      %add3A_3190 = arith.addi %mul3A_3188, %add3A_3189 : i32
      %multiple_of3A_3191 = tpu.assume_multiple %add3A_3190, 16 : i32
      %get3A_3192 = arith.constant 3 : i32
      %get3A_3193 = arith.index_cast %get3A_3192 : i32 to index
      %get3A_3194 = arith.index_cast %multiple_of3A_3191 : i32 to index
      %get3A_3195 = tpu.vector_load %arg4[%get3A_3193, %get3A_3194] {strides = array<i32>} : memref<4x8192xf32, #tpu.memory_space<vmem>>, vector<16xf32>,
      %max3A_3196 = arith.maximumf %scan3A_3117, %get3A_3195 : vector<16xf32>
      scf.yield %max3A_3126, %max3A_3136, %max3A_3146, %max3A_3156, %max3A_3166, %max3A_3176, %max3A_3186, %max3A_3196 : vector<16xf32>, vector<16xf32>, vector<16xf32>, vector<16xf32>, vector<16xf32>, vector<16xf32>, vector<16xf32>, vector<16xf32>
    }
    %scan3A_2357 = arith.constant 64 : i32
    %max3A_2358 = arith.maximumf %scan3A_2356#0, %scan3A_2356#1 : vector<16xf32>
    %max3A_2359 = arith.maximumf %max3A_2358, %scan3A_2356#2 : vector<16xf32>
    %max3A_2360 = arith.maximumf %max3A_2359, %scan3A_2356#3 : vector<16xf32>
    %max3A_2361 = arith.maximumf %max3A_2360, %scan3A_2356#4 : vector<16xf32>
    %max3A_2362 = arith.maximumf %max3A_2361, %scan3A_2356#5 : vector<16xf32>
    %max3A_2363 = arith.maximumf %max3A_2362, %scan3A_2356#6 : vector<16xf32>
    %max3A_2364 = arith.maximumf %max3A_2363, %scan3A_2356#7 : vector<16xf32>
    %masked_sort3A_2365 = arith.constant dense<true> : vector<16xi1>
    %masked_sort3A_2366, %masked_sort3A_2367, %masked_sort3A_2368 = tpu.sort %max3A_2364, %max3A_2364 masked %masked_sort3A_2365 {descending = true} : (vector<16xf32>, vector<16xf32>, vector<16xi1>) -> (vector<16xi1>, vector<16xf32>, vector<16xf32>)
    %slice3A_2369 = vector.extract_strided_slice %masked_sort3A_2367 {offsets = [7], sizes = [1], strides = [1]} : vector<16xf32> to vector<1xf32>
    %squeeze3A_2370 = vector.extract %slice3A_2369[0] : f32 from vector<1xf32>
    %swap3A_2371 = arith.constant 0 : index
    %swap3A_2372 = tpu.vector_load %arg5[%swap3A_2371] {strides = array<i32>} : memref<64xf32, #tpu.memory_space<vmem>>, vector<16xf32>,
    tpu.vector_store %arg5[%swap3A_2371], %broadcast_in_dim3A_50 {strides = array<i32>} : memref<64xf32, #tpu.memory_space<vmem>>, vector<16xf32>,
    %swap3A_2373 = arith.constant 0 : index
    %swap3A_2374 = tpu.vector_load %arg6[%swap3A_2373] {strides = array<i32>} : memref<64xi32, #tpu.memory_space<vmem>>, vector<16xi32>,
    tpu.vector_store %arg6[%swap3A_2373], %broadcast_in_dim3A_52 {strides = array<i32>} : memref<64xi32, #tpu.memory_space<vmem>>, vector<16xi32>,
    %swap3A_2375 = arith.constant 16 : index
    %swap3A_2376 = tpu.vector_load %arg5[%swap3A_2375] {strides = array<i32>} : memref<64xf32, #tpu.memory_space<vmem>>, vector<16xf32>,
    tpu.vector_store %arg5[%swap3A_2375], %broadcast_in_dim3A_50 {strides = array<i32>} : memref<64xf32, #tpu.memory_space<vmem>>, vector<16xf32>,
    %swap3A_2377 = arith.constant 16 : index
    %swap3A_2378 = tpu.vector_load %arg6[%swap3A_2377] {strides = array<i32>} : memref<64xi32, #tpu.memory_space<vmem>>, vector<16xi32>,
    tpu.vector_store %arg6[%swap3A_2377], %broadcast_in_dim3A_52 {strides = array<i32>} : memref<64xi32, #tpu.memory_space<vmem>>, vector<16xi32>,
    %swap3A_2379 = arith.constant 32 : index
    %swap3A_2380 = tpu.vector_load %arg5[%swap3A_2379] {strides = array<i32>} : memref<64xf32, #tpu.memory_space<vmem>>, vector<16xf32>,
    tpu.vector_store %arg5[%swap3A_2379], %broadcast_in_dim3A_50 {strides = array<i32>} : memref<64xf32, #tpu.memory_space<vmem>>, vector<16xf32>,
    %swap3A_2381 = arith.constant 32 : index
    %swap3A_2382 = tpu.vector_load %arg6[%swap3A_2381] {strides = array<i32>} : memref<64xi32, #tpu.memory_space<vmem>>, vector<16xi32>,
    tpu.vector_store %arg6[%swap3A_2381], %broadcast_in_dim3A_52 {strides = array<i32>} : memref<64xi32, #tpu.memory_space<vmem>>, vector<16xi32>,
    %swap3A_2383 = arith.constant 48 : index
    %swap3A_2384 = tpu.vector_load %arg5[%swap3A_2383] {strides = array<i32>} : memref<64xf32, #tpu.memory_space<vmem>>, vector<16xf32>,
    tpu.vector_store %arg5[%swap3A_2383], %broadcast_in_dim3A_50 {strides = array<i32>} : memref<64xf32, #tpu.memory_space<vmem>>, vector<16xf32>,
    %swap3A_2385 = arith.constant 48 : index
    %swap3A_2386 = tpu.vector_load %arg6[%swap3A_2385] {strides = array<i32>} : memref<64xi32, #tpu.memory_space<vmem>>, vector<16xi32>,
    tpu.vector_store %arg6[%swap3A_2385], %broadcast_in_dim3A_52 {strides = array<i32>} : memref<64xi32, #tpu.memory_space<vmem>>, vector<16xi32>,
    %scan3A_2387 = arith.constant 0 : i32
    %scan3A_2388 = arith.constant 64 : i32
    %scan3A_2389 = arith.addi %scan3A_2387, %scan3A_2388 : i32
    %scan3A_2390 = arith.constant 1 : i32
    %scan3A_2391 = scf.for %scan3A_3109 = %scan3A_2387 to %scan3A_2389 step %scan3A_2390 iter_args(%scan3A_3110 = %broadcast_in_dim3A_54) -> (vector<16xi32>)  : i32 {
      %mul3A_3111 = arith.constant 128 : i32
      %mul3A_3112 = arith.muli %scan3A_3109, %mul3A_3111 : i32
      %add3A_3113 = arith.constant 0 : i32
      %add3A_3114 = arith.addi %mul3A_3112, %add3A_3113 : i32
      %multiple_of3A = tpu.assume_multiple %add3A_3114, 16 : i32
      %get3A_3115 = arith.constant 3 : i32
      %get3A_3116 = arith.index_cast %get3A_3115 : i32 to index
      %get3A_3117 = arith.index_cast %multiple_of3A : i32 to index
      %get3A_3118 = tpu.vector_load %arg4[%get3A_3116, %get3A_3117] {strides = array<i32>} : memref<4x8192xf32, #tpu.memory_space<vmem>>, vector<16xf32>,
      %add3A_3119 = arith.constant 16 : i32
      %add3A_3120 = arith.addi %mul3A_3112, %add3A_3119 : i32
      %multiple_of3A_3121 = tpu.assume_multiple %add3A_3120, 16 : i32
      %get3A_3122 = arith.constant 3 : i32
      %get3A_3123 = arith.index_cast %get3A_3122 : i32 to index
      %get3A_3124 = arith.index_cast %multiple_of3A_3121 : i32 to index
      %get3A_3125 = tpu.vector_load %arg4[%get3A_3123, %get3A_3124] {strides = array<i32>} : memref<4x8192xf32, #tpu.memory_space<vmem>>, vector<16xf32>,
      %add3A_3126 = arith.constant 32 : i32
      %add3A_3127 = arith.addi %mul3A_3112, %add3A_3126 : i32
      %multiple_of3A_3128 = tpu.assume_multiple %add3A_3127, 16 : i32
      %get3A_3129 = arith.constant 3 : i32
      %get3A_3130 = arith.index_cast %get3A_3129 : i32 to index
      %get3A_3131 = arith.index_cast %multiple_of3A_3128 : i32 to index
      %get3A_3132 = tpu.vector_load %arg4[%get3A_3130, %get3A_3131] {strides = array<i32>} : memref<4x8192xf32, #tpu.memory_space<vmem>>, vector<16xf32>,
      %add3A_3133 = arith.constant 48 : i32
      %add3A_3134 = arith.addi %mul3A_3112, %add3A_3133 : i32
      %multiple_of3A_3135 = tpu.assume_multiple %add3A_3134, 16 : i32
      %get3A_3136 = arith.constant 3 : i32
      %get3A_3137 = arith.index_cast %get3A_3136 : i32 to index
      %get3A_3138 = arith.index_cast %multiple_of3A_3135 : i32 to index
      %get3A_3139 = tpu.vector_load %arg4[%get3A_3137, %get3A_3138] {strides = array<i32>} : memref<4x8192xf32, #tpu.memory_space<vmem>>, vector<16xf32>,
      %add3A_3140 = arith.constant 64 : i32
      %add3A_3141 = arith.addi %mul3A_3112, %add3A_3140 : i32
      %multiple_of3A_3142 = tpu.assume_multiple %add3A_3141, 16 : i32
      %get3A_3143 = arith.constant 3 : i32
      %get3A_3144 = arith.index_cast %get3A_3143 : i32 to index
      %get3A_3145 = arith.index_cast %multiple_of3A_3142 : i32 to index
      %get3A_3146 = tpu.vector_load %arg4[%get3A_3144, %get3A_3145] {strides = array<i32>} : memref<4x8192xf32, #tpu.memory_space<vmem>>, vector<16xf32>,
      %add3A_3147 = arith.constant 80 : i32
      %add3A_3148 = arith.addi %mul3A_3112, %add3A_3147 : i32
      %multiple_of3A_3149 = tpu.assume_multiple %add3A_3148, 16 : i32
      %get3A_3150 = arith.constant 3 : i32
      %get3A_3151 = arith.index_cast %get3A_3150 : i32 to index
      %get3A_3152 = arith.index_cast %multiple_of3A_3149 : i32 to index
      %get3A_3153 = tpu.vector_load %arg4[%get3A_3151, %get3A_3152] {strides = array<i32>} : memref<4x8192xf32, #tpu.memory_space<vmem>>, vector<16xf32>,
      %add3A_3154 = arith.constant 96 : i32
      %add3A_3155 = arith.addi %mul3A_3112, %add3A_3154 : i32
      %multiple_of3A_3156 = tpu.assume_multiple %add3A_3155, 16 : i32
      %get3A_3157 = arith.constant 3 : i32
      %get3A_3158 = arith.index_cast %get3A_3157 : i32 to index
      %get3A_3159 = arith.index_cast %multiple_of3A_3156 : i32 to index
      %get3A_3160 = tpu.vector_load %arg4[%get3A_3158, %get3A_3159] {strides = array<i32>} : memref<4x8192xf32, #tpu.memory_space<vmem>>, vector<16xf32>,
      %add3A_3161 = arith.constant 112 : i32
      %add3A_3162 = arith.addi %mul3A_3112, %add3A_3161 : i32
      %multiple_of3A_3163 = tpu.assume_multiple %add3A_3162, 16 : i32
      %get3A_3164 = arith.constant 3 : i32
      %get3A_3165 = arith.index_cast %get3A_3164 : i32 to index
      %get3A_3166 = arith.index_cast %multiple_of3A_3163 : i32 to index
      %get3A_3167 = tpu.vector_load %arg4[%get3A_3165, %get3A_3166] {strides = array<i32>} : memref<4x8192xf32, #tpu.memory_space<vmem>>, vector<16xf32>,
      %max3A_3168 = arith.maximumf %get3A_3118, %get3A_3125 : vector<16xf32>
      %max3A_3169 = arith.maximumf %max3A_3168, %get3A_3132 : vector<16xf32>
      %max3A_3170 = arith.maximumf %max3A_3169, %get3A_3139 : vector<16xf32>
      %max3A_3171 = arith.maximumf %max3A_3170, %get3A_3146 : vector<16xf32>
      %max3A_3172 = arith.maximumf %max3A_3171, %get3A_3153 : vector<16xf32>
      %max3A_3173 = arith.maximumf %max3A_3172, %get3A_3160 : vector<16xf32>
      %max3A_3174 = arith.maximumf %max3A_3173, %get3A_3167 : vector<16xf32>
      %ge3A = vector.broadcast %squeeze3A_2370 : f32 to vector<16xf32>
      %ge3A_3175 = arith.cmpf oge, %max3A_3174, %ge3A : vector<16xf32>
      %all_reduce_population_count3A = tpu.all_reduce %ge3A_3175 {dim = 0 : i64, kind = #tpu.reduction_kind<sum>} : vector<16xi1> -> vector<16xi32>
      %slice3A_3176 = vector.extract_strided_slice %all_reduce_population_count3A {offsets = [0], sizes = [1], strides = [1]} : vector<16xi32> to vector<1xi32>
      %squeeze3A_3177 = vector.extract %slice3A_3176[0] : i32 from vector<1xi32>
      %gt3A = arith.constant 0 : i32
      %gt3A_3178 = arith.cmpi sgt, %squeeze3A_3177, %gt3A : i32
      %convert_element_type3A = arith.extui %gt3A_3178 : i1 to i32
      %cond3A = arith.constant 0 : i32
      %cond3A_3179 = arith.cmpi ne, %convert_element_type3A, %cond3A : i32
      %cond3A_3180 = scf.if %cond3A_3179 -> (vector<16xi32>) {
        %ge3A_3181 = vector.broadcast %squeeze3A_2370 : f32 to vector<16xf32>
        %ge3A_3182 = arith.cmpf oge, %get3A_3118, %ge3A_3181 : vector<16xf32>
        %convert_element_type3A_3183 = arith.extui %ge3A_3182 : vector<16xi1> to vector<16xi32>
        %broadcast_in_dim3A_3184 = arith.constant true
        %broadcast_in_dim3A_3185 = vector.broadcast %broadcast_in_dim3A_3184 : i1 to vector<16xi1>
        %masked_cumsum3A = tpu.scan <sum>, %convert_element_type3A_3183 masked %broadcast_in_dim3A_3185 : vector<16xi32>, vector<16xi1> -> vector<16xi32>
        %sub3A = arith.constant 1 : i32
        %sub3A_3186 = vector.broadcast %sub3A : i32 to vector<16xi32>
        %sub3A_3187 = arith.subi %masked_cumsum3A, %sub3A_3186 : vector<16xi32>
        %add3A_3188 = arith.addi %sub3A_3187, %scan3A_3110 : vector<16xi32>
        %min3A_3189 = arith.constant 63 : i32
        %min3A_3190 = vector.broadcast %min3A_3189 : i32 to vector<16xi32>
        %min3A_3191 = arith.minsi %add3A_3188, %min3A_3190 : vector<16xi32>
        tpu.vector_store_idx %arg5[%min3A_3191], %get3A_3118 masked %ge3A_3182 : memref<64xf32, #tpu.memory_space<vmem>>[vector<16xi32>], vector<16xf32>, vector<16xi1>
        %add3A_3192 = arith.constant 0 : i32
        %add3A_3193 = arith.addi %mul3A_3112, %add3A_3192 : i32
        %add3A_3194 = vector.broadcast %add3A_3193 : i32 to vector<16xi32>
        %add3A_3195 = arith.addi %iota3A, %add3A_3194 : vector<16xi32>
        tpu.vector_store_idx %arg6[%min3A_3191], %add3A_3195 masked %ge3A_3182 : memref<64xi32, #tpu.memory_space<vmem>>[vector<16xi32>], vector<16xi32>, vector<16xi1>
        %all_reduce_population_count3A_3196 = tpu.all_reduce %ge3A_3182 {dim = 0 : i64, kind = #tpu.reduction_kind<sum>} : vector<16xi1> -> vector<16xi32>
        %add3A_3197 = arith.addi %scan3A_3110, %all_reduce_population_count3A_3196 : vector<16xi32>
        %ge3A_3198 = vector.broadcast %squeeze3A_2370 : f32 to vector<16xf32>
        %ge3A_3199 = arith.cmpf oge, %get3A_3125, %ge3A_3198 : vector<16xf32>
        %convert_element_type3A_3200 = arith.extui %ge3A_3199 : vector<16xi1> to vector<16xi32>
        %broadcast_in_dim3A_3201 = arith.constant true
        %broadcast_in_dim3A_3202 = vector.broadcast %broadcast_in_dim3A_3201 : i1 to vector<16xi1>
        %masked_cumsum3A_3203 = tpu.scan <sum>, %convert_element_type3A_3200 masked %broadcast_in_dim3A_3202 : vector<16xi32>, vector<16xi1> -> vector<16xi32>
        %sub3A_3204 = arith.constant 1 : i32
        %sub3A_3205 = vector.broadcast %sub3A_3204 : i32 to vector<16xi32>
        %sub3A_3206 = arith.subi %masked_cumsum3A_3203, %sub3A_3205 : vector<16xi32>
        %add3A_3207 = arith.addi %sub3A_3206, %add3A_3197 : vector<16xi32>
        %min3A_3208 = arith.constant 63 : i32
        %min3A_3209 = vector.broadcast %min3A_3208 : i32 to vector<16xi32>
        %min3A_3210 = arith.minsi %add3A_3207, %min3A_3209 : vector<16xi32>
        tpu.vector_store_idx %arg5[%min3A_3210], %get3A_3125 masked %ge3A_3199 : memref<64xf32, #tpu.memory_space<vmem>>[vector<16xi32>], vector<16xf32>, vector<16xi1>
        %add3A_3211 = arith.constant 16 : i32
        %add3A_3212 = arith.addi %mul3A_3112, %add3A_3211 : i32
        %add3A_3213 = vector.broadcast %add3A_3212 : i32 to vector<16xi32>
        %add3A_3214 = arith.addi %iota3A, %add3A_3213 : vector<16xi32>
        tpu.vector_store_idx %arg6[%min3A_3210], %add3A_3214 masked %ge3A_3199 : memref<64xi32, #tpu.memory_space<vmem>>[vector<16xi32>], vector<16xi32>, vector<16xi1>
        %all_reduce_population_count3A_3215 = tpu.all_reduce %ge3A_3199 {dim = 0 : i64, kind = #tpu.reduction_kind<sum>} : vector<16xi1> -> vector<16xi32>
        %add3A_3216 = arith.addi %add3A_3197, %all_reduce_population_count3A_3215 : vector<16xi32>
        %ge3A_3217 = vector.broadcast %squeeze3A_2370 : f32 to vector<16xf32>
        %ge3A_3218 = arith.cmpf oge, %get3A_3132, %ge3A_3217 : vector<16xf32>
        %convert_element_type3A_3219 = arith.extui %ge3A_3218 : vector<16xi1> to vector<16xi32>
        %broadcast_in_dim3A_3220 = arith.constant true
        %broadcast_in_dim3A_3221 = vector.broadcast %broadcast_in_dim3A_3220 : i1 to vector<16xi1>
        %masked_cumsum3A_3222 = tpu.scan <sum>, %convert_element_type3A_3219 masked %broadcast_in_dim3A_3221 : vector<16xi32>, vector<16xi1> -> vector<16xi32>
        %sub3A_3223 = arith.constant 1 : i32
        %sub3A_3224 = vector.broadcast %sub3A_3223 : i32 to vector<16xi32>
        %sub3A_3225 = arith.subi %masked_cumsum3A_3222, %sub3A_3224 : vector<16xi32>
        %add3A_3226 = arith.addi %sub3A_3225, %add3A_3216 : vector<16xi32>
        %min3A_3227 = arith.constant 63 : i32
        %min3A_3228 = vector.broadcast %min3A_3227 : i32 to vector<16xi32>
        %min3A_3229 = arith.minsi %add3A_3226, %min3A_3228 : vector<16xi32>
        tpu.vector_store_idx %arg5[%min3A_3229], %get3A_3132 masked %ge3A_3218 : memref<64xf32, #tpu.memory_space<vmem>>[vector<16xi32>], vector<16xf32>, vector<16xi1>
        %add3A_3230 = arith.constant 32 : i32
        %add3A_3231 = arith.addi %mul3A_3112, %add3A_3230 : i32
        %add3A_3232 = vector.broadcast %add3A_3231 : i32 to vector<16xi32>
        %add3A_3233 = arith.addi %iota3A, %add3A_3232 : vector<16xi32>
        tpu.vector_store_idx %arg6[%min3A_3229], %add3A_3233 masked %ge3A_3218 : memref<64xi32, #tpu.memory_space<vmem>>[vector<16xi32>], vector<16xi32>, vector<16xi1>
        %all_reduce_population_count3A_3234 = tpu.all_reduce %ge3A_3218 {dim = 0 : i64, kind = #tpu.reduction_kind<sum>} : vector<16xi1> -> vector<16xi32>
        %add3A_3235 = arith.addi %add3A_3216, %all_reduce_population_count3A_3234 : vector<16xi32>
        %ge3A_3236 = vector.broadcast %squeeze3A_2370 : f32 to vector<16xf32>
        %ge3A_3237 = arith.cmpf oge, %get3A_3139, %ge3A_3236 : vector<16xf32>
        %convert_element_type3A_3238 = arith.extui %ge3A_3237 : vector<16xi1> to vector<16xi32>
        %broadcast_in_dim3A_3239 = arith.constant true
        %broadcast_in_dim3A_3240 = vector.broadcast %broadcast_in_dim3A_3239 : i1 to vector<16xi1>
        %masked_cumsum3A_3241 = tpu.scan <sum>, %convert_element_type3A_3238 masked %broadcast_in_dim3A_3240 : vector<16xi32>, vector<16xi1> -> vector<16xi32>
        %sub3A_3242 = arith.constant 1 : i32
        %sub3A_3243 = vector.broadcast %sub3A_3242 : i32 to vector<16xi32>
        %sub3A_3244 = arith.subi %masked_cumsum3A_3241, %sub3A_3243 : vector<16xi32>
        %add3A_3245 = arith.addi %sub3A_3244, %add3A_3235 : vector<16xi32>
        %min3A_3246 = arith.constant 63 : i32
        %min3A_3247 = vector.broadcast %min3A_3246 : i32 to vector<16xi32>
        %min3A_3248 = arith.minsi %add3A_3245, %min3A_3247 : vector<16xi32>
        tpu.vector_store_idx %arg5[%min3A_3248], %get3A_3139 masked %ge3A_3237 : memref<64xf32, #tpu.memory_space<vmem>>[vector<16xi32>], vector<16xf32>, vector<16xi1>
        %add3A_3249 = arith.constant 48 : i32
        %add3A_3250 = arith.addi %mul3A_3112, %add3A_3249 : i32
        %add3A_3251 = vector.broadcast %add3A_3250 : i32 to vector<16xi32>
        %add3A_3252 = arith.addi %iota3A, %add3A_3251 : vector<16xi32>
        tpu.vector_store_idx %arg6[%min3A_3248], %add3A_3252 masked %ge3A_3237 : memref<64xi32, #tpu.memory_space<vmem>>[vector<16xi32>], vector<16xi32>, vector<16xi1>
        %all_reduce_population_count3A_3253 = tpu.all_reduce %ge3A_3237 {dim = 0 : i64, kind = #tpu.reduction_kind<sum>} : vector<16xi1> -> vector<16xi32>
        %add3A_3254 = arith.addi %add3A_3235, %all_reduce_population_count3A_3253 : vector<16xi32>
        %ge3A_3255 = vector.broadcast %squeeze3A_2370 : f32 to vector<16xf32>
        %ge3A_3256 = arith.cmpf oge, %get3A_3146, %ge3A_3255 : vector<16xf32>
        %convert_element_type3A_3257 = arith.extui %ge3A_3256 : vector<16xi1> to vector<16xi32>
        %broadcast_in_dim3A_3258 = arith.constant true
        %broadcast_in_dim3A_3259 = vector.broadcast %broadcast_in_dim3A_3258 : i1 to vector<16xi1>
        %masked_cumsum3A_3260 = tpu.scan <sum>, %convert_element_type3A_3257 masked %broadcast_in_dim3A_3259 : vector<16xi32>, vector<16xi1> -> vector<16xi32>
        %sub3A_3261 = arith.constant 1 : i32
        %sub3A_3262 = vector.broadcast %sub3A_3261 : i32 to vector<16xi32>
        %sub3A_3263 = arith.subi %masked_cumsum3A_3260, %sub3A_3262 : vector<16xi32>
        %add3A_3264 = arith.addi %sub3A_3263, %add3A_3254 : vector<16xi32>
        %min3A_3265 = arith.constant 63 : i32
        %min3A_3266 = vector.broadcast %min3A_3265 : i32 to vector<16xi32>
        %min3A_3267 = arith.minsi %add3A_3264, %min3A_3266 : vector<16xi32>
        tpu.vector_store_idx %arg5[%min3A_3267], %get3A_3146 masked %ge3A_3256 : memref<64xf32, #tpu.memory_space<vmem>>[vector<16xi32>], vector<16xf32>, vector<16xi1>
        %add3A_3268 = arith.constant 64 : i32
        %add3A_3269 = arith.addi %mul3A_3112, %add3A_3268 : i32
        %add3A_3270 = vector.broadcast %add3A_3269 : i32 to vector<16xi32>
        %add3A_3271 = arith.addi %iota3A, %add3A_3270 : vector<16xi32>
        tpu.vector_store_idx %arg6[%min3A_3267], %add3A_3271 masked %ge3A_3256 : memref<64xi32, #tpu.memory_space<vmem>>[vector<16xi32>], vector<16xi32>, vector<16xi1>
        %all_reduce_population_count3A_3272 = tpu.all_reduce %ge3A_3256 {dim = 0 : i64, kind = #tpu.reduction_kind<sum>} : vector<16xi1> -> vector<16xi32>
        %add3A_3273 = arith.addi %add3A_3254, %all_reduce_population_count3A_3272 : vector<16xi32>
        %ge3A_3274 = vector.broadcast %squeeze3A_2370 : f32 to vector<16xf32>
        %ge3A_3275 = arith.cmpf oge, %get3A_3153, %ge3A_3274 : vector<16xf32>
        %convert_element_type3A_3276 = arith.extui %ge3A_3275 : vector<16xi1> to vector<16xi32>
        %broadcast_in_dim3A_3277 = arith.constant true
        %broadcast_in_dim3A_3278 = vector.broadcast %broadcast_in_dim3A_3277 : i1 to vector<16xi1>
        %masked_cumsum3A_3279 = tpu.scan <sum>, %convert_element_type3A_3276 masked %broadcast_in_dim3A_3278 : vector<16xi32>, vector<16xi1> -> vector<16xi32>
        %sub3A_3280 = arith.constant 1 : i32
        %sub3A_3281 = vector.broadcast %sub3A_3280 : i32 to vector<16xi32>
        %sub3A_3282 = arith.subi %masked_cumsum3A_3279, %sub3A_3281 : vector<16xi32>
        %add3A_3283 = arith.addi %sub3A_3282, %add3A_3273 : vector<16xi32>
        %min3A_3284 = arith.constant 63 : i32
        %min3A_3285 = vector.broadcast %min3A_3284 : i32 to vector<16xi32>
        %min3A_3286 = arith.minsi %add3A_3283, %min3A_3285 : vector<16xi32>
        tpu.vector_store_idx %arg5[%min3A_3286], %get3A_3153 masked %ge3A_3275 : memref<64xf32, #tpu.memory_space<vmem>>[vector<16xi32>], vector<16xf32>, vector<16xi1>
        %add3A_3287 = arith.constant 80 : i32
        %add3A_3288 = arith.addi %mul3A_3112, %add3A_3287 : i32
        %add3A_3289 = vector.broadcast %add3A_3288 : i32 to vector<16xi32>
        %add3A_3290 = arith.addi %iota3A, %add3A_3289 : vector<16xi32>
        tpu.vector_store_idx %arg6[%min3A_3286], %add3A_3290 masked %ge3A_3275 : memref<64xi32, #tpu.memory_space<vmem>>[vector<16xi32>], vector<16xi32>, vector<16xi1>
        %all_reduce_population_count3A_3291 = tpu.all_reduce %ge3A_3275 {dim = 0 : i64, kind = #tpu.reduction_kind<sum>} : vector<16xi1> -> vector<16xi32>
        %add3A_3292 = arith.addi %add3A_3273, %all_reduce_population_count3A_3291 : vector<16xi32>
        %ge3A_3293 = vector.broadcast %squeeze3A_2370 : f32 to vector<16xf32>
        %ge3A_3294 = arith.cmpf oge, %get3A_3160, %ge3A_3293 : vector<16xf32>
        %convert_element_type3A_3295 = arith.extui %ge3A_3294 : vector<16xi1> to vector<16xi32>
        %broadcast_in_dim3A_3296 = arith.constant true
        %broadcast_in_dim3A_3297 = vector.broadcast %broadcast_in_dim3A_3296 : i1 to vector<16xi1>
        %masked_cumsum3A_3298 = tpu.scan <sum>, %convert_element_type3A_3295 masked %broadcast_in_dim3A_3297 : vector<16xi32>, vector<16xi1> -> vector<16xi32>
        %sub3A_3299 = arith.constant 1 : i32
        %sub3A_3300 = vector.broadcast %sub3A_3299 : i32 to vector<16xi32>
        %sub3A_3301 = arith.subi %masked_cumsum3A_3298, %sub3A_3300 : vector<16xi32>
        %add3A_3302 = arith.addi %sub3A_3301, %add3A_3292 : vector<16xi32>
        %min3A_3303 = arith.constant 63 : i32
        %min3A_3304 = vector.broadcast %min3A_3303 : i32 to vector<16xi32>
        %min3A_3305 = arith.minsi %add3A_3302, %min3A_3304 : vector<16xi32>
        tpu.vector_store_idx %arg5[%min3A_3305], %get3A_3160 masked %ge3A_3294 : memref<64xf32, #tpu.memory_space<vmem>>[vector<16xi32>], vector<16xf32>, vector<16xi1>
        %add3A_3306 = arith.constant 96 : i32
        %add3A_3307 = arith.addi %mul3A_3112, %add3A_3306 : i32
        %add3A_3308 = vector.broadcast %add3A_3307 : i32 to vector<16xi32>
        %add3A_3309 = arith.addi %iota3A, %add3A_3308 : vector<16xi32>
        tpu.vector_store_idx %arg6[%min3A_3305], %add3A_3309 masked %ge3A_3294 : memref<64xi32, #tpu.memory_space<vmem>>[vector<16xi32>], vector<16xi32>, vector<16xi1>
        %all_reduce_population_count3A_3310 = tpu.all_reduce %ge3A_3294 {dim = 0 : i64, kind = #tpu.reduction_kind<sum>} : vector<16xi1> -> vector<16xi32>
        %add3A_3311 = arith.addi %add3A_3292, %all_reduce_population_count3A_3310 : vector<16xi32>
        %ge3A_3312 = vector.broadcast %squeeze3A_2370 : f32 to vector<16xf32>
        %ge3A_3313 = arith.cmpf oge, %get3A_3167, %ge3A_3312 : vector<16xf32>
        %convert_element_type3A_3314 = arith.extui %ge3A_3313 : vector<16xi1> to vector<16xi32>
        %broadcast_in_dim3A_3315 = arith.constant true
        %broadcast_in_dim3A_3316 = vector.broadcast %broadcast_in_dim3A_3315 : i1 to vector<16xi1>
        %masked_cumsum3A_3317 = tpu.scan <sum>, %convert_element_type3A_3314 masked %broadcast_in_dim3A_3316 : vector<16xi32>, vector<16xi1> -> vector<16xi32>
        %sub3A_3318 = arith.constant 1 : i32
        %sub3A_3319 = vector.broadcast %sub3A_3318 : i32 to vector<16xi32>
        %sub3A_3320 = arith.subi %masked_cumsum3A_3317, %sub3A_3319 : vector<16xi32>
        %add3A_3321 = arith.addi %sub3A_3320, %add3A_3311 : vector<16xi32>
        %min3A_3322 = arith.constant 63 : i32
        %min3A_3323 = vector.broadcast %min3A_3322 : i32 to vector<16xi32>
        %min3A_3324 = arith.minsi %add3A_3321, %min3A_3323 : vector<16xi32>
        tpu.vector_store_idx %arg5[%min3A_3324], %get3A_3167 masked %ge3A_3313 : memref<64xf32, #tpu.memory_space<vmem>>[vector<16xi32>], vector<16xf32>, vector<16xi1>
        %add3A_3325 = arith.constant 112 : i32
        %add3A_3326 = arith.addi %mul3A_3112, %add3A_3325 : i32
        %add3A_3327 = vector.broadcast %add3A_3326 : i32 to vector<16xi32>
        %add3A_3328 = arith.addi %iota3A, %add3A_3327 : vector<16xi32>
        tpu.vector_store_idx %arg6[%min3A_3324], %add3A_3328 masked %ge3A_3313 : memref<64xi32, #tpu.memory_space<vmem>>[vector<16xi32>], vector<16xi32>, vector<16xi1>
        %all_reduce_population_count3A_3329 = tpu.all_reduce %ge3A_3313 {dim = 0 : i64, kind = #tpu.reduction_kind<sum>} : vector<16xi1> -> vector<16xi32>
        %add3A_3330 = arith.addi %add3A_3311, %all_reduce_population_count3A_3329 : vector<16xi32>
        scf.yield %add3A_3330 : vector<16xi32>
      } else {
        scf.yield %scan3A_3110 : vector<16xi32>
      }
      scf.yield %cond3A_3180 : vector<16xi32>
    }
    %scan3A_2392 = arith.constant 64 : i32
    %get3A_2393 = arith.constant 0 : index
    %get3A_2394 = tpu.vector_load %arg5[%get3A_2393] {strides = array<i32>} : memref<64xf32, #tpu.memory_space<vmem>>, vector<16xf32>,
    %get3A_2395 = arith.constant 16 : index
    %get3A_2396 = tpu.vector_load %arg5[%get3A_2395] {strides = array<i32>} : memref<64xf32, #tpu.memory_space<vmem>>, vector<16xf32>,
    %get3A_2397 = arith.constant 32 : index
    %get3A_2398 = tpu.vector_load %arg5[%get3A_2397] {strides = array<i32>} : memref<64xf32, #tpu.memory_space<vmem>>, vector<16xf32>,
    %get3A_2399 = arith.constant 48 : index
    %get3A_2400 = tpu.vector_load %arg5[%get3A_2399] {strides = array<i32>} : memref<64xf32, #tpu.memory_space<vmem>>, vector<16xf32>,
    %get3A_2401 = arith.constant 0 : index
    %get3A_2402 = tpu.vector_load %arg6[%get3A_2401] {strides = array<i32>} : memref<64xi32, #tpu.memory_space<vmem>>, vector<16xi32>,
    %get3A_2403 = arith.constant 16 : index
    %get3A_2404 = tpu.vector_load %arg6[%get3A_2403] {strides = array<i32>} : memref<64xi32, #tpu.memory_space<vmem>>, vector<16xi32>,
    %get3A_2405 = arith.constant 32 : index
    %get3A_2406 = tpu.vector_load %arg6[%get3A_2405] {strides = array<i32>} : memref<64xi32, #tpu.memory_space<vmem>>, vector<16xi32>,
    %get3A_2407 = arith.constant 48 : index
    %get3A_2408 = tpu.vector_load %arg6[%get3A_2407] {strides = array<i32>} : memref<64xi32, #tpu.memory_space<vmem>>, vector<16xi32>,
    %max3A_2409 = arith.maximumf %get3A_2394, %get3A_2396 : vector<16xf32>
    %max3A_2410 = arith.maximumf %max3A_2409, %get3A_2398 : vector<16xf32>
    %max3A_2411 = arith.maximumf %max3A_2410, %get3A_2400 : vector<16xf32>
    %reduce_max3A_2412 = arith.constant true
    %reduce_max3A_2413 = vector.broadcast %reduce_max3A_2412 : i1 to vector<16xi1>
    %reduce_max3A_2414 = tpu.scan <max>, %max3A_2411 masked %reduce_max3A_2413 : vector<16xf32>, vector<16xi1> -> vector<16xf32>
    %reduce_max3A_2415 = vector.extract %reduce_max3A_2414[15] : f32 from vector<16xf32>
    %eq3A_2416 = vector.broadcast %reduce_max3A_2415 : f32 to vector<16xf32>
    %eq3A_2417 = arith.cmpf oeq, %get3A_2394, %eq3A_2416 : vector<16xf32>
    %jit3A_2418 = arith.constant 1073741824 : i32
    %broadcast_in_dim3A_2419 = vector.broadcast %jit3A_2418 : i32 to vector<16xi32>
    %select_n3A_2420 = arith.select %eq3A_2417, %get3A_2402, %broadcast_in_dim3A_2419 : vector<16xi1>, vector<16xi32>
    %reduce_min3A_2421 = arith.constant true
    %reduce_min3A_2422 = vector.broadcast %reduce_min3A_2421 : i1 to vector<16xi1>
    %reduce_min3A_2423 = arith.constant -2147483648 : i32
    %reduce_min3A_2424 = vector.broadcast %reduce_min3A_2423 : i32 to vector<16xi32>
    %reduce_min3A_2425 = arith.xori %select_n3A_2420, %reduce_min3A_2424 : vector<16xi32>
    %reduce_min3A_2426 = tpu.scan <min>, %reduce_min3A_2425 masked %reduce_min3A_2422 : vector<16xi32>, vector<16xi1> -> vector<16xi32>
    %reduce_min3A_2427 = arith.xori %reduce_min3A_2426, %reduce_min3A_2424 : vector<16xi32>
    %reduce_min3A_2428 = vector.extract %reduce_min3A_2427[15] : i32 from vector<16xi32>
    %eq3A_2429 = vector.broadcast %reduce_max3A_2415 : f32 to vector<16xf32>
    %eq3A_2430 = arith.cmpf oeq, %get3A_2396, %eq3A_2429 : vector<16xf32>
    %jit3A_2431 = arith.constant 1073741824 : i32
    %broadcast_in_dim3A_2432 = vector.broadcast %jit3A_2431 : i32 to vector<16xi32>
    %select_n3A_2433 = arith.select %eq3A_2430, %get3A_2404, %broadcast_in_dim3A_2432 : vector<16xi1>, vector<16xi32>
    %reduce_min3A_2434 = arith.constant true
    %reduce_min3A_2435 = vector.broadcast %reduce_min3A_2434 : i1 to vector<16xi1>
    %reduce_min3A_2436 = arith.constant -2147483648 : i32
    %reduce_min3A_2437 = vector.broadcast %reduce_min3A_2436 : i32 to vector<16xi32>
    %reduce_min3A_2438 = arith.xori %select_n3A_2433, %reduce_min3A_2437 : vector<16xi32>
    %reduce_min3A_2439 = tpu.scan <min>, %reduce_min3A_2438 masked %reduce_min3A_2435 : vector<16xi32>, vector<16xi1> -> vector<16xi32>
    %reduce_min3A_2440 = arith.xori %reduce_min3A_2439, %reduce_min3A_2437 : vector<16xi32>
    %reduce_min3A_2441 = vector.extract %reduce_min3A_2440[15] : i32 from vector<16xi32>
    %min3A_2442 = arith.minsi %reduce_min3A_2428, %reduce_min3A_2441 : i32
    %eq3A_2443 = vector.broadcast %reduce_max3A_2415 : f32 to vector<16xf32>
    %eq3A_2444 = arith.cmpf oeq, %get3A_2398, %eq3A_2443 : vector<16xf32>
    %jit3A_2445 = arith.constant 1073741824 : i32
    %broadcast_in_dim3A_2446 = vector.broadcast %jit3A_2445 : i32 to vector<16xi32>
    %select_n3A_2447 = arith.select %eq3A_2444, %get3A_2406, %broadcast_in_dim3A_2446 : vector<16xi1>, vector<16xi32>
    %reduce_min3A_2448 = arith.constant true
    %reduce_min3A_2449 = vector.broadcast %reduce_min3A_2448 : i1 to vector<16xi1>
    %reduce_min3A_2450 = arith.constant -2147483648 : i32
    %reduce_min3A_2451 = vector.broadcast %reduce_min3A_2450 : i32 to vector<16xi32>
    %reduce_min3A_2452 = arith.xori %select_n3A_2447, %reduce_min3A_2451 : vector<16xi32>
    %reduce_min3A_2453 = tpu.scan <min>, %reduce_min3A_2452 masked %reduce_min3A_2449 : vector<16xi32>, vector<16xi1> -> vector<16xi32>
    %reduce_min3A_2454 = arith.xori %reduce_min3A_2453, %reduce_min3A_2451 : vector<16xi32>
    %reduce_min3A_2455 = vector.extract %reduce_min3A_2454[15] : i32 from vector<16xi32>
    %min3A_2456 = arith.minsi %min3A_2442, %reduce_min3A_2455 : i32
    %eq3A_2457 = vector.broadcast %reduce_max3A_2415 : f32 to vector<16xf32>
    %eq3A_2458 = arith.cmpf oeq, %get3A_2400, %eq3A_2457 : vector<16xf32>
    %jit3A_2459 = arith.constant 1073741824 : i32
    %broadcast_in_dim3A_2460 = vector.broadcast %jit3A_2459 : i32 to vector<16xi32>
    %select_n3A_2461 = arith.select %eq3A_2458, %get3A_2408, %broadcast_in_dim3A_2460 : vector<16xi1>, vector<16xi32>
    %reduce_min3A_2462 = arith.constant true
    %reduce_min3A_2463 = vector.broadcast %reduce_min3A_2462 : i1 to vector<16xi1>
    %reduce_min3A_2464 = arith.constant -2147483648 : i32
    %reduce_min3A_2465 = vector.broadcast %reduce_min3A_2464 : i32 to vector<16xi32>
    %reduce_min3A_2466 = arith.xori %select_n3A_2461, %reduce_min3A_2465 : vector<16xi32>
    %reduce_min3A_2467 = tpu.scan <min>, %reduce_min3A_2466 masked %reduce_min3A_2463 : vector<16xi32>, vector<16xi1> -> vector<16xi32>
    %reduce_min3A_2468 = arith.xori %reduce_min3A_2467, %reduce_min3A_2465 : vector<16xi32>
    %reduce_min3A_2469 = vector.extract %reduce_min3A_2468[15] : i32 from vector<16xi32>
    %min3A_2470 = arith.minsi %min3A_2456, %reduce_min3A_2469 : i32
    %eq3A_2471 = vector.broadcast %min3A_2470 : i32 to vector<16xi32>
    %eq3A_2472 = arith.cmpi eq, %get3A_2402, %eq3A_2471 : vector<16xi32>
    %jit3A_2473 = arith.constant -3.000000e+38 : f32
    %broadcast_in_dim3A_2474 = vector.broadcast %jit3A_2473 : f32 to vector<16xf32>
    %select_n3A_2475 = arith.select %eq3A_2472, %broadcast_in_dim3A_2474, %get3A_2394 : vector<16xi1>, vector<16xf32>
    %eq3A_2476 = vector.broadcast %min3A_2470 : i32 to vector<16xi32>
    %eq3A_2477 = arith.cmpi eq, %get3A_2404, %eq3A_2476 : vector<16xi32>
    %jit3A_2478 = arith.constant -3.000000e+38 : f32
    %broadcast_in_dim3A_2479 = vector.broadcast %jit3A_2478 : f32 to vector<16xf32>
    %select_n3A_2480 = arith.select %eq3A_2477, %broadcast_in_dim3A_2479, %get3A_2396 : vector<16xi1>, vector<16xf32>
    %eq3A_2481 = vector.broadcast %min3A_2470 : i32 to vector<16xi32>
    %eq3A_2482 = arith.cmpi eq, %get3A_2406, %eq3A_2481 : vector<16xi32>
    %jit3A_2483 = arith.constant -3.000000e+38 : f32
    %broadcast_in_dim3A_2484 = vector.broadcast %jit3A_2483 : f32 to vector<16xf32>
    %select_n3A_2485 = arith.select %eq3A_2482, %broadcast_in_dim3A_2484, %get3A_2398 : vector<16xi1>, vector<16xf32>
    %eq3A_2486 = vector.broadcast %min3A_2470 : i32 to vector<16xi32>
    %eq3A_2487 = arith.cmpi eq, %get3A_2408, %eq3A_2486 : vector<16xi32>
    %jit3A_2488 = arith.constant -3.000000e+38 : f32
    %broadcast_in_dim3A_2489 = vector.broadcast %jit3A_2488 : f32 to vector<16xf32>
    %select_n3A_2490 = arith.select %eq3A_2487, %broadcast_in_dim3A_2489, %get3A_2400 : vector<16xi1>, vector<16xf32>
    %eq3A_2491 = arith.constant 0 : i32
    %eq3A_2492 = vector.broadcast %eq3A_2491 : i32 to vector<16xi32>
    %eq3A_2493 = arith.cmpi eq, %iota3A, %eq3A_2492 : vector<16xi32>
    %broadcast_in_dim3A_2494 = vector.broadcast %min3A_2470 : i32 to vector<16xi32>
    %select_n3A_2495 = arith.select %eq3A_2493, %broadcast_in_dim3A_2494, %broadcast_in_dim3A_54 : vector<16xi1>, vector<16xi32>
    %max3A_2496 = arith.maximumf %select_n3A_2475, %select_n3A_2480 : vector<16xf32>
    %max3A_2497 = arith.maximumf %max3A_2496, %select_n3A_2485 : vector<16xf32>
    %max3A_2498 = arith.maximumf %max3A_2497, %select_n3A_2490 : vector<16xf32>
    %reduce_max3A_2499 = arith.constant true
    %reduce_max3A_2500 = vector.broadcast %reduce_max3A_2499 : i1 to vector<16xi1>
    %reduce_max3A_2501 = tpu.scan <max>, %max3A_2498 masked %reduce_max3A_2500 : vector<16xf32>, vector<16xi1> -> vector<16xf32>
    %reduce_max3A_2502 = vector.extract %reduce_max3A_2501[15] : f32 from vector<16xf32>
    %eq3A_2503 = vector.broadcast %reduce_max3A_2502 : f32 to vector<16xf32>
    %eq3A_2504 = arith.cmpf oeq, %select_n3A_2475, %eq3A_2503 : vector<16xf32>
    %jit3A_2505 = arith.constant 1073741824 : i32
    %broadcast_in_dim3A_2506 = vector.broadcast %jit3A_2505 : i32 to vector<16xi32>
    %select_n3A_2507 = arith.select %eq3A_2504, %get3A_2402, %broadcast_in_dim3A_2506 : vector<16xi1>, vector<16xi32>
    %reduce_min3A_2508 = arith.constant true
    %reduce_min3A_2509 = vector.broadcast %reduce_min3A_2508 : i1 to vector<16xi1>
    %reduce_min3A_2510 = arith.constant -2147483648 : i32
    %reduce_min3A_2511 = vector.broadcast %reduce_min3A_2510 : i32 to vector<16xi32>
    %reduce_min3A_2512 = arith.xori %select_n3A_2507, %reduce_min3A_2511 : vector<16xi32>
    %reduce_min3A_2513 = tpu.scan <min>, %reduce_min3A_2512 masked %reduce_min3A_2509 : vector<16xi32>, vector<16xi1> -> vector<16xi32>
    %reduce_min3A_2514 = arith.xori %reduce_min3A_2513, %reduce_min3A_2511 : vector<16xi32>
    %reduce_min3A_2515 = vector.extract %reduce_min3A_2514[15] : i32 from vector<16xi32>
    %eq3A_2516 = vector.broadcast %reduce_max3A_2502 : f32 to vector<16xf32>
    %eq3A_2517 = arith.cmpf oeq, %select_n3A_2480, %eq3A_2516 : vector<16xf32>
    %jit3A_2518 = arith.constant 1073741824 : i32
    %broadcast_in_dim3A_2519 = vector.broadcast %jit3A_2518 : i32 to vector<16xi32>
    %select_n3A_2520 = arith.select %eq3A_2517, %get3A_2404, %broadcast_in_dim3A_2519 : vector<16xi1>, vector<16xi32>
    %reduce_min3A_2521 = arith.constant true
    %reduce_min3A_2522 = vector.broadcast %reduce_min3A_2521 : i1 to vector<16xi1>
    %reduce_min3A_2523 = arith.constant -2147483648 : i32
    %reduce_min3A_2524 = vector.broadcast %reduce_min3A_2523 : i32 to vector<16xi32>
    %reduce_min3A_2525 = arith.xori %select_n3A_2520, %reduce_min3A_2524 : vector<16xi32>
    %reduce_min3A_2526 = tpu.scan <min>, %reduce_min3A_2525 masked %reduce_min3A_2522 : vector<16xi32>, vector<16xi1> -> vector<16xi32>
    %reduce_min3A_2527 = arith.xori %reduce_min3A_2526, %reduce_min3A_2524 : vector<16xi32>
    %reduce_min3A_2528 = vector.extract %reduce_min3A_2527[15] : i32 from vector<16xi32>
    %min3A_2529 = arith.minsi %reduce_min3A_2515, %reduce_min3A_2528 : i32
    %eq3A_2530 = vector.broadcast %reduce_max3A_2502 : f32 to vector<16xf32>
    %eq3A_2531 = arith.cmpf oeq, %select_n3A_2485, %eq3A_2530 : vector<16xf32>
    %jit3A_2532 = arith.constant 1073741824 : i32
    %broadcast_in_dim3A_2533 = vector.broadcast %jit3A_2532 : i32 to vector<16xi32>
    %select_n3A_2534 = arith.select %eq3A_2531, %get3A_2406, %broadcast_in_dim3A_2533 : vector<16xi1>, vector<16xi32>
    %reduce_min3A_2535 = arith.constant true
    %reduce_min3A_2536 = vector.broadcast %reduce_min3A_2535 : i1 to vector<16xi1>
    %reduce_min3A_2537 = arith.constant -2147483648 : i32
    %reduce_min3A_2538 = vector.broadcast %reduce_min3A_2537 : i32 to vector<16xi32>
    %reduce_min3A_2539 = arith.xori %select_n3A_2534, %reduce_min3A_2538 : vector<16xi32>
    %reduce_min3A_2540 = tpu.scan <min>, %reduce_min3A_2539 masked %reduce_min3A_2536 : vector<16xi32>, vector<16xi1> -> vector<16xi32>
    %reduce_min3A_2541 = arith.xori %reduce_min3A_2540, %reduce_min3A_2538 : vector<16xi32>
    %reduce_min3A_2542 = vector.extract %reduce_min3A_2541[15] : i32 from vector<16xi32>
    %min3A_2543 = arith.minsi %min3A_2529, %reduce_min3A_2542 : i32
    %eq3A_2544 = vector.broadcast %reduce_max3A_2502 : f32 to vector<16xf32>
    %eq3A_2545 = arith.cmpf oeq, %select_n3A_2490, %eq3A_2544 : vector<16xf32>
    %jit3A_2546 = arith.constant 1073741824 : i32
    %broadcast_in_dim3A_2547 = vector.broadcast %jit3A_2546 : i32 to vector<16xi32>
    %select_n3A_2548 = arith.select %eq3A_2545, %get3A_2408, %broadcast_in_dim3A_2547 : vector<16xi1>, vector<16xi32>
    %reduce_min3A_2549 = arith.constant true
    %reduce_min3A_2550 = vector.broadcast %reduce_min3A_2549 : i1 to vector<16xi1>
    %reduce_min3A_2551 = arith.constant -2147483648 : i32
    %reduce_min3A_2552 = vector.broadcast %reduce_min3A_2551 : i32 to vector<16xi32>
    %reduce_min3A_2553 = arith.xori %select_n3A_2548, %reduce_min3A_2552 : vector<16xi32>
    %reduce_min3A_2554 = tpu.scan <min>, %reduce_min3A_2553 masked %reduce_min3A_2550 : vector<16xi32>, vector<16xi1> -> vector<16xi32>
    %reduce_min3A_2555 = arith.xori %reduce_min3A_2554, %reduce_min3A_2552 : vector<16xi32>
    %reduce_min3A_2556 = vector.extract %reduce_min3A_2555[15] : i32 from vector<16xi32>
    %min3A_2557 = arith.minsi %min3A_2543, %reduce_min3A_2556 : i32
    %eq3A_2558 = vector.broadcast %min3A_2557 : i32 to vector<16xi32>
    %eq3A_2559 = arith.cmpi eq, %get3A_2402, %eq3A_2558 : vector<16xi32>
    %jit3A_2560 = arith.constant -3.000000e+38 : f32
    %broadcast_in_dim3A_2561 = vector.broadcast %jit3A_2560 : f32 to vector<16xf32>
    %select_n3A_2562 = arith.select %eq3A_2559, %broadcast_in_dim3A_2561, %select_n3A_2475 : vector<16xi1>, vector<16xf32>
    %eq3A_2563 = vector.broadcast %min3A_2557 : i32 to vector<16xi32>
    %eq3A_2564 = arith.cmpi eq, %get3A_2404, %eq3A_2563 : vector<16xi32>
    %jit3A_2565 = arith.constant -3.000000e+38 : f32
    %broadcast_in_dim3A_2566 = vector.broadcast %jit3A_2565 : f32 to vector<16xf32>
    %select_n3A_2567 = arith.select %eq3A_2564, %broadcast_in_dim3A_2566, %select_n3A_2480 : vector<16xi1>, vector<16xf32>
    %eq3A_2568 = vector.broadcast %min3A_2557 : i32 to vector<16xi32>
    %eq3A_2569 = arith.cmpi eq, %get3A_2406, %eq3A_2568 : vector<16xi32>
    %jit3A_2570 = arith.constant -3.000000e+38 : f32
    %broadcast_in_dim3A_2571 = vector.broadcast %jit3A_2570 : f32 to vector<16xf32>
    %select_n3A_2572 = arith.select %eq3A_2569, %broadcast_in_dim3A_2571, %select_n3A_2485 : vector<16xi1>, vector<16xf32>
    %eq3A_2573 = vector.broadcast %min3A_2557 : i32 to vector<16xi32>
    %eq3A_2574 = arith.cmpi eq, %get3A_2408, %eq3A_2573 : vector<16xi32>
    %jit3A_2575 = arith.constant -3.000000e+38 : f32
    %broadcast_in_dim3A_2576 = vector.broadcast %jit3A_2575 : f32 to vector<16xf32>
    %select_n3A_2577 = arith.select %eq3A_2574, %broadcast_in_dim3A_2576, %select_n3A_2490 : vector<16xi1>, vector<16xf32>
    %eq3A_2578 = arith.constant 1 : i32
    %eq3A_2579 = vector.broadcast %eq3A_2578 : i32 to vector<16xi32>
    %eq3A_2580 = arith.cmpi eq, %iota3A, %eq3A_2579 : vector<16xi32>
    %broadcast_in_dim3A_2581 = vector.broadcast %min3A_2557 : i32 to vector<16xi32>
    %select_n3A_2582 = arith.select %eq3A_2580, %broadcast_in_dim3A_2581, %select_n3A_2495 : vector<16xi1>, vector<16xi32>
    %max3A_2583 = arith.maximumf %select_n3A_2562, %select_n3A_2567 : vector<16xf32>
    %max3A_2584 = arith.maximumf %max3A_2583, %select_n3A_2572 : vector<16xf32>
    %max3A_2585 = arith.maximumf %max3A_2584, %select_n3A_2577 : vector<16xf32>
    %reduce_max3A_2586 = arith.constant true
    %reduce_max3A_2587 = vector.broadcast %reduce_max3A_2586 : i1 to vector<16xi1>
    %reduce_max3A_2588 = tpu.scan <max>, %max3A_2585 masked %reduce_max3A_2587 : vector<16xf32>, vector<16xi1> -> vector<16xf32>
    %reduce_max3A_2589 = vector.extract %reduce_max3A_2588[15] : f32 from vector<16xf32>
    %eq3A_2590 = vector.broadcast %reduce_max3A_2589 : f32 to vector<16xf32>
    %eq3A_2591 = arith.cmpf oeq, %select_n3A_2562, %eq3A_2590 : vector<16xf32>
    %jit3A_2592 = arith.constant 1073741824 : i32
    %broadcast_in_dim3A_2593 = vector.broadcast %jit3A_2592 : i32 to vector<16xi32>
    %select_n3A_2594 = arith.select %eq3A_2591, %get3A_2402, %broadcast_in_dim3A_2593 : vector<16xi1>, vector<16xi32>
    %reduce_min3A_2595 = arith.constant true
    %reduce_min3A_2596 = vector.broadcast %reduce_min3A_2595 : i1 to vector<16xi1>
    %reduce_min3A_2597 = arith.constant -2147483648 : i32
    %reduce_min3A_2598 = vector.broadcast %reduce_min3A_2597 : i32 to vector<16xi32>
    %reduce_min3A_2599 = arith.xori %select_n3A_2594, %reduce_min3A_2598 : vector<16xi32>
    %reduce_min3A_2600 = tpu.scan <min>, %reduce_min3A_2599 masked %reduce_min3A_2596 : vector<16xi32>, vector<16xi1> -> vector<16xi32>
    %reduce_min3A_2601 = arith.xori %reduce_min3A_2600, %reduce_min3A_2598 : vector<16xi32>
    %reduce_min3A_2602 = vector.extract %reduce_min3A_2601[15] : i32 from vector<16xi32>
    %eq3A_2603 = vector.broadcast %reduce_max3A_2589 : f32 to vector<16xf32>
    %eq3A_2604 = arith.cmpf oeq, %select_n3A_2567, %eq3A_2603 : vector<16xf32>
    %jit3A_2605 = arith.constant 1073741824 : i32
    %broadcast_in_dim3A_2606 = vector.broadcast %jit3A_2605 : i32 to vector<16xi32>
    %select_n3A_2607 = arith.select %eq3A_2604, %get3A_2404, %broadcast_in_dim3A_2606 : vector<16xi1>, vector<16xi32>
    %reduce_min3A_2608 = arith.constant true
    %reduce_min3A_2609 = vector.broadcast %reduce_min3A_2608 : i1 to vector<16xi1>
    %reduce_min3A_2610 = arith.constant -2147483648 : i32
    %reduce_min3A_2611 = vector.broadcast %reduce_min3A_2610 : i32 to vector<16xi32>
    %reduce_min3A_2612 = arith.xori %select_n3A_2607, %reduce_min3A_2611 : vector<16xi32>
    %reduce_min3A_2613 = tpu.scan <min>, %reduce_min3A_2612 masked %reduce_min3A_2609 : vector<16xi32>, vector<16xi1> -> vector<16xi32>
    %reduce_min3A_2614 = arith.xori %reduce_min3A_2613, %reduce_min3A_2611 : vector<16xi32>
    %reduce_min3A_2615 = vector.extract %reduce_min3A_2614[15] : i32 from vector<16xi32>
    %min3A_2616 = arith.minsi %reduce_min3A_2602, %reduce_min3A_2615 : i32
    %eq3A_2617 = vector.broadcast %reduce_max3A_2589 : f32 to vector<16xf32>
    %eq3A_2618 = arith.cmpf oeq, %select_n3A_2572, %eq3A_2617 : vector<16xf32>
    %jit3A_2619 = arith.constant 1073741824 : i32
    %broadcast_in_dim3A_2620 = vector.broadcast %jit3A_2619 : i32 to vector<16xi32>
    %select_n3A_2621 = arith.select %eq3A_2618, %get3A_2406, %broadcast_in_dim3A_2620 : vector<16xi1>, vector<16xi32>
    %reduce_min3A_2622 = arith.constant true
    %reduce_min3A_2623 = vector.broadcast %reduce_min3A_2622 : i1 to vector<16xi1>
    %reduce_min3A_2624 = arith.constant -2147483648 : i32
    %reduce_min3A_2625 = vector.broadcast %reduce_min3A_2624 : i32 to vector<16xi32>
    %reduce_min3A_2626 = arith.xori %select_n3A_2621, %reduce_min3A_2625 : vector<16xi32>
    %reduce_min3A_2627 = tpu.scan <min>, %reduce_min3A_2626 masked %reduce_min3A_2623 : vector<16xi32>, vector<16xi1> -> vector<16xi32>
    %reduce_min3A_2628 = arith.xori %reduce_min3A_2627, %reduce_min3A_2625 : vector<16xi32>
    %reduce_min3A_2629 = vector.extract %reduce_min3A_2628[15] : i32 from vector<16xi32>
    %min3A_2630 = arith.minsi %min3A_2616, %reduce_min3A_2629 : i32
    %eq3A_2631 = vector.broadcast %reduce_max3A_2589 : f32 to vector<16xf32>
    %eq3A_2632 = arith.cmpf oeq, %select_n3A_2577, %eq3A_2631 : vector<16xf32>
    %jit3A_2633 = arith.constant 1073741824 : i32
    %broadcast_in_dim3A_2634 = vector.broadcast %jit3A_2633 : i32 to vector<16xi32>
    %select_n3A_2635 = arith.select %eq3A_2632, %get3A_2408, %broadcast_in_dim3A_2634 : vector<16xi1>, vector<16xi32>
    %reduce_min3A_2636 = arith.constant true
    %reduce_min3A_2637 = vector.broadcast %reduce_min3A_2636 : i1 to vector<16xi1>
    %reduce_min3A_2638 = arith.constant -2147483648 : i32
    %reduce_min3A_2639 = vector.broadcast %reduce_min3A_2638 : i32 to vector<16xi32>
    %reduce_min3A_2640 = arith.xori %select_n3A_2635, %reduce_min3A_2639 : vector<16xi32>
    %reduce_min3A_2641 = tpu.scan <min>, %reduce_min3A_2640 masked %reduce_min3A_2637 : vector<16xi32>, vector<16xi1> -> vector<16xi32>
    %reduce_min3A_2642 = arith.xori %reduce_min3A_2641, %reduce_min3A_2639 : vector<16xi32>
    %reduce_min3A_2643 = vector.extract %reduce_min3A_2642[15] : i32 from vector<16xi32>
    %min3A_2644 = arith.minsi %min3A_2630, %reduce_min3A_2643 : i32
    %eq3A_2645 = vector.broadcast %min3A_2644 : i32 to vector<16xi32>
    %eq3A_2646 = arith.cmpi eq, %get3A_2402, %eq3A_2645 : vector<16xi32>
    %jit3A_2647 = arith.constant -3.000000e+38 : f32
    %broadcast_in_dim3A_2648 = vector.broadcast %jit3A_2647 : f32 to vector<16xf32>
    %select_n3A_2649 = arith.select %eq3A_2646, %broadcast_in_dim3A_2648, %select_n3A_2562 : vector<16xi1>, vector<16xf32>
    %eq3A_2650 = vector.broadcast %min3A_2644 : i32 to vector<16xi32>
    %eq3A_2651 = arith.cmpi eq, %get3A_2404, %eq3A_2650 : vector<16xi32>
    %jit3A_2652 = arith.constant -3.000000e+38 : f32
    %broadcast_in_dim3A_2653 = vector.broadcast %jit3A_2652 : f32 to vector<16xf32>
    %select_n3A_2654 = arith.select %eq3A_2651, %broadcast_in_dim3A_2653, %select_n3A_2567 : vector<16xi1>, vector<16xf32>
    %eq3A_2655 = vector.broadcast %min3A_2644 : i32 to vector<16xi32>
    %eq3A_2656 = arith.cmpi eq, %get3A_2406, %eq3A_2655 : vector<16xi32>
    %jit3A_2657 = arith.constant -3.000000e+38 : f32
    %broadcast_in_dim3A_2658 = vector.broadcast %jit3A_2657 : f32 to vector<16xf32>
    %select_n3A_2659 = arith.select %eq3A_2656, %broadcast_in_dim3A_2658, %select_n3A_2572 : vector<16xi1>, vector<16xf32>
    %eq3A_2660 = vector.broadcast %min3A_2644 : i32 to vector<16xi32>
    %eq3A_2661 = arith.cmpi eq, %get3A_2408, %eq3A_2660 : vector<16xi32>
    %jit3A_2662 = arith.constant -3.000000e+38 : f32
    %broadcast_in_dim3A_2663 = vector.broadcast %jit3A_2662 : f32 to vector<16xf32>
    %select_n3A_2664 = arith.select %eq3A_2661, %broadcast_in_dim3A_2663, %select_n3A_2577 : vector<16xi1>, vector<16xf32>
    %eq3A_2665 = arith.constant 2 : i32
    %eq3A_2666 = vector.broadcast %eq3A_2665 : i32 to vector<16xi32>
    %eq3A_2667 = arith.cmpi eq, %iota3A, %eq3A_2666 : vector<16xi32>
    %broadcast_in_dim3A_2668 = vector.broadcast %min3A_2644 : i32 to vector<16xi32>
    %select_n3A_2669 = arith.select %eq3A_2667, %broadcast_in_dim3A_2668, %select_n3A_2582 : vector<16xi1>, vector<16xi32>
    %max3A_2670 = arith.maximumf %select_n3A_2649, %select_n3A_2654 : vector<16xf32>
    %max3A_2671 = arith.maximumf %max3A_2670, %select_n3A_2659 : vector<16xf32>
    %max3A_2672 = arith.maximumf %max3A_2671, %select_n3A_2664 : vector<16xf32>
    %reduce_max3A_2673 = arith.constant true
    %reduce_max3A_2674 = vector.broadcast %reduce_max3A_2673 : i1 to vector<16xi1>
    %reduce_max3A_2675 = tpu.scan <max>, %max3A_2672 masked %reduce_max3A_2674 : vector<16xf32>, vector<16xi1> -> vector<16xf32>
    %reduce_max3A_2676 = vector.extract %reduce_max3A_2675[15] : f32 from vector<16xf32>
    %eq3A_2677 = vector.broadcast %reduce_max3A_2676 : f32 to vector<16xf32>
    %eq3A_2678 = arith.cmpf oeq, %select_n3A_2649, %eq3A_2677 : vector<16xf32>
    %jit3A_2679 = arith.constant 1073741824 : i32
    %broadcast_in_dim3A_2680 = vector.broadcast %jit3A_2679 : i32 to vector<16xi32>
    %select_n3A_2681 = arith.select %eq3A_2678, %get3A_2402, %broadcast_in_dim3A_2680 : vector<16xi1>, vector<16xi32>
    %reduce_min3A_2682 = arith.constant true
    %reduce_min3A_2683 = vector.broadcast %reduce_min3A_2682 : i1 to vector<16xi1>
    %reduce_min3A_2684 = arith.constant -2147483648 : i32
    %reduce_min3A_2685 = vector.broadcast %reduce_min3A_2684 : i32 to vector<16xi32>
    %reduce_min3A_2686 = arith.xori %select_n3A_2681, %reduce_min3A_2685 : vector<16xi32>
    %reduce_min3A_2687 = tpu.scan <min>, %reduce_min3A_2686 masked %reduce_min3A_2683 : vector<16xi32>, vector<16xi1> -> vector<16xi32>
    %reduce_min3A_2688 = arith.xori %reduce_min3A_2687, %reduce_min3A_2685 : vector<16xi32>
    %reduce_min3A_2689 = vector.extract %reduce_min3A_2688[15] : i32 from vector<16xi32>
    %eq3A_2690 = vector.broadcast %reduce_max3A_2676 : f32 to vector<16xf32>
    %eq3A_2691 = arith.cmpf oeq, %select_n3A_2654, %eq3A_2690 : vector<16xf32>
    %jit3A_2692 = arith.constant 1073741824 : i32
    %broadcast_in_dim3A_2693 = vector.broadcast %jit3A_2692 : i32 to vector<16xi32>
    %select_n3A_2694 = arith.select %eq3A_2691, %get3A_2404, %broadcast_in_dim3A_2693 : vector<16xi1>, vector<16xi32>
    %reduce_min3A_2695 = arith.constant true
    %reduce_min3A_2696 = vector.broadcast %reduce_min3A_2695 : i1 to vector<16xi1>
    %reduce_min3A_2697 = arith.constant -2147483648 : i32
    %reduce_min3A_2698 = vector.broadcast %reduce_min3A_2697 : i32 to vector<16xi32>
    %reduce_min3A_2699 = arith.xori %select_n3A_2694, %reduce_min3A_2698 : vector<16xi32>
    %reduce_min3A_2700 = tpu.scan <min>, %reduce_min3A_2699 masked %reduce_min3A_2696 : vector<16xi32>, vector<16xi1> -> vector<16xi32>
    %reduce_min3A_2701 = arith.xori %reduce_min3A_2700, %reduce_min3A_2698 : vector<16xi32>
    %reduce_min3A_2702 = vector.extract %reduce_min3A_2701[15] : i32 from vector<16xi32>
    %min3A_2703 = arith.minsi %reduce_min3A_2689, %reduce_min3A_2702 : i32
    %eq3A_2704 = vector.broadcast %reduce_max3A_2676 : f32 to vector<16xf32>
    %eq3A_2705 = arith.cmpf oeq, %select_n3A_2659, %eq3A_2704 : vector<16xf32>
    %jit3A_2706 = arith.constant 1073741824 : i32
    %broadcast_in_dim3A_2707 = vector.broadcast %jit3A_2706 : i32 to vector<16xi32>
    %select_n3A_2708 = arith.select %eq3A_2705, %get3A_2406, %broadcast_in_dim3A_2707 : vector<16xi1>, vector<16xi32>
    %reduce_min3A_2709 = arith.constant true
    %reduce_min3A_2710 = vector.broadcast %reduce_min3A_2709 : i1 to vector<16xi1>
    %reduce_min3A_2711 = arith.constant -2147483648 : i32
    %reduce_min3A_2712 = vector.broadcast %reduce_min3A_2711 : i32 to vector<16xi32>
    %reduce_min3A_2713 = arith.xori %select_n3A_2708, %reduce_min3A_2712 : vector<16xi32>
    %reduce_min3A_2714 = tpu.scan <min>, %reduce_min3A_2713 masked %reduce_min3A_2710 : vector<16xi32>, vector<16xi1> -> vector<16xi32>
    %reduce_min3A_2715 = arith.xori %reduce_min3A_2714, %reduce_min3A_2712 : vector<16xi32>
    %reduce_min3A_2716 = vector.extract %reduce_min3A_2715[15] : i32 from vector<16xi32>
    %min3A_2717 = arith.minsi %min3A_2703, %reduce_min3A_2716 : i32
    %eq3A_2718 = vector.broadcast %reduce_max3A_2676 : f32 to vector<16xf32>
    %eq3A_2719 = arith.cmpf oeq, %select_n3A_2664, %eq3A_2718 : vector<16xf32>
    %jit3A_2720 = arith.constant 1073741824 : i32
    %broadcast_in_dim3A_2721 = vector.broadcast %jit3A_2720 : i32 to vector<16xi32>
    %select_n3A_2722 = arith.select %eq3A_2719, %get3A_2408, %broadcast_in_dim3A_2721 : vector<16xi1>, vector<16xi32>
    %reduce_min3A_2723 = arith.constant true
    %reduce_min3A_2724 = vector.broadcast %reduce_min3A_2723 : i1 to vector<16xi1>
    %reduce_min3A_2725 = arith.constant -2147483648 : i32
    %reduce_min3A_2726 = vector.broadcast %reduce_min3A_2725 : i32 to vector<16xi32>
    %reduce_min3A_2727 = arith.xori %select_n3A_2722, %reduce_min3A_2726 : vector<16xi32>
    %reduce_min3A_2728 = tpu.scan <min>, %reduce_min3A_2727 masked %reduce_min3A_2724 : vector<16xi32>, vector<16xi1> -> vector<16xi32>
    %reduce_min3A_2729 = arith.xori %reduce_min3A_2728, %reduce_min3A_2726 : vector<16xi32>
    %reduce_min3A_2730 = vector.extract %reduce_min3A_2729[15] : i32 from vector<16xi32>
    %min3A_2731 = arith.minsi %min3A_2717, %reduce_min3A_2730 : i32
    %eq3A_2732 = vector.broadcast %min3A_2731 : i32 to vector<16xi32>
    %eq3A_2733 = arith.cmpi eq, %get3A_2402, %eq3A_2732 : vector<16xi32>
    %jit3A_2734 = arith.constant -3.000000e+38 : f32
    %broadcast_in_dim3A_2735 = vector.broadcast %jit3A_2734 : f32 to vector<16xf32>
    %select_n3A_2736 = arith.select %eq3A_2733, %broadcast_in_dim3A_2735, %select_n3A_2649 : vector<16xi1>, vector<16xf32>
    %eq3A_2737 = vector.broadcast %min3A_2731 : i32 to vector<16xi32>
    %eq3A_2738 = arith.cmpi eq, %get3A_2404, %eq3A_2737 : vector<16xi32>
    %jit3A_2739 = arith.constant -3.000000e+38 : f32
    %broadcast_in_dim3A_2740 = vector.broadcast %jit3A_2739 : f32 to vector<16xf32>
    %select_n3A_2741 = arith.select %eq3A_2738, %broadcast_in_dim3A_2740, %select_n3A_2654 : vector<16xi1>, vector<16xf32>
    %eq3A_2742 = vector.broadcast %min3A_2731 : i32 to vector<16xi32>
    %eq3A_2743 = arith.cmpi eq, %get3A_2406, %eq3A_2742 : vector<16xi32>
    %jit3A_2744 = arith.constant -3.000000e+38 : f32
    %broadcast_in_dim3A_2745 = vector.broadcast %jit3A_2744 : f32 to vector<16xf32>
    %select_n3A_2746 = arith.select %eq3A_2743, %broadcast_in_dim3A_2745, %select_n3A_2659 : vector<16xi1>, vector<16xf32>
    %eq3A_2747 = vector.broadcast %min3A_2731 : i32 to vector<16xi32>
    %eq3A_2748 = arith.cmpi eq, %get3A_2408, %eq3A_2747 : vector<16xi32>
    %jit3A_2749 = arith.constant -3.000000e+38 : f32
    %broadcast_in_dim3A_2750 = vector.broadcast %jit3A_2749 : f32 to vector<16xf32>
    %select_n3A_2751 = arith.select %eq3A_2748, %broadcast_in_dim3A_2750, %select_n3A_2664 : vector<16xi1>, vector<16xf32>
    %eq3A_2752 = arith.constant 3 : i32
    %eq3A_2753 = vector.broadcast %eq3A_2752 : i32 to vector<16xi32>
    %eq3A_2754 = arith.cmpi eq, %iota3A, %eq3A_2753 : vector<16xi32>
    %broadcast_in_dim3A_2755 = vector.broadcast %min3A_2731 : i32 to vector<16xi32>
    %select_n3A_2756 = arith.select %eq3A_2754, %broadcast_in_dim3A_2755, %select_n3A_2669 : vector<16xi1>, vector<16xi32>
    %max3A_2757 = arith.maximumf %select_n3A_2736, %select_n3A_2741 : vector<16xf32>
    %max3A_2758 = arith.maximumf %max3A_2757, %select_n3A_2746 : vector<16xf32>
    %max3A_2759 = arith.maximumf %max3A_2758, %select_n3A_2751 : vector<16xf32>
    %reduce_max3A_2760 = arith.constant true
    %reduce_max3A_2761 = vector.broadcast %reduce_max3A_2760 : i1 to vector<16xi1>
    %reduce_max3A_2762 = tpu.scan <max>, %max3A_2759 masked %reduce_max3A_2761 : vector<16xf32>, vector<16xi1> -> vector<16xf32>
    %reduce_max3A_2763 = vector.extract %reduce_max3A_2762[15] : f32 from vector<16xf32>
    %eq3A_2764 = vector.broadcast %reduce_max3A_2763 : f32 to vector<16xf32>
    %eq3A_2765 = arith.cmpf oeq, %select_n3A_2736, %eq3A_2764 : vector<16xf32>
    %jit3A_2766 = arith.constant 1073741824 : i32
    %broadcast_in_dim3A_2767 = vector.broadcast %jit3A_2766 : i32 to vector<16xi32>
    %select_n3A_2768 = arith.select %eq3A_2765, %get3A_2402, %broadcast_in_dim3A_2767 : vector<16xi1>, vector<16xi32>
    %reduce_min3A_2769 = arith.constant true
    %reduce_min3A_2770 = vector.broadcast %reduce_min3A_2769 : i1 to vector<16xi1>
    %reduce_min3A_2771 = arith.constant -2147483648 : i32
    %reduce_min3A_2772 = vector.broadcast %reduce_min3A_2771 : i32 to vector<16xi32>
    %reduce_min3A_2773 = arith.xori %select_n3A_2768, %reduce_min3A_2772 : vector<16xi32>
    %reduce_min3A_2774 = tpu.scan <min>, %reduce_min3A_2773 masked %reduce_min3A_2770 : vector<16xi32>, vector<16xi1> -> vector<16xi32>
    %reduce_min3A_2775 = arith.xori %reduce_min3A_2774, %reduce_min3A_2772 : vector<16xi32>
    %reduce_min3A_2776 = vector.extract %reduce_min3A_2775[15] : i32 from vector<16xi32>
    %eq3A_2777 = vector.broadcast %reduce_max3A_2763 : f32 to vector<16xf32>
    %eq3A_2778 = arith.cmpf oeq, %select_n3A_2741, %eq3A_2777 : vector<16xf32>
    %jit3A_2779 = arith.constant 1073741824 : i32
    %broadcast_in_dim3A_2780 = vector.broadcast %jit3A_2779 : i32 to vector<16xi32>
    %select_n3A_2781 = arith.select %eq3A_2778, %get3A_2404, %broadcast_in_dim3A_2780 : vector<16xi1>, vector<16xi32>
    %reduce_min3A_2782 = arith.constant true
    %reduce_min3A_2783 = vector.broadcast %reduce_min3A_2782 : i1 to vector<16xi1>
    %reduce_min3A_2784 = arith.constant -2147483648 : i32
    %reduce_min3A_2785 = vector.broadcast %reduce_min3A_2784 : i32 to vector<16xi32>
    %reduce_min3A_2786 = arith.xori %select_n3A_2781, %reduce_min3A_2785 : vector<16xi32>
    %reduce_min3A_2787 = tpu.scan <min>, %reduce_min3A_2786 masked %reduce_min3A_2783 : vector<16xi32>, vector<16xi1> -> vector<16xi32>
    %reduce_min3A_2788 = arith.xori %reduce_min3A_2787, %reduce_min3A_2785 : vector<16xi32>
    %reduce_min3A_2789 = vector.extract %reduce_min3A_2788[15] : i32 from vector<16xi32>
    %min3A_2790 = arith.minsi %reduce_min3A_2776, %reduce_min3A_2789 : i32
    %eq3A_2791 = vector.broadcast %reduce_max3A_2763 : f32 to vector<16xf32>
    %eq3A_2792 = arith.cmpf oeq, %select_n3A_2746, %eq3A_2791 : vector<16xf32>
    %jit3A_2793 = arith.constant 1073741824 : i32
    %broadcast_in_dim3A_2794 = vector.broadcast %jit3A_2793 : i32 to vector<16xi32>
    %select_n3A_2795 = arith.select %eq3A_2792, %get3A_2406, %broadcast_in_dim3A_2794 : vector<16xi1>, vector<16xi32>
    %reduce_min3A_2796 = arith.constant true
    %reduce_min3A_2797 = vector.broadcast %reduce_min3A_2796 : i1 to vector<16xi1>
    %reduce_min3A_2798 = arith.constant -2147483648 : i32
    %reduce_min3A_2799 = vector.broadcast %reduce_min3A_2798 : i32 to vector<16xi32>
    %reduce_min3A_2800 = arith.xori %select_n3A_2795, %reduce_min3A_2799 : vector<16xi32>
    %reduce_min3A_2801 = tpu.scan <min>, %reduce_min3A_2800 masked %reduce_min3A_2797 : vector<16xi32>, vector<16xi1> -> vector<16xi32>
    %reduce_min3A_2802 = arith.xori %reduce_min3A_2801, %reduce_min3A_2799 : vector<16xi32>
    %reduce_min3A_2803 = vector.extract %reduce_min3A_2802[15] : i32 from vector<16xi32>
    %min3A_2804 = arith.minsi %min3A_2790, %reduce_min3A_2803 : i32
    %eq3A_2805 = vector.broadcast %reduce_max3A_2763 : f32 to vector<16xf32>
    %eq3A_2806 = arith.cmpf oeq, %select_n3A_2751, %eq3A_2805 : vector<16xf32>
    %jit3A_2807 = arith.constant 1073741824 : i32
    %broadcast_in_dim3A_2808 = vector.broadcast %jit3A_2807 : i32 to vector<16xi32>
    %select_n3A_2809 = arith.select %eq3A_2806, %get3A_2408, %broadcast_in_dim3A_2808 : vector<16xi1>, vector<16xi32>
    %reduce_min3A_2810 = arith.constant true
    %reduce_min3A_2811 = vector.broadcast %reduce_min3A_2810 : i1 to vector<16xi1>
    %reduce_min3A_2812 = arith.constant -2147483648 : i32
    %reduce_min3A_2813 = vector.broadcast %reduce_min3A_2812 : i32 to vector<16xi32>
    %reduce_min3A_2814 = arith.xori %select_n3A_2809, %reduce_min3A_2813 : vector<16xi32>
    %reduce_min3A_2815 = tpu.scan <min>, %reduce_min3A_2814 masked %reduce_min3A_2811 : vector<16xi32>, vector<16xi1> -> vector<16xi32>
    %reduce_min3A_2816 = arith.xori %reduce_min3A_2815, %reduce_min3A_2813 : vector<16xi32>
    %reduce_min3A_2817 = vector.extract %reduce_min3A_2816[15] : i32 from vector<16xi32>
    %min3A_2818 = arith.minsi %min3A_2804, %reduce_min3A_2817 : i32
    %eq3A_2819 = vector.broadcast %min3A_2818 : i32 to vector<16xi32>
    %eq3A_2820 = arith.cmpi eq, %get3A_2402, %eq3A_2819 : vector<16xi32>
    %jit3A_2821 = arith.constant -3.000000e+38 : f32
    %broadcast_in_dim3A_2822 = vector.broadcast %jit3A_2821 : f32 to vector<16xf32>
    %select_n3A_2823 = arith.select %eq3A_2820, %broadcast_in_dim3A_2822, %select_n3A_2736 : vector<16xi1>, vector<16xf32>
    %eq3A_2824 = vector.broadcast %min3A_2818 : i32 to vector<16xi32>
    %eq3A_2825 = arith.cmpi eq, %get3A_2404, %eq3A_2824 : vector<16xi32>
    %jit3A_2826 = arith.constant -3.000000e+38 : f32
    %broadcast_in_dim3A_2827 = vector.broadcast %jit3A_2826 : f32 to vector<16xf32>
    %select_n3A_2828 = arith.select %eq3A_2825, %broadcast_in_dim3A_2827, %select_n3A_2741 : vector<16xi1>, vector<16xf32>
    %eq3A_2829 = vector.broadcast %min3A_2818 : i32 to vector<16xi32>
    %eq3A_2830 = arith.cmpi eq, %get3A_2406, %eq3A_2829 : vector<16xi32>
    %jit3A_2831 = arith.constant -3.000000e+38 : f32
    %broadcast_in_dim3A_2832 = vector.broadcast %jit3A_2831 : f32 to vector<16xf32>
    %select_n3A_2833 = arith.select %eq3A_2830, %broadcast_in_dim3A_2832, %select_n3A_2746 : vector<16xi1>, vector<16xf32>
    %eq3A_2834 = vector.broadcast %min3A_2818 : i32 to vector<16xi32>
    %eq3A_2835 = arith.cmpi eq, %get3A_2408, %eq3A_2834 : vector<16xi32>
    %jit3A_2836 = arith.constant -3.000000e+38 : f32
    %broadcast_in_dim3A_2837 = vector.broadcast %jit3A_2836 : f32 to vector<16xf32>
    %select_n3A_2838 = arith.select %eq3A_2835, %broadcast_in_dim3A_2837, %select_n3A_2751 : vector<16xi1>, vector<16xf32>
    %eq3A_2839 = arith.constant 4 : i32
    %eq3A_2840 = vector.broadcast %eq3A_2839 : i32 to vector<16xi32>
    %eq3A_2841 = arith.cmpi eq, %iota3A, %eq3A_2840 : vector<16xi32>
    %broadcast_in_dim3A_2842 = vector.broadcast %min3A_2818 : i32 to vector<16xi32>
    %select_n3A_2843 = arith.select %eq3A_2841, %broadcast_in_dim3A_2842, %select_n3A_2756 : vector<16xi1>, vector<16xi32>
    %max3A_2844 = arith.maximumf %select_n3A_2823, %select_n3A_2828 : vector<16xf32>
    %max3A_2845 = arith.maximumf %max3A_2844, %select_n3A_2833 : vector<16xf32>
    %max3A_2846 = arith.maximumf %max3A_2845, %select_n3A_2838 : vector<16xf32>
    %reduce_max3A_2847 = arith.constant true
    %reduce_max3A_2848 = vector.broadcast %reduce_max3A_2847 : i1 to vector<16xi1>
    %reduce_max3A_2849 = tpu.scan <max>, %max3A_2846 masked %reduce_max3A_2848 : vector<16xf32>, vector<16xi1> -> vector<16xf32>
    %reduce_max3A_2850 = vector.extract %reduce_max3A_2849[15] : f32 from vector<16xf32>
    %eq3A_2851 = vector.broadcast %reduce_max3A_2850 : f32 to vector<16xf32>
    %eq3A_2852 = arith.cmpf oeq, %select_n3A_2823, %eq3A_2851 : vector<16xf32>
    %jit3A_2853 = arith.constant 1073741824 : i32
    %broadcast_in_dim3A_2854 = vector.broadcast %jit3A_2853 : i32 to vector<16xi32>
    %select_n3A_2855 = arith.select %eq3A_2852, %get3A_2402, %broadcast_in_dim3A_2854 : vector<16xi1>, vector<16xi32>
    %reduce_min3A_2856 = arith.constant true
    %reduce_min3A_2857 = vector.broadcast %reduce_min3A_2856 : i1 to vector<16xi1>
    %reduce_min3A_2858 = arith.constant -2147483648 : i32
    %reduce_min3A_2859 = vector.broadcast %reduce_min3A_2858 : i32 to vector<16xi32>
    %reduce_min3A_2860 = arith.xori %select_n3A_2855, %reduce_min3A_2859 : vector<16xi32>
    %reduce_min3A_2861 = tpu.scan <min>, %reduce_min3A_2860 masked %reduce_min3A_2857 : vector<16xi32>, vector<16xi1> -> vector<16xi32>
    %reduce_min3A_2862 = arith.xori %reduce_min3A_2861, %reduce_min3A_2859 : vector<16xi32>
    %reduce_min3A_2863 = vector.extract %reduce_min3A_2862[15] : i32 from vector<16xi32>
    %eq3A_2864 = vector.broadcast %reduce_max3A_2850 : f32 to vector<16xf32>
    %eq3A_2865 = arith.cmpf oeq, %select_n3A_2828, %eq3A_2864 : vector<16xf32>
    %jit3A_2866 = arith.constant 1073741824 : i32
    %broadcast_in_dim3A_2867 = vector.broadcast %jit3A_2866 : i32 to vector<16xi32>
    %select_n3A_2868 = arith.select %eq3A_2865, %get3A_2404, %broadcast_in_dim3A_2867 : vector<16xi1>, vector<16xi32>
    %reduce_min3A_2869 = arith.constant true
    %reduce_min3A_2870 = vector.broadcast %reduce_min3A_2869 : i1 to vector<16xi1>
    %reduce_min3A_2871 = arith.constant -2147483648 : i32
    %reduce_min3A_2872 = vector.broadcast %reduce_min3A_2871 : i32 to vector<16xi32>
    %reduce_min3A_2873 = arith.xori %select_n3A_2868, %reduce_min3A_2872 : vector<16xi32>
    %reduce_min3A_2874 = tpu.scan <min>, %reduce_min3A_2873 masked %reduce_min3A_2870 : vector<16xi32>, vector<16xi1> -> vector<16xi32>
    %reduce_min3A_2875 = arith.xori %reduce_min3A_2874, %reduce_min3A_2872 : vector<16xi32>
    %reduce_min3A_2876 = vector.extract %reduce_min3A_2875[15] : i32 from vector<16xi32>
    %min3A_2877 = arith.minsi %reduce_min3A_2863, %reduce_min3A_2876 : i32
    %eq3A_2878 = vector.broadcast %reduce_max3A_2850 : f32 to vector<16xf32>
    %eq3A_2879 = arith.cmpf oeq, %select_n3A_2833, %eq3A_2878 : vector<16xf32>
    %jit3A_2880 = arith.constant 1073741824 : i32
    %broadcast_in_dim3A_2881 = vector.broadcast %jit3A_2880 : i32 to vector<16xi32>
    %select_n3A_2882 = arith.select %eq3A_2879, %get3A_2406, %broadcast_in_dim3A_2881 : vector<16xi1>, vector<16xi32>
    %reduce_min3A_2883 = arith.constant true
    %reduce_min3A_2884 = vector.broadcast %reduce_min3A_2883 : i1 to vector<16xi1>
    %reduce_min3A_2885 = arith.constant -2147483648 : i32
    %reduce_min3A_2886 = vector.broadcast %reduce_min3A_2885 : i32 to vector<16xi32>
    %reduce_min3A_2887 = arith.xori %select_n3A_2882, %reduce_min3A_2886 : vector<16xi32>
    %reduce_min3A_2888 = tpu.scan <min>, %reduce_min3A_2887 masked %reduce_min3A_2884 : vector<16xi32>, vector<16xi1> -> vector<16xi32>
    %reduce_min3A_2889 = arith.xori %reduce_min3A_2888, %reduce_min3A_2886 : vector<16xi32>
    %reduce_min3A_2890 = vector.extract %reduce_min3A_2889[15] : i32 from vector<16xi32>
    %min3A_2891 = arith.minsi %min3A_2877, %reduce_min3A_2890 : i32
    %eq3A_2892 = vector.broadcast %reduce_max3A_2850 : f32 to vector<16xf32>
    %eq3A_2893 = arith.cmpf oeq, %select_n3A_2838, %eq3A_2892 : vector<16xf32>
    %jit3A_2894 = arith.constant 1073741824 : i32
    %broadcast_in_dim3A_2895 = vector.broadcast %jit3A_2894 : i32 to vector<16xi32>
    %select_n3A_2896 = arith.select %eq3A_2893, %get3A_2408, %broadcast_in_dim3A_2895 : vector<16xi1>, vector<16xi32>
    %reduce_min3A_2897 = arith.constant true
    %reduce_min3A_2898 = vector.broadcast %reduce_min3A_2897 : i1 to vector<16xi1>
    %reduce_min3A_2899 = arith.constant -2147483648 : i32
    %reduce_min3A_2900 = vector.broadcast %reduce_min3A_2899 : i32 to vector<16xi32>
    %reduce_min3A_2901 = arith.xori %select_n3A_2896, %reduce_min3A_2900 : vector<16xi32>
    %reduce_min3A_2902 = tpu.scan <min>, %reduce_min3A_2901 masked %reduce_min3A_2898 : vector<16xi32>, vector<16xi1> -> vector<16xi32>
    %reduce_min3A_2903 = arith.xori %reduce_min3A_2902, %reduce_min3A_2900 : vector<16xi32>
    %reduce_min3A_2904 = vector.extract %reduce_min3A_2903[15] : i32 from vector<16xi32>
    %min3A_2905 = arith.minsi %min3A_2891, %reduce_min3A_2904 : i32
    %eq3A_2906 = vector.broadcast %min3A_2905 : i32 to vector<16xi32>
    %eq3A_2907 = arith.cmpi eq, %get3A_2402, %eq3A_2906 : vector<16xi32>
    %jit3A_2908 = arith.constant -3.000000e+38 : f32
    %broadcast_in_dim3A_2909 = vector.broadcast %jit3A_2908 : f32 to vector<16xf32>
    %select_n3A_2910 = arith.select %eq3A_2907, %broadcast_in_dim3A_2909, %select_n3A_2823 : vector<16xi1>, vector<16xf32>
    %eq3A_2911 = vector.broadcast %min3A_2905 : i32 to vector<16xi32>
    %eq3A_2912 = arith.cmpi eq, %get3A_2404, %eq3A_2911 : vector<16xi32>
    %jit3A_2913 = arith.constant -3.000000e+38 : f32
    %broadcast_in_dim3A_2914 = vector.broadcast %jit3A_2913 : f32 to vector<16xf32>
    %select_n3A_2915 = arith.select %eq3A_2912, %broadcast_in_dim3A_2914, %select_n3A_2828 : vector<16xi1>, vector<16xf32>
    %eq3A_2916 = vector.broadcast %min3A_2905 : i32 to vector<16xi32>
    %eq3A_2917 = arith.cmpi eq, %get3A_2406, %eq3A_2916 : vector<16xi32>
    %jit3A_2918 = arith.constant -3.000000e+38 : f32
    %broadcast_in_dim3A_2919 = vector.broadcast %jit3A_2918 : f32 to vector<16xf32>
    %select_n3A_2920 = arith.select %eq3A_2917, %broadcast_in_dim3A_2919, %select_n3A_2833 : vector<16xi1>, vector<16xf32>
    %eq3A_2921 = vector.broadcast %min3A_2905 : i32 to vector<16xi32>
    %eq3A_2922 = arith.cmpi eq, %get3A_2408, %eq3A_2921 : vector<16xi32>
    %jit3A_2923 = arith.constant -3.000000e+38 : f32
    %broadcast_in_dim3A_2924 = vector.broadcast %jit3A_2923 : f32 to vector<16xf32>
    %select_n3A_2925 = arith.select %eq3A_2922, %broadcast_in_dim3A_2924, %select_n3A_2838 : vector<16xi1>, vector<16xf32>
    %eq3A_2926 = arith.constant 5 : i32
    %eq3A_2927 = vector.broadcast %eq3A_2926 : i32 to vector<16xi32>
    %eq3A_2928 = arith.cmpi eq, %iota3A, %eq3A_2927 : vector<16xi32>
    %broadcast_in_dim3A_2929 = vector.broadcast %min3A_2905 : i32 to vector<16xi32>
    %select_n3A_2930 = arith.select %eq3A_2928, %broadcast_in_dim3A_2929, %select_n3A_2843 : vector<16xi1>, vector<16xi32>
    %max3A_2931 = arith.maximumf %select_n3A_2910, %select_n3A_2915 : vector<16xf32>
    %max3A_2932 = arith.maximumf %max3A_2931, %select_n3A_2920 : vector<16xf32>
    %max3A_2933 = arith.maximumf %max3A_2932, %select_n3A_2925 : vector<16xf32>
    %reduce_max3A_2934 = arith.constant true
    %reduce_max3A_2935 = vector.broadcast %reduce_max3A_2934 : i1 to vector<16xi1>
    %reduce_max3A_2936 = tpu.scan <max>, %max3A_2933 masked %reduce_max3A_2935 : vector<16xf32>, vector<16xi1> -> vector<16xf32>
    %reduce_max3A_2937 = vector.extract %reduce_max3A_2936[15] : f32 from vector<16xf32>
    %eq3A_2938 = vector.broadcast %reduce_max3A_2937 : f32 to vector<16xf32>
    %eq3A_2939 = arith.cmpf oeq, %select_n3A_2910, %eq3A_2938 : vector<16xf32>
    %jit3A_2940 = arith.constant 1073741824 : i32
    %broadcast_in_dim3A_2941 = vector.broadcast %jit3A_2940 : i32 to vector<16xi32>
    %select_n3A_2942 = arith.select %eq3A_2939, %get3A_2402, %broadcast_in_dim3A_2941 : vector<16xi1>, vector<16xi32>
    %reduce_min3A_2943 = arith.constant true
    %reduce_min3A_2944 = vector.broadcast %reduce_min3A_2943 : i1 to vector<16xi1>
    %reduce_min3A_2945 = arith.constant -2147483648 : i32
    %reduce_min3A_2946 = vector.broadcast %reduce_min3A_2945 : i32 to vector<16xi32>
    %reduce_min3A_2947 = arith.xori %select_n3A_2942, %reduce_min3A_2946 : vector<16xi32>
    %reduce_min3A_2948 = tpu.scan <min>, %reduce_min3A_2947 masked %reduce_min3A_2944 : vector<16xi32>, vector<16xi1> -> vector<16xi32>
    %reduce_min3A_2949 = arith.xori %reduce_min3A_2948, %reduce_min3A_2946 : vector<16xi32>
    %reduce_min3A_2950 = vector.extract %reduce_min3A_2949[15] : i32 from vector<16xi32>
    %eq3A_2951 = vector.broadcast %reduce_max3A_2937 : f32 to vector<16xf32>
    %eq3A_2952 = arith.cmpf oeq, %select_n3A_2915, %eq3A_2951 : vector<16xf32>
    %jit3A_2953 = arith.constant 1073741824 : i32
    %broadcast_in_dim3A_2954 = vector.broadcast %jit3A_2953 : i32 to vector<16xi32>
    %select_n3A_2955 = arith.select %eq3A_2952, %get3A_2404, %broadcast_in_dim3A_2954 : vector<16xi1>, vector<16xi32>
    %reduce_min3A_2956 = arith.constant true
    %reduce_min3A_2957 = vector.broadcast %reduce_min3A_2956 : i1 to vector<16xi1>
    %reduce_min3A_2958 = arith.constant -2147483648 : i32
    %reduce_min3A_2959 = vector.broadcast %reduce_min3A_2958 : i32 to vector<16xi32>
    %reduce_min3A_2960 = arith.xori %select_n3A_2955, %reduce_min3A_2959 : vector<16xi32>
    %reduce_min3A_2961 = tpu.scan <min>, %reduce_min3A_2960 masked %reduce_min3A_2957 : vector<16xi32>, vector<16xi1> -> vector<16xi32>
    %reduce_min3A_2962 = arith.xori %reduce_min3A_2961, %reduce_min3A_2959 : vector<16xi32>
    %reduce_min3A_2963 = vector.extract %reduce_min3A_2962[15] : i32 from vector<16xi32>
    %min3A_2964 = arith.minsi %reduce_min3A_2950, %reduce_min3A_2963 : i32
    %eq3A_2965 = vector.broadcast %reduce_max3A_2937 : f32 to vector<16xf32>
    %eq3A_2966 = arith.cmpf oeq, %select_n3A_2920, %eq3A_2965 : vector<16xf32>
    %jit3A_2967 = arith.constant 1073741824 : i32
    %broadcast_in_dim3A_2968 = vector.broadcast %jit3A_2967 : i32 to vector<16xi32>
    %select_n3A_2969 = arith.select %eq3A_2966, %get3A_2406, %broadcast_in_dim3A_2968 : vector<16xi1>, vector<16xi32>
    %reduce_min3A_2970 = arith.constant true
    %reduce_min3A_2971 = vector.broadcast %reduce_min3A_2970 : i1 to vector<16xi1>
    %reduce_min3A_2972 = arith.constant -2147483648 : i32
    %reduce_min3A_2973 = vector.broadcast %reduce_min3A_2972 : i32 to vector<16xi32>
    %reduce_min3A_2974 = arith.xori %select_n3A_2969, %reduce_min3A_2973 : vector<16xi32>
    %reduce_min3A_2975 = tpu.scan <min>, %reduce_min3A_2974 masked %reduce_min3A_2971 : vector<16xi32>, vector<16xi1> -> vector<16xi32>
    %reduce_min3A_2976 = arith.xori %reduce_min3A_2975, %reduce_min3A_2973 : vector<16xi32>
    %reduce_min3A_2977 = vector.extract %reduce_min3A_2976[15] : i32 from vector<16xi32>
    %min3A_2978 = arith.minsi %min3A_2964, %reduce_min3A_2977 : i32
    %eq3A_2979 = vector.broadcast %reduce_max3A_2937 : f32 to vector<16xf32>
    %eq3A_2980 = arith.cmpf oeq, %select_n3A_2925, %eq3A_2979 : vector<16xf32>
    %jit3A_2981 = arith.constant 1073741824 : i32
    %broadcast_in_dim3A_2982 = vector.broadcast %jit3A_2981 : i32 to vector<16xi32>
    %select_n3A_2983 = arith.select %eq3A_2980, %get3A_2408, %broadcast_in_dim3A_2982 : vector<16xi1>, vector<16xi32>
    %reduce_min3A_2984 = arith.constant true
    %reduce_min3A_2985 = vector.broadcast %reduce_min3A_2984 : i1 to vector<16xi1>
    %reduce_min3A_2986 = arith.constant -2147483648 : i32
    %reduce_min3A_2987 = vector.broadcast %reduce_min3A_2986 : i32 to vector<16xi32>
    %reduce_min3A_2988 = arith.xori %select_n3A_2983, %reduce_min3A_2987 : vector<16xi32>
    %reduce_min3A_2989 = tpu.scan <min>, %reduce_min3A_2988 masked %reduce_min3A_2985 : vector<16xi32>, vector<16xi1> -> vector<16xi32>
    %reduce_min3A_2990 = arith.xori %reduce_min3A_2989, %reduce_min3A_2987 : vector<16xi32>
    %reduce_min3A_2991 = vector.extract %reduce_min3A_2990[15] : i32 from vector<16xi32>
    %min3A_2992 = arith.minsi %min3A_2978, %reduce_min3A_2991 : i32
    %eq3A_2993 = vector.broadcast %min3A_2992 : i32 to vector<16xi32>
    %eq3A_2994 = arith.cmpi eq, %get3A_2402, %eq3A_2993 : vector<16xi32>
    %jit3A_2995 = arith.constant -3.000000e+38 : f32
    %broadcast_in_dim3A_2996 = vector.broadcast %jit3A_2995 : f32 to vector<16xf32>
    %select_n3A_2997 = arith.select %eq3A_2994, %broadcast_in_dim3A_2996, %select_n3A_2910 : vector<16xi1>, vector<16xf32>
    %eq3A_2998 = vector.broadcast %min3A_2992 : i32 to vector<16xi32>
    %eq3A_2999 = arith.cmpi eq, %get3A_2404, %eq3A_2998 : vector<16xi32>
    %jit3A_3000 = arith.constant -3.000000e+38 : f32
    %broadcast_in_dim3A_3001 = vector.broadcast %jit3A_3000 : f32 to vector<16xf32>
    %select_n3A_3002 = arith.select %eq3A_2999, %broadcast_in_dim3A_3001, %select_n3A_2915 : vector<16xi1>, vector<16xf32>
    %eq3A_3003 = vector.broadcast %min3A_2992 : i32 to vector<16xi32>
    %eq3A_3004 = arith.cmpi eq, %get3A_2406, %eq3A_3003 : vector<16xi32>
    %jit3A_3005 = arith.constant -3.000000e+38 : f32
    %broadcast_in_dim3A_3006 = vector.broadcast %jit3A_3005 : f32 to vector<16xf32>
    %select_n3A_3007 = arith.select %eq3A_3004, %broadcast_in_dim3A_3006, %select_n3A_2920 : vector<16xi1>, vector<16xf32>
    %eq3A_3008 = vector.broadcast %min3A_2992 : i32 to vector<16xi32>
    %eq3A_3009 = arith.cmpi eq, %get3A_2408, %eq3A_3008 : vector<16xi32>
    %jit3A_3010 = arith.constant -3.000000e+38 : f32
    %broadcast_in_dim3A_3011 = vector.broadcast %jit3A_3010 : f32 to vector<16xf32>
    %select_n3A_3012 = arith.select %eq3A_3009, %broadcast_in_dim3A_3011, %select_n3A_2925 : vector<16xi1>, vector<16xf32>
    %eq3A_3013 = arith.constant 6 : i32
    %eq3A_3014 = vector.broadcast %eq3A_3013 : i32 to vector<16xi32>
    %eq3A_3015 = arith.cmpi eq, %iota3A, %eq3A_3014 : vector<16xi32>
    %broadcast_in_dim3A_3016 = vector.broadcast %min3A_2992 : i32 to vector<16xi32>
    %select_n3A_3017 = arith.select %eq3A_3015, %broadcast_in_dim3A_3016, %select_n3A_2930 : vector<16xi1>, vector<16xi32>
    %max3A_3018 = arith.maximumf %select_n3A_2997, %select_n3A_3002 : vector<16xf32>
    %max3A_3019 = arith.maximumf %max3A_3018, %select_n3A_3007 : vector<16xf32>
    %max3A_3020 = arith.maximumf %max3A_3019, %select_n3A_3012 : vector<16xf32>
    %reduce_max3A_3021 = arith.constant true
    %reduce_max3A_3022 = vector.broadcast %reduce_max3A_3021 : i1 to vector<16xi1>
    %reduce_max3A_3023 = tpu.scan <max>, %max3A_3020 masked %reduce_max3A_3022 : vector<16xf32>, vector<16xi1> -> vector<16xf32>
    %reduce_max3A_3024 = vector.extract %reduce_max3A_3023[15] : f32 from vector<16xf32>
    %eq3A_3025 = vector.broadcast %reduce_max3A_3024 : f32 to vector<16xf32>
    %eq3A_3026 = arith.cmpf oeq, %select_n3A_2997, %eq3A_3025 : vector<16xf32>
    %jit3A_3027 = arith.constant 1073741824 : i32
    %broadcast_in_dim3A_3028 = vector.broadcast %jit3A_3027 : i32 to vector<16xi32>
    %select_n3A_3029 = arith.select %eq3A_3026, %get3A_2402, %broadcast_in_dim3A_3028 : vector<16xi1>, vector<16xi32>
    %reduce_min3A_3030 = arith.constant true
    %reduce_min3A_3031 = vector.broadcast %reduce_min3A_3030 : i1 to vector<16xi1>
    %reduce_min3A_3032 = arith.constant -2147483648 : i32
    %reduce_min3A_3033 = vector.broadcast %reduce_min3A_3032 : i32 to vector<16xi32>
    %reduce_min3A_3034 = arith.xori %select_n3A_3029, %reduce_min3A_3033 : vector<16xi32>
    %reduce_min3A_3035 = tpu.scan <min>, %reduce_min3A_3034 masked %reduce_min3A_3031 : vector<16xi32>, vector<16xi1> -> vector<16xi32>
    %reduce_min3A_3036 = arith.xori %reduce_min3A_3035, %reduce_min3A_3033 : vector<16xi32>
    %reduce_min3A_3037 = vector.extract %reduce_min3A_3036[15] : i32 from vector<16xi32>
    %eq3A_3038 = vector.broadcast %reduce_max3A_3024 : f32 to vector<16xf32>
    %eq3A_3039 = arith.cmpf oeq, %select_n3A_3002, %eq3A_3038 : vector<16xf32>
    %jit3A_3040 = arith.constant 1073741824 : i32
    %broadcast_in_dim3A_3041 = vector.broadcast %jit3A_3040 : i32 to vector<16xi32>
    %select_n3A_3042 = arith.select %eq3A_3039, %get3A_2404, %broadcast_in_dim3A_3041 : vector<16xi1>, vector<16xi32>
    %reduce_min3A_3043 = arith.constant true
    %reduce_min3A_3044 = vector.broadcast %reduce_min3A_3043 : i1 to vector<16xi1>
    %reduce_min3A_3045 = arith.constant -2147483648 : i32
    %reduce_min3A_3046 = vector.broadcast %reduce_min3A_3045 : i32 to vector<16xi32>
    %reduce_min3A_3047 = arith.xori %select_n3A_3042, %reduce_min3A_3046 : vector<16xi32>
    %reduce_min3A_3048 = tpu.scan <min>, %reduce_min3A_3047 masked %reduce_min3A_3044 : vector<16xi32>, vector<16xi1> -> vector<16xi32>
    %reduce_min3A_3049 = arith.xori %reduce_min3A_3048, %reduce_min3A_3046 : vector<16xi32>
    %reduce_min3A_3050 = vector.extract %reduce_min3A_3049[15] : i32 from vector<16xi32>
    %min3A_3051 = arith.minsi %reduce_min3A_3037, %reduce_min3A_3050 : i32
    %eq3A_3052 = vector.broadcast %reduce_max3A_3024 : f32 to vector<16xf32>
    %eq3A_3053 = arith.cmpf oeq, %select_n3A_3007, %eq3A_3052 : vector<16xf32>
    %jit3A_3054 = arith.constant 1073741824 : i32
    %broadcast_in_dim3A_3055 = vector.broadcast %jit3A_3054 : i32 to vector<16xi32>
    %select_n3A_3056 = arith.select %eq3A_3053, %get3A_2406, %broadcast_in_dim3A_3055 : vector<16xi1>, vector<16xi32>
    %reduce_min3A_3057 = arith.constant true
    %reduce_min3A_3058 = vector.broadcast %reduce_min3A_3057 : i1 to vector<16xi1>
    %reduce_min3A_3059 = arith.constant -2147483648 : i32
    %reduce_min3A_3060 = vector.broadcast %reduce_min3A_3059 : i32 to vector<16xi32>
    %reduce_min3A_3061 = arith.xori %select_n3A_3056, %reduce_min3A_3060 : vector<16xi32>
    %reduce_min3A_3062 = tpu.scan <min>, %reduce_min3A_3061 masked %reduce_min3A_3058 : vector<16xi32>, vector<16xi1> -> vector<16xi32>
    %reduce_min3A_3063 = arith.xori %reduce_min3A_3062, %reduce_min3A_3060 : vector<16xi32>
    %reduce_min3A_3064 = vector.extract %reduce_min3A_3063[15] : i32 from vector<16xi32>
    %min3A_3065 = arith.minsi %min3A_3051, %reduce_min3A_3064 : i32
    %eq3A_3066 = vector.broadcast %reduce_max3A_3024 : f32 to vector<16xf32>
    %eq3A_3067 = arith.cmpf oeq, %select_n3A_3012, %eq3A_3066 : vector<16xf32>
    %jit3A_3068 = arith.constant 1073741824 : i32
    %broadcast_in_dim3A_3069 = vector.broadcast %jit3A_3068 : i32 to vector<16xi32>
    %select_n3A_3070 = arith.select %eq3A_3067, %get3A_2408, %broadcast_in_dim3A_3069 : vector<16xi1>, vector<16xi32>
    %reduce_min3A_3071 = arith.constant true
    %reduce_min3A_3072 = vector.broadcast %reduce_min3A_3071 : i1 to vector<16xi1>
    %reduce_min3A_3073 = arith.constant -2147483648 : i32
    %reduce_min3A_3074 = vector.broadcast %reduce_min3A_3073 : i32 to vector<16xi32>
    %reduce_min3A_3075 = arith.xori %select_n3A_3070, %reduce_min3A_3074 : vector<16xi32>
    %reduce_min3A_3076 = tpu.scan <min>, %reduce_min3A_3075 masked %reduce_min3A_3072 : vector<16xi32>, vector<16xi1> -> vector<16xi32>
    %reduce_min3A_3077 = arith.xori %reduce_min3A_3076, %reduce_min3A_3074 : vector<16xi32>
    %reduce_min3A_3078 = vector.extract %reduce_min3A_3077[15] : i32 from vector<16xi32>
    %min3A_3079 = arith.minsi %min3A_3065, %reduce_min3A_3078 : i32
    %eq3A_3080 = vector.broadcast %min3A_3079 : i32 to vector<16xi32>
    %eq3A_3081 = arith.cmpi eq, %get3A_2402, %eq3A_3080 : vector<16xi32>
    %jit3A_3082 = arith.constant -3.000000e+38 : f32
    %broadcast_in_dim3A_3083 = vector.broadcast %jit3A_3082 : f32 to vector<16xf32>
    %select_n3A_3084 = arith.select %eq3A_3081, %broadcast_in_dim3A_3083, %select_n3A_2997 : vector<16xi1>, vector<16xf32>
    %eq3A_3085 = vector.broadcast %min3A_3079 : i32 to vector<16xi32>
    %eq3A_3086 = arith.cmpi eq, %get3A_2404, %eq3A_3085 : vector<16xi32>
    %jit3A_3087 = arith.constant -3.000000e+38 : f32
    %broadcast_in_dim3A_3088 = vector.broadcast %jit3A_3087 : f32 to vector<16xf32>
    %select_n3A_3089 = arith.select %eq3A_3086, %broadcast_in_dim3A_3088, %select_n3A_3002 : vector<16xi1>, vector<16xf32>
    %eq3A_3090 = vector.broadcast %min3A_3079 : i32 to vector<16xi32>
    %eq3A_3091 = arith.cmpi eq, %get3A_2406, %eq3A_3090 : vector<16xi32>
    %jit3A_3092 = arith.constant -3.000000e+38 : f32
    %broadcast_in_dim3A_3093 = vector.broadcast %jit3A_3092 : f32 to vector<16xf32>
    %select_n3A_3094 = arith.select %eq3A_3091, %broadcast_in_dim3A_3093, %select_n3A_3007 : vector<16xi1>, vector<16xf32>
    %eq3A_3095 = vector.broadcast %min3A_3079 : i32 to vector<16xi32>
    %eq3A_3096 = arith.cmpi eq, %get3A_2408, %eq3A_3095 : vector<16xi32>
    %jit3A_3097 = arith.constant -3.000000e+38 : f32
    %broadcast_in_dim3A_3098 = vector.broadcast %jit3A_3097 : f32 to vector<16xf32>
    %select_n3A_3099 = arith.select %eq3A_3096, %broadcast_in_dim3A_3098, %select_n3A_3012 : vector<16xi1>, vector<16xf32>
    %eq3A_3100 = arith.constant 7 : i32
    %eq3A_3101 = vector.broadcast %eq3A_3100 : i32 to vector<16xi32>
    %eq3A_3102 = arith.cmpi eq, %iota3A, %eq3A_3101 : vector<16xi32>
    %broadcast_in_dim3A_3103 = vector.broadcast %min3A_3079 : i32 to vector<16xi32>
    %select_n3A_3104 = arith.select %eq3A_3102, %broadcast_in_dim3A_3103, %select_n3A_3017 : vector<16xi1>, vector<16xi32>
    %swap3A_3105 = arith.constant 3 : i32
    %swap3A_3106 = arith.index_cast %swap3A_3105 : i32 to index
    %swap3A_3107 = arith.constant 0 : index
    %swap3A_3108 = tpu.vector_load %arg7[%swap3A_3106, %swap3A_3107] {strides = array<i32>} : memref<4x16xi32, #tpu.memory_space<vmem>>, vector<16xi32>,
    tpu.vector_store %arg7[%swap3A_3106, %swap3A_3107], %select_n3A_3104 {strides = array<i32>} : memref<4x16xi32, #tpu.memory_space<vmem>>, vector<16xi32>,
    "tpu.region"() ({
      %run_scoped3A = tpu.sem_alloc : memref<!tpu.dma_semaphore, #tpu.memory_space<semaphore_mem>>
      %dma_start3A_3109 = arith.constant 0 : i32
      %dma_start3A_3110 = tpu.memref_slice %arg3[%mul3A_2, %dma_start3A_3109] : memref<128x16xi32, #tpu.memory_space<hbm>> -> memref<4x16xi32, #tpu.memory_space<hbm>>
      %dma_start3A_3111 = arith.constant 0 : i32
      %dma_start3A_3112 = tpu.memref_slice %arg3[%mul3A_2, %dma_start3A_3111] : memref<128x16xi32, #tpu.memory_space<hbm>> -> memref<4x16xi32, #tpu.memory_space<hbm>>
      tpu.enqueue_dma source(%arg7 : memref<4x16xi32, #tpu.memory_space<vmem>>) target(%dma_start3A_3112 : memref<4x16xi32, #tpu.memory_space<hbm>>) target_semaphore(%run_scoped3A : memref<!tpu.dma_semaphore, #tpu.memory_space<semaphore_mem>>)
      %dma_wait3A_3113 = arith.constant 0 : i32
      %dma_wait3A_3114 = tpu.memref_slice %arg3[%mul3A_2, %dma_wait3A_3113] : memref<128x16xi32, #tpu.memory_space<hbm>> -> memref<4x16xi32, #tpu.memory_space<hbm>>
      %dma_wait3A_3115 = arith.constant 0 : i32
      %dma_wait3A_3116 = tpu.memref_slice %arg3[%mul3A_2, %dma_wait3A_3115] : memref<128x16xi32, #tpu.memory_space<hbm>> -> memref<4x16xi32, #tpu.memory_space<hbm>>
      tpu.wait_dma2 semaphore(%run_scoped3A : memref<!tpu.dma_semaphore, #tpu.memory_space<semaphore_mem>>) src(%arg7 : memref<4x16xi32, #tpu.memory_space<vmem>>) dst(%dma_wait3A_3116 : memref<4x16xi32, #tpu.memory_space<hbm>>)
      tpu.yield
    }) : () -> ()
    return
  }
}

module attributes {stable_mosaic.version = 14 : i64} {
  func.func @_mask_body(%arg0: i32, %arg1: memref<16x16xi32, #tpu.memory_space<vmem>>, %arg2: memref<16x8192xi32, #tpu.memory_space<vmem>>) attributes {dimension_semantics = [#tpu.dimension_semantics<arbitrary>], iteration_bounds = array<i64: 8>, scalar_prefetch = 0 : i64, scratch_operands = 0 : i64, tpu.core_type = #tpu.core_type<tc>, window_params = [{transform_indices = @transform_0, window_bounds = array<i64: 16, 16>}, {transform_indices = @transform_1, window_bounds = array<i64: 16, 8192>}]} {
    %get3A = arith.constant 0 : index
    %get3A_0 = arith.constant 0 : index
    %get3A_1 = vector.load %arg1[%get3A, %get3A_0] : memref<16x16xi32, #tpu.memory_space<vmem>>, vector<16x16xi32>
    %convert_element_type3A = arith.trunci %get3A_1 : vector<16x16xi32> to vector<16x16xi16>
    %iota3A = tpu.iota {dimensions = array<i32: 1>} : vector<16x8192xi16>
    %slice3A = vector.extract_strided_slice %convert_element_type3A {offsets = [0, 0], sizes = [16, 1], strides = [1, 1]} : vector<16x16xi16> to vector<16x1xi16>
    %eq3A = vector.broadcast %slice3A : vector<16x1xi16> to vector<16x8192xi16>
    %eq3A_2 = arith.cmpi eq, %iota3A, %eq3A : vector<16x8192xi16>
    %slice3A_3 = vector.extract_strided_slice %convert_element_type3A {offsets = [0, 1], sizes = [16, 1], strides = [1, 1]} : vector<16x16xi16> to vector<16x1xi16>
    %eq3A_4 = vector.broadcast %slice3A_3 : vector<16x1xi16> to vector<16x8192xi16>
    %eq3A_5 = arith.cmpi eq, %iota3A, %eq3A_4 : vector<16x8192xi16>
    %or3A = arith.ori %eq3A_2, %eq3A_5 : vector<16x8192xi1>
    %slice3A_6 = vector.extract_strided_slice %convert_element_type3A {offsets = [0, 2], sizes = [16, 1], strides = [1, 1]} : vector<16x16xi16> to vector<16x1xi16>
    %eq3A_7 = vector.broadcast %slice3A_6 : vector<16x1xi16> to vector<16x8192xi16>
    %eq3A_8 = arith.cmpi eq, %iota3A, %eq3A_7 : vector<16x8192xi16>
    %or3A_9 = arith.ori %or3A, %eq3A_8 : vector<16x8192xi1>
    %slice3A_10 = vector.extract_strided_slice %convert_element_type3A {offsets = [0, 3], sizes = [16, 1], strides = [1, 1]} : vector<16x16xi16> to vector<16x1xi16>
    %eq3A_11 = vector.broadcast %slice3A_10 : vector<16x1xi16> to vector<16x8192xi16>
    %eq3A_12 = arith.cmpi eq, %iota3A, %eq3A_11 : vector<16x8192xi16>
    %or3A_13 = arith.ori %or3A_9, %eq3A_12 : vector<16x8192xi1>
    %slice3A_14 = vector.extract_strided_slice %convert_element_type3A {offsets = [0, 4], sizes = [16, 1], strides = [1, 1]} : vector<16x16xi16> to vector<16x1xi16>
    %eq3A_15 = vector.broadcast %slice3A_14 : vector<16x1xi16> to vector<16x8192xi16>
    %eq3A_16 = arith.cmpi eq, %iota3A, %eq3A_15 : vector<16x8192xi16>
    %or3A_17 = arith.ori %or3A_13, %eq3A_16 : vector<16x8192xi1>
    %slice3A_18 = vector.extract_strided_slice %convert_element_type3A {offsets = [0, 5], sizes = [16, 1], strides = [1, 1]} : vector<16x16xi16> to vector<16x1xi16>
    %eq3A_19 = vector.broadcast %slice3A_18 : vector<16x1xi16> to vector<16x8192xi16>
    %eq3A_20 = arith.cmpi eq, %iota3A, %eq3A_19 : vector<16x8192xi16>
    %or3A_21 = arith.ori %or3A_17, %eq3A_20 : vector<16x8192xi1>
    %slice3A_22 = vector.extract_strided_slice %convert_element_type3A {offsets = [0, 6], sizes = [16, 1], strides = [1, 1]} : vector<16x16xi16> to vector<16x1xi16>
    %eq3A_23 = vector.broadcast %slice3A_22 : vector<16x1xi16> to vector<16x8192xi16>
    %eq3A_24 = arith.cmpi eq, %iota3A, %eq3A_23 : vector<16x8192xi16>
    %or3A_25 = arith.ori %or3A_21, %eq3A_24 : vector<16x8192xi1>
    %slice3A_26 = vector.extract_strided_slice %convert_element_type3A {offsets = [0, 7], sizes = [16, 1], strides = [1, 1]} : vector<16x16xi16> to vector<16x1xi16>
    %eq3A_27 = vector.broadcast %slice3A_26 : vector<16x1xi16> to vector<16x8192xi16>
    %eq3A_28 = arith.cmpi eq, %iota3A, %eq3A_27 : vector<16x8192xi16>
    %or3A_29 = arith.ori %or3A_25, %eq3A_28 : vector<16x8192xi1>
    %swap3A = arith.constant 0 : index
    %swap3A_30 = arith.constant 0 : index
    %swap3A_31 = vector.load %arg2[%swap3A, %swap3A_30] : memref<16x8192xi32, #tpu.memory_space<vmem>>, vector<16x8192xi32>
    %swap3A_32 = arith.extui %or3A_29 : vector<16x8192xi1> to vector<16x8192xi32>
    %swap3A_33 = arith.constant dense<0> : vector<16x8192xi32>
    %swap3A_34 = arith.cmpi ne, %swap3A_31, %swap3A_33 : vector<16x8192xi32>
    tpu.vector_store %arg2[%swap3A, %swap3A_30], %swap3A_32 {strides = array<i32>} : memref<16x8192xi32, #tpu.memory_space<vmem>>, vector<16x8192xi32>,
    return
  }
  func.func @transform_0(%arg0: i32) -> (i32, i32) {
    %c0_i32 = arith.constant 0 : i32
    %c0_i32_0 = arith.constant 0 : i32
    return %arg0, %c0_i32 : i32, i32
  }
  func.func @transform_1(%arg0: i32) -> (i32, i32) {
    %c0_i32 = arith.constant 0 : i32
    %c0_i32_0 = arith.constant 0 : i32
    return %arg0, %c0_i32 : i32, i32
  }
}

module attributes {stable_mosaic.version = 14 : i64} {
  func.func @_scores_body(%arg0: i32, %arg1: memref<1x64xf32, #tpu.memory_space<vmem>>, %arg2: memref<8x64x8192xf32, #tpu.memory_space<vmem>>, %arg3: memref<8x8192xf32, #tpu.memory_space<vmem>>) attributes {dimension_semantics = [#tpu.dimension_semantics<arbitrary>], iteration_bounds = array<i64: 16>, scalar_prefetch = 0 : i64, scratch_operands = 0 : i64, tpu.core_type = #tpu.core_type<tc>, window_params = [{pipeline_mode = #tpu.pipeline_mode<synchronous>, transform_indices = @transform_0, window_bounds = array<i64: 1, 64>}, {transform_indices = @transform_1, window_bounds = array<i64: 8, 64, 8192>}, {transform_indices = @transform_2, window_bounds = array<i64: 8, 8192>}]} {
    %get3A = arith.constant 0 : index
    %get3A_0 = arith.constant 0 : index
    %get3A_1 = vector.load %arg1[%get3A, %get3A_0] : memref<1x64xf32, #tpu.memory_space<vmem>>, vector<1x64xf32>
    %get3A_2 = arith.constant 0 : index
    %get3A_3 = arith.constant 0 : index
    %get3A_4 = arith.constant 0 : index
    %get3A_5 = vector.load %arg2[%get3A_2, %get3A_3, %get3A_4] : memref<8x64x8192xf32, #tpu.memory_space<vmem>>, vector<1x64x8192xf32>
    %get3A_6 = vector.shape_cast %get3A_5 : vector<1x64x8192xf32> to vector<64x8192xf32>
    %dot_general3A = arith.constant dense<0.000000e+00> : vector<1x8192xf32>
    %dot_general3A_7 = tpu.matmul %get3A_1, %get3A_6, %dot_general3A {dimension_numbers = #tpu.dot_dimension_numbers<[1], [0], [0], [1], [0, 0, 1, 1], [], []>, transpose_lhs_hint = false} : vector<1x64xf32>, vector<64x8192xf32>, vector<1x8192xf32> -> vector<1x8192xf32>
    %squeeze3A = vector.shape_cast %dot_general3A_7 : vector<1x8192xf32> to vector<8192xf32>
    %swap3A = arith.constant 0 : index
    %swap3A_8 = arith.constant 0 : index
    %swap3A_9 = vector.load %arg3[%swap3A, %swap3A_8] : memref<8x8192xf32, #tpu.memory_space<vmem>>, vector<1x8192xf32>
    %swap3A_10 = vector.shape_cast %swap3A_9 : vector<1x8192xf32> to vector<8192xf32>
    %swap3A_11 = vector.shape_cast %squeeze3A : vector<8192xf32> to vector<1x8192xf32>
    tpu.vector_store %arg3[%swap3A, %swap3A_8], %swap3A_11 {strides = array<i32>} : memref<8x8192xf32, #tpu.memory_space<vmem>>, vector<1x8192xf32>,
    %get3A_12 = arith.constant 1 : index
    %get3A_13 = arith.constant 0 : index
    %get3A_14 = arith.constant 0 : index
    %get3A_15 = vector.load %arg2[%get3A_12, %get3A_13, %get3A_14] : memref<8x64x8192xf32, #tpu.memory_space<vmem>>, vector<1x64x8192xf32>
    %get3A_16 = vector.shape_cast %get3A_15 : vector<1x64x8192xf32> to vector<64x8192xf32>
    %dot_general3A_17 = arith.constant dense<0.000000e+00> : vector<1x8192xf32>
    %dot_general3A_18 = tpu.matmul %get3A_1, %get3A_16, %dot_general3A_17 {dimension_numbers = #tpu.dot_dimension_numbers<[1], [0], [0], [1], [0, 0, 1, 1], [], []>, transpose_lhs_hint = false} : vector<1x64xf32>, vector<64x8192xf32>, vector<1x8192xf32> -> vector<1x8192xf32>
    %squeeze3A_19 = vector.shape_cast %dot_general3A_18 : vector<1x8192xf32> to vector<8192xf32>
    %swap3A_20 = arith.constant 1 : index
    %swap3A_21 = arith.constant 0 : index
    %swap3A_22 = vector.load %arg3[%swap3A_20, %swap3A_21] : memref<8x8192xf32, #tpu.memory_space<vmem>>, vector<1x8192xf32>
    %swap3A_23 = vector.shape_cast %swap3A_22 : vector<1x8192xf32> to vector<8192xf32>
    %swap3A_24 = vector.shape_cast %squeeze3A_19 : vector<8192xf32> to vector<1x8192xf32>
    tpu.vector_store %arg3[%swap3A_20, %swap3A_21], %swap3A_24 {strides = array<i32>} : memref<8x8192xf32, #tpu.memory_space<vmem>>, vector<1x8192xf32>,
    %get3A_25 = arith.constant 2 : index
    %get3A_26 = arith.constant 0 : index
    %get3A_27 = arith.constant 0 : index
    %get3A_28 = vector.load %arg2[%get3A_25, %get3A_26, %get3A_27] : memref<8x64x8192xf32, #tpu.memory_space<vmem>>, vector<1x64x8192xf32>
    %get3A_29 = vector.shape_cast %get3A_28 : vector<1x64x8192xf32> to vector<64x8192xf32>
    %dot_general3A_30 = arith.constant dense<0.000000e+00> : vector<1x8192xf32>
    %dot_general3A_31 = tpu.matmul %get3A_1, %get3A_29, %dot_general3A_30 {dimension_numbers = #tpu.dot_dimension_numbers<[1], [0], [0], [1], [0, 0, 1, 1], [], []>, transpose_lhs_hint = false} : vector<1x64xf32>, vector<64x8192xf32>, vector<1x8192xf32> -> vector<1x8192xf32>
    %squeeze3A_32 = vector.shape_cast %dot_general3A_31 : vector<1x8192xf32> to vector<8192xf32>
    %swap3A_33 = arith.constant 2 : index
    %swap3A_34 = arith.constant 0 : index
    %swap3A_35 = vector.load %arg3[%swap3A_33, %swap3A_34] : memref<8x8192xf32, #tpu.memory_space<vmem>>, vector<1x8192xf32>
    %swap3A_36 = vector.shape_cast %swap3A_35 : vector<1x8192xf32> to vector<8192xf32>
    %swap3A_37 = vector.shape_cast %squeeze3A_32 : vector<8192xf32> to vector<1x8192xf32>
    tpu.vector_store %arg3[%swap3A_33, %swap3A_34], %swap3A_37 {strides = array<i32>} : memref<8x8192xf32, #tpu.memory_space<vmem>>, vector<1x8192xf32>,
    %get3A_38 = arith.constant 3 : index
    %get3A_39 = arith.constant 0 : index
    %get3A_40 = arith.constant 0 : index
    %get3A_41 = vector.load %arg2[%get3A_38, %get3A_39, %get3A_40] : memref<8x64x8192xf32, #tpu.memory_space<vmem>>, vector<1x64x8192xf32>
    %get3A_42 = vector.shape_cast %get3A_41 : vector<1x64x8192xf32> to vector<64x8192xf32>
    %dot_general3A_43 = arith.constant dense<0.000000e+00> : vector<1x8192xf32>
    %dot_general3A_44 = tpu.matmul %get3A_1, %get3A_42, %dot_general3A_43 {dimension_numbers = #tpu.dot_dimension_numbers<[1], [0], [0], [1], [0, 0, 1, 1], [], []>, transpose_lhs_hint = false} : vector<1x64xf32>, vector<64x8192xf32>, vector<1x8192xf32> -> vector<1x8192xf32>
    %squeeze3A_45 = vector.shape_cast %dot_general3A_44 : vector<1x8192xf32> to vector<8192xf32>
    %swap3A_46 = arith.constant 3 : index
    %swap3A_47 = arith.constant 0 : index
    %swap3A_48 = vector.load %arg3[%swap3A_46, %swap3A_47] : memref<8x8192xf32, #tpu.memory_space<vmem>>, vector<1x8192xf32>
    %swap3A_49 = vector.shape_cast %swap3A_48 : vector<1x8192xf32> to vector<8192xf32>
    %swap3A_50 = vector.shape_cast %squeeze3A_45 : vector<8192xf32> to vector<1x8192xf32>
    tpu.vector_store %arg3[%swap3A_46, %swap3A_47], %swap3A_50 {strides = array<i32>} : memref<8x8192xf32, #tpu.memory_space<vmem>>, vector<1x8192xf32>,
    %get3A_51 = arith.constant 4 : index
    %get3A_52 = arith.constant 0 : index
    %get3A_53 = arith.constant 0 : index
    %get3A_54 = vector.load %arg2[%get3A_51, %get3A_52, %get3A_53] : memref<8x64x8192xf32, #tpu.memory_space<vmem>>, vector<1x64x8192xf32>
    %get3A_55 = vector.shape_cast %get3A_54 : vector<1x64x8192xf32> to vector<64x8192xf32>
    %dot_general3A_56 = arith.constant dense<0.000000e+00> : vector<1x8192xf32>
    %dot_general3A_57 = tpu.matmul %get3A_1, %get3A_55, %dot_general3A_56 {dimension_numbers = #tpu.dot_dimension_numbers<[1], [0], [0], [1], [0, 0, 1, 1], [], []>, transpose_lhs_hint = false} : vector<1x64xf32>, vector<64x8192xf32>, vector<1x8192xf32> -> vector<1x8192xf32>
    %squeeze3A_58 = vector.shape_cast %dot_general3A_57 : vector<1x8192xf32> to vector<8192xf32>
    %swap3A_59 = arith.constant 4 : index
    %swap3A_60 = arith.constant 0 : index
    %swap3A_61 = vector.load %arg3[%swap3A_59, %swap3A_60] : memref<8x8192xf32, #tpu.memory_space<vmem>>, vector<1x8192xf32>
    %swap3A_62 = vector.shape_cast %swap3A_61 : vector<1x8192xf32> to vector<8192xf32>
    %swap3A_63 = vector.shape_cast %squeeze3A_58 : vector<8192xf32> to vector<1x8192xf32>
    tpu.vector_store %arg3[%swap3A_59, %swap3A_60], %swap3A_63 {strides = array<i32>} : memref<8x8192xf32, #tpu.memory_space<vmem>>, vector<1x8192xf32>,
    %get3A_64 = arith.constant 5 : index
    %get3A_65 = arith.constant 0 : index
    %get3A_66 = arith.constant 0 : index
    %get3A_67 = vector.load %arg2[%get3A_64, %get3A_65, %get3A_66] : memref<8x64x8192xf32, #tpu.memory_space<vmem>>, vector<1x64x8192xf32>
    %get3A_68 = vector.shape_cast %get3A_67 : vector<1x64x8192xf32> to vector<64x8192xf32>
    %dot_general3A_69 = arith.constant dense<0.000000e+00> : vector<1x8192xf32>
    %dot_general3A_70 = tpu.matmul %get3A_1, %get3A_68, %dot_general3A_69 {dimension_numbers = #tpu.dot_dimension_numbers<[1], [0], [0], [1], [0, 0, 1, 1], [], []>, transpose_lhs_hint = false} : vector<1x64xf32>, vector<64x8192xf32>, vector<1x8192xf32> -> vector<1x8192xf32>
    %squeeze3A_71 = vector.shape_cast %dot_general3A_70 : vector<1x8192xf32> to vector<8192xf32>
    %swap3A_72 = arith.constant 5 : index
    %swap3A_73 = arith.constant 0 : index
    %swap3A_74 = vector.load %arg3[%swap3A_72, %swap3A_73] : memref<8x8192xf32, #tpu.memory_space<vmem>>, vector<1x8192xf32>
    %swap3A_75 = vector.shape_cast %swap3A_74 : vector<1x8192xf32> to vector<8192xf32>
    %swap3A_76 = vector.shape_cast %squeeze3A_71 : vector<8192xf32> to vector<1x8192xf32>
    tpu.vector_store %arg3[%swap3A_72, %swap3A_73], %swap3A_76 {strides = array<i32>} : memref<8x8192xf32, #tpu.memory_space<vmem>>, vector<1x8192xf32>,
    %get3A_77 = arith.constant 6 : index
    %get3A_78 = arith.constant 0 : index
    %get3A_79 = arith.constant 0 : index
    %get3A_80 = vector.load %arg2[%get3A_77, %get3A_78, %get3A_79] : memref<8x64x8192xf32, #tpu.memory_space<vmem>>, vector<1x64x8192xf32>
    %get3A_81 = vector.shape_cast %get3A_80 : vector<1x64x8192xf32> to vector<64x8192xf32>
    %dot_general3A_82 = arith.constant dense<0.000000e+00> : vector<1x8192xf32>
    %dot_general3A_83 = tpu.matmul %get3A_1, %get3A_81, %dot_general3A_82 {dimension_numbers = #tpu.dot_dimension_numbers<[1], [0], [0], [1], [0, 0, 1, 1], [], []>, transpose_lhs_hint = false} : vector<1x64xf32>, vector<64x8192xf32>, vector<1x8192xf32> -> vector<1x8192xf32>
    %squeeze3A_84 = vector.shape_cast %dot_general3A_83 : vector<1x8192xf32> to vector<8192xf32>
    %swap3A_85 = arith.constant 6 : index
    %swap3A_86 = arith.constant 0 : index
    %swap3A_87 = vector.load %arg3[%swap3A_85, %swap3A_86] : memref<8x8192xf32, #tpu.memory_space<vmem>>, vector<1x8192xf32>
    %swap3A_88 = vector.shape_cast %swap3A_87 : vector<1x8192xf32> to vector<8192xf32>
    %swap3A_89 = vector.shape_cast %squeeze3A_84 : vector<8192xf32> to vector<1x8192xf32>
    tpu.vector_store %arg3[%swap3A_85, %swap3A_86], %swap3A_89 {strides = array<i32>} : memref<8x8192xf32, #tpu.memory_space<vmem>>, vector<1x8192xf32>,
    %get3A_90 = arith.constant 7 : index
    %get3A_91 = arith.constant 0 : index
    %get3A_92 = arith.constant 0 : index
    %get3A_93 = vector.load %arg2[%get3A_90, %get3A_91, %get3A_92] : memref<8x64x8192xf32, #tpu.memory_space<vmem>>, vector<1x64x8192xf32>
    %get3A_94 = vector.shape_cast %get3A_93 : vector<1x64x8192xf32> to vector<64x8192xf32>
    %dot_general3A_95 = arith.constant dense<0.000000e+00> : vector<1x8192xf32>
    %dot_general3A_96 = tpu.matmul %get3A_1, %get3A_94, %dot_general3A_95 {dimension_numbers = #tpu.dot_dimension_numbers<[1], [0], [0], [1], [0, 0, 1, 1], [], []>, transpose_lhs_hint = false} : vector<1x64xf32>, vector<64x8192xf32>, vector<1x8192xf32> -> vector<1x8192xf32>
    %squeeze3A_97 = vector.shape_cast %dot_general3A_96 : vector<1x8192xf32> to vector<8192xf32>
    %swap3A_98 = arith.constant 7 : index
    %swap3A_99 = arith.constant 0 : index
    %swap3A_100 = vector.load %arg3[%swap3A_98, %swap3A_99] : memref<8x8192xf32, #tpu.memory_space<vmem>>, vector<1x8192xf32>
    %swap3A_101 = vector.shape_cast %swap3A_100 : vector<1x8192xf32> to vector<8192xf32>
    %swap3A_102 = vector.shape_cast %squeeze3A_97 : vector<8192xf32> to vector<1x8192xf32>
    tpu.vector_store %arg3[%swap3A_98, %swap3A_99], %swap3A_102 {strides = array<i32>} : memref<8x8192xf32, #tpu.memory_space<vmem>>, vector<1x8192xf32>,
    return
  }
  func.func @transform_0(%arg0: i32) -> (i32, i32) {
    %c0_i32 = arith.constant 0 : i32
    %c0_i32_0 = arith.constant 0 : i32
    %c0_i32_1 = arith.constant 0 : i32
    return %c0_i32, %c0_i32_0 : i32, i32
  }
  func.func @transform_1(%arg0: i32) -> (i32, i32, i32) {
    %c0_i32 = arith.constant 0 : i32
    %c0_i32_0 = arith.constant 0 : i32
    %c0_i32_1 = arith.constant 0 : i32
    return %arg0, %c0_i32, %c0_i32_0 : i32, i32, i32
  }
  func.func @transform_2(%arg0: i32) -> (i32, i32) {
    %c0_i32 = arith.constant 0 : i32
    %c0_i32_0 = arith.constant 0 : i32
    return %arg0, %c0_i32 : i32, i32
  }
}

</mosaic_0001>

<sc_bundles>
// kernel: kernel.5.cloned.1.call-start
scs
__scs_entry_jumppad:
0x0: {  	(pc) =	sbr.rel $0x88, $3  }
0x1: {  	(tag) =	ssettag $0x0;
	lr =	simm.s32 $0x1  }
0x2: {  	[smem:$0x3F9F] =	sst lr;
	_ =	strace $0xD0000000  }
0x3: {  	_ = 	snop  }
0x4: {  	_ = 	snop  }
0x5: {  	_ = 	snop  }
0x6: {  	_ = 	snop  }
0x7: {  	_ = 	snop  }
__scs_overlays_trampoline_lowered:
0x8: {  	[smem:$0x3FAE] =	sst s0  }
0x9: {  	[smem:$0x3FAF] =	sst s1  }
0xa: {  	[smem:$0x3FB0] =	sst s2  }
0xb: {  	[smem:$0x3FB1] =	sst s3  }
0xc: {  	[smem:$0x3FB2] =	sst s4  }
0xd: {  	[smem:$0x3FB3] =	sst s5  }
0xe: {  	[smem:$0x3FB4] =	sst s6  }
0xf: {  	[smem:$0x3FB5] =	sst s7  }
0x10: {  	[smem:$0x3FB6] =	sst s8  }
0x11: {  	[smem:$0x3FB7] =	sst s9;
	s0 =	simm.s32 @!p0 $0x0  }
0x12: {  	s1 =	sld [smem:$0x3F9D];
	s0 =	simm.s32 @p0 $0x1  }
0x13: {  	[smem:$0x3FB8] =	sst s0;
	s0 =	simm.s32 @!p1 $0x0  }
0x14: {  	s2 =	sld [smem:$0x3F9C];
	s0 =	simm.s32 @p1 $0x1  }
0x15: {  	[smem:$0x3FB9] =	sst s0;
	s0 =	simm.s32 @!p2 $0x0  }
0x16: {  	s3 =	sld [smem:$0x3FDB];
	s0 =	simm.s32 @p2 $0x1  }
0x17: {  	s4 =	simm.s32 $0x1BF5;
	[smem:$0x3FBB] =	sst s0  }
0x18: {  	s0 =	sld [smem:$0x3F9E];
	_ =	swait.ge [sflag:s4], $0x0  }
0x19: {  	s7 =	sld [smem:$0x3F9F]  }
0x1a: {  	s8 =	sadd.s32 $0xFFFFE003, lr  }
0x1b: {  	s9 =	sadd.s32 $0xFFFFFEF7, lr;
	s5 =	simm.s32 $0xFFFFFFFF;
	p2 =	slt.u32 s8, $0xFFFFF086  }
0x1c: {  	p1 =	slt.u32 s9, $0xF7A;
	s5 =	simm.s32 @!p2 $0x0  }
0x1d: {  	s5 =	simm.s32 @p1 $0x1;
	p0 =	seq.s32 s7, s2  }
0x1e: {  	s7 =	smul.u32 @!p0 $0xF7A, s2;
	p2 =	seq.s32 @!p0 s5, $0x0  }
0x1f: {  	s9 =	smul.u32 $0xF7A, s1;
	s8 =	simm.s32 @!p0 $0x1BF5;
	p2 =	por !p2, p0  }
0x20: {  	[sflag:s8] =	ssyncset.s32 @!p0 $0xFFFFF086;
	s6 =	sadd.s32 @!p0 s3, s7;
	s7 =	simm.s32 @!p0 $0x108  }
0x21: {  	s3 =	sadd.s32 s3, s9;
	s6 =	sadd.s32 @!p0 $0x88, s6;
	s7 =	simm.s32 @p2 $0x1082  }
0x22: {  	[simem:s7], [sflag:s8] =	dma.local @!p0 [hbm:s6], $0xF7A  }
0x23: {  	s9 =	sor.u32 $0xD0000000, s2;
	s6 =	simm.s32 $0x108;
	_ =	swait.ge @!p0 [sflag:s8], $0x0  }
0x24: {  	s3 =	sadd.s32 $0x88, s3;
	s6 =	simm.s32 @!p1 $0x1082;
	[sflag:s4] =	ssyncset.s32 $0xFFFFF086  }
0x25: {  	[simem:s6], [sflag:s4] =	dma.local [hbm:s3], $0xF7A  }
0x26: {  	[smem:$0x3F9F] =	sst s1;
	(tag) =	ssettag s2;
	_ =	strace s9  }
0x27: {  	s1 =	sld [smem:$0x3FAF]  }
0x28: {  	s2 =	sld [smem:$0x3FB0]  }
0x29: {  	s4 =	sld [smem:$0x3FB2]  }
0x2a: {  	p0 =	seq.s32 s5, $0x0;
	s5 =	sld [smem:$0x3FB3]  }
0x2b: {  	s6 =	sld [smem:$0x3FB4]  }
0x2c: {  	s7 =	sld [smem:$0x3FB5]  }
0x2d: {  	s3 =	simm.s32 $0x108;
	s8 =	sld [smem:$0x3FB6]  }
0x2e: {  	s3 =	simm.s32 @!p0 $0x1082;
	s9 =	sld [smem:$0x3FB7]  }
0x2f: {  	lr =	sadd.s32 s0, s3;
	s0 =	sld [smem:$0x3FAE]  }
0x30: {  	s3 =	sld [smem:$0x3FB1]  }
0x31: {  	[smem:$0x3FBA] =	sst s10  }
0x32: {  	s10 =	sld [smem:$0x3FB8];
	_ =	sdelay $0x3  }
0x33: {  	p0 =	seq.s32 s10, $0x1;
	s10 =	sld [smem:$0x3FBA];
	_ =	sdelay $0x3  }
0x34: {  	[smem:$0x3FBA] =	sst s10  }
0x35: {  	s10 =	sld [smem:$0x3FB9];
	_ =	sdelay $0x3  }
0x36: {  	p1 =	seq.s32 s10, $0x1;
	s10 =	sld [smem:$0x3FBA];
	_ =	sdelay $0x3  }
0x37: {  	[smem:$0x3FBA] =	sst s10  }
0x38: {  	s10 =	sld [smem:$0x3FBB]  }
0x39: {  	_ = 	snop;
	(pc) =	sbr.ind lr, $3  }
0x3a: {  	_ = 	snop  }
0x3b: {  	_ = 	snop  }
0x3c: {  	p2 =	seq.s32 s10, $0x1;
	s10 =	sld [smem:$0x3FBA]  }
0x3d: {  	_ =	shalt  }
0x3e: {  	_ =	shalt  }
0x3f: {  	_ =	shalt  }
0x40: {  	_ =	shalt  }
0x41: {  	_ =	shalt  }
0x42: {  	_ =	shalt  }
0x43: {  	_ =	shalt  }
0x44: {  	_ =	shalt  }
0x45: {  	_ =	shalt  }
0x46: {  	_ =	shalt  }
0x47: {  	_ =	shalt  }
0x48: {  	_ =	shalt  }
0x49: {  	_ =	shalt  }
0x4a: {  	_ =	shalt  }
0x4b: {  	_ =	shalt  }
0x4c: {  	_ =	shalt  }
0x4d: {  	_ =	shalt  }
0x4e: {  	_ =	shalt  }
0x4f: {  	_ =	shalt  }
0x50: {  	_ =	shalt  }
0x51: {  	_ =	shalt  }
0x52: {  	_ =	shalt  }
0x53: {  	_ =	shalt  }
0x54: {  	_ =	shalt  }
0x55: {  	_ =	shalt  }
0x56: {  	_ =	shalt  }
0x57: {  	_ =	shalt  }
0x58: {  	_ =	shalt  }
0x59: {  	_ =	shalt  }
0x5a: {  	_ =	shalt  }
0x5b: {  	_ =	shalt  }
0x5c: {  	_ =	shalt  }
0x5d: {  	_ =	shalt  }
0x5e: {  	_ =	shalt  }
0x5f: {  	_ =	shalt  }
0x60: {  	_ =	shalt  }
0x61: {  	_ =	shalt  }
0x62: {  	_ =	shalt  }
0x63: {  	_ =	shalt  }
0x64: {  	_ =	shalt  }
0x65: {  	_ =	shalt  }
0x66: {  	_ =	shalt  }
0x67: {  	_ =	shalt  }
0x68: {  	_ =	shalt  }
0x69: {  	_ =	shalt  }
0x6a: {  	_ =	shalt  }
0x6b: {  	_ =	shalt  }
0x6c: {  	_ =	shalt  }
0x6d: {  	_ =	shalt  }
0x6e: {  	_ =	shalt  }
0x6f: {  	_ =	shalt  }
0x70: {  	_ =	shalt  }
0x71: {  	_ =	shalt  }
0x72: {  	_ =	shalt  }
0x73: {  	_ =	shalt  }
0x74: {  	_ =	shalt  }
0x75: {  	_ =	shalt  }
0x76: {  	_ =	shalt  }
0x77: {  	_ =	shalt  }
0x78: {  	_ =	shalt  }
0x79: {  	_ =	shalt  }
0x7a: {  	_ =	shalt  }
0x7b: {  	_ =	shalt  }
0x7c: {  	_ =	shalt  }
0x7d: {  	_ =	shalt  }
0x7e: {  	_ =	shalt  }
0x7f: {  	_ =	shalt  }
0x80: {  	_ =	shalt  }
0x81: {  	_ =	shalt  }
0x82: {  	_ =	shalt  }
0x83: {  	_ =	shalt  }
0x84: {  	_ =	shalt  }
0x85: {  	_ =	shalt  }
0x86: {  	_ =	shalt  }
0x87: {  	_ =	shalt  }
.Lfunc_end0:
.L_simem_size_0:
called_computation_lowered:
.L_overlay_start_0:
0x88: {  	s2 =	sld [smem:$0x3FD9]  }
0x89: {  	s3 =	sld [smem:$0x3FFE];
	_ =	sdelay $0x1  }
0x8a: {  	s1 =	srdreg.scid  }
0x8b: {  	s0 =	sand.u32 $0x1, s1  }
0x8c: {  	s17 =	sshll.u32 s0, $0xA;
	s2 =	sadd.s32 s3, s2  }
0x8d: {  	s2 =	sadd.s32 s2, s17  }
0x8e: {  	[smem:$0x3FC6] =	sst s2  }
0x8f: {  	_ = 	snop  }
0x90: {  	s2 =	sld [smem:$0x3FD0];
	(tm) =	ssettm $0x1  }
0x91: {  	s18 =	sld [smem:$0x3FFB];
	_ =	sdelay $0x3  }
0x92: {  	_ =	strace s18  }
0x93: {  	s3 =	sld [smem:$0x3FFC];
	_ =	sdelay $0x3  }
0x94: {  	_ =	strace s3  }
0x95: {  	s3 =	sld [smem:$0x3FFD];
	_ =	sdelay $0x3  }
0x96: {  	_ =	strace s3  }
0x97: {  	_ =	strace $0x8FFFFFFF  }
0x98: {  	s19 =	sld [smem:$0x3FDB];
	_ =	sdelay $0x1  }
0x99: {  	s4 =	simm.s32 $_scs_section_size  }
0x9a: {  	s5 =	simm.s32 $_size__tile_overlayer_lowered;
	s6 =	simm.s32 $_tile_overlayer_lowered  }
0x9b: {  	s22 =	simm.s32 $0x1BFF;
	s21 =	sshll.u32 s6, $0x1;
	s3 =	sadd.s32 s4, s19  }
0x9c: {  	s7 =	simm.s32 $0x0;
	s20 =	sshll.u32 s5, $0x1;
	s5 =	sadd.s32 s21, s3  }
0x9d: {  	[timem:s7], [sflag:s22] =	dma.local [hbm:s5], s20  }
0x9e: {  	_ =	swait.ge [sflag:s22], s20  }
0x9f: {  	s4 =	ssub.s32 $0x0, s20;
	[sflag:s22] =	ssyncset.done $0x0  }
0xa0: {  	[sflag:s22] =	ssyncadd.s32 s4;
	_ =	sdelay $0x1  }
0xa1: {  	s23 =	simm.s32 $0x1B8B  }
0xa2: {  	_ =	swait.ge [sflag:s23], $0x1  }
0xa3: {  	[sflag:s23] =	ssyncset.done $0x0  }
0xa4: {  	s25 =	simm.s32 $0x1B8E;
	s24 =	sld [smem:$0x3FFE];
	[sflag:s23] =	ssyncadd.s32 $0xFFFFFFFF  }
0xa5: {  	s26 =	simm.s32 $execute0_lowered;
	[smem:$0x3FD2] =	sst s25  }
0xa6: {  	s5 =	sshll.u32 s26, $0x1;
	_ =	strace $0x80000046;
	[dreg:$0x1] =	wrdreg $0xFFFFFFFF  }
0xa7: {  	s28 =	simm.s32 $_size_execute0_lowered;
	s3 =	sadd.s32 s3, s5;
	[dreg:$0x0] =	wrdreg $0x0  }
0xa8: {  	s5 =	sshll.u32 s28, $0x1;
	[dreg:$0x2] =	wrdreg s3  }
0xa9: {  	[dreg:$0x3] =	wrdreg s5  }
0xaa: {  	[dreg:$0x4] =	wrdreg $0xC0  }
0xab: {  	_ =	task [dreg:s7], $0x5FFFF  }
0xac: {  	[dreg:$0x1] =	wrdreg $0xFFFFFFFF  }
0xad: {  	[dreg:$0x0] =	wrdreg $0x60  }
0xae: {  	[dreg:$0x2] =	wrdreg s24  }
0xaf: {  	[dreg:$0x3] =	wrdreg s2  }
0xb0: {  	[dreg:$0x4] =	wrdreg $0x9  }
0xb1: {  	_ =	task.clear_ibuf [dreg:s7], $0x5FFFF;
	_ =	strace $0x90000046  }
0xb2: {  	s29 =	simm.s32 $0x9;
	_ =	strace $0x80000048  }
0xb3: {  	_ =	swait.ge [sflag:s29], $0x1  }
0xb4: {  	[sflag:s29] =	ssyncadd.s32 $0xFFFFFFFF  }
0xb5: {  	_ =	strace $0x90000048  }
0xb6: {  	_ =	sfence  }
0xb7: {  	s30 =	sld [smem:$0x0];
	_ =	sdelay $0x2  }
0xb8: {  	s31 =	sshll.u32 s1, $0xD;
	s1 =	sshrl.u32 s1, $0x2  }
0xb9: {  	s3 =	sand.u32 $0x4000, s31;
	s1 =	sadd.s32 s1, s30  }
0xba: {  	s0 =	sor.u32 s3, s0;
	s1 =	sshll.u32 s1, $0x11  }
0xbb: {  	s0 =	sor.u32 s1, s0  }
0xbc: {  	s0 =	sadd.s32 $0x8F2B, s0  }
0xbd: {  	[sflag:s0] =	ssyncadd.remote.s32 $0x1  }
0xbe: {  	_ =	sfence.sel $0xFFFF  }
0xbf: {  	[dreg:$0x0] =	wrdreg $0xFFFFFFFF;
	(pc) =	sbr.abs _section_cstart, $3  }
0xc0: {  	[dreg:$0x1] =	wrdreg $0xFFFFFFFF  }
0xc1: {  	_ =	task.clear_ibuf [dreg:s7], $0x2FFFF;
	_ =	strace $0x9FFFFFFF  }
0xc2: {  	(tm) =	ssettm $0x7FFFFFFF  }
0xc3: {  	_ =	shalt  }
tec
execute0_lowered:
.L_overlay_start_1:
0x0: {  	(tag) =	ssettag $0x1  }
0x1: {  	s3 =	rddreg [dreg:$0x0]  }
0x2: {  	s7 =	rddreg [dreg:$0x1];
	s2 =	srdreg.scid  }
0x3: {  	s0 =	rddreg [dreg:$0x2];
	s1 =	stileid.u32;
	s11 =	simm.s32 $0x8080  }
0x4: {  	s12 =	simm.s32 $0x8100;
	s13 =	simm.s32 $0x2;
	s14 =	simm.s32 $0x0  }
0x5: {  	s4 =	sand.u32 $0x1, s2;
	s2 =	simm.s32 $0x0;
	s5 =	sshll.u32 s1, $0x10  }
0x6: {  	s31 =	sshll.u32 s1, $0xA;
	s6 =	sshll.u32 s4, $0x9;
	[smem:$0x7FF] =	sst s2  }
0x7: {  	s4 =	ssub.s32 $0x2, s4;
	s5 =	sor.u32 s6, s5;
	_ =	strace $0x80000047  }
.Ltmp0:
0x8: {  	s30 =	sshrl.u32 s4, $0x1;
	s6 =	sor.u32 s6, s31;
	(pc) =	sbr.rel .LBB2_1-.Ltmp0, $4  }
0x9: {  	v0 =	vimm.f32 $-3.000000010e+38;
	v1 =	vimm.s32 $0x40000000;
	s5 =	sshrl.u32 s5, $0x3;
	s9 =	ssub.s32 s4, s30;
	s10 =	sshrl.u32 s6, $0x3  }
0xa: {  	v2 =	vimm.s32 $0x0;
	v3 =	vlaneseq.u32;
	vm0 =	vcmask $0x300;
	s8 =	sadd.s32 s5, s3;
	s7 =	sadd.s32 s7, s10;
	s10 =	simm.s32 $0x8000  }
0xb: {  	vm1 =	vcmask $0x704;
	vm2 =	vcmask $0x720;
	vm3 =	vcmask $0xB20;
	s3 =	sadd.s32 $0xA00, s8;
	s4 =	sadd.s32 $0xA10, s8;
	s5 =	sadd.s32 $0xA20, s8  }
0xc: {  	vm4 =	vcmask $0xF20;
	vm5 =	vcmask $0x1320;
	vm6 =	vcmask $0x1720;
	s6 =	sadd.s32 $0xA30, s8;
	s8 =	smax.u32 s9, $0x1;
	s9 =	simm.s32 $0x1  }
.LBB2_33:
0xd: {  	v12 =	vld [tilespmem:$0x8000]  }
0xe: {  	v13 =	vld [tilespmem:$0x8010]  }
0xf: {  	v14 =	vld [tilespmem:$0x8020]  }
0x10: {  	v15 =	vld [tilespmem:$0x8030];
	_ =	sdelay $0x2  }
0x11: {  	v4 =	vmax.f32 v12, v13  }
0x12: {  	v4 =	vmax.f32 v4, v14  }
0x13: {  	v4 =	vmax.f32 v4, v15  }
0x14: {  	(xrf0) =	vmax.scan.msk.f32 $0xffff, v4;
	_ =	sdelay $0x3  }
0x15: {  	v10 =	vld [tilespmem:$0x8080]  }
0x16: {  	v11 =	vld [tilespmem:$0x8090]  }
0x17: {  	v4, _, _ =	vpop (xrf0)  }
0x18: {  	v8 =	vld [tilespmem:$0x80A0];
	v7 =	vbroadcast v4, $0xF;
	_ =	sdelay $0x1  }
0x19: {  	v9 =	vld [tilespmem:$0x80B0];
	v4 =	vxor.u32 $0x80000000, v10;
	vm7 =	veq.f32 v12, v7  }
0x1a: {  	v5 =	vxor.u32 $0x80000000, v11;
	v6 =	vnsel vm7, $0xC0000000, v4;
	vm7 =	veq.f32 v13, v7  }
0x1b: {  	(xrf0) =	vmin.scan.msk.u32 $0xffff, v6;
	v53 =	vnsel vm7, $0xC0000000, v5  }
0x1c: {  	vm7 =	veq.f32 v14, v7;
	v6 =	vxor.u32 $0x80000000, v8;
	(xrf0) =	vmin.scan.msk.u32 $0xffff, v53  }
0x1d: {  	v16 =	vnsel vm7, $0xC0000000, v6  }
0x1e: {  	vm7 =	veq.f32 v15, v7;
	v7 =	vxor.u32 $0x80000000, v9;
	(xrf0) =	vmin.scan.msk.u32 $0xffff, v16  }
0x1f: {  	v54 =	vnsel vm7, $0xC0000000, v7  }
0x20: {  	(xrf0) =	vmin.scan.msk.u32 $0xffff, v54  }
0x21: {  	v55, _, _ =	vpop (xrf0)  }
0x22: {  	(v2sf) =	vpush v55, $0xF;
	v56, _, _ =	vpop (xrf0)  }
0x23: {  	(v2sf) =	vpush v56, $0xF  }
0x24: {  	v57, _, _ =	vpop (xrf0)  }
0x25: {  	(v2sf) =	vpush v57, $0xF  }
0x26: {  	v58, _, _ =	vpop (xrf0)  }
0x27: {  	(v2sf) =	vpush v58, $0xF;
	_ =	sdelay $0x9  }
0x28: {  	s15 =	spop (v2sf)  }
0x29: {  	s16 =	spop (v2sf)  }
0x2a: {  	s15 =	sxor.u32 $0x80000000, s15;
	s16 =	sxor.u32 $0x80000000, s16  }
0x2b: {  	s17 =	spop (v2sf);
	p0 =	slt.s32 s15, s16  }
0x2c: {  	s17 =	sxor.u32 $0x80000000, s17;
	s16 =	smov.u32 @p0 s15  }
0x2d: {  	s18 =	spop (v2sf);
	p0 =	slt.s32 s16, s17  }
0x2e: {  	s15 =	sxor.u32 $0x80000000, s18;
	s17 =	smov.u32 @p0 s16  }
0x2f: {  	p0 =	slt.s32 s17, s15  }
0x30: {  	s15 =	smov.u32 @p0 s17  }
0x31: {  	vm7 =	veq.s32 v10, s15;
	vm8 =	veq.s32 v11, s15  }
0x32: {  	v12 =	vsel vm7, $0xFF61B1E6, v12;
	v13 =	vsel vm8, $0xFF61B1E6, v13;
	vm7 =	veq.s32 v8, s15  }
0x33: {  	v14 =	vsel vm7, $0xFF61B1E6, v14;
	vm7 =	veq.s32 v9, s15;
	v59 =	vmax.f32 v12, v13  }
0x34: {  	v15 =	vsel vm7, $0xFF61B1E6, v15;
	v16 =	vmax.f32 v59, v14  }
0x35: {  	v16 =	vmax.f32 v16, v15  }
0x36: {  	(xrf0) =	vmax.scan.msk.f32 $0xffff, v16;
	_ =	sdelay $0x5  }
0x37: {  	v16, _, _ =	vpop (xrf0)  }
0x38: {  	v16 =	vbroadcast v16, $0xF;
	_ =	sdelay $0x1  }
0x39: {  	vm7 =	veq.f32 v12, v16  }
0x3a: {  	v17 =	vnsel vm7, $0xC0000000, v4;
	vm7 =	veq.f32 v13, v16  }
0x3b: {  	(xrf0) =	vmin.scan.msk.u32 $0xffff, v17;
	v60 =	vnsel vm7, $0xC0000000, v5  }
0x3c: {  	vm7 =	veq.f32 v14, v16;
	(xrf0) =	vmin.scan.msk.u32 $0xffff, v60  }
0x3d: {  	v61 =	vnsel vm7, $0xC0000000, v6  }
0x3e: {  	vm7 =	veq.f32 v15, v16;
	(xrf0) =	vmin.scan.msk.u32 $0xffff, v61  }
0x3f: {  	v16 =	vnsel vm7, $0xC0000000, v7  }
0x40: {  	(xrf0) =	vmin.scan.msk.u32 $0xffff, v16  }
0x41: {  	v62, _, _ =	vpop (xrf0)  }
0x42: {  	(v2sf) =	vpush v62, $0xF;
	v63, _, _ =	vpop (xrf0)  }
0x43: {  	(v2sf) =	vpush v63, $0xF  }
0x44: {  	v20, _, _ =	vpop (xrf0)  }
0x45: {  	(v2sf) =	vpush v20, $0xF  }
0x46: {  	v21, _, _ =	vpop (xrf0)  }
0x47: {  	(v2sf) =	vpush v21, $0xF;
	_ =	sdelay $0x9  }
0x48: {  	s19 =	spop (v2sf)  }
0x49: {  	s20 =	spop (v2sf)  }
0x4a: {  	s16 =	sxor.u32 $0x80000000, s19;
	s17 =	sxor.u32 $0x80000000, s20  }
0x4b: {  	s18 =	spop (v2sf);
	p0 =	slt.s32 s16, s17  }
0x4c: {  	s18 =	sxor.u32 $0x80000000, s18;
	s17 =	smov.u32 @p0 s16  }
0x4d: {  	s21 =	spop (v2sf);
	p0 =	slt.s32 s17, s18  }
0x4e: {  	s16 =	sxor.u32 $0x80000000, s21;
	s18 =	smov.u32 @p0 s17  }
0x4f: {  	p0 =	slt.s32 s18, s16  }
0x50: {  	s16 =	smov.u32 @p0 s18  }
0x51: {  	vm7 =	veq.s32 v10, s16;
	vm8 =	veq.s32 v11, s16  }
0x52: {  	v12 =	vsel vm7, $0xFF61B1E6, v12;
	v13 =	vsel vm8, $0xFF61B1E6, v13;
	vm7 =	veq.s32 v8, s16  }
0x53: {  	v14 =	vsel vm7, $0xFF61B1E6, v14;
	vm7 =	veq.s32 v9, s16;
	v22 =	vmax.f32 v12, v13  }
0x54: {  	v15 =	vsel vm7, $0xFF61B1E6, v15;
	v16 =	vmax.f32 v22, v14  }
0x55: {  	v16 =	vmax.f32 v16, v15  }
0x56: {  	(xrf0) =	vmax.scan.msk.f32 $0xffff, v16;
	_ =	sdelay $0x5  }
0x57: {  	v16, _, _ =	vpop (xrf0)  }
0x58: {  	v16 =	vbroadcast v16, $0xF;
	_ =	sdelay $0x1  }
0x59: {  	vm7 =	veq.f32 v12, v16  }
0x5a: {  	v23 =	vnsel vm7, $0xC0000000, v4;
	vm7 =	veq.f32 v13, v16  }
0x5b: {  	(xrf0) =	vmin.scan.msk.u32 $0xffff, v23;
	v24 =	vnsel vm7, $0xC0000000, v5  }
0x5c: {  	vm7 =	veq.f32 v14, v16;
	(xrf0) =	vmin.scan.msk.u32 $0xffff, v24  }
0x5d: {  	v25 =	vnsel vm7, $0xC0000000, v6  }
0x5e: {  	vm7 =	veq.f32 v15, v16;
	(xrf0) =	vmin.scan.msk.u32 $0xffff, v25  }
0x5f: {  	v16 =	vnsel vm7, $0xC0000000, v7  }
0x60: {  	(xrf0) =	vmin.scan.msk.u32 $0xffff, v16  }
0x61: {  	v26, _, _ =	vpop (xrf0)  }
0x62: {  	(v2sf) =	vpush v26, $0xF;
	v27, _, _ =	vpop (xrf0)  }
0x63: {  	(v2sf) =	vpush v27, $0xF  }
0x64: {  	v28, _, _ =	vpop (xrf0)  }
0x65: {  	(v2sf) =	vpush v28, $0xF  }
0x66: {  	v29, _, _ =	vpop (xrf0)  }
0x67: {  	(v2sf) =	vpush v29, $0xF;
	_ =	sdelay $0x9  }
0x68: {  	s22 =	spop (v2sf)  }
0x69: {  	s23 =	spop (v2sf)  }
0x6a: {  	s17 =	sxor.u32 $0x80000000, s22;
	s18 =	sxor.u32 $0x80000000, s23  }
0x6b: {  	s19 =	spop (v2sf);
	p0 =	slt.s32 s17, s18  }
0x6c: {  	s19 =	sxor.u32 $0x80000000, s19;
	s18 =	smov.u32 @p0 s17  }
0x6d: {  	s24 =	spop (v2sf);
	p0 =	slt.s32 s18, s19  }
0x6e: {  	s17 =	sxor.u32 $0x80000000, s24;
	s19 =	smov.u32 @p0 s18  }
0x6f: {  	p0 =	slt.s32 s19, s17  }
0x70: {  	s17 =	smov.u32 @p0 s19  }
0x71: {  	vm7 =	veq.s32 v10, s17;
	vm8 =	veq.s32 v11, s17  }
0x72: {  	v12 =	vsel vm7, $0xFF61B1E6, v12;
	v13 =	vsel vm8, $0xFF61B1E6, v13;
	vm7 =	veq.s32 v8, s17  }
0x73: {  	v14 =	vsel vm7, $0xFF61B1E6, v14;
	vm7 =	veq.s32 v9, s17;
	v30 =	vmax.f32 v12, v13  }
0x74: {  	v15 =	vsel vm7, $0xFF61B1E6, v15;
	v16 =	vmax.f32 v30, v14  }
0x75: {  	v16 =	vmax.f32 v16, v15  }
0x76: {  	(xrf0) =	vmax.scan.msk.f32 $0xffff, v16;
	_ =	sdelay $0x5  }
0x77: {  	v16, _, _ =	vpop (xrf0)  }
0x78: {  	v16 =	vbroadcast v16, $0xF;
	_ =	sdelay $0x1  }
0x79: {  	vm7 =	veq.f32 v12, v16  }
0x7a: {  	v31 =	vnsel vm7, $0xC0000000, v4;
	vm7 =	veq.f32 v13, v16  }
0x7b: {  	(xrf0) =	vmin.scan.msk.u32 $0xffff, v31;
	v32 =	vnsel vm7, $0xC0000000, v5  }
0x7c: {  	vm7 =	veq.f32 v14, v16;
	(xrf0) =	vmin.scan.msk.u32 $0xffff, v32  }
0x7d: {  	v33 =	vnsel vm7, $0xC0000000, v6  }
0x7e: {  	vm7 =	veq.f32 v15, v16;
	(xrf0) =	vmin.scan.msk.u32 $0xffff, v33  }
0x7f: {  	v16 =	vnsel vm7, $0xC0000000, v7  }
0x80: {  	(xrf0) =	vmin.scan.msk.u32 $0xffff, v16  }
0x81: {  	v34, _, _ =	vpop (xrf0)  }
0x82: {  	(v2sf) =	vpush v34, $0xF;
	v35, _, _ =	vpop (xrf0)  }
0x83: {  	(v2sf) =	vpush v35, $0xF  }
0x84: {  	v36, _, _ =	vpop (xrf0)  }
0x85: {  	(v2sf) =	vpush v36, $0xF  }
0x86: {  	v37, _, _ =	vpop (xrf0)  }
0x87: {  	(v2sf) =	vpush v37, $0xF;
	_ =	sdelay $0x9  }
0x88: {  	s25 =	spop (v2sf)  }
0x89: {  	s26 =	spop (v2sf)  }
0x8a: {  	s18 =	sxor.u32 $0x80000000, s25;
	s19 =	sxor.u32 $0x80000000, s26  }
0x8b: {  	s20 =	spop (v2sf);
	p0 =	slt.s32 s18, s19  }
0x8c: {  	s20 =	sxor.u32 $0x80000000, s20;
	s19 =	smov.u32 @p0 s18  }
0x8d: {  	s28 =	spop (v2sf);
	p0 =	slt.s32 s19, s20  }
0x8e: {  	s18 =	sxor.u32 $0x80000000, s28;
	s20 =	smov.u32 @p0 s19  }
0x8f: {  	p0 =	slt.s32 s20, s18  }
0x90: {  	s18 =	smov.u32 @p0 s20  }
0x91: {  	vm7 =	veq.s32 v10, s18;
	vm8 =	veq.s32 v11, s18  }
0x92: {  	v12 =	vsel vm7, $0xFF61B1E6, v12;
	v13 =	vsel vm8, $0xFF61B1E6, v13;
	vm7 =	veq.s32 v8, s18  }
0x93: {  	v14 =	vsel vm7, $0xFF61B1E6, v14;
	vm7 =	veq.s32 v9, s18;
	v38 =	vmax.f32 v12, v13  }
0x94: {  	v15 =	vsel vm7, $0xFF61B1E6, v15;
	v16 =	vmax.f32 v38, v14  }
0x95: {  	v16 =	vmax.f32 v16, v15  }
0x96: {  	(xrf0) =	vmax.scan.msk.f32 $0xffff, v16;
	_ =	sdelay $0x5  }
0x97: {  	v16, _, _ =	vpop (xrf0)  }
0x98: {  	v16 =	vbroadcast v16, $0xF;
	_ =	sdelay $0x1  }
0x99: {  	vm7 =	veq.f32 v12, v16  }
0x9a: {  	v39 =	vnsel vm7, $0xC0000000, v4;
	vm7 =	veq.f32 v13, v16  }
0x9b: {  	(xrf0) =	vmin.scan.msk.u32 $0xffff, v39;
	v40 =	vnsel vm7, $0xC0000000, v5  }
0x9c: {  	vm7 =	veq.f32 v14, v16;
	(xrf0) =	vmin.scan.msk.u32 $0xffff, v40  }
0x9d: {  	v41 =	vnsel vm7, $0xC0000000, v6  }
0x9e: {  	vm7 =	veq.f32 v15, v16;
	(xrf0) =	vmin.scan.msk.u32 $0xffff, v41  }
0x9f: {  	v16 =	vnsel vm7, $0xC0000000, v7  }
0xa0: {  	(xrf0) =	vmin.scan.msk.u32 $0xffff, v16  }
0xa1: {  	v42, _, _ =	vpop (xrf0)  }
0xa2: {  	(v2sf) =	vpush v42, $0xF;
	v43, _, _ =	vpop (xrf0)  }
0xa3: {  	(v2sf) =	vpush v43, $0xF  }
0xa4: {  	v44, _, _ =	vpop (xrf0)  }
0xa5: {  	(v2sf) =	vpush v44, $0xF  }
0xa6: {  	v45, _, _ =	vpop (xrf0)  }
0xa7: {  	(v2sf) =	vpush v45, $0xF;
	_ =	sdelay $0x9  }
0xa8: {  	s29 =	spop (v2sf)  }
0xa9: {  	s30 =	spop (v2sf)  }
0xaa: {  	s19 =	sxor.u32 $0x80000000, s29;
	s20 =	sxor.u32 $0x80000000, s30  }
0xab: {  	s21 =	spop (v2sf);
	p0 =	slt.s32 s19, s20  }
0xac: {  	s21 =	sxor.u32 $0x80000000, s21;
	s20 =	smov.u32 @p0 s19  }
0xad: {  	s31 =	spop (v2sf);
	p0 =	slt.s32 s20, s21  }
0xae: {  	s19 =	sxor.u32 $0x80000000, s31;
	s21 =	smov.u32 @p0 s20  }
0xaf: {  	p0 =	slt.s32 s21, s19  }
0xb0: {  	s19 =	smov.u32 @p0 s21  }
0xb1: {  	vm7 =	veq.s32 v10, s19;
	vm8 =	veq.s32 v11, s19  }
0xb2: {  	v12 =	vsel vm7, $0xFF61B1E6, v12;
	v13 =	vsel vm8, $0xFF61B1E6, v13;
	vm7 =	veq.s32 v8, s19  }
0xb3: {  	v14 =	vsel vm7, $0xFF61B1E6, v14;
	vm7 =	veq.s32 v9, s19;
	v46 =	vmax.f32 v12, v13  }
0xb4: {  	v15 =	vsel vm7, $0xFF61B1E6, v15;
	v16 =	vmax.f32 v46, v14  }
0xb5: {  	v16 =	vmax.f32 v16, v15  }
0xb6: {  	(xrf0) =	vmax.scan.msk.f32 $0xffff, v16;
	_ =	sdelay $0x5  }
0xb7: {  	v16, _, _ =	vpop (xrf0)  }
0xb8: {  	v16 =	vbroadcast v16, $0xF;
	_ =	sdelay $0x1  }
0xb9: {  	vm7 =	veq.f32 v12, v16  }
0xba: {  	v47 =	vnsel vm7, $0xC0000000, v4;
	vm7 =	veq.f32 v13, v16  }
0xbb: {  	(xrf0) =	vmin.scan.msk.u32 $0xffff, v47;
	v48 =	vnsel vm7, $0xC0000000, v5  }
0xbc: {  	vm7 =	veq.f32 v14, v16;
	(xrf0) =	vmin.scan.msk.u32 $0xffff, v48  }
0xbd: {  	v49 =	vnsel vm7, $0xC0000000, v6  }
0xbe: {  	vm7 =	veq.f32 v15, v16;
	(xrf0) =	vmin.scan.msk.u32 $0xffff, v49  }
0xbf: {  	v16 =	vnsel vm7, $0xC0000000, v7  }
0xc0: {  	(xrf0) =	vmin.scan.msk.u32 $0xffff, v16  }
0xc1: {  	v50, _, _ =	vpop (xrf0)  }
0xc2: {  	(v2sf) =	vpush v50, $0xF;
	v51, _, _ =	vpop (xrf0)  }
0xc3: {  	(v2sf) =	vpush v51, $0xF  }
0xc4: {  	v52, _, _ =	vpop (xrf0)  }
0xc5: {  	(v2sf) =	vpush v52, $0xF  }
0xc6: {  	v53, _, _ =	vpop (xrf0)  }
0xc7: {  	(v2sf) =	vpush v53, $0xF;
	_ =	sdelay $0x9  }
0xc8: {  	s21 =	spop (v2sf)  }
0xc9: {  	s22 =	spop (v2sf)  }
0xca: {  	s20 =	sxor.u32 $0x80000000, s21;
	s21 =	sxor.u32 $0x80000000, s22  }
0xcb: {  	s22 =	spop (v2sf);
	p0 =	slt.s32 s20, s21  }
0xcc: {  	s22 =	sxor.u32 $0x80000000, s22;
	s21 =	smov.u32 @p0 s20  }
0xcd: {  	s23 =	spop (v2sf);
	p0 =	slt.s32 s21, s22  }
0xce: {  	s20 =	sxor.u32 $0x80000000, s23;
	s22 =	smov.u32 @p0 s21  }
0xcf: {  	p0 =	slt.s32 s22, s20  }
0xd0: {  	s20 =	smov.u32 @p0 s22  }
0xd1: {  	vm7 =	veq.s32 v10, s20;
	vm8 =	veq.s32 v11, s20  }
0xd2: {  	v12 =	vsel vm7, $0xFF61B1E6, v12;
	v13 =	vsel vm8, $0xFF61B1E6, v13;
	vm7 =	veq.s32 v8, s20  }
0xd3: {  	v14 =	vsel vm7, $0xFF61B1E6, v14;
	vm7 =	veq.s32 v9, s20;
	v54 =	vmax.f32 v12, v13  }
0xd4: {  	v15 =	vsel vm7, $0xFF61B1E6, v15;
	v16 =	vmax.f32 v54, v14  }
0xd5: {  	v16 =	vmax.f32 v16, v15  }
0xd6: {  	(xrf0) =	vmax.scan.msk.f32 $0xffff, v16;
	_ =	sdelay $0x5  }
0xd7: {  	v16, _, _ =	vpop (xrf0)  }
0xd8: {  	v16 =	vbroadcast v16, $0xF;
	_ =	sdelay $0x1  }
0xd9: {  	vm7 =	veq.f32 v12, v16  }
0xda: {  	v55 =	vnsel vm7, $0xC0000000, v4;
	vm7 =	veq.f32 v13, v16  }
0xdb: {  	(xrf0) =	vmin.scan.msk.u32 $0xffff, v55;
	v56 =	vnsel vm7, $0xC0000000, v5  }
0xdc: {  	vm7 =	veq.f32 v14, v16;
	(xrf0) =	vmin.scan.msk.u32 $0xffff, v56  }
0xdd: {  	v57 =	vnsel vm7, $0xC0000000, v6  }
0xde: {  	vm7 =	veq.f32 v15, v16;
	(xrf0) =	vmin.scan.msk.u32 $0xffff, v57  }
0xdf: {  	v16 =	vnsel vm7, $0xC0000000, v7  }
0xe0: {  	(xrf0) =	vmin.scan.msk.u32 $0xffff, v16  }
0xe1: {  	v58, _, _ =	vpop (xrf0)  }
0xe2: {  	(v2sf) =	vpush v58, $0xF;
	v59, _, _ =	vpop (xrf0)  }
0xe3: {  	(v2sf) =	vpush v59, $0xF  }
0xe4: {  	v60, _, _ =	vpop (xrf0)  }
0xe5: {  	(v2sf) =	vpush v60, $0xF  }
0xe6: {  	v61, _, _ =	vpop (xrf0)  }
0xe7: {  	(v2sf) =	vpush v61, $0xF;
	_ =	sdelay $0x9  }
0xe8: {  	s24 =	spop (v2sf)  }
0xe9: {  	s25 =	spop (v2sf)  }
0xea: {  	s21 =	sxor.u32 $0x80000000, s24;
	s22 =	sxor.u32 $0x80000000, s25  }
0xeb: {  	s23 =	spop (v2sf);
	p0 =	slt.s32 s21, s22  }
0xec: {  	s22 =	smov.u32 @p0 s21;
	s21 =	sxor.u32 $0x80000000, s23  }
0xed: {  	s26 =	spop (v2sf);
	p0 =	slt.s32 s22, s21  }
0xee: {  	s21 =	smov.u32 @p0 s22;
	s22 =	sxor.u32 $0x80000000, s26  }
0xef: {  	p0 =	slt.s32 s21, s22  }
0xf0: {  	s22 =	smov.u32 @p0 s21  }
0xf1: {  	vm7 =	veq.s32 v10, s22;
	vm8 =	veq.s32 v11, s22  }
0xf2: {  	v10 =	vsel vm7, $0xFF61B1E6, v12;
	v11 =	vsel vm8, $0xFF61B1E6, v13;
	vm7 =	veq.s32 v8, s22  }
0xf3: {  	v8 =	vsel vm7, $0xFF61B1E6, v14;
	vm7 =	veq.s32 v9, s22;
	v62 =	vmax.f32 v10, v11  }
0xf4: {  	v63 =	vsel vm7, $0xFF61B1E6, v15;
	v9 =	vmax.f32 v62, v8  }
0xf5: {  	v9 =	vmax.f32 v9, v63  }
0xf6: {  	(xrf0) =	vmax.scan.msk.f32 $0xffff, v9;
	_ =	sdelay $0x5  }
0xf7: {  	v9, _, _ =	vpop (xrf0)  }
0xf8: {  	v9 =	vbroadcast v9, $0xF;
	_ =	sdelay $0x1  }
0xf9: {  	vm7 =	veq.f32 v10, v9  }
0xfa: {  	v4 =	vnsel vm7, $0xC0000000, v4;
	vm7 =	veq.f32 v11, v9  }
0xfb: {  	(xrf0) =	vmin.scan.msk.u32 $0xffff, v4;
	v4 =	vnsel vm7, $0xC0000000, v5  }
0xfc: {  	vm7 =	veq.f32 v8, v9;
	(xrf0) =	vmin.scan.msk.u32 $0xffff, v4  }
0xfd: {  	v4 =	vnsel vm7, $0xC0000000, v6;
	vm7 =	veq.f32 v63, v9  }
0xfe: {  	(xrf0) =	vmin.scan.msk.u32 $0xffff, v4;
	v4 =	vnsel vm7, $0xC0000000, v7;
	_ =	sdelay $0x1  }
0xff: {  	(xrf0) =	vmin.scan.msk.u32 $0xffff, v4  }
0x100: {  	v4, _, _ =	vpop (xrf0)  }
0x101: {  	v5, _, _ =	vpop (xrf0);
	(v2sf) =	vpush v4, $0xF  }
0x102: {  	(v2sf) =	vpush v5, $0xF  }
0x103: {  	v4, _, _ =	vpop (xrf0)  }
0x104: {  	(v2sf) =	vpush v4, $0xF  }
0x105: {  	v4, _, _ =	vpop (xrf0)  }
0x106: {  	(v2sf) =	vpush v4, $0xF;
	_ =	sdelay $0x9  }
0x107: {  	s28 =	spop (v2sf)  }
0x108: {  	v4 =	vmov s15;
	s29 =	spop (v2sf)  }
0x109: {  	v4 =	vnsel vm0, $0x0, v4;
	s21 =	sxor.u32 $0x80000000, s28;
	s15 =	sxor.u32 $0x80000000, s29  }
0x10a: {  	v4 =	vsel vm1, s16, v4;
	s30 =	spop (v2sf);
	p0 =	slt.s32 s21, s15  }
0x10b: {  	v4 =	vnsel vm2, s17, v4;
	s16 =	sxor.u32 $0x80000000, s30;
	s15 =	smov.u32 @p0 s21  }
0x10c: {  	v4 =	vnsel vm3, s18, v4;
	s31 =	spop (v2sf);
	p0 =	slt.s32 s15, s16  }
0x10d: {  	v4 =	vnsel vm4, s19, v4;
	s16 =	smov.u32 @p0 s15;
	s15 =	sxor.u32 $0x80000000, s31  }
0x10e: {  	v4 =	vnsel vm5, s20, v4;
	p0 =	slt.s32 s16, s15  }
0x10f: {  	s14 =	sadd.s32 $0x1, s14;
	vm7 =	veq.s32 v3, $0x7;
	v4 =	vnsel vm6, s22, v4;
	s15 =	smov.u32 @p0 s16  }
0x110: {  	p0 =	sne.s32 s14, s8;
	v4 =	vsel vm7, s15, v4  }
.Ltmp1:
0x111: {  	[tilespmem:$0x8280] =	vst v4;
	(pc) =	sbr.rel @!p0 .LBB2_34-.Ltmp1, $4  }
0x112: {  	[hbm4b:s7+s2] =	stream.linear.scatter [tilespmem:s12], [sflag:$0x2], $0x200, $0x38;
	[tilespmem:$0x8300] =	vst v63  }
0x113: {  	_ =	swait.ge [sflag:s13], $0x200  }
0x114: {  	[sflag:s13] =	ssyncset.done $0x0  }
0x115: {  	[sflag:s13] =	ssyncadd.s32 $0xFFFFFE00  }
.LBB2_1:
0x116: {  	s15 =	simm.s32 $0x80  }
0x117: {  	s18 =	sadd.s32 $0x0, s3;
	s16 =	simm.s32 $0x200;
	s17 =	simm.s32 $0x0  }
.LBB2_2:
0x118: {  	[tilespmem:s17], [sflag:$0x1] =	stream.linear.gather [hbm4b:s18+s2], $0x80, $0x38;
	[tilespmem:$0x8300] =	vst v63  }
0x119: {  	s18 =	smov.u32 s15;
	s17 =	smov.u32 s16;
	p0 =	sne.s32 s15, $0x1F80  }
.Ltmp2:
0x11a: {  	s15 =	sadd.s32 $0x80, s15;
	(pc) =	sbr.rel @p0 .LBB2_2-.Ltmp2, $2  }
0x11b: {  	_ =	sdelay $0x2  }
0x11c: {  	s16 =	sadd.s32 $0x200, s16;
	s18 =	sadd.s32 s18, s3  }
0x11d: {  	[tilespmem:s17], [sflag:$0x1] =	stream.linear.gather [hbm4b:s18+s2], $0x80, $0x38;
	[tilespmem:$0x8300] =	vst v63  }
0x11e: {  	s15 =	simm.s32 $0x80  }
0x11f: {  	s16 =	simm.s32 $0x80;
	s18 =	sadd.s32 $0x0, s4;
	s17 =	simm.s32 $0x280  }
.LBB2_4:
0x120: {  	[tilespmem:s15], [sflag:$0x1] =	stream.linear.gather [hbm4b:s18+s2], $0x80, $0x38;
	[tilespmem:$0x8300] =	vst v63  }
0x121: {  	s18 =	smov.u32 s16;
	s15 =	smov.u32 s17;
	p0 =	sne.s32 s16, $0x1F80  }
.Ltmp3:
0x122: {  	s16 =	sadd.s32 $0x80, s16;
	(pc) =	sbr.rel @p0 .LBB2_4-.Ltmp3, $2  }
0x123: {  	_ =	sdelay $0x2  }
0x124: {  	s17 =	sadd.s32 $0x200, s17;
	s18 =	sadd.s32 s18, s4  }
0x125: {  	[tilespmem:s15], [sflag:$0x1] =	stream.linear.gather [hbm4b:s18+s2], $0x80, $0x38;
	[tilespmem:$0x8300] =	vst v63  }
0x126: {  	s15 =	simm.s32 $0x100  }
0x127: {  	s16 =	simm.s32 $0x80;
	s18 =	sadd.s32 $0x0, s5;
	s17 =	simm.s32 $0x300  }
.LBB2_6:
0x128: {  	[tilespmem:s15], [sflag:$0x1] =	stream.linear.gather [hbm4b:s18+s2], $0x80, $0x38;
	[tilespmem:$0x8300] =	vst v63  }
0x129: {  	s18 =	smov.u32 s16;
	s15 =	smov.u32 s17;
	p0 =	sne.s32 s16, $0x1F80  }
.Ltmp4:
0x12a: {  	s16 =	sadd.s32 $0x80, s16;
	(pc) =	sbr.rel @p0 .LBB2_6-.Ltmp4, $2  }
0x12b: {  	_ =	sdelay $0x2  }
0x12c: {  	s17 =	sadd.s32 $0x200, s17;
	s18 =	sadd.s32 s18, s5  }
0x12d: {  	[tilespmem:s15], [sflag:$0x1] =	stream.linear.gather [hbm4b:s18+s2], $0x80, $0x38;
	[tilespmem:$0x8300] =	vst v63  }
0x12e: {  	s15 =	simm.s32 $0x180  }
0x12f: {  	s16 =	simm.s32 $0x80;
	s18 =	sadd.s32 $0x0, s6;
	s17 =	simm.s32 $0x380  }
.LBB2_8:
0x130: {  	[tilespmem:s15], [sflag:$0x1] =	stream.linear.gather [hbm4b:s18+s2], $0x80, $0x38;
	[tilespmem:$0x8300] =	vst v63  }
0x131: {  	s18 =	smov.u32 s16;
	s15 =	smov.u32 s17;
	p0 =	sne.s32 s16, $0x1F80  }
.Ltmp5:
0x132: {  	s16 =	sadd.s32 $0x80, s16;
	(pc) =	sbr.rel @p0 .LBB2_8-.Ltmp5, $2  }
0x133: {  	_ =	sdelay $0x2  }
0x134: {  	s17 =	sadd.s32 $0x200, s17;
	s18 =	sadd.s32 s18, s6  }
0x135: {  	[tilespmem:s15], [sflag:$0x1] =	stream.linear.gather [hbm4b:s18+s2], $0x80, $0x38;
	[tilespmem:$0x8300] =	vst v63  }
0x136: {  	_ =	swait.ge [sflag:s9], $0x2000  }
0x137: {  	[sflag:s9] =	ssyncset.done $0x0  }
0x138: {  	s17 =	simm.s32 $0x0;
	[sflag:s9] =	ssyncadd.s32 $0xFFFFE000  }
0x139: {  	v4 =	vld [tilespmem:s17+$0x70]  }
0x13a: {  	v5 =	vld [tilespmem:s17+$0x0]  }
0x13b: {  	v7 =	vld [tilespmem:s17+$0x10]  }
0x13c: {  	v16 =	vld [tilespmem:s17+$0x20]  }
0x13d: {  	v14 =	vld [tilespmem:s17+$0x30]  }
0x13e: {  	v6 =	vimm.f32 $-3.000000010e+38;
	v9 =	vimm.f32 $-3.000000010e+38;
	v8 =	vld [tilespmem:s17+$0x40]  }
0x13f: {  	v10 =	vimm.f32 $-3.000000010e+38;
	v11 =	vld [tilespmem:s17+$0x50];
	v4 =	vmax.f32 v6, v4;
	v12 =	vmax.f32 v6, v5  }
0x140: {  	s15 =	simm.s32 $0x200;
	s16 =	simm.s32 $0x1000;
	v15 =	vld [tilespmem:s17+$0x60];
	v13 =	vmax.f32 v6, v7;
	v7 =	vimm.f32 $-3.000000010e+38;
	v5 =	vimm.f32 $-3.000000010e+38  }
.LBB2_10:
0x141: {  	p0 =	sne.s32 s16, $0x1F800;
	v17 =	vld [tilespmem:s15+$0x70];
	v6 =	vmax.f32 v6, v16  }
0x142: {  	v18 =	vld [tilespmem:s15+$0x0];
	v9 =	vmax.f32 v9, v14  }
0x143: {  	v19 =	vld [tilespmem:s15+$0x10];
	v10 =	vmax.f32 v10, v8  }
.Ltmp6:
0x144: {  	v16 =	vld [tilespmem:s15+$0x20];
	v7 =	vmax.f32 v7, v11;
	(pc) =	sbr.rel @p0 .LBB2_10-.Ltmp6, $4  }
0x145: {  	v14 =	vld [tilespmem:s15+$0x30];
	v5 =	vmax.f32 v5, v15  }
0x146: {  	v8 =	vld [tilespmem:s15+$0x40];
	v4 =	vmax.f32 v4, v17  }
0x147: {  	v12 =	vmax.f32 v12, v18;
	v11 =	vld [tilespmem:s15+$0x50]  }
0x148: {  	v13 =	vmax.f32 v13, v19;
	v15 =	vld [tilespmem:s15+$0x60];
	s15 =	sshra.s32 s16, $0x2;
	s16 =	sadd.s32 $0x800, s16  }
0x149: {  	v17 =	vld [tilespmem:s15+$0x0]  }
0x14a: {  	v18 =	vld [tilespmem:s15+$0x10]  }
0x14b: {  	v19 =	vld [tilespmem:s15+$0x20]  }
0x14c: {  	v20 =	vld [tilespmem:s15+$0x30]  }
0x14d: {  	v21 =	vld [tilespmem:s15+$0x40]  }
0x14e: {  	v22 =	vld [tilespmem:s15+$0x50]  }
0x14f: {  	v6 =	vmax.f32 v6, v16;
	v63 =	vld [tilespmem:s15+$0x60];
	v12 =	vmax.f32 v12, v17;
	v13 =	vmax.f32 v13, v18  }
0x150: {  	v9 =	vmax.f32 v9, v14;
	v6 =	vmax.f32 v6, v19;
	v12 =	vmax.f32 v12, v13;
	v13 =	vld [tilespmem:s15+$0x70]  }
0x151: {  	v8 =	vmax.f32 v10, v8;
	v9 =	vmax.f32 v9, v20;
	v6 =	vmax.f32 v12, v6  }
0x152: {  	v7 =	vmax.f32 v7, v11;
	v8 =	vmax.f32 v8, v21;
	v6 =	vmax.f32 v6, v9  }
0x153: {  	v5 =	vmax.f32 v5, v15;
	v7 =	vmax.f32 v7, v22;
	v6 =	vmax.f32 v6, v8  }
0x154: {  	v5 =	vmax.f32 v5, v63;
	v6 =	vmax.f32 v6, v7  }
0x155: {  	v4 =	vmax.f32 v4, v13;
	v5 =	vmax.f32 v6, v5  }
0x156: {  	v4 =	vmax.f32 v5, v4  }
0x157: {  	(xrf1) =	vsort.dscd.msk.f32 $0xffff, v4, v4;
	_ =	sdelay $0x7  }
0x158: {  	[tilespmem:$0x8000] =	vst v0  }
0x159: {  	[tilespmem:$0x8080] =	vst v1  }
0x15a: {  	[tilespmem:$0x8010] =	vst v0  }
.Ltmp7:
0x15b: {  	[tilespmem:$0x8090] =	vst v1;
	(pc) =	sbr.rel .LBB2_12-.Ltmp7, $4  }
0x15c: {  	[tilespmem:$0x8020] =	vst v0  }
0x15d: {  	[tilespmem:$0x80A0] =	vst v1  }
0x15e: {  	[tilespmem:$0x8030] =	vst v0;
	v4, _, _ =	vpop (xrf1)  }
0x15f: {  	s16 =	simm.s32 $0x40;
	[tilespmem:$0x80B0] =	vst v1;
	s15 =	simm.s32 $0x70;
	v13 =	vimm.s32 $0x0;
	v4 =	vbroadcast v4, $0x7  }
.LBB2_14:
0x160: {  	s15 =	sadd.s32 $0x80, s15  }
0x161: {  	p0 =	sne.s32 s15, $0x2070  }
.Ltmp8:
0x162: {  	_ = 	snop;
	(pc) =	sbr.rel @!p0 .LBB2_15-.Ltmp8, $2  }
0x163: {  	_ =	sdelay $0x2  }
0x164: {  	s16 =	sadd.s32 $0x200, s16  }
.LBB2_12:
0x165: {  	v12 =	vld [tilespmem:s16+$0xFFFFFFC0]  }
0x166: {  	v11 =	vld [tilespmem:s16+$0xFFFFFFD0]  }
0x167: {  	v10 =	vld [tilespmem:s16+$0xFFFFFFE0]  }
0x168: {  	v9 =	vld [tilespmem:s16+$0xFFFFFFF0]  }
0x169: {  	v8 =	vld [tilespmem:s16+$0x0]  }
0x16a: {  	v7 =	vld [tilespmem:s16+$0x10]  }
0x16b: {  	v6 =	vld [tilespmem:s16+$0x20];
	v14 =	vmax.f32 v12, v11  }
0x16c: {  	v5 =	vld [tilespmem:s16+$0x30];
	v14 =	vmax.f32 v14, v10  }
0x16d: {  	v14 =	vmax.f32 v14, v9  }
0x16e: {  	v14 =	vmax.f32 v14, v8  }
0x16f: {  	v14 =	vmax.f32 v14, v7  }
0x170: {  	v14 =	vmax.f32 v14, v6  }
0x171: {  	v14 =	vmax.f32 v14, v5  }
0x172: {  	vm7 =	vge.f32 v14, v4  }
0x173: {  	v14 =	vmpcnt.ones.xlane vm7;
	_ =	sdelay $0x1  }
0x174: {  	(v2sf) =	vpush v14, $0x0;
	_ =	sdelay $0xe  }
0x175: {  	s17 =	spop (v2sf)  }
0x176: {  	p0 =	slt.s32 s17, $0x1  }
.Ltmp9:
0x177: {  	_ = 	snop;
	(pc) =	sbr.rel @p0 .LBB2_14-.Ltmp9, $1  }
0x178: {  	_ =	sdelay $0x3  }
0x179: {  	vm14 =	vge.f32 v12, v4  }
0x17a: {  	v14 =	vsel vm14, $0x1, v2  }
0x17b: {  	vm12 =	vge.f32 v11, v4;
	(xrf0) =	vadd.scan.msk.s32 $0xffff, v14  }
0x17c: {  	v14 =	vsel vm12, $0x1, v2  }
0x17d: {  	vm9 =	vge.f32 v10, v4;
	(xrf0) =	vadd.scan.msk.s32 $0xffff, v14  }
0x17e: {  	v14 =	vsel vm9, $0x1, v2  }
0x17f: {  	v15 =	vmpcnt.ones.xlane vm14;
	(xrf0) =	vadd.scan.msk.s32 $0xffff, v14  }
0x180: {  	vm7 =	vge.f32 v9, v4;
	vm8 =	vge.f32 v8, v4  }
0x181: {  	v16 =	vsel vm7, $0x1, v2;
	v17 =	vmpcnt.ones.xlane vm12;
	v43 =	vsel vm8, $0x1, v2;
	v14, _, _ =	vpop (xrf0)  }
0x182: {  	v46 =	vmpcnt.ones.xlane vm9;
	v48 =	vmpcnt.ones.xlane vm7;
	(xrf0) =	vadd.scan.msk.s32 $0xffff, v16;
	v14 =	vadd.s32 v14, v13  }
0x183: {  	v51 =	vmpcnt.ones.xlane vm8;
	v13 =	vadd.s32 v13, v15;
	v15, _, _ =	vpop (xrf0);
	v14 =	vadd.s32 $0xFFFFFFFF, v14  }
0x184: {  	(xrf0) =	vadd.scan.msk.s32 $0xffff, v43;
	v15 =	vadd.s32 v13, v15;
	v13 =	vadd.s32 v13, v17;
	vm10 =	vlt.s32 v14, $0x3F  }
0x185: {  	v44, _, _ =	vpop (xrf0);
	v15 =	vadd.s32 $0xFFFFFFFF, v15;
	v14 =	vnsel vm10, $0x3F, v14;
	vm10 =	vge.f32 v7, v4  }
0x186: {  	v45 =	vadd.s32 v13, v44;
	vm11 =	vlt.s32 v15, $0x3F;
	v18 =	vsel vm10, $0x1, v2  }
0x187: {  	v16 =	vadd.s32 $0xFFFFFFFF, v45;
	v15 =	vnsel vm11, $0x3F, v15;
	vm11 =	vge.f32 v6, v4;
	(xrf0) =	vadd.scan.msk.s32 $0xffff, v18  }
0x188: {  	v13 =	vadd.s32 v13, v46;
	vm13 =	vlt.s32 v16, $0x3F;
	v47, _, _ =	vpop (xrf0);
	v19 =	vsel vm11, $0x1, v2  }
0x189: {  	v16 =	vnsel vm13, $0x3F, v16;
	vm13 =	vge.f32 v5, v4;
	v17 =	vadd.s32 v13, v47  }
0x18a: {  	s17 =	sadd.s32 $0xFFFFFF90, s15;
	(xrf0) =	vadd.scan.msk.s32 $0xffff, v19;
	v13 =	vadd.s32 v13, v48;
	v49, _, _ =	vpop (xrf0);
	v50 =	vsel vm13, $0x1, v2;
	v17 =	vadd.s32 $0xFFFFFFFF, v17  }
0x18b: {  	v18 =	vadd.s32 v13, v49;
	(xrf0) =	vadd.scan.msk.s32 $0xffff, v50;
	[tilespmem:v14+s10+$0x0] =	vst.idx.msk vm14, v12;
	v12 =	vor.u32 s17, v3  }
0x18c: {  	vm15 =	vlt.s32 v17, $0x3F;
	[tilespmem:v14+s11+$0x0] =	vst.idx.msk vm14, v12;
	v12 =	vadd.s32 v13, v51;
	v13 =	vmpcnt.ones.xlane vm10  }
0x18d: {  	v18 =	vadd.s32 $0xFFFFFFFF, v18;
	v17 =	vnsel vm15, $0x3F, v17;
	v20, _, _ =	vpop (xrf0)  }
0x18e: {  	s25 =	sadd.s32 $0xFFFFFFA0, s15;
	v53 =	vadd.s32 v12, v20;
	v12 =	vadd.s32 v12, v13;
	v13 =	vmpcnt.ones.xlane vm11  }
0x18f: {  	v52 =	vor.u32 s25, v3;
	vm14 =	vlt.s32 v18, $0x3F;
	[tilespmem:v15+s10+$0x0] =	vst.idx.msk vm12, v11  }
0x190: {  	s26 =	sadd.s32 $0xFFFFFFB0, s15;
	v14 =	vnsel vm14, $0x3F, v18;
	[tilespmem:v15+s11+$0x0] =	vst.idx.msk vm12, v52;
	v54, _, _ =	vpop (xrf0);
	v55 =	vadd.s32 $0xFFFFFFFF, v53  }
0x191: {  	v56 =	vor.u32 s26, v3;
	[tilespmem:v16+s10+$0x0] =	vst.idx.msk vm9, v10;
	v15 =	vadd.s32 v12, v54;
	vm12 =	vlt.s32 v55, $0x3F  }
0x192: {  	s28 =	sadd.s32 $0xFFFFFFC0, s15;
	[tilespmem:v16+s11+$0x0] =	vst.idx.msk vm9, v56;
	v58 =	vadd.s32 $0xFFFFFFFF, v15;
	v12 =	vadd.s32 v12, v13;
	v57 =	vnsel vm12, $0x3F, v55;
	v13, _, _ =	vpop (xrf0)  }
0x193: {  	v59 =	vor.u32 s28, v3;
	[tilespmem:v17+s10+$0x0] =	vst.idx.msk vm7, v9;
	vm15 =	vlt.s32 v58, $0x3F;
	v13 =	vadd.s32 v12, v13  }
0x194: {  	s29 =	sadd.s32 $0xFFFFFFD0, s15;
	[tilespmem:v17+s11+$0x0] =	vst.idx.msk vm7, v59;
	v60 =	vnsel vm15, $0x3F, v58;
	v61 =	vadd.s32 $0xFFFFFFFF, v13  }
0x195: {  	v62 =	vor.u32 s29, v3;
	[tilespmem:v14+s10+$0x0] =	vst.idx.msk vm8, v8;
	vm7 =	vlt.s32 v61, $0x3F  }
0x196: {  	s30 =	sadd.s32 $0xFFFFFFE0, s15;
	[tilespmem:v14+s11+$0x0] =	vst.idx.msk vm8, v62;
	v63 =	vnsel vm7, $0x3F, v61  }
0x197: {  	[tilespmem:v57+s10+$0x0] =	vst.idx.msk vm10, v7;
	v7 =	vor.u32 s30, v3  }
.Ltmp10:
0x198: {  	s31 =	sadd.s32 $0xFFFFFFF0, s15;
	[tilespmem:v57+s11+$0x0] =	vst.idx.msk vm10, v7;
	(pc) =	sbr.rel .LBB2_14-.Ltmp10, $4  }
0x199: {  	[tilespmem:v60+s10+$0x0] =	vst.idx.msk vm11, v6;
	v6 =	vor.u32 s31, v3  }
0x19a: {  	[tilespmem:v60+s11+$0x0] =	vst.idx.msk vm11, v6;
	v6 =	vmpcnt.ones.xlane vm13  }
0x19b: {  	[tilespmem:v63+s10+$0x0] =	vst.idx.msk vm13, v5;
	v5 =	vor.u32 s15, v3  }
0x19c: {  	v13 =	vadd.s32 v12, v6;
	[tilespmem:v63+s11+$0x0] =	vst.idx.msk vm13, v5  }
.LBB2_15:
0x19d: {  	v12 =	vld [tilespmem:$0x8000]  }
0x19e: {  	v13 =	vld [tilespmem:$0x8010]  }
0x19f: {  	v14 =	vld [tilespmem:$0x8020]  }
0x1a0: {  	v15 =	vld [tilespmem:$0x8030];
	_ =	sdelay $0x2  }
0x1a1: {  	v4 =	vmax.f32 v12, v13  }
0x1a2: {  	v4 =	vmax.f32 v4, v14  }
0x1a3: {  	v4 =	vmax.f32 v4, v15  }
0x1a4: {  	(xrf0) =	vmax.scan.msk.f32 $0xffff, v4;
	_ =	sdelay $0x3  }
0x1a5: {  	v10 =	vld [tilespmem:$0x8080]  }
0x1a6: {  	v11 =	vld [tilespmem:$0x8090]  }
0x1a7: {  	v4, _, _ =	vpop (xrf0)  }
0x1a8: {  	v8 =	vld [tilespmem:$0x80A0];
	v7 =	vbroadcast v4, $0xF  }
0x1a9: {  	v9 =	vld [tilespmem:$0x80B0]  }
0x1aa: {  	v4 =	vxor.u32 $0x80000000, v10;
	vm7 =	veq.f32 v12, v7  }
0x1ab: {  	v5 =	vxor.u32 $0x80000000, v11;
	v6 =	vnsel vm7, $0xC0000000, v4;
	vm7 =	veq.f32 v13, v7  }
0x1ac: {  	(xrf0) =	vmin.scan.msk.u32 $0xffff, v6;
	v6 =	vnsel vm7, $0xC0000000, v5  }
0x1ad: {  	vm7 =	veq.f32 v14, v7;
	(xrf0) =	vmin.scan.msk.u32 $0xffff, v6;
	v6 =	vxor.u32 $0x80000000, v8  }
0x1ae: {  	v16 =	vnsel vm7, $0xC0000000, v6;
	vm7 =	veq.f32 v15, v7;
	v7 =	vxor.u32 $0x80000000, v9  }
0x1af: {  	(xrf0) =	vmin.scan.msk.u32 $0xffff, v16;
	v16 =	vnsel vm7, $0xC0000000, v7;
	_ =	sdelay $0x1  }
0x1b0: {  	(xrf0) =	vmin.scan.msk.u32 $0xffff, v16  }
0x1b1: {  	v16, _, _ =	vpop (xrf0)  }
0x1b2: {  	(v2sf) =	vpush v16, $0xF;
	v16, _, _ =	vpop (xrf0)  }
0x1b3: {  	(v2sf) =	vpush v16, $0xF  }
0x1b4: {  	v16, _, _ =	vpop (xrf0)  }
0x1b5: {  	(v2sf) =	vpush v16, $0xF  }
0x1b6: {  	v16, _, _ =	vpop (xrf0)  }
0x1b7: {  	(v2sf) =	vpush v16, $0xF;
	_ =	sdelay $0x9  }
0x1b8: {  	s15 =	spop (v2sf)  }
0x1b9: {  	s16 =	spop (v2sf)  }
0x1ba: {  	s15 =	sxor.u32 $0x80000000, s15;
	s16 =	sxor.u32 $0x80000000, s16  }
0x1bb: {  	p0 =	slt.s32 s15, s16;
	s17 =	spop (v2sf)  }
0x1bc: {  	s16 =	smov.u32 @p0 s15;
	s17 =	sxor.u32 $0x80000000, s17  }
0x1bd: {  	s28 =	spop (v2sf);
	p0 =	slt.s32 s16, s17  }
0x1be: {  	s15 =	sxor.u32 $0x80000000, s28;
	s17 =	smov.u32 @p0 s16  }
0x1bf: {  	p0 =	slt.s32 s17, s15  }
0x1c0: {  	s15 =	smov.u32 @p0 s17  }
0x1c1: {  	vm7 =	veq.s32 v10, s15;
	vm8 =	veq.s32 v11, s15  }
0x1c2: {  	v12 =	vsel vm7, $0xFF61B1E6, v12;
	v13 =	vsel vm8, $0xFF61B1E6, v13;
	vm7 =	veq.s32 v8, s15  }
0x1c3: {  	v14 =	vsel vm7, $0xFF61B1E6, v14;
	vm7 =	veq.s32 v9, s15;
	v16 =	vmax.f32 v12, v13  }
0x1c4: {  	v15 =	vsel vm7, $0xFF61B1E6, v15;
	v16 =	vmax.f32 v16, v14  }
0x1c5: {  	v16 =	vmax.f32 v16, v15  }
0x1c6: {  	(xrf0) =	vmax.scan.msk.f32 $0xffff, v16;
	_ =	sdelay $0x5  }
0x1c7: {  	v16, _, _ =	vpop (xrf0)  }
0x1c8: {  	v16 =	vbroadcast v16, $0xF;
	_ =	sdelay $0x1  }
0x1c9: {  	vm7 =	veq.f32 v12, v16  }
0x1ca: {  	v17 =	vnsel vm7, $0xC0000000, v4;
	vm7 =	veq.f32 v13, v16  }
0x1cb: {  	(xrf0) =	vmin.scan.msk.u32 $0xffff, v17;
	v17 =	vnsel vm7, $0xC0000000, v5  }
0x1cc: {  	vm7 =	veq.f32 v14, v16;
	(xrf0) =	vmin.scan.msk.u32 $0xffff, v17  }
0x1cd: {  	v17 =	vnsel vm7, $0xC0000000, v6;
	vm7 =	veq.f32 v15, v16  }
0x1ce: {  	(xrf0) =	vmin.scan.msk.u32 $0xffff, v17;
	v16 =	vnsel vm7, $0xC0000000, v7;
	_ =	sdelay $0x1  }
0x1cf: {  	(xrf0) =	vmin.scan.msk.u32 $0xffff, v16  }
0x1d0: {  	v16, _, _ =	vpop (xrf0)  }
0x1d1: {  	(v2sf) =	vpush v16, $0xF;
	v16, _, _ =	vpop (xrf0)  }
0x1d2: {  	(v2sf) =	vpush v16, $0xF  }
0x1d3: {  	v16, _, _ =	vpop (xrf0)  }
0x1d4: {  	(v2sf) =	vpush v16, $0xF  }
0x1d5: {  	v16, _, _ =	vpop (xrf0)  }
0x1d6: {  	(v2sf) =	vpush v16, $0xF;
	_ =	sdelay $0x9  }
0x1d7: {  	s29 =	spop (v2sf)  }
0x1d8: {  	s30 =	spop (v2sf)  }
0x1d9: {  	s16 =	sxor.u32 $0x80000000, s29;
	s17 =	sxor.u32 $0x80000000, s30  }
0x1da: {  	s18 =	spop (v2sf);
	p0 =	slt.s32 s16, s17  }
0x1db: {  	s18 =	sxor.u32 $0x80000000, s18;
	s17 =	smov.u32 @p0 s16  }
0x1dc: {  	s31 =	spop (v2sf);
	p0 =	slt.s32 s17, s18  }
0x1dd: {  	s16 =	sxor.u32 $0x80000000, s31;
	s18 =	smov.u32 @p0 s17  }
0x1de: {  	p0 =	slt.s32 s18, s16  }
0x1df: {  	s16 =	smov.u32 @p0 s18  }
0x1e0: {  	vm7 =	veq.s32 v10, s16;
	vm8 =	veq.s32 v11, s16  }
0x1e1: {  	v12 =	vsel vm7, $0xFF61B1E6, v12;
	v13 =	vsel vm8, $0xFF61B1E6, v13;
	vm7 =	veq.s32 v8, s16  }
0x1e2: {  	v14 =	vsel vm7, $0xFF61B1E6, v14;
	vm7 =	veq.s32 v9, s16;
	v16 =	vmax.f32 v12, v13  }
0x1e3: {  	v15 =	vsel vm7, $0xFF61B1E6, v15;
	v16 =	vmax.f32 v16, v14  }
0x1e4: {  	v16 =	vmax.f32 v16, v15  }
0x1e5: {  	(xrf0) =	vmax.scan.msk.f32 $0xffff, v16;
	_ =	sdelay $0x5  }
0x1e6: {  	v16, _, _ =	vpop (xrf0)  }
0x1e7: {  	v16 =	vbroadcast v16, $0xF;
	_ =	sdelay $0x1  }
0x1e8: {  	vm7 =	veq.f32 v12, v16  }
0x1e9: {  	v17 =	vnsel vm7, $0xC0000000, v4;
	vm7 =	veq.f32 v13, v16  }
0x1ea: {  	(xrf0) =	vmin.scan.msk.u32 $0xffff, v17;
	v17 =	vnsel vm7, $0xC0000000, v5  }
0x1eb: {  	vm7 =	veq.f32 v14, v16;
	(xrf0) =	vmin.scan.msk.u32 $0xffff, v17  }
0x1ec: {  	v17 =	vnsel vm7, $0xC0000000, v6;
	vm7 =	veq.f32 v15, v16  }
0x1ed: {  	(xrf0) =	vmin.scan.msk.u32 $0xffff, v17;
	v16 =	vnsel vm7, $0xC0000000, v7;
	_ =	sdelay $0x1  }
0x1ee: {  	(xrf0) =	vmin.scan.msk.u32 $0xffff, v16  }
0x1ef: {  	v16, _, _ =	vpop (xrf0)  }
0x1f0: {  	(v2sf) =	vpush v16, $0xF;
	v16, _, _ =	vpop (xrf0)  }
0x1f1: {  	(v2sf) =	vpush v16, $0xF  }
0x1f2: {  	v16, _, _ =	vpop (xrf0)  }
0x1f3: {  	(v2sf) =	vpush v16, $0xF  }
0x1f4: {  	v16, _, _ =	vpop (xrf0)  }
0x1f5: {  	(v2sf) =	vpush v16, $0xF;
	_ =	sdelay $0x9  }
0x1f6: {  	s19 =	spop (v2sf)  }
0x1f7: {  	s20 =	spop (v2sf)  }
0x1f8: {  	s17 =	sxor.u32 $0x80000000, s19;
	s18 =	sxor.u32 $0x80000000, s20  }
0x1f9: {  	s19 =	spop (v2sf);
	p0 =	slt.s32 s17, s18  }
0x1fa: {  	s19 =	sxor.u32 $0x80000000, s19;
	s18 =	smov.u32 @p0 s17  }
0x1fb: {  	s21 =	spop (v2sf);
	p0 =	slt.s32 s18, s19  }
0x1fc: {  	s17 =	sxor.u32 $0x80000000, s21;
	s19 =	smov.u32 @p0 s18  }
0x1fd: {  	p0 =	slt.s32 s19, s17  }
0x1fe: {  	s17 =	smov.u32 @p0 s19  }
0x1ff: {  	vm7 =	veq.s32 v10, s17;
	vm8 =	veq.s32 v11, s17  }
0x200: {  	v12 =	vsel vm7, $0xFF61B1E6, v12;
	v13 =	vsel vm8, $0xFF61B1E6, v13;
	vm7 =	veq.s32 v8, s17  }
0x201: {  	v14 =	vsel vm7, $0xFF61B1E6, v14;
	vm7 =	veq.s32 v9, s17;
	v16 =	vmax.f32 v12, v13  }
0x202: {  	v15 =	vsel vm7, $0xFF61B1E6, v15;
	v16 =	vmax.f32 v16, v14  }
0x203: {  	v16 =	vmax.f32 v16, v15  }
0x204: {  	(xrf0) =	vmax.scan.msk.f32 $0xffff, v16;
	_ =	sdelay $0x5  }
0x205: {  	v16, _, _ =	vpop (xrf0)  }
0x206: {  	v16 =	vbroadcast v16, $0xF;
	_ =	sdelay $0x1  }
0x207: {  	vm7 =	veq.f32 v12, v16  }
0x208: {  	v17 =	vnsel vm7, $0xC0000000, v4;
	vm7 =	veq.f32 v13, v16  }
0x209: {  	(xrf0) =	vmin.scan.msk.u32 $0xffff, v17;
	v17 =	vnsel vm7, $0xC0000000, v5  }
0x20a: {  	vm7 =	veq.f32 v14, v16;
	(xrf0) =	vmin.scan.msk.u32 $0xffff, v17  }
0x20b: {  	v17 =	vnsel vm7, $0xC0000000, v6;
	vm7 =	veq.f32 v15, v16  }
0x20c: {  	(xrf0) =	vmin.scan.msk.u32 $0xffff, v17;
	v16 =	vnsel vm7, $0xC0000000, v7;
	_ =	sdelay $0x1  }
0x20d: {  	(xrf0) =	vmin.scan.msk.u32 $0xffff, v16  }
0x20e: {  	v16, _, _ =	vpop (xrf0)  }
0x20f: {  	(v2sf) =	vpush v16, $0xF;
	v16, _, _ =	vpop (xrf0)  }
0x210: {  	(v2sf) =	vpush v16, $0xF  }
0x211: {  	v16, _, _ =	vpop (xrf0)  }
0x212: {  	(v2sf) =	vpush v16, $0xF  }
0x213: {  	v16, _, _ =	vpop (xrf0)  }
0x214: {  	(v2sf) =	vpush v16, $0xF;
	_ =	sdelay $0x9  }
0x215: {  	s22 =	spop (v2sf)  }
0x216: {  	s23 =	spop (v2sf)  }
0x217: {  	s18 =	sxor.u32 $0x80000000, s22;
	s19 =	sxor.u32 $0x80000000, s23  }
0x218: {  	s20 =	spop (v2sf);
	p0 =	slt.s32 s18, s19  }
0x219: {  	s20 =	sxor.u32 $0x80000000, s20;
	s19 =	smov.u32 @p0 s18  }
0x21a: {  	s24 =	spop (v2sf);
	p0 =	slt.s32 s19, s20  }
0x21b: {  	s18 =	sxor.u32 $0x80000000, s24;
	s20 =	smov.u32 @p0 s19  }
0x21c: {  	p0 =	slt.s32 s20, s18  }
0x21d: {  	s18 =	smov.u32 @p0 s20  }
0x21e: {  	vm7 =	veq.s32 v10, s18;
	vm8 =	veq.s32 v11, s18  }
0x21f: {  	v12 =	vsel vm7, $0xFF61B1E6, v12;
	v13 =	vsel vm8, $0xFF61B1E6, v13;
	vm7 =	veq.s32 v8, s18  }
0x220: {  	v14 =	vsel vm7, $0xFF61B1E6, v14;
	vm7 =	veq.s32 v9, s18;
	v16 =	vmax.f32 v12, v13  }
0x221: {  	v15 =	vsel vm7, $0xFF61B1E6, v15;
	v16 =	vmax.f32 v16, v14  }
0x222: {  	v16 =	vmax.f32 v16, v15  }
0x223: {  	(xrf0) =	vmax.scan.msk.f32 $0xffff, v16;
	_ =	sdelay $0x5  }
0x224: {  	v16, _, _ =	vpop (xrf0)  }
0x225: {  	v16 =	vbroadcast v16, $0xF;
	_ =	sdelay $0x1  }
0x226: {  	vm7 =	veq.f32 v12, v16  }
0x227: {  	v17 =	vnsel vm7, $0xC0000000, v4;
	vm7 =	veq.f32 v13, v16  }
0x228: {  	(xrf0) =	vmin.scan.msk.u32 $0xffff, v17;
	v17 =	vnsel vm7, $0xC0000000, v5  }
0x229: {  	vm7 =	veq.f32 v14, v16;
	(xrf0) =	vmin.scan.msk.u32 $0xffff, v17  }
0x22a: {  	v17 =	vnsel vm7, $0xC0000000, v6;
	vm7 =	veq.f32 v15, v16  }
0x22b: {  	(xrf0) =	vmin.scan.msk.u32 $0xffff, v17;
	v16 =	vnsel vm7, $0xC0000000, v7;
	_ =	sdelay $0x1  }
0x22c: {  	(xrf0) =	vmin.scan.msk.u32 $0xffff, v16  }
0x22d: {  	v16, _, _ =	vpop (xrf0)  }
0x22e: {  	(v2sf) =	vpush v16, $0xF;
	v16, _, _ =	vpop (xrf0)  }
0x22f: {  	(v2sf) =	vpush v16, $0xF  }
0x230: {  	v16, _, _ =	vpop (xrf0)  }
0x231: {  	(v2sf) =	vpush v16, $0xF  }
0x232: {  	v16, _, _ =	vpop (xrf0)  }
0x233: {  	(v2sf) =	vpush v16, $0xF;
	_ =	sdelay $0x9  }
0x234: {  	s25 =	spop (v2sf)  }
0x235: {  	s26 =	spop (v2sf)  }
0x236: {  	s19 =	sxor.u32 $0x80000000, s25;
	s20 =	sxor.u32 $0x80000000, s26  }
0x237: {  	s21 =	spop (v2sf);
	p0 =	slt.s32 s19, s20  }
0x238: {  	s21 =	sxor.u32 $0x80000000, s21;
	s20 =	smov.u32 @p0 s19  }
0x239: {  	s28 =	spop (v2sf);
	p0 =	slt.s32 s20, s21  }
0x23a: {  	s19 =	sxor.u32 $0x80000000, s28;
	s21 =	smov.u32 @p0 s20  }
0x23b: {  	p0 =	slt.s32 s21, s19  }
0x23c: {  	s19 =	smov.u32 @p0 s21  }
0x23d: {  	vm7 =	veq.s32 v10, s19;
	vm8 =	veq.s32 v11, s19  }
0x23e: {  	v12 =	vsel vm7, $0xFF61B1E6, v12;
	v13 =	vsel vm8, $0xFF61B1E6, v13;
	vm7 =	veq.s32 v8, s19  }
0x23f: {  	v14 =	vsel vm7, $0xFF61B1E6, v14;
	vm7 =	veq.s32 v9, s19;
	v16 =	vmax.f32 v12, v13  }
0x240: {  	v15 =	vsel vm7, $0xFF61B1E6, v15;
	v16 =	vmax.f32 v16, v14  }
0x241: {  	v16 =	vmax.f32 v16, v15  }
0x242: {  	(xrf0) =	vmax.scan.msk.f32 $0xffff, v16;
	_ =	sdelay $0x5  }
0x243: {  	v16, _, _ =	vpop (xrf0)  }
0x244: {  	v16 =	vbroadcast v16, $0xF;
	_ =	sdelay $0x1  }
0x245: {  	vm7 =	veq.f32 v12, v16  }
0x246: {  	v17 =	vnsel vm7, $0xC0000000, v4;
	vm7 =	veq.f32 v13, v16  }
0x247: {  	(xrf0) =	vmin.scan.msk.u32 $0xffff, v17;
	v17 =	vnsel vm7, $0xC0000000, v5  }
0x248: {  	vm7 =	veq.f32 v14, v16;
	(xrf0) =	vmin.scan.msk.u32 $0xffff, v17  }
0x249: {  	v17 =	vnsel vm7, $0xC0000000, v6;
	vm7 =	veq.f32 v15, v16  }
0x24a: {  	(xrf0) =	vmin.scan.msk.u32 $0xffff, v17;
	v16 =	vnsel vm7, $0xC0000000, v7;
	_ =	sdelay $0x1  }
0x24b: {  	(xrf0) =	vmin.scan.msk.u32 $0xffff, v16  }
0x24c: {  	v16, _, _ =	vpop (xrf0)  }
0x24d: {  	(v2sf) =	vpush v16, $0xF;
	v16, _, _ =	vpop (xrf0)  }
0x24e: {  	(v2sf) =	vpush v16, $0xF  }
0x24f: {  	v16, _, _ =	vpop (xrf0)  }
0x250: {  	(v2sf) =	vpush v16, $0xF  }
0x251: {  	v16, _, _ =	vpop (xrf0)  }
0x252: {  	(v2sf) =	vpush v16, $0xF;
	_ =	sdelay $0x9  }
0x253: {  	s29 =	spop (v2sf)  }
0x254: {  	s30 =	spop (v2sf)  }
0x255: {  	s20 =	sxor.u32 $0x80000000, s29;
	s21 =	sxor.u32 $0x80000000, s30  }
0x256: {  	s22 =	spop (v2sf);
	p0 =	slt.s32 s20, s21  }
0x257: {  	s22 =	sxor.u32 $0x80000000, s22;
	s21 =	smov.u32 @p0 s20  }
0x258: {  	s31 =	spop (v2sf);
	p0 =	slt.s32 s21, s22  }
0x259: {  	s20 =	sxor.u32 $0x80000000, s31;
	s22 =	smov.u32 @p0 s21  }
0x25a: {  	p0 =	slt.s32 s22, s20  }
0x25b: {  	s20 =	smov.u32 @p0 s22  }
0x25c: {  	vm7 =	veq.s32 v10, s20;
	vm8 =	veq.s32 v11, s20  }
0x25d: {  	v12 =	vsel vm7, $0xFF61B1E6, v12;
	v13 =	vsel vm8, $0xFF61B1E6, v13;
	vm7 =	veq.s32 v8, s20  }
0x25e: {  	v14 =	vsel vm7, $0xFF61B1E6, v14;
	vm7 =	veq.s32 v9, s20;
	v16 =	vmax.f32 v12, v13  }
0x25f: {  	v15 =	vsel vm7, $0xFF61B1E6, v15;
	v16 =	vmax.f32 v16, v14  }
0x260: {  	v16 =	vmax.f32 v16, v15  }
0x261: {  	(xrf0) =	vmax.scan.msk.f32 $0xffff, v16;
	_ =	sdelay $0x5  }
0x262: {  	v16, _, _ =	vpop (xrf0)  }
0x263: {  	v16 =	vbroadcast v16, $0xF;
	_ =	sdelay $0x1  }
0x264: {  	vm7 =	veq.f32 v12, v16  }
0x265: {  	v17 =	vnsel vm7, $0xC0000000, v4;
	vm7 =	veq.f32 v13, v16  }
0x266: {  	(xrf0) =	vmin.scan.msk.u32 $0xffff, v17;
	v17 =	vnsel vm7, $0xC0000000, v5  }
0x267: {  	vm7 =	veq.f32 v14, v16;
	(xrf0) =	vmin.scan.msk.u32 $0xffff, v17  }
0x268: {  	v17 =	vnsel vm7, $0xC0000000, v6;
	vm7 =	veq.f32 v15, v16  }
0x269: {  	(xrf0) =	vmin.scan.msk.u32 $0xffff, v17;
	v16 =	vnsel vm7, $0xC0000000, v7;
	_ =	sdelay $0x1  }
0x26a: {  	(xrf0) =	vmin.scan.msk.u32 $0xffff, v16  }
0x26b: {  	v16, _, _ =	vpop (xrf0)  }
0x26c: {  	(v2sf) =	vpush v16, $0xF;
	v16, _, _ =	vpop (xrf0)  }
0x26d: {  	(v2sf) =	vpush v16, $0xF  }
0x26e: {  	v16, _, _ =	vpop (xrf0)  }
0x26f: {  	(v2sf) =	vpush v16, $0xF  }
0x270: {  	v16, _, _ =	vpop (xrf0)  }
0x271: {  	(v2sf) =	vpush v16, $0xF;
	_ =	sdelay $0x9  }
0x272: {  	s23 =	spop (v2sf)  }
0x273: {  	s24 =	spop (v2sf)  }
0x274: {  	s21 =	sxor.u32 $0x80000000, s23;
	s22 =	sxor.u32 $0x80000000, s24  }
0x275: {  	s23 =	spop (v2sf);
	p0 =	slt.s32 s21, s22  }
0x276: {  	s22 =	smov.u32 @p0 s21;
	s21 =	sxor.u32 $0x80000000, s23  }
0x277: {  	s25 =	spop (v2sf);
	p0 =	slt.s32 s22, s21  }
0x278: {  	s21 =	smov.u32 @p0 s22;
	s22 =	sxor.u32 $0x80000000, s25  }
0x279: {  	p0 =	slt.s32 s21, s22  }
0x27a: {  	s22 =	smov.u32 @p0 s21  }
0x27b: {  	vm7 =	veq.s32 v10, s22;
	vm8 =	veq.s32 v11, s22  }
0x27c: {  	v10 =	vsel vm7, $0xFF61B1E6, v12;
	v11 =	vsel vm8, $0xFF61B1E6, v13;
	vm7 =	veq.s32 v8, s22  }
0x27d: {  	v8 =	vsel vm7, $0xFF61B1E6, v14;
	vm7 =	veq.s32 v9, s22;
	v9 =	vmax.f32 v10, v11  }
0x27e: {  	v12 =	vsel vm7, $0xFF61B1E6, v15;
	v9 =	vmax.f32 v9, v8  }
0x27f: {  	v9 =	vmax.f32 v9, v12  }
0x280: {  	(xrf0) =	vmax.scan.msk.f32 $0xffff, v9;
	_ =	sdelay $0x5  }
0x281: {  	v9, _, _ =	vpop (xrf0)  }
0x282: {  	v9 =	vbroadcast v9, $0xF;
	_ =	sdelay $0x1  }
0x283: {  	vm7 =	veq.f32 v10, v9  }
0x284: {  	v4 =	vnsel vm7, $0xC0000000, v4;
	vm7 =	veq.f32 v11, v9  }
0x285: {  	(xrf0) =	vmin.scan.msk.u32 $0xffff, v4;
	v4 =	vnsel vm7, $0xC0000000, v5  }
0x286: {  	vm7 =	veq.f32 v8, v9;
	(xrf0) =	vmin.scan.msk.u32 $0xffff, v4  }
0x287: {  	v4 =	vnsel vm7, $0xC0000000, v6;
	vm7 =	veq.f32 v12, v9  }
0x288: {  	(xrf0) =	vmin.scan.msk.u32 $0xffff, v4;
	v4 =	vnsel vm7, $0xC0000000, v7;
	_ =	sdelay $0x1  }
0x289: {  	(xrf0) =	vmin.scan.msk.u32 $0xffff, v4  }
0x28a: {  	v4, _, _ =	vpop (xrf0)  }
0x28b: {  	v5, _, _ =	vpop (xrf0);
	(v2sf) =	vpush v4, $0xF  }
0x28c: {  	(v2sf) =	vpush v5, $0xF  }
0x28d: {  	v4, _, _ =	vpop (xrf0)  }
0x28e: {  	(v2sf) =	vpush v4, $0xF  }
0x28f: {  	v4, _, _ =	vpop (xrf0)  }
0x290: {  	(v2sf) =	vpush v4, $0xF;
	_ =	sdelay $0x9  }
0x291: {  	s26 =	spop (v2sf)  }
0x292: {  	v4 =	vmov s15;
	s28 =	spop (v2sf)  }
0x293: {  	v4 =	vnsel vm0, $0x0, v4;
	s21 =	sxor.u32 $0x80000000, s26;
	s15 =	sxor.u32 $0x80000000, s28  }
0x294: {  	v4 =	vsel vm1, s16, v4;
	s29 =	spop (v2sf);
	p0 =	slt.s32 s21, s15  }
0x295: {  	v4 =	vnsel vm2, s17, v4;
	s16 =	sxor.u32 $0x80000000, s29;
	s15 =	smov.u32 @p0 s21  }
0x296: {  	v4 =	vnsel vm3, s18, v4;
	s30 =	spop (v2sf);
	p0 =	slt.s32 s15, s16  }
0x297: {  	v4 =	vnsel vm4, s19, v4;
	s16 =	smov.u32 @p0 s15;
	s15 =	sxor.u32 $0x80000000, s30  }
0x298: {  	v4 =	vnsel vm5, s20, v4;
	p0 =	slt.s32 s16, s15  }
0x299: {  	vm7 =	veq.s32 v3, $0x7;
	v4 =	vnsel vm6, s22, v4;
	s15 =	smov.u32 @p0 s16  }
0x29a: {  	v4 =	vsel vm7, s15, v4  }
0x29b: {  	[tilespmem:$0x8100] =	vst v4  }
0x29c: {  	_ =	swait.ge [sflag:s9], $0x2000  }
0x29d: {  	[sflag:s9] =	ssyncset.done $0x0  }
0x29e: {  	s31 =	simm.s32 $0x0;
	[sflag:s9] =	ssyncadd.s32 $0xFFFFE000  }
0x29f: {  	v4 =	vld [tilespmem:s31+$0xF0]  }
0x2a0: {  	v5 =	vld [tilespmem:s31+$0x80]  }
0x2a1: {  	v7 =	vld [tilespmem:s31+$0x90]  }
0x2a2: {  	v16 =	vld [tilespmem:s31+$0xA0]  }
0x2a3: {  	v14 =	vld [tilespmem:s31+$0xB0]  }
0x2a4: {  	v10 =	vimm.f32 $-3.000000010e+38;
	v6 =	vimm.f32 $-3.000000010e+38;
	v8 =	vld [tilespmem:s31+$0xC0]  }
0x2a5: {  	v9 =	vimm.f32 $-3.000000010e+38;
	v11 =	vld [tilespmem:s31+$0xD0];
	v4 =	vmax.f32 v6, v4;
	v12 =	vmax.f32 v6, v5  }
0x2a6: {  	s16 =	simm.s32 $0x1000;
	s15 =	simm.s32 $0x200;
	v15 =	vld [tilespmem:s31+$0xE0];
	v13 =	vmax.f32 v6, v7;
	v7 =	vimm.f32 $-3.000000010e+38;
	v5 =	vimm.f32 $-3.000000010e+38  }
.LBB2_16:
0x2a7: {  	p0 =	sne.s32 s16, $0x1F800;
	v17 =	vld [tilespmem:s15+$0xF0];
	v6 =	vmax.f32 v6, v16  }
0x2a8: {  	v18 =	vld [tilespmem:s15+$0x80];
	v9 =	vmax.f32 v9, v14  }
0x2a9: {  	v19 =	vld [tilespmem:s15+$0x90];
	v10 =	vmax.f32 v10, v8  }
.Ltmp11:
0x2aa: {  	v16 =	vld [tilespmem:s15+$0xA0];
	v7 =	vmax.f32 v7, v11;
	(pc) =	sbr.rel @p0 .LBB2_16-.Ltmp11, $4  }
0x2ab: {  	v14 =	vld [tilespmem:s15+$0xB0];
	v5 =	vmax.f32 v5, v15  }
0x2ac: {  	v8 =	vld [tilespmem:s15+$0xC0];
	v4 =	vmax.f32 v4, v17  }
0x2ad: {  	v12 =	vmax.f32 v12, v18;
	v11 =	vld [tilespmem:s15+$0xD0]  }
0x2ae: {  	v13 =	vmax.f32 v13, v19;
	v15 =	vld [tilespmem:s15+$0xE0];
	s15 =	sshra.s32 s16, $0x2;
	s16 =	sadd.s32 $0x800, s16  }
0x2af: {  	v17 =	vld [tilespmem:s15+$0x80]  }
0x2b0: {  	v18 =	vld [tilespmem:s15+$0x90]  }
0x2b1: {  	v19 =	vld [tilespmem:s15+$0xA0]  }
0x2b2: {  	v20 =	vld [tilespmem:s15+$0xB0]  }
0x2b3: {  	v21 =	vld [tilespmem:s15+$0xC0]  }
0x2b4: {  	v22 =	vld [tilespmem:s15+$0xD0]  }
0x2b5: {  	v6 =	vmax.f32 v6, v16;
	v63 =	vld [tilespmem:s15+$0xE0];
	v12 =	vmax.f32 v12, v17;
	v13 =	vmax.f32 v13, v18  }
0x2b6: {  	v9 =	vmax.f32 v9, v14;
	v6 =	vmax.f32 v6, v19;
	v12 =	vmax.f32 v12, v13;
	v13 =	vld [tilespmem:s15+$0xF0]  }
0x2b7: {  	v8 =	vmax.f32 v10, v8;
	v9 =	vmax.f32 v9, v20;
	v6 =	vmax.f32 v12, v6  }
0x2b8: {  	v7 =	vmax.f32 v7, v11;
	v8 =	vmax.f32 v8, v21;
	v6 =	vmax.f32 v6, v9  }
0x2b9: {  	v5 =	vmax.f32 v5, v15;
	v7 =	vmax.f32 v7, v22;
	v6 =	vmax.f32 v6, v8  }
0x2ba: {  	v5 =	vmax.f32 v5, v63;
	v6 =	vmax.f32 v6, v7  }
0x2bb: {  	v4 =	vmax.f32 v4, v13;
	v5 =	vmax.f32 v6, v5  }
0x2bc: {  	v4 =	vmax.f32 v5, v4  }
0x2bd: {  	(xrf1) =	vsort.dscd.msk.f32 $0xffff, v4, v4;
	_ =	sdelay $0x7  }
0x2be: {  	[tilespmem:$0x8000] =	vst v0  }
0x2bf: {  	[tilespmem:$0x8080] =	vst v1  }
0x2c0: {  	[tilespmem:$0x8010] =	vst v0  }
.Ltmp12:
0x2c1: {  	[tilespmem:$0x8090] =	vst v1;
	(pc) =	sbr.rel .LBB2_18-.Ltmp12, $4  }
0x2c2: {  	[tilespmem:$0x8020] =	vst v0  }
0x2c3: {  	[tilespmem:$0x80A0] =	vst v1  }
0x2c4: {  	[tilespmem:$0x8030] =	vst v0;
	v4, _, _ =	vpop (xrf1)  }
0x2c5: {  	s16 =	simm.s32 $0xF0;
	[tilespmem:$0x80B0] =	vst v1;
	s15 =	simm.s32 $0x70;
	v13 =	vimm.s32 $0x0;
	v4 =	vbroadcast v4, $0x7  }
.LBB2_20:
0x2c6: {  	s15 =	sadd.s32 $0x80, s15  }
0x2c7: {  	p0 =	sne.s32 s15, $0x2070  }
.Ltmp13:
0x2c8: {  	_ = 	snop;
	(pc) =	sbr.rel @!p0 .LBB2_21-.Ltmp13, $2  }
0x2c9: {  	_ =	sdelay $0x2  }
0x2ca: {  	s16 =	sadd.s32 $0x200, s16  }
.LBB2_18:
0x2cb: {  	v12 =	vld [tilespmem:s16+$0xFFFFFF90]  }
0x2cc: {  	v11 =	vld [tilespmem:s16+$0xFFFFFFA0]  }
0x2cd: {  	v10 =	vld [tilespmem:s16+$0xFFFFFFB0]  }
0x2ce: {  	v9 =	vld [tilespmem:s16+$0xFFFFFFC0]  }
0x2cf: {  	v8 =	vld [tilespmem:s16+$0xFFFFFFD0]  }
0x2d0: {  	v7 =	vld [tilespmem:s16+$0xFFFFFFE0]  }
0x2d1: {  	v6 =	vld [tilespmem:s16+$0xFFFFFFF0];
	v14 =	vmax.f32 v12, v11  }
0x2d2: {  	v5 =	vld [tilespmem:s16+$0x0];
	v14 =	vmax.f32 v14, v10  }
0x2d3: {  	v14 =	vmax.f32 v14, v9  }
0x2d4: {  	v14 =	vmax.f32 v14, v8  }
0x2d5: {  	v14 =	vmax.f32 v14, v7  }
0x2d6: {  	v14 =	vmax.f32 v14, v6  }
0x2d7: {  	v14 =	vmax.f32 v14, v5  }
0x2d8: {  	vm7 =	vge.f32 v14, v4  }
0x2d9: {  	v14 =	vmpcnt.ones.xlane vm7;
	_ =	sdelay $0x1  }
0x2da: {  	(v2sf) =	vpush v14, $0x0;
	_ =	sdelay $0xe  }
0x2db: {  	s17 =	spop (v2sf)  }
0x2dc: {  	p0 =	slt.s32 s17, $0x1  }
.Ltmp14:
0x2dd: {  	_ = 	snop;
	(pc) =	sbr.rel @p0 .LBB2_20-.Ltmp14, $1  }
0x2de: {  	_ =	sdelay $0x3  }
0x2df: {  	vm14 =	vge.f32 v12, v4  }
0x2e0: {  	v14 =	vsel vm14, $0x1, v2  }
0x2e1: {  	vm12 =	vge.f32 v11, v4;
	(xrf0) =	vadd.scan.msk.s32 $0xffff, v14  }
0x2e2: {  	v14 =	vsel vm12, $0x1, v2  }
0x2e3: {  	vm9 =	vge.f32 v10, v4;
	(xrf0) =	vadd.scan.msk.s32 $0xffff, v14  }
0x2e4: {  	v14 =	vsel vm9, $0x1, v2  }
0x2e5: {  	v15 =	vmpcnt.ones.xlane vm14;
	(xrf0) =	vadd.scan.msk.s32 $0xffff, v14  }
0x2e6: {  	vm7 =	vge.f32 v9, v4;
	vm8 =	vge.f32 v8, v4  }
0x2e7: {  	v16 =	vsel vm7, $0x1, v2;
	v17 =	vmpcnt.ones.xlane vm12;
	v43 =	vsel vm8, $0x1, v2;
	v14, _, _ =	vpop (xrf0)  }
0x2e8: {  	v46 =	vmpcnt.ones.xlane vm9;
	v48 =	vmpcnt.ones.xlane vm7;
	(xrf0) =	vadd.scan.msk.s32 $0xffff, v16;
	v14 =	vadd.s32 v14, v13  }
0x2e9: {  	v51 =	vmpcnt.ones.xlane vm8;
	v13 =	vadd.s32 v13, v15;
	v15, _, _ =	vpop (xrf0);
	v14 =	vadd.s32 $0xFFFFFFFF, v14  }
0x2ea: {  	(xrf0) =	vadd.scan.msk.s32 $0xffff, v43;
	v15 =	vadd.s32 v13, v15;
	v13 =	vadd.s32 v13, v17;
	vm10 =	vlt.s32 v14, $0x3F  }
0x2eb: {  	v44, _, _ =	vpop (xrf0);
	v15 =	vadd.s32 $0xFFFFFFFF, v15;
	v14 =	vnsel vm10, $0x3F, v14;
	vm10 =	vge.f32 v7, v4  }
0x2ec: {  	v45 =	vadd.s32 v13, v44;
	vm11 =	vlt.s32 v15, $0x3F;
	v18 =	vsel vm10, $0x1, v2  }
0x2ed: {  	v16 =	vadd.s32 $0xFFFFFFFF, v45;
	v15 =	vnsel vm11, $0x3F, v15;
	vm11 =	vge.f32 v6, v4;
	(xrf0) =	vadd.scan.msk.s32 $0xffff, v18  }
0x2ee: {  	v13 =	vadd.s32 v13, v46;
	vm13 =	vlt.s32 v16, $0x3F;
	v47, _, _ =	vpop (xrf0);
	v19 =	vsel vm11, $0x1, v2  }
0x2ef: {  	v16 =	vnsel vm13, $0x3F, v16;
	vm13 =	vge.f32 v5, v4;
	v17 =	vadd.s32 v13, v47  }
0x2f0: {  	s17 =	sadd.s32 $0xFFFFFF90, s15;
	(xrf0) =	vadd.scan.msk.s32 $0xffff, v19;
	v13 =	vadd.s32 v13, v48;
	v49, _, _ =	vpop (xrf0);
	v50 =	vsel vm13, $0x1, v2;
	v17 =	vadd.s32 $0xFFFFFFFF, v17  }
0x2f1: {  	v18 =	vadd.s32 v13, v49;
	(xrf0) =	vadd.scan.msk.s32 $0xffff, v50;
	[tilespmem:v14+s10+$0x0] =	vst.idx.msk vm14, v12;
	v12 =	vor.u32 s17, v3  }
0x2f2: {  	vm15 =	vlt.s32 v17, $0x3F;
	[tilespmem:v14+s11+$0x0] =	vst.idx.msk vm14, v12;
	v12 =	vadd.s32 v13, v51;
	v13 =	vmpcnt.ones.xlane vm10  }
0x2f3: {  	v18 =	vadd.s32 $0xFFFFFFFF, v18;
	v17 =	vnsel vm15, $0x3F, v17;
	v20, _, _ =	vpop (xrf0)  }
0x2f4: {  	s25 =	sadd.s32 $0xFFFFFFA0, s15;
	v53 =	vadd.s32 v12, v20;
	v12 =	vadd.s32 v12, v13;
	v13 =	vmpcnt.ones.xlane vm11  }
0x2f5: {  	v52 =	vor.u32 s25, v3;
	vm14 =	vlt.s32 v18, $0x3F;
	[tilespmem:v15+s10+$0x0] =	vst.idx.msk vm12, v11  }
0x2f6: {  	s26 =	sadd.s32 $0xFFFFFFB0, s15;
	v14 =	vnsel vm14, $0x3F, v18;
	[tilespmem:v15+s11+$0x0] =	vst.idx.msk vm12, v52;
	v54, _, _ =	vpop (xrf0);
	v55 =	vadd.s32 $0xFFFFFFFF, v53  }
0x2f7: {  	v56 =	vor.u32 s26, v3;
	[tilespmem:v16+s10+$0x0] =	vst.idx.msk vm9, v10;
	v15 =	vadd.s32 v12, v54;
	vm12 =	vlt.s32 v55, $0x3F  }
0x2f8: {  	s28 =	sadd.s32 $0xFFFFFFC0, s15;
	[tilespmem:v16+s11+$0x0] =	vst.idx.msk vm9, v56;
	v58 =	vadd.s32 $0xFFFFFFFF, v15;
	v12 =	vadd.s32 v12, v13;
	v57 =	vnsel vm12, $0x3F, v55;
	v13, _, _ =	vpop (xrf0)  }
0x2f9: {  	v59 =	vor.u32 s28, v3;
	[tilespmem:v17+s10+$0x0] =	vst.idx.msk vm7, v9;
	vm15 =	vlt.s32 v58, $0x3F;
	v13 =	vadd.s32 v12, v13  }
0x2fa: {  	s29 =	sadd.s32 $0xFFFFFFD0, s15;
	[tilespmem:v17+s11+$0x0] =	vst.idx.msk vm7, v59;
	v60 =	vnsel vm15, $0x3F, v58;
	v61 =	vadd.s32 $0xFFFFFFFF, v13  }
0x2fb: {  	v62 =	vor.u32 s29, v3;
	[tilespmem:v14+s10+$0x0] =	vst.idx.msk vm8, v8;
	vm7 =	vlt.s32 v61, $0x3F  }
0x2fc: {  	s30 =	sadd.s32 $0xFFFFFFE0, s15;
	[tilespmem:v14+s11+$0x0] =	vst.idx.msk vm8, v62;
	v63 =	vnsel vm7, $0x3F, v61  }
0x2fd: {  	[tilespmem:v57+s10+$0x0] =	vst.idx.msk vm10, v7;
	v7 =	vor.u32 s30, v3  }
.Ltmp15:
0x2fe: {  	s31 =	sadd.s32 $0xFFFFFFF0, s15;
	[tilespmem:v57+s11+$0x0] =	vst.idx.msk vm10, v7;
	(pc) =	sbr.rel .LBB2_20-.Ltmp15, $4  }
0x2ff: {  	[tilespmem:v60+s10+$0x0] =	vst.idx.msk vm11, v6;
	v6 =	vor.u32 s31, v3  }
0x300: {  	[tilespmem:v60+s11+$0x0] =	vst.idx.msk vm11, v6;
	v6 =	vmpcnt.ones.xlane vm13  }
0x301: {  	[tilespmem:v63+s10+$0x0] =	vst.idx.msk vm13, v5;
	v5 =	vor.u32 s15, v3  }
0x302: {  	v13 =	vadd.s32 v12, v6;
	[tilespmem:v63+s11+$0x0] =	vst.idx.msk vm13, v5  }
.LBB2_21:
0x303: {  	v12 =	vld [tilespmem:$0x8000]  }
0x304: {  	v13 =	vld [tilespmem:$0x8010]  }
0x305: {  	v14 =	vld [tilespmem:$0x8020]  }
0x306: {  	v15 =	vld [tilespmem:$0x8030];
	_ =	sdelay $0x2  }
0x307: {  	v4 =	vmax.f32 v12, v13  }
0x308: {  	v4 =	vmax.f32 v4, v14  }
0x309: {  	v4 =	vmax.f32 v4, v15  }
0x30a: {  	(xrf0) =	vmax.scan.msk.f32 $0xffff, v4;
	_ =	sdelay $0x3  }
0x30b: {  	v10 =	vld [tilespmem:$0x8080]  }
0x30c: {  	v11 =	vld [tilespmem:$0x8090]  }
0x30d: {  	v4, _, _ =	vpop (xrf0)  }
0x30e: {  	v8 =	vld [tilespmem:$0x80A0];
	v7 =	vbroadcast v4, $0xF  }
0x30f: {  	v9 =	vld [tilespmem:$0x80B0]  }
0x310: {  	v4 =	vxor.u32 $0x80000000, v10;
	vm7 =	veq.f32 v12, v7  }
0x311: {  	v5 =	vxor.u32 $0x80000000, v11;
	v6 =	vnsel vm7, $0xC0000000, v4;
	vm7 =	veq.f32 v13, v7  }
0x312: {  	(xrf0) =	vmin.scan.msk.u32 $0xffff, v6;
	v6 =	vnsel vm7, $0xC0000000, v5  }
0x313: {  	vm7 =	veq.f32 v14, v7;
	(xrf0) =	vmin.scan.msk.u32 $0xffff, v6;
	v6 =	vxor.u32 $0x80000000, v8  }
0x314: {  	v16 =	vnsel vm7, $0xC0000000, v6;
	vm7 =	veq.f32 v15, v7;
	v7 =	vxor.u32 $0x80000000, v9  }
0x315: {  	(xrf0) =	vmin.scan.msk.u32 $0xffff, v16;
	v16 =	vnsel vm7, $0xC0000000, v7;
	_ =	sdelay $0x1  }
0x316: {  	(xrf0) =	vmin.scan.msk.u32 $0xffff, v16  }
0x317: {  	v16, _, _ =	vpop (xrf0)  }
0x318: {  	(v2sf) =	vpush v16, $0xF;
	v16, _, _ =	vpop (xrf0)  }
0x319: {  	(v2sf) =	vpush v16, $0xF  }
0x31a: {  	v16, _, _ =	vpop (xrf0)  }
0x31b: {  	(v2sf) =	vpush v16, $0xF  }
0x31c: {  	v16, _, _ =	vpop (xrf0)  }
0x31d: {  	(v2sf) =	vpush v16, $0xF;
	_ =	sdelay $0x9  }
0x31e: {  	s15 =	spop (v2sf)  }
0x31f: {  	s16 =	spop (v2sf)  }
0x320: {  	s15 =	sxor.u32 $0x80000000, s15;
	s16 =	sxor.u32 $0x80000000, s16  }
0x321: {  	p0 =	slt.s32 s15, s16;
	s17 =	spop (v2sf)  }
0x322: {  	s16 =	smov.u32 @p0 s15;
	s17 =	sxor.u32 $0x80000000, s17  }
0x323: {  	s28 =	spop (v2sf);
	p0 =	slt.s32 s16, s17  }
0x324: {  	s15 =	sxor.u32 $0x80000000, s28;
	s17 =	smov.u32 @p0 s16  }
0x325: {  	p0 =	slt.s32 s17, s15  }
0x326: {  	s15 =	smov.u32 @p0 s17  }
0x327: {  	vm7 =	veq.s32 v10, s15;
	vm8 =	veq.s32 v11, s15  }
0x328: {  	v12 =	vsel vm7, $0xFF61B1E6, v12;
	v13 =	vsel vm8, $0xFF61B1E6, v13;
	vm7 =	veq.s32 v8, s15  }
0x329: {  	v14 =	vsel vm7, $0xFF61B1E6, v14;
	vm7 =	veq.s32 v9, s15;
	v16 =	vmax.f32 v12, v13  }
0x32a: {  	v15 =	vsel vm7, $0xFF61B1E6, v15;
	v16 =	vmax.f32 v16, v14  }
0x32b: {  	v16 =	vmax.f32 v16, v15  }
0x32c: {  	(xrf0) =	vmax.scan.msk.f32 $0xffff, v16;
	_ =	sdelay $0x5  }
0x32d: {  	v16, _, _ =	vpop (xrf0)  }
0x32e: {  	v16 =	vbroadcast v16, $0xF;
	_ =	sdelay $0x1  }
0x32f: {  	vm7 =	veq.f32 v12, v16  }
0x330: {  	v17 =	vnsel vm7, $0xC0000000, v4;
	vm7 =	veq.f32 v13, v16  }
0x331: {  	(xrf0) =	vmin.scan.msk.u32 $0xffff, v17;
	v17 =	vnsel vm7, $0xC0000000, v5  }
0x332: {  	vm7 =	veq.f32 v14, v16;
	(xrf0) =	vmin.scan.msk.u32 $0xffff, v17  }
0x333: {  	v17 =	vnsel vm7, $0xC0000000, v6;
	vm7 =	veq.f32 v15, v16  }
0x334: {  	(xrf0) =	vmin.scan.msk.u32 $0xffff, v17;
	v16 =	vnsel vm7, $0xC0000000, v7;
	_ =	sdelay $0x1  }
0x335: {  	(xrf0) =	vmin.scan.msk.u32 $0xffff, v16  }
0x336: {  	v16, _, _ =	vpop (xrf0)  }
0x337: {  	(v2sf) =	vpush v16, $0xF;
	v16, _, _ =	vpop (xrf0)  }
0x338: {  	(v2sf) =	vpush v16, $0xF  }
0x339: {  	v16, _, _ =	vpop (xrf0)  }
0x33a: {  	(v2sf) =	vpush v16, $0xF  }
0x33b: {  	v16, _, _ =	vpop (xrf0)  }
0x33c: {  	(v2sf) =	vpush v16, $0xF;
	_ =	sdelay $0x9  }
0x33d: {  	s29 =	spop (v2sf)  }
0x33e: {  	s30 =	spop (v2sf)  }
0x33f: {  	s16 =	sxor.u32 $0x80000000, s29;
	s17 =	sxor.u32 $0x80000000, s30  }
0x340: {  	s18 =	spop (v2sf);
	p0 =	slt.s32 s16, s17  }
0x341: {  	s18 =	sxor.u32 $0x80000000, s18;
	s17 =	smov.u32 @p0 s16  }
0x342: {  	s31 =	spop (v2sf);
	p0 =	slt.s32 s17, s18  }
0x343: {  	s16 =	sxor.u32 $0x80000000, s31;
	s18 =	smov.u32 @p0 s17  }
0x344: {  	p0 =	slt.s32 s18, s16  }
0x345: {  	s16 =	smov.u32 @p0 s18  }
0x346: {  	vm7 =	veq.s32 v10, s16;
	vm8 =	veq.s32 v11, s16  }
0x347: {  	v12 =	vsel vm7, $0xFF61B1E6, v12;
	v13 =	vsel vm8, $0xFF61B1E6, v13;
	vm7 =	veq.s32 v8, s16  }
0x348: {  	v14 =	vsel vm7, $0xFF61B1E6, v14;
	vm7 =	veq.s32 v9, s16;
	v16 =	vmax.f32 v12, v13  }
0x349: {  	v15 =	vsel vm7, $0xFF61B1E6, v15;
	v16 =	vmax.f32 v16, v14  }
0x34a: {  	v16 =	vmax.f32 v16, v15  }
0x34b: {  	(xrf0) =	vmax.scan.msk.f32 $0xffff, v16;
	_ =	sdelay $0x5  }
0x34c: {  	v16, _, _ =	vpop (xrf0)  }
0x34d: {  	v16 =	vbroadcast v16, $0xF;
	_ =	sdelay $0x1  }
0x34e: {  	vm7 =	veq.f32 v12, v16  }
0x34f: {  	v17 =	vnsel vm7, $0xC0000000, v4;
	vm7 =	veq.f32 v13, v16  }
0x350: {  	(xrf0) =	vmin.scan.msk.u32 $0xffff, v17;
	v17 =	vnsel vm7, $0xC0000000, v5  }
0x351: {  	vm7 =	veq.f32 v14, v16;
	(xrf0) =	vmin.scan.msk.u32 $0xffff, v17  }
0x352: {  	v17 =	vnsel vm7, $0xC0000000, v6;
	vm7 =	veq.f32 v15, v16  }
0x353: {  	(xrf0) =	vmin.scan.msk.u32 $0xffff, v17;
	v16 =	vnsel vm7, $0xC0000000, v7;
	_ =	sdelay $0x1  }
0x354: {  	(xrf0) =	vmin.scan.msk.u32 $0xffff, v16  }
0x355: {  	v16, _, _ =	vpop (xrf0)  }
0x356: {  	(v2sf) =	vpush v16, $0xF;
	v16, _, _ =	vpop (xrf0)  }
0x357: {  	(v2sf) =	vpush v16, $0xF  }
0x358: {  	v16, _, _ =	vpop (xrf0)  }
0x359: {  	(v2sf) =	vpush v16, $0xF  }
0x35a: {  	v16, _, _ =	vpop (xrf0)  }
0x35b: {  	(v2sf) =	vpush v16, $0xF;
	_ =	sdelay $0x9  }
0x35c: {  	s19 =	spop (v2sf)  }
0x35d: {  	s20 =	spop (v2sf)  }
0x35e: {  	s17 =	sxor.u32 $0x80000000, s19;
	s18 =	sxor.u32 $0x80000000, s20  }
0x35f: {  	s19 =	spop (v2sf);
	p0 =	slt.s32 s17, s18  }
0x360: {  	s19 =	sxor.u32 $0x80000000, s19;
	s18 =	smov.u32 @p0 s17  }
0x361: {  	s21 =	spop (v2sf);
	p0 =	slt.s32 s18, s19  }
0x362: {  	s17 =	sxor.u32 $0x80000000, s21;
	s19 =	smov.u32 @p0 s18  }
0x363: {  	p0 =	slt.s32 s19, s17  }
0x364: {  	s17 =	smov.u32 @p0 s19  }
0x365: {  	vm7 =	veq.s32 v10, s17;
	vm8 =	veq.s32 v11, s17  }
0x366: {  	v12 =	vsel vm7, $0xFF61B1E6, v12;
	v13 =	vsel vm8, $0xFF61B1E6, v13;
	vm7 =	veq.s32 v8, s17  }
0x367: {  	v14 =	vsel vm7, $0xFF61B1E6, v14;
	vm7 =	veq.s32 v9, s17;
	v16 =	vmax.f32 v12, v13  }
0x368: {  	v15 =	vsel vm7, $0xFF61B1E6, v15;
	v16 =	vmax.f32 v16, v14  }
0x369: {  	v16 =	vmax.f32 v16, v15  }
0x36a: {  	(xrf0) =	vmax.scan.msk.f32 $0xffff, v16;
	_ =	sdelay $0x5  }
0x36b: {  	v16, _, _ =	vpop (xrf0)  }
0x36c: {  	v16 =	vbroadcast v16, $0xF;
	_ =	sdelay $0x1  }
0x36d: {  	vm7 =	veq.f32 v12, v16  }
0x36e: {  	v17 =	vnsel vm7, $0xC0000000, v4;
	vm7 =	veq.f32 v13, v16  }
0x36f: {  	(xrf0) =	vmin.scan.msk.u32 $0xffff, v17;
	v17 =	vnsel vm7, $0xC0000000, v5  }
0x370: {  	vm7 =	veq.f32 v14, v16;
	(xrf0) =	vmin.scan.msk.u32 $0xffff, v17  }
0x371: {  	v17 =	vnsel vm7, $0xC0000000, v6;
	vm7 =	veq.f32 v15, v16  }
0x372: {  	(xrf0) =	vmin.scan.msk.u32 $0xffff, v17;
	v16 =	vnsel vm7, $0xC0000000, v7;
	_ =	sdelay $0x1  }
0x373: {  	(xrf0) =	vmin.scan.msk.u32 $0xffff, v16  }
0x374: {  	v16, _, _ =	vpop (xrf0)  }
0x375: {  	(v2sf) =	vpush v16, $0xF;
	v16, _, _ =	vpop (xrf0)  }
0x376: {  	(v2sf) =	vpush v16, $0xF  }
0x377: {  	v16, _, _ =	vpop (xrf0)  }
0x378: {  	(v2sf) =	vpush v16, $0xF  }
0x379: {  	v16, _, _ =	vpop (xrf0)  }
0x37a: {  	(v2sf) =	vpush v16, $0xF;
	_ =	sdelay $0x9  }
0x37b: {  	s22 =	spop (v2sf)  }
0x37c: {  	s23 =	spop (v2sf)  }
0x37d: {  	s18 =	sxor.u32 $0x80000000, s22;
	s19 =	sxor.u32 $0x80000000, s23  }
0x37e: {  	s20 =	spop (v2sf);
	p0 =	slt.s32 s18, s19  }
0x37f: {  	s20 =	sxor.u32 $0x80000000, s20;
	s19 =	smov.u32 @p0 s18  }
0x380: {  	s24 =	spop (v2sf);
	p0 =	slt.s32 s19, s20  }
0x381: {  	s18 =	sxor.u32 $0x80000000, s24;
	s20 =	smov.u32 @p0 s19  }
0x382: {  	p0 =	slt.s32 s20, s18  }
0x383: {  	s18 =	smov.u32 @p0 s20  }
0x384: {  	vm7 =	veq.s32 v10, s18;
	vm8 =	veq.s32 v11, s18  }
0x385: {  	v12 =	vsel vm7, $0xFF61B1E6, v12;
	v13 =	vsel vm8, $0xFF61B1E6, v13;
	vm7 =	veq.s32 v8, s18  }
0x386: {  	v14 =	vsel vm7, $0xFF61B1E6, v14;
	vm7 =	veq.s32 v9, s18;
	v16 =	vmax.f32 v12, v13  }
0x387: {  	v15 =	vsel vm7, $0xFF61B1E6, v15;
	v16 =	vmax.f32 v16, v14  }
0x388: {  	v16 =	vmax.f32 v16, v15  }
0x389: {  	(xrf0) =	vmax.scan.msk.f32 $0xffff, v16;
	_ =	sdelay $0x5  }
0x38a: {  	v16, _, _ =	vpop (xrf0)  }
0x38b: {  	v16 =	vbroadcast v16, $0xF;
	_ =	sdelay $0x1  }
0x38c: {  	vm7 =	veq.f32 v12, v16  }
0x38d: {  	v17 =	vnsel vm7, $0xC0000000, v4;
	vm7 =	veq.f32 v13, v16  }
0x38e: {  	(xrf0) =	vmin.scan.msk.u32 $0xffff, v17;
	v17 =	vnsel vm7, $0xC0000000, v5  }
0x38f: {  	vm7 =	veq.f32 v14, v16;
	(xrf0) =	vmin.scan.msk.u32 $0xffff, v17  }
0x390: {  	v17 =	vnsel vm7, $0xC0000000, v6;
	vm7 =	veq.f32 v15, v16  }
0x391: {  	(xrf0) =	vmin.scan.msk.u32 $0xffff, v17;
	v16 =	vnsel vm7, $0xC0000000, v7;
	_ =	sdelay $0x1  }
0x392: {  	(xrf0) =	vmin.scan.msk.u32 $0xffff, v16  }
0x393: {  	v16, _, _ =	vpop (xrf0)  }
0x394: {  	(v2sf) =	vpush v16, $0xF;
	v16, _, _ =	vpop (xrf0)  }
0x395: {  	(v2sf) =	vpush v16, $0xF  }
0x396: {  	v16, _, _ =	vpop (xrf0)  }
0x397: {  	(v2sf) =	vpush v16, $0xF  }
0x398: {  	v16, _, _ =	vpop (xrf0)  }
0x399: {  	(v2sf) =	vpush v16, $0xF;
	_ =	sdelay $0x9  }
0x39a: {  	s25 =	spop (v2sf)  }
0x39b: {  	s26 =	spop (v2sf)  }
0x39c: {  	s19 =	sxor.u32 $0x80000000, s25;
	s20 =	sxor.u32 $0x80000000, s26  }
0x39d: {  	s21 =	spop (v2sf);
	p0 =	slt.s32 s19, s20  }
0x39e: {  	s21 =	sxor.u32 $0x80000000, s21;
	s20 =	smov.u32 @p0 s19  }
0x39f: {  	s28 =	spop (v2sf);
	p0 =	slt.s32 s20, s21  }
0x3a0: {  	s19 =	sxor.u32 $0x80000000, s28;
	s21 =	smov.u32 @p0 s20  }
0x3a1: {  	p0 =	slt.s32 s21, s19  }
0x3a2: {  	s19 =	smov.u32 @p0 s21  }
0x3a3: {  	vm7 =	veq.s32 v10, s19;
	vm8 =	veq.s32 v11, s19  }
0x3a4: {  	v12 =	vsel vm7, $0xFF61B1E6, v12;
	v13 =	vsel vm8, $0xFF61B1E6, v13;
	vm7 =	veq.s32 v8, s19  }
0x3a5: {  	v14 =	vsel vm7, $0xFF61B1E6, v14;
	vm7 =	veq.s32 v9, s19;
	v16 =	vmax.f32 v12, v13  }
0x3a6: {  	v15 =	vsel vm7, $0xFF61B1E6, v15;
	v16 =	vmax.f32 v16, v14  }
0x3a7: {  	v16 =	vmax.f32 v16, v15  }
0x3a8: {  	(xrf0) =	vmax.scan.msk.f32 $0xffff, v16;
	_ =	sdelay $0x5  }
0x3a9: {  	v16, _, _ =	vpop (xrf0)  }
0x3aa: {  	v16 =	vbroadcast v16, $0xF;
	_ =	sdelay $0x1  }
0x3ab: {  	vm7 =	veq.f32 v12, v16  }
0x3ac: {  	v17 =	vnsel vm7, $0xC0000000, v4;
	vm7 =	veq.f32 v13, v16  }
0x3ad: {  	(xrf0) =	vmin.scan.msk.u32 $0xffff, v17;
	v17 =	vnsel vm7, $0xC0000000, v5  }
0x3ae: {  	vm7 =	veq.f32 v14, v16;
	(xrf0) =	vmin.scan.msk.u32 $0xffff, v17  }
0x3af: {  	v17 =	vnsel vm7, $0xC0000000, v6;
	vm7 =	veq.f32 v15, v16  }
0x3b0: {  	(xrf0) =	vmin.scan.msk.u32 $0xffff, v17;
	v16 =	vnsel vm7, $0xC0000000, v7;
	_ =	sdelay $0x1  }
0x3b1: {  	(xrf0) =	vmin.scan.msk.u32 $0xffff, v16  }
0x3b2: {  	v16, _, _ =	vpop (xrf0)  }
0x3b3: {  	(v2sf) =	vpush v16, $0xF;
	v16, _, _ =	vpop (xrf0)  }
0x3b4: {  	(v2sf) =	vpush v16, $0xF  }
0x3b5: {  	v16, _, _ =	vpop (xrf0)  }
0x3b6: {  	(v2sf) =	vpush v16, $0xF  }
0x3b7: {  	v16, _, _ =	vpop (xrf0)  }
0x3b8: {  	(v2sf) =	vpush v16, $0xF;
	_ =	sdelay $0x9  }
0x3b9: {  	s29 =	spop (v2sf)  }
0x3ba: {  	s30 =	spop (v2sf)  }
0x3bb: {  	s20 =	sxor.u32 $0x80000000, s29;
	s21 =	sxor.u32 $0x80000000, s30  }
0x3bc: {  	s22 =	spop (v2sf);
	p0 =	slt.s32 s20, s21  }
0x3bd: {  	s22 =	sxor.u32 $0x80000000, s22;
	s21 =	smov.u32 @p0 s20  }
0x3be: {  	s31 =	spop (v2sf);
	p0 =	slt.s32 s21, s22  }
0x3bf: {  	s20 =	sxor.u32 $0x80000000, s31;
	s22 =	smov.u32 @p0 s21  }
0x3c0: {  	p0 =	slt.s32 s22, s20  }
0x3c1: {  	s20 =	smov.u32 @p0 s22  }
0x3c2: {  	vm7 =	veq.s32 v10, s20;
	vm8 =	veq.s32 v11, s20  }
0x3c3: {  	v12 =	vsel vm7, $0xFF61B1E6, v12;
	v13 =	vsel vm8, $0xFF61B1E6, v13;
	vm7 =	veq.s32 v8, s20  }
0x3c4: {  	v14 =	vsel vm7, $0xFF61B1E6, v14;
	vm7 =	veq.s32 v9, s20;
	v16 =	vmax.f32 v12, v13  }
0x3c5: {  	v15 =	vsel vm7, $0xFF61B1E6, v15;
	v16 =	vmax.f32 v16, v14  }
0x3c6: {  	v16 =	vmax.f32 v16, v15  }
0x3c7: {  	(xrf0) =	vmax.scan.msk.f32 $0xffff, v16;
	_ =	sdelay $0x5  }
0x3c8: {  	v16, _, _ =	vpop (xrf0)  }
0x3c9: {  	v16 =	vbroadcast v16, $0xF;
	_ =	sdelay $0x1  }
0x3ca: {  	vm7 =	veq.f32 v12, v16  }
0x3cb: {  	v17 =	vnsel vm7, $0xC0000000, v4;
	vm7 =	veq.f32 v13, v16  }
0x3cc: {  	(xrf0) =	vmin.scan.msk.u32 $0xffff, v17;
	v17 =	vnsel vm7, $0xC0000000, v5  }
0x3cd: {  	vm7 =	veq.f32 v14, v16;
	(xrf0) =	vmin.scan.msk.u32 $0xffff, v17  }
0x3ce: {  	v17 =	vnsel vm7, $0xC0000000, v6;
	vm7 =	veq.f32 v15, v16  }
0x3cf: {  	(xrf0) =	vmin.scan.msk.u32 $0xffff, v17;
	v16 =	vnsel vm7, $0xC0000000, v7;
	_ =	sdelay $0x1  }
0x3d0: {  	(xrf0) =	vmin.scan.msk.u32 $0xffff, v16  }
0x3d1: {  	v16, _, _ =	vpop (xrf0)  }
0x3d2: {  	(v2sf) =	vpush v16, $0xF;
	v16, _, _ =	vpop (xrf0)  }
0x3d3: {  	(v2sf) =	vpush v16, $0xF  }
0x3d4: {  	v16, _, _ =	vpop (xrf0)  }
0x3d5: {  	(v2sf) =	vpush v16, $0xF  }
0x3d6: {  	v16, _, _ =	vpop (xrf0)  }
0x3d7: {  	(v2sf) =	vpush v16, $0xF;
	_ =	sdelay $0x9  }
0x3d8: {  	s23 =	spop (v2sf)  }
0x3d9: {  	s24 =	spop (v2sf)  }
0x3da: {  	s21 =	sxor.u32 $0x80000000, s23;
	s22 =	sxor.u32 $0x80000000, s24  }
0x3db: {  	s23 =	spop (v2sf);
	p0 =	slt.s32 s21, s22  }
0x3dc: {  	s22 =	smov.u32 @p0 s21;
	s21 =	sxor.u32 $0x80000000, s23  }
0x3dd: {  	s25 =	spop (v2sf);
	p0 =	slt.s32 s22, s21  }
0x3de: {  	s21 =	smov.u32 @p0 s22;
	s22 =	sxor.u32 $0x80000000, s25  }
0x3df: {  	p0 =	slt.s32 s21, s22  }
0x3e0: {  	s22 =	smov.u32 @p0 s21  }
0x3e1: {  	vm7 =	veq.s32 v10, s22;
	vm8 =	veq.s32 v11, s22  }
0x3e2: {  	v10 =	vsel vm7, $0xFF61B1E6, v12;
	v11 =	vsel vm8, $0xFF61B1E6, v13;
	vm7 =	veq.s32 v8, s22  }
0x3e3: {  	v8 =	vsel vm7, $0xFF61B1E6, v14;
	vm7 =	veq.s32 v9, s22;
	v9 =	vmax.f32 v10, v11  }
0x3e4: {  	v12 =	vsel vm7, $0xFF61B1E6, v15;
	v9 =	vmax.f32 v9, v8  }
0x3e5: {  	v9 =	vmax.f32 v9, v12  }
0x3e6: {  	(xrf0) =	vmax.scan.msk.f32 $0xffff, v9;
	_ =	sdelay $0x5  }
0x3e7: {  	v9, _, _ =	vpop (xrf0)  }
0x3e8: {  	v9 =	vbroadcast v9, $0xF;
	_ =	sdelay $0x1  }
0x3e9: {  	vm7 =	veq.f32 v10, v9  }
0x3ea: {  	v4 =	vnsel vm7, $0xC0000000, v4;
	vm7 =	veq.f32 v11, v9  }
0x3eb: {  	(xrf0) =	vmin.scan.msk.u32 $0xffff, v4;
	v4 =	vnsel vm7, $0xC0000000, v5  }
0x3ec: {  	vm7 =	veq.f32 v8, v9;
	(xrf0) =	vmin.scan.msk.u32 $0xffff, v4  }
0x3ed: {  	v4 =	vnsel vm7, $0xC0000000, v6;
	vm7 =	veq.f32 v12, v9  }
0x3ee: {  	(xrf0) =	vmin.scan.msk.u32 $0xffff, v4;
	v4 =	vnsel vm7, $0xC0000000, v7;
	_ =	sdelay $0x1  }
0x3ef: {  	(xrf0) =	vmin.scan.msk.u32 $0xffff, v4  }
0x3f0: {  	v4, _, _ =	vpop (xrf0)  }
0x3f1: {  	v5, _, _ =	vpop (xrf0);
	(v2sf) =	vpush v4, $0xF  }
0x3f2: {  	(v2sf) =	vpush v5, $0xF  }
0x3f3: {  	v4, _, _ =	vpop (xrf0)  }
0x3f4: {  	(v2sf) =	vpush v4, $0xF  }
0x3f5: {  	v4, _, _ =	vpop (xrf0)  }
0x3f6: {  	(v2sf) =	vpush v4, $0xF;
	_ =	sdelay $0x9  }
0x3f7: {  	s26 =	spop (v2sf)  }
0x3f8: {  	v4 =	vmov s15;
	s28 =	spop (v2sf)  }
0x3f9: {  	v4 =	vnsel vm0, $0x0, v4;
	s21 =	sxor.u32 $0x80000000, s26;
	s15 =	sxor.u32 $0x80000000, s28  }
0x3fa: {  	v4 =	vsel vm1, s16, v4;
	s29 =	spop (v2sf);
	p0 =	slt.s32 s21, s15  }
0x3fb: {  	v4 =	vnsel vm2, s17, v4;
	s16 =	sxor.u32 $0x80000000, s29;
	s15 =	smov.u32 @p0 s21  }
0x3fc: {  	v4 =	vnsel vm3, s18, v4;
	s30 =	spop (v2sf);
	p0 =	slt.s32 s15, s16  }
0x3fd: {  	v4 =	vnsel vm4, s19, v4;
	s16 =	smov.u32 @p0 s15;
	s15 =	sxor.u32 $0x80000000, s30  }
0x3fe: {  	v4 =	vnsel vm5, s20, v4;
	p0 =	slt.s32 s16, s15  }
0x3ff: {  	vm7 =	veq.s32 v3, $0x7;
	v4 =	vnsel vm6, s22, v4;
	s15 =	smov.u32 @p0 s16  }
0x400: {  	v4 =	vsel vm7, s15, v4  }
0x401: {  	[tilespmem:$0x8180] =	vst v4  }
0x402: {  	_ =	swait.ge [sflag:s9], $0x2000  }
0x403: {  	[sflag:s9] =	ssyncset.done $0x0  }
0x404: {  	s31 =	simm.s32 $0x0;
	[sflag:s9] =	ssyncadd.s32 $0xFFFFE000  }
0x405: {  	v4 =	vld [tilespmem:s31+$0x170]  }
0x406: {  	v5 =	vld [tilespmem:s31+$0x100]  }
0x407: {  	v7 =	vld [tilespmem:s31+$0x110]  }
0x408: {  	v16 =	vld [tilespmem:s31+$0x120]  }
0x409: {  	v14 =	vld [tilespmem:s31+$0x130]  }
0x40a: {  	v10 =	vimm.f32 $-3.000000010e+38;
	v6 =	vimm.f32 $-3.000000010e+38;
	v8 =	vld [tilespmem:s31+$0x140]  }
0x40b: {  	v9 =	vimm.f32 $-3.000000010e+38;
	v11 =	vld [tilespmem:s31+$0x150];
	v4 =	vmax.f32 v6, v4;
	v12 =	vmax.f32 v6, v5  }
0x40c: {  	s16 =	simm.s32 $0x1000;
	s15 =	simm.s32 $0x200;
	v15 =	vld [tilespmem:s31+$0x160];
	v13 =	vmax.f32 v6, v7;
	v7 =	vimm.f32 $-3.000000010e+38;
	v5 =	vimm.f32 $-3.000000010e+38  }
.LBB2_22:
0x40d: {  	p0 =	sne.s32 s16, $0x1F800;
	v17 =	vld [tilespmem:s15+$0x170];
	v6 =	vmax.f32 v6, v16  }
0x40e: {  	v18 =	vld [tilespmem:s15+$0x100];
	v9 =	vmax.f32 v9, v14  }
0x40f: {  	v19 =	vld [tilespmem:s15+$0x110];
	v10 =	vmax.f32 v10, v8  }
.Ltmp16:
0x410: {  	v16 =	vld [tilespmem:s15+$0x120];
	v7 =	vmax.f32 v7, v11;
	(pc) =	sbr.rel @p0 .LBB2_22-.Ltmp16, $4  }
0x411: {  	v14 =	vld [tilespmem:s15+$0x130];
	v5 =	vmax.f32 v5, v15  }
0x412: {  	v8 =	vld [tilespmem:s15+$0x140];
	v4 =	vmax.f32 v4, v17  }
0x413: {  	v12 =	vmax.f32 v12, v18;
	v11 =	vld [tilespmem:s15+$0x150]  }
0x414: {  	v13 =	vmax.f32 v13, v19;
	v15 =	vld [tilespmem:s15+$0x160];
	s15 =	sshra.s32 s16, $0x2;
	s16 =	sadd.s32 $0x800, s16  }
0x415: {  	v17 =	vld [tilespmem:s15+$0x100]  }
0x416: {  	v18 =	vld [tilespmem:s15+$0x110]  }
0x417: {  	v19 =	vld [tilespmem:s15+$0x120]  }
0x418: {  	v20 =	vld [tilespmem:s15+$0x130]  }
0x419: {  	v21 =	vld [tilespmem:s15+$0x140]  }
0x41a: {  	v22 =	vld [tilespmem:s15+$0x150]  }
0x41b: {  	v6 =	vmax.f32 v6, v16;
	v63 =	vld [tilespmem:s15+$0x160];
	v12 =	vmax.f32 v12, v17;
	v13 =	vmax.f32 v13, v18  }
0x41c: {  	v9 =	vmax.f32 v9, v14;
	v6 =	vmax.f32 v6, v19;
	v12 =	vmax.f32 v12, v13;
	v13 =	vld [tilespmem:s15+$0x170]  }
0x41d: {  	v8 =	vmax.f32 v10, v8;
	v9 =	vmax.f32 v9, v20;
	v6 =	vmax.f32 v12, v6  }
0x41e: {  	v7 =	vmax.f32 v7, v11;
	v8 =	vmax.f32 v8, v21;
	v6 =	vmax.f32 v6, v9  }
0x41f: {  	v5 =	vmax.f32 v5, v15;
	v7 =	vmax.f32 v7, v22;
	v6 =	vmax.f32 v6, v8  }
0x420: {  	v5 =	vmax.f32 v5, v63;
	v6 =	vmax.f32 v6, v7  }
0x421: {  	v4 =	vmax.f32 v4, v13;
	v5 =	vmax.f32 v6, v5  }
0x422: {  	v4 =	vmax.f32 v5, v4  }
0x423: {  	(xrf1) =	vsort.dscd.msk.f32 $0xffff, v4, v4;
	_ =	sdelay $0x7  }
0x424: {  	[tilespmem:$0x8000] =	vst v0  }
0x425: {  	[tilespmem:$0x8080] =	vst v1  }
0x426: {  	[tilespmem:$0x8010] =	vst v0  }
.Ltmp17:
0x427: {  	[tilespmem:$0x8090] =	vst v1;
	(pc) =	sbr.rel .LBB2_24-.Ltmp17, $4  }
0x428: {  	[tilespmem:$0x8020] =	vst v0  }
0x429: {  	[tilespmem:$0x80A0] =	vst v1  }
0x42a: {  	[tilespmem:$0x8030] =	vst v0;
	v4, _, _ =	vpop (xrf1)  }
0x42b: {  	s16 =	simm.s32 $0x170;
	[tilespmem:$0x80B0] =	vst v1;
	s15 =	simm.s32 $0x70;
	v13 =	vimm.s32 $0x0;
	v4 =	vbroadcast v4, $0x7  }
.LBB2_26:
0x42c: {  	s15 =	sadd.s32 $0x80, s15  }
0x42d: {  	p0 =	sne.s32 s15, $0x2070  }
.Ltmp18:
0x42e: {  	_ = 	snop;
	(pc) =	sbr.rel @!p0 .LBB2_27-.Ltmp18, $2  }
0x42f: {  	_ =	sdelay $0x2  }
0x430: {  	s16 =	sadd.s32 $0x200, s16  }
.LBB2_24:
0x431: {  	v12 =	vld [tilespmem:s16+$0xFFFFFF90]  }
0x432: {  	v11 =	vld [tilespmem:s16+$0xFFFFFFA0]  }
0x433: {  	v10 =	vld [tilespmem:s16+$0xFFFFFFB0]  }
0x434: {  	v9 =	vld [tilespmem:s16+$0xFFFFFFC0]  }
0x435: {  	v8 =	vld [tilespmem:s16+$0xFFFFFFD0]  }
0x436: {  	v7 =	vld [tilespmem:s16+$0xFFFFFFE0]  }
0x437: {  	v6 =	vld [tilespmem:s16+$0xFFFFFFF0];
	v14 =	vmax.f32 v12, v11  }
0x438: {  	v5 =	vld [tilespmem:s16+$0x0];
	v14 =	vmax.f32 v14, v10  }
0x439: {  	v14 =	vmax.f32 v14, v9  }
0x43a: {  	v14 =	vmax.f32 v14, v8  }
0x43b: {  	v14 =	vmax.f32 v14, v7  }
0x43c: {  	v14 =	vmax.f32 v14, v6  }
0x43d: {  	v14 =	vmax.f32 v14, v5  }
0x43e: {  	vm7 =	vge.f32 v14, v4  }
0x43f: {  	v14 =	vmpcnt.ones.xlane vm7;
	_ =	sdelay $0x1  }
0x440: {  	(v2sf) =	vpush v14, $0x0;
	_ =	sdelay $0xe  }
0x441: {  	s17 =	spop (v2sf)  }
0x442: {  	p0 =	slt.s32 s17, $0x1  }
.Ltmp19:
0x443: {  	_ = 	snop;
	(pc) =	sbr.rel @p0 .LBB2_26-.Ltmp19, $1  }
0x444: {  	_ =	sdelay $0x3  }
0x445: {  	vm14 =	vge.f32 v12, v4  }
0x446: {  	v14 =	vsel vm14, $0x1, v2  }
0x447: {  	vm12 =	vge.f32 v11, v4;
	(xrf0) =	vadd.scan.msk.s32 $0xffff, v14  }
0x448: {  	v14 =	vsel vm12, $0x1, v2  }
0x449: {  	vm9 =	vge.f32 v10, v4;
	(xrf0) =	vadd.scan.msk.s32 $0xffff, v14  }
0x44a: {  	v14 =	vsel vm9, $0x1, v2  }
0x44b: {  	v15 =	vmpcnt.ones.xlane vm14;
	(xrf0) =	vadd.scan.msk.s32 $0xffff, v14  }
0x44c: {  	vm7 =	vge.f32 v9, v4;
	vm8 =	vge.f32 v8, v4  }
0x44d: {  	v16 =	vsel vm7, $0x1, v2;
	v17 =	vmpcnt.ones.xlane vm12;
	v43 =	vsel vm8, $0x1, v2;
	v14, _, _ =	vpop (xrf0)  }
0x44e: {  	v46 =	vmpcnt.ones.xlane vm9;
	v48 =	vmpcnt.ones.xlane vm7;
	(xrf0) =	vadd.scan.msk.s32 $0xffff, v16;
	v14 =	vadd.s32 v14, v13  }
0x44f: {  	v51 =	vmpcnt.ones.xlane vm8;
	v13 =	vadd.s32 v13, v15;
	v15, _, _ =	vpop (xrf0);
	v14 =	vadd.s32 $0xFFFFFFFF, v14  }
0x450: {  	(xrf0) =	vadd.scan.msk.s32 $0xffff, v43;
	v15 =	vadd.s32 v13, v15;
	v13 =	vadd.s32 v13, v17;
	vm10 =	vlt.s32 v14, $0x3F  }
0x451: {  	v44, _, _ =	vpop (xrf0);
	v15 =	vadd.s32 $0xFFFFFFFF, v15;
	v14 =	vnsel vm10, $0x3F, v14;
	vm10 =	vge.f32 v7, v4  }
0x452: {  	v45 =	vadd.s32 v13, v44;
	vm11 =	vlt.s32 v15, $0x3F;
	v18 =	vsel vm10, $0x1, v2  }
0x453: {  	v16 =	vadd.s32 $0xFFFFFFFF, v45;
	v15 =	vnsel vm11, $0x3F, v15;
	vm11 =	vge.f32 v6, v4;
	(xrf0) =	vadd.scan.msk.s32 $0xffff, v18  }
0x454: {  	v13 =	vadd.s32 v13, v46;
	vm13 =	vlt.s32 v16, $0x3F;
	v47, _, _ =	vpop (xrf0);
	v19 =	vsel vm11, $0x1, v2  }
0x455: {  	v16 =	vnsel vm13, $0x3F, v16;
	vm13 =	vge.f32 v5, v4;
	v17 =	vadd.s32 v13, v47  }
0x456: {  	s17 =	sadd.s32 $0xFFFFFF90, s15;
	(xrf0) =	vadd.scan.msk.s32 $0xffff, v19;
	v13 =	vadd.s32 v13, v48;
	v49, _, _ =	vpop (xrf0);
	v50 =	vsel vm13, $0x1, v2;
	v17 =	vadd.s32 $0xFFFFFFFF, v17  }
0x457: {  	v18 =	vadd.s32 v13, v49;
	(xrf0) =	vadd.scan.msk.s32 $0xffff, v50;
	[tilespmem:v14+s10+$0x0] =	vst.idx.msk vm14, v12;
	v12 =	vor.u32 s17, v3  }
0x458: {  	vm15 =	vlt.s32 v17, $0x3F;
	[tilespmem:v14+s11+$0x0] =	vst.idx.msk vm14, v12;
	v12 =	vadd.s32 v13, v51;
	v13 =	vmpcnt.ones.xlane vm10  }
0x459: {  	v18 =	vadd.s32 $0xFFFFFFFF, v18;
	v17 =	vnsel vm15, $0x3F, v17;
	v20, _, _ =	vpop (xrf0)  }
0x45a: {  	s25 =	sadd.s32 $0xFFFFFFA0, s15;
	v53 =	vadd.s32 v12, v20;
	v12 =	vadd.s32 v12, v13;
	v13 =	vmpcnt.ones.xlane vm11  }
0x45b: {  	v52 =	vor.u32 s25, v3;
	vm14 =	vlt.s32 v18, $0x3F;
	[tilespmem:v15+s10+$0x0] =	vst.idx.msk vm12, v11  }
0x45c: {  	s26 =	sadd.s32 $0xFFFFFFB0, s15;
	v14 =	vnsel vm14, $0x3F, v18;
	[tilespmem:v15+s11+$0x0] =	vst.idx.msk vm12, v52;
	v54, _, _ =	vpop (xrf0);
	v55 =	vadd.s32 $0xFFFFFFFF, v53  }
0x45d: {  	v56 =	vor.u32 s26, v3;
	[tilespmem:v16+s10+$0x0] =	vst.idx.msk vm9, v10;
	v15 =	vadd.s32 v12, v54;
	vm12 =	vlt.s32 v55, $0x3F  }
0x45e: {  	s28 =	sadd.s32 $0xFFFFFFC0, s15;
	[tilespmem:v16+s11+$0x0] =	vst.idx.msk vm9, v56;
	v58 =	vadd.s32 $0xFFFFFFFF, v15;
	v12 =	vadd.s32 v12, v13;
	v57 =	vnsel vm12, $0x3F, v55;
	v13, _, _ =	vpop (xrf0)  }
0x45f: {  	v59 =	vor.u32 s28, v3;
	[tilespmem:v17+s10+$0x0] =	vst.idx.msk vm7, v9;
	vm15 =	vlt.s32 v58, $0x3F;
	v13 =	vadd.s32 v12, v13  }
0x460: {  	s29 =	sadd.s32 $0xFFFFFFD0, s15;
	[tilespmem:v17+s11+$0x0] =	vst.idx.msk vm7, v59;
	v60 =	vnsel vm15, $0x3F, v58;
	v61 =	vadd.s32 $0xFFFFFFFF, v13  }
0x461: {  	v62 =	vor.u32 s29, v3;
	[tilespmem:v14+s10+$0x0] =	vst.idx.msk vm8, v8;
	vm7 =	vlt.s32 v61, $0x3F  }
0x462: {  	s30 =	sadd.s32 $0xFFFFFFE0, s15;
	[tilespmem:v14+s11+$0x0] =	vst.idx.msk vm8, v62;
	v63 =	vnsel vm7, $0x3F, v61  }
0x463: {  	[tilespmem:v57+s10+$0x0] =	vst.idx.msk vm10, v7;
	v7 =	vor.u32 s30, v3  }
.Ltmp20:
0x464: {  	s31 =	sadd.s32 $0xFFFFFFF0, s15;
	[tilespmem:v57+s11+$0x0] =	vst.idx.msk vm10, v7;
	(pc) =	sbr.rel .LBB2_26-.Ltmp20, $4  }
0x465: {  	[tilespmem:v60+s10+$0x0] =	vst.idx.msk vm11, v6;
	v6 =	vor.u32 s31, v3  }
0x466: {  	[tilespmem:v60+s11+$0x0] =	vst.idx.msk vm11, v6;
	v6 =	vmpcnt.ones.xlane vm13  }
0x467: {  	[tilespmem:v63+s10+$0x0] =	vst.idx.msk vm13, v5;
	v5 =	vor.u32 s15, v3  }
0x468: {  	v13 =	vadd.s32 v12, v6;
	[tilespmem:v63+s11+$0x0] =	vst.idx.msk vm13, v5  }
.LBB2_27:
0x469: {  	v12 =	vld [tilespmem:$0x8000]  }
0x46a: {  	v13 =	vld [tilespmem:$0x8010]  }
0x46b: {  	v14 =	vld [tilespmem:$0x8020]  }
0x46c: {  	v15 =	vld [tilespmem:$0x8030];
	_ =	sdelay $0x2  }
0x46d: {  	v4 =	vmax.f32 v12, v13  }
0x46e: {  	v4 =	vmax.f32 v4, v14  }
0x46f: {  	v4 =	vmax.f32 v4, v15  }
0x470: {  	(xrf0) =	vmax.scan.msk.f32 $0xffff, v4;
	_ =	sdelay $0x3  }
0x471: {  	v10 =	vld [tilespmem:$0x8080]  }
0x472: {  	v11 =	vld [tilespmem:$0x8090]  }
0x473: {  	v4, _, _ =	vpop (xrf0)  }
0x474: {  	v8 =	vld [tilespmem:$0x80A0];
	v7 =	vbroadcast v4, $0xF  }
0x475: {  	v9 =	vld [tilespmem:$0x80B0]  }
0x476: {  	v4 =	vxor.u32 $0x80000000, v10;
	vm7 =	veq.f32 v12, v7  }
0x477: {  	v5 =	vxor.u32 $0x80000000, v11;
	v6 =	vnsel vm7, $0xC0000000, v4;
	vm7 =	veq.f32 v13, v7  }
0x478: {  	(xrf0) =	vmin.scan.msk.u32 $0xffff, v6;
	v6 =	vnsel vm7, $0xC0000000, v5  }
0x479: {  	vm7 =	veq.f32 v14, v7;
	(xrf0) =	vmin.scan.msk.u32 $0xffff, v6;
	v6 =	vxor.u32 $0x80000000, v8  }
0x47a: {  	v16 =	vnsel vm7, $0xC0000000, v6;
	vm7 =	veq.f32 v15, v7;
	v7 =	vxor.u32 $0x80000000, v9  }
0x47b: {  	(xrf0) =	vmin.scan.msk.u32 $0xffff, v16;
	v16 =	vnsel vm7, $0xC0000000, v7;
	_ =	sdelay $0x1  }
0x47c: {  	(xrf0) =	vmin.scan.msk.u32 $0xffff, v16  }
0x47d: {  	v16, _, _ =	vpop (xrf0)  }
0x47e: {  	(v2sf) =	vpush v16, $0xF;
	v16, _, _ =	vpop (xrf0)  }
0x47f: {  	(v2sf) =	vpush v16, $0xF  }
0x480: {  	v16, _, _ =	vpop (xrf0)  }
0x481: {  	(v2sf) =	vpush v16, $0xF  }
0x482: {  	v16, _, _ =	vpop (xrf0)  }
0x483: {  	(v2sf) =	vpush v16, $0xF;
	_ =	sdelay $0x9  }
0x484: {  	s15 =	spop (v2sf)  }
0x485: {  	s16 =	spop (v2sf)  }
0x486: {  	s15 =	sxor.u32 $0x80000000, s15;
	s16 =	sxor.u32 $0x80000000, s16  }
0x487: {  	p0 =	slt.s32 s15, s16;
	s17 =	spop (v2sf)  }
0x488: {  	s16 =	smov.u32 @p0 s15;
	s17 =	sxor.u32 $0x80000000, s17  }
0x489: {  	s28 =	spop (v2sf);
	p0 =	slt.s32 s16, s17  }
0x48a: {  	s15 =	sxor.u32 $0x80000000, s28;
	s17 =	smov.u32 @p0 s16  }
0x48b: {  	p0 =	slt.s32 s17, s15  }
0x48c: {  	s15 =	smov.u32 @p0 s17  }
0x48d: {  	vm7 =	veq.s32 v10, s15;
	vm8 =	veq.s32 v11, s15  }
0x48e: {  	v12 =	vsel vm7, $0xFF61B1E6, v12;
	v13 =	vsel vm8, $0xFF61B1E6, v13;
	vm7 =	veq.s32 v8, s15  }
0x48f: {  	v14 =	vsel vm7, $0xFF61B1E6, v14;
	vm7 =	veq.s32 v9, s15;
	v16 =	vmax.f32 v12, v13  }
0x490: {  	v15 =	vsel vm7, $0xFF61B1E6, v15;
	v16 =	vmax.f32 v16, v14  }
0x491: {  	v16 =	vmax.f32 v16, v15  }
0x492: {  	(xrf0) =	vmax.scan.msk.f32 $0xffff, v16;
	_ =	sdelay $0x5  }
0x493: {  	v16, _, _ =	vpop (xrf0)  }
0x494: {  	v16 =	vbroadcast v16, $0xF;
	_ =	sdelay $0x1  }
0x495: {  	vm7 =	veq.f32 v12, v16  }
0x496: {  	v17 =	vnsel vm7, $0xC0000000, v4;
	vm7 =	veq.f32 v13, v16  }
0x497: {  	(xrf0) =	vmin.scan.msk.u32 $0xffff, v17;
	v17 =	vnsel vm7, $0xC0000000, v5  }
0x498: {  	vm7 =	veq.f32 v14, v16;
	(xrf0) =	vmin.scan.msk.u32 $0xffff, v17  }
0x499: {  	v17 =	vnsel vm7, $0xC0000000, v6;
	vm7 =	veq.f32 v15, v16  }
0x49a: {  	(xrf0) =	vmin.scan.msk.u32 $0xffff, v17;
	v16 =	vnsel vm7, $0xC0000000, v7;
	_ =	sdelay $0x1  }
0x49b: {  	(xrf0) =	vmin.scan.msk.u32 $0xffff, v16  }
0x49c: {  	v16, _, _ =	vpop (xrf0)  }
0x49d: {  	(v2sf) =	vpush v16, $0xF;
	v16, _, _ =	vpop (xrf0)  }
0x49e: {  	(v2sf) =	vpush v16, $0xF  }
0x49f: {  	v16, _, _ =	vpop (xrf0)  }
0x4a0: {  	(v2sf) =	vpush v16, $0xF  }
0x4a1: {  	v16, _, _ =	vpop (xrf0)  }
0x4a2: {  	(v2sf) =	vpush v16, $0xF;
	_ =	sdelay $0x9  }
0x4a3: {  	s29 =	spop (v2sf)  }
0x4a4: {  	s30 =	spop (v2sf)  }
0x4a5: {  	s16 =	sxor.u32 $0x80000000, s29;
	s17 =	sxor.u32 $0x80000000, s30  }
0x4a6: {  	s18 =	spop (v2sf);
	p0 =	slt.s32 s16, s17  }
0x4a7: {  	s18 =	sxor.u32 $0x80000000, s18;
	s17 =	smov.u32 @p0 s16  }
0x4a8: {  	s31 =	spop (v2sf);
	p0 =	slt.s32 s17, s18  }
0x4a9: {  	s16 =	sxor.u32 $0x80000000, s31;
	s18 =	smov.u32 @p0 s17  }
0x4aa: {  	p0 =	slt.s32 s18, s16  }
0x4ab: {  	s16 =	smov.u32 @p0 s18  }
0x4ac: {  	vm7 =	veq.s32 v10, s16;
	vm8 =	veq.s32 v11, s16  }
0x4ad: {  	v12 =	vsel vm7, $0xFF61B1E6, v12;
	v13 =	vsel vm8, $0xFF61B1E6, v13;
	vm7 =	veq.s32 v8, s16  }
0x4ae: {  	v14 =	vsel vm7, $0xFF61B1E6, v14;
	vm7 =	veq.s32 v9, s16;
	v16 =	vmax.f32 v12, v13  }
0x4af: {  	v15 =	vsel vm7, $0xFF61B1E6, v15;
	v16 =	vmax.f32 v16, v14  }
0x4b0: {  	v16 =	vmax.f32 v16, v15  }
0x4b1: {  	(xrf0) =	vmax.scan.msk.f32 $0xffff, v16;
	_ =	sdelay $0x5  }
0x4b2: {  	v16, _, _ =	vpop (xrf0)  }
0x4b3: {  	v16 =	vbroadcast v16, $0xF;
	_ =	sdelay $0x1  }
0x4b4: {  	vm7 =	veq.f32 v12, v16  }
0x4b5: {  	v17 =	vnsel vm7, $0xC0000000, v4;
	vm7 =	veq.f32 v13, v16  }
0x4b6: {  	(xrf0) =	vmin.scan.msk.u32 $0xffff, v17;
	v17 =	vnsel vm7, $0xC0000000, v5  }
0x4b7: {  	vm7 =	veq.f32 v14, v16;
	(xrf0) =	vmin.scan.msk.u32 $0xffff, v17  }
0x4b8: {  	v17 =	vnsel vm7, $0xC0000000, v6;
	vm7 =	veq.f32 v15, v16  }
0x4b9: {  	(xrf0) =	vmin.scan.msk.u32 $0xffff, v17;
	v16 =	vnsel vm7, $0xC0000000, v7;
	_ =	sdelay $0x1  }
0x4ba: {  	(xrf0) =	vmin.scan.msk.u32 $0xffff, v16  }
0x4bb: {  	v16, _, _ =	vpop (xrf0)  }
0x4bc: {  	(v2sf) =	vpush v16, $0xF;
	v16, _, _ =	vpop (xrf0)  }
0x4bd: {  	(v2sf) =	vpush v16, $0xF  }
0x4be: {  	v16, _, _ =	vpop (xrf0)  }
0x4bf: {  	(v2sf) =	vpush v16, $0xF  }
0x4c0: {  	v16, _, _ =	vpop (xrf0)  }
0x4c1: {  	(v2sf) =	vpush v16, $0xF;
	_ =	sdelay $0x9  }
0x4c2: {  	s19 =	spop (v2sf)  }
0x4c3: {  	s20 =	spop (v2sf)  }
0x4c4: {  	s17 =	sxor.u32 $0x80000000, s19;
	s18 =	sxor.u32 $0x80000000, s20  }
0x4c5: {  	s19 =	spop (v2sf);
	p0 =	slt.s32 s17, s18  }
0x4c6: {  	s19 =	sxor.u32 $0x80000000, s19;
	s18 =	smov.u32 @p0 s17  }
0x4c7: {  	s21 =	spop (v2sf);
	p0 =	slt.s32 s18, s19  }
0x4c8: {  	s17 =	sxor.u32 $0x80000000, s21;
	s19 =	smov.u32 @p0 s18  }
0x4c9: {  	p0 =	slt.s32 s19, s17  }
0x4ca: {  	s17 =	smov.u32 @p0 s19  }
0x4cb: {  	vm7 =	veq.s32 v10, s17;
	vm8 =	veq.s32 v11, s17  }
0x4cc: {  	v12 =	vsel vm7, $0xFF61B1E6, v12;
	v13 =	vsel vm8, $0xFF61B1E6, v13;
	vm7 =	veq.s32 v8, s17  }
0x4cd: {  	v14 =	vsel vm7, $0xFF61B1E6, v14;
	vm7 =	veq.s32 v9, s17;
	v16 =	vmax.f32 v12, v13  }
0x4ce: {  	v15 =	vsel vm7, $0xFF61B1E6, v15;
	v16 =	vmax.f32 v16, v14  }
0x4cf: {  	v16 =	vmax.f32 v16, v15  }
0x4d0: {  	(xrf0) =	vmax.scan.msk.f32 $0xffff, v16;
	_ =	sdelay $0x5  }
0x4d1: {  	v16, _, _ =	vpop (xrf0)  }
0x4d2: {  	v16 =	vbroadcast v16, $0xF;
	_ =	sdelay $0x1  }
0x4d3: {  	vm7 =	veq.f32 v12, v16  }
0x4d4: {  	v17 =	vnsel vm7, $0xC0000000, v4;
	vm7 =	veq.f32 v13, v16  }
0x4d5: {  	(xrf0) =	vmin.scan.msk.u32 $0xffff, v17;
	v17 =	vnsel vm7, $0xC0000000, v5  }
0x4d6: {  	vm7 =	veq.f32 v14, v16;
	(xrf0) =	vmin.scan.msk.u32 $0xffff, v17  }
0x4d7: {  	v17 =	vnsel vm7, $0xC0000000, v6;
	vm7 =	veq.f32 v15, v16  }
0x4d8: {  	(xrf0) =	vmin.scan.msk.u32 $0xffff, v17;
	v16 =	vnsel vm7, $0xC0000000, v7;
	_ =	sdelay $0x1  }
0x4d9: {  	(xrf0) =	vmin.scan.msk.u32 $0xffff, v16  }
0x4da: {  	v16, _, _ =	vpop (xrf0)  }
0x4db: {  	(v2sf) =	vpush v16, $0xF;
	v16, _, _ =	vpop (xrf0)  }
0x4dc: {  	(v2sf) =	vpush v16, $0xF  }
0x4dd: {  	v16, _, _ =	vpop (xrf0)  }
0x4de: {  	(v2sf) =	vpush v16, $0xF  }
0x4df: {  	v16, _, _ =	vpop (xrf0)  }
0x4e0: {  	(v2sf) =	vpush v16, $0xF;
	_ =	sdelay $0x9  }
0x4e1: {  	s22 =	spop (v2sf)  }
0x4e2: {  	s23 =	spop (v2sf)  }
0x4e3: {  	s18 =	sxor.u32 $0x80000000, s22;
	s19 =	sxor.u32 $0x80000000, s23  }
0x4e4: {  	s20 =	spop (v2sf);
	p0 =	slt.s32 s18, s19  }
0x4e5: {  	s20 =	sxor.u32 $0x80000000, s20;
	s19 =	smov.u32 @p0 s18  }
0x4e6: {  	s24 =	spop (v2sf);
	p0 =	slt.s32 s19, s20  }
0x4e7: {  	s18 =	sxor.u32 $0x80000000, s24;
	s20 =	smov.u32 @p0 s19  }
0x4e8: {  	p0 =	slt.s32 s20, s18  }
0x4e9: {  	s18 =	smov.u32 @p0 s20  }
0x4ea: {  	vm7 =	veq.s32 v10, s18;
	vm8 =	veq.s32 v11, s18  }
0x4eb: {  	v12 =	vsel vm7, $0xFF61B1E6, v12;
	v13 =	vsel vm8, $0xFF61B1E6, v13;
	vm7 =	veq.s32 v8, s18  }
0x4ec: {  	v14 =	vsel vm7, $0xFF61B1E6, v14;
	vm7 =	veq.s32 v9, s18;
	v16 =	vmax.f32 v12, v13  }
0x4ed: {  	v15 =	vsel vm7, $0xFF61B1E6, v15;
	v16 =	vmax.f32 v16, v14  }
0x4ee: {  	v16 =	vmax.f32 v16, v15  }
0x4ef: {  	(xrf0) =	vmax.scan.msk.f32 $0xffff, v16;
	_ =	sdelay $0x5  }
0x4f0: {  	v16, _, _ =	vpop (xrf0)  }
0x4f1: {  	v16 =	vbroadcast v16, $0xF;
	_ =	sdelay $0x1  }
0x4f2: {  	vm7 =	veq.f32 v12, v16  }
0x4f3: {  	v17 =	vnsel vm7, $0xC0000000, v4;
	vm7 =	veq.f32 v13, v16  }
0x4f4: {  	(xrf0) =	vmin.scan.msk.u32 $0xffff, v17;
	v17 =	vnsel vm7, $0xC0000000, v5  }
0x4f5: {  	vm7 =	veq.f32 v14, v16;
	(xrf0) =	vmin.scan.msk.u32 $0xffff, v17  }
0x4f6: {  	v17 =	vnsel vm7, $0xC0000000, v6;
	vm7 =	veq.f32 v15, v16  }
0x4f7: {  	(xrf0) =	vmin.scan.msk.u32 $0xffff, v17;
	v16 =	vnsel vm7, $0xC0000000, v7;
	_ =	sdelay $0x1  }
0x4f8: {  	(xrf0) =	vmin.scan.msk.u32 $0xffff, v16  }
0x4f9: {  	v16, _, _ =	vpop (xrf0)  }
0x4fa: {  	(v2sf) =	vpush v16, $0xF;
	v16, _, _ =	vpop (xrf0)  }
0x4fb: {  	(v2sf) =	vpush v16, $0xF  }
0x4fc: {  	v16, _, _ =	vpop (xrf0)  }
0x4fd: {  	(v2sf) =	vpush v16, $0xF  }
0x4fe: {  	v16, _, _ =	vpop (xrf0)  }
0x4ff: {  	(v2sf) =	vpush v16, $0xF;
	_ =	sdelay $0x9  }
0x500: {  	s25 =	spop (v2sf)  }
0x501: {  	s26 =	spop (v2sf)  }
0x502: {  	s19 =	sxor.u32 $0x80000000, s25;
	s20 =	sxor.u32 $0x80000000, s26  }
0x503: {  	s21 =	spop (v2sf);
	p0 =	slt.s32 s19, s20  }
0x504: {  	s21 =	sxor.u32 $0x80000000, s21;
	s20 =	smov.u32 @p0 s19  }
0x505: {  	s28 =	spop (v2sf);
	p0 =	slt.s32 s20, s21  }
0x506: {  	s19 =	sxor.u32 $0x80000000, s28;
	s21 =	smov.u32 @p0 s20  }
0x507: {  	p0 =	slt.s32 s21, s19  }
0x508: {  	s19 =	smov.u32 @p0 s21  }
0x509: {  	vm7 =	veq.s32 v10, s19;
	vm8 =	veq.s32 v11, s19  }
0x50a: {  	v12 =	vsel vm7, $0xFF61B1E6, v12;
	v13 =	vsel vm8, $0xFF61B1E6, v13;
	vm7 =	veq.s32 v8, s19  }
0x50b: {  	v14 =	vsel vm7, $0xFF61B1E6, v14;
	vm7 =	veq.s32 v9, s19;
	v16 =	vmax.f32 v12, v13  }
0x50c: {  	v15 =	vsel vm7, $0xFF61B1E6, v15;
	v16 =	vmax.f32 v16, v14  }
0x50d: {  	v16 =	vmax.f32 v16, v15  }
0x50e: {  	(xrf0) =	vmax.scan.msk.f32 $0xffff, v16;
	_ =	sdelay $0x5  }
0x50f: {  	v16, _, _ =	vpop (xrf0)  }
0x510: {  	v16 =	vbroadcast v16, $0xF;
	_ =	sdelay $0x1  }
0x511: {  	vm7 =	veq.f32 v12, v16  }
0x512: {  	v17 =	vnsel vm7, $0xC0000000, v4;
	vm7 =	veq.f32 v13, v16  }
0x513: {  	(xrf0) =	vmin.scan.msk.u32 $0xffff, v17;
	v17 =	vnsel vm7, $0xC0000000, v5  }
0x514: {  	vm7 =	veq.f32 v14, v16;
	(xrf0) =	vmin.scan.msk.u32 $0xffff, v17  }
0x515: {  	v17 =	vnsel vm7, $0xC0000000, v6;
	vm7 =	veq.f32 v15, v16  }
0x516: {  	(xrf0) =	vmin.scan.msk.u32 $0xffff, v17;
	v16 =	vnsel vm7, $0xC0000000, v7;
	_ =	sdelay $0x1  }
0x517: {  	(xrf0) =	vmin.scan.msk.u32 $0xffff, v16  }
0x518: {  	v16, _, _ =	vpop (xrf0)  }
0x519: {  	(v2sf) =	vpush v16, $0xF;
	v16, _, _ =	vpop (xrf0)  }
0x51a: {  	(v2sf) =	vpush v16, $0xF  }
0x51b: {  	v16, _, _ =	vpop (xrf0)  }
0x51c: {  	(v2sf) =	vpush v16, $0xF  }
0x51d: {  	v16, _, _ =	vpop (xrf0)  }
0x51e: {  	(v2sf) =	vpush v16, $0xF;
	_ =	sdelay $0x9  }
0x51f: {  	s29 =	spop (v2sf)  }
0x520: {  	s30 =	spop (v2sf)  }
0x521: {  	s20 =	sxor.u32 $0x80000000, s29;
	s21 =	sxor.u32 $0x80000000, s30  }
0x522: {  	s22 =	spop (v2sf);
	p0 =	slt.s32 s20, s21  }
0x523: {  	s22 =	sxor.u32 $0x80000000, s22;
	s21 =	smov.u32 @p0 s20  }
0x524: {  	s31 =	spop (v2sf);
	p0 =	slt.s32 s21, s22  }
0x525: {  	s20 =	sxor.u32 $0x80000000, s31;
	s22 =	smov.u32 @p0 s21  }
0x526: {  	p0 =	slt.s32 s22, s20  }
0x527: {  	s20 =	smov.u32 @p0 s22  }
0x528: {  	vm7 =	veq.s32 v10, s20;
	vm8 =	veq.s32 v11, s20  }
0x529: {  	v12 =	vsel vm7, $0xFF61B1E6, v12;
	v13 =	vsel vm8, $0xFF61B1E6, v13;
	vm7 =	veq.s32 v8, s20  }
0x52a: {  	v14 =	vsel vm7, $0xFF61B1E6, v14;
	vm7 =	veq.s32 v9, s20;
	v16 =	vmax.f32 v12, v13  }
0x52b: {  	v15 =	vsel vm7, $0xFF61B1E6, v15;
	v16 =	vmax.f32 v16, v14  }
0x52c: {  	v16 =	vmax.f32 v16, v15  }
0x52d: {  	(xrf0) =	vmax.scan.msk.f32 $0xffff, v16;
	_ =	sdelay $0x5  }
0x52e: {  	v16, _, _ =	vpop (xrf0)  }
0x52f: {  	v16 =	vbroadcast v16, $0xF;
	_ =	sdelay $0x1  }
0x530: {  	vm7 =	veq.f32 v12, v16  }
0x531: {  	v17 =	vnsel vm7, $0xC0000000, v4;
	vm7 =	veq.f32 v13, v16  }
0x532: {  	(xrf0) =	vmin.scan.msk.u32 $0xffff, v17;
	v17 =	vnsel vm7, $0xC0000000, v5  }
0x533: {  	vm7 =	veq.f32 v14, v16;
	(xrf0) =	vmin.scan.msk.u32 $0xffff, v17  }
0x534: {  	v17 =	vnsel vm7, $0xC0000000, v6;
	vm7 =	veq.f32 v15, v16  }
0x535: {  	(xrf0) =	vmin.scan.msk.u32 $0xffff, v17;
	v16 =	vnsel vm7, $0xC0000000, v7;
	_ =	sdelay $0x1  }
0x536: {  	(xrf0) =	vmin.scan.msk.u32 $0xffff, v16  }
0x537: {  	v16, _, _ =	vpop (xrf0)  }
0x538: {  	(v2sf) =	vpush v16, $0xF;
	v16, _, _ =	vpop (xrf0)  }
0x539: {  	(v2sf) =	vpush v16, $0xF  }
0x53a: {  	v16, _, _ =	vpop (xrf0)  }
0x53b: {  	(v2sf) =	vpush v16, $0xF  }
0x53c: {  	v16, _, _ =	vpop (xrf0)  }
0x53d: {  	(v2sf) =	vpush v16, $0xF;
	_ =	sdelay $0x9  }
0x53e: {  	s23 =	spop (v2sf)  }
0x53f: {  	s24 =	spop (v2sf)  }
0x540: {  	s21 =	sxor.u32 $0x80000000, s23;
	s22 =	sxor.u32 $0x80000000, s24  }
0x541: {  	s23 =	spop (v2sf);
	p0 =	slt.s32 s21, s22  }
0x542: {  	s22 =	smov.u32 @p0 s21;
	s21 =	sxor.u32 $0x80000000, s23  }
0x543: {  	s25 =	spop (v2sf);
	p0 =	slt.s32 s22, s21  }
0x544: {  	s21 =	smov.u32 @p0 s22;
	s22 =	sxor.u32 $0x80000000, s25  }
0x545: {  	p0 =	slt.s32 s21, s22  }
0x546: {  	s22 =	smov.u32 @p0 s21  }
0x547: {  	vm7 =	veq.s32 v10, s22;
	vm8 =	veq.s32 v11, s22  }
0x548: {  	v10 =	vsel vm7, $0xFF61B1E6, v12;
	v11 =	vsel vm8, $0xFF61B1E6, v13;
	vm7 =	veq.s32 v8, s22  }
0x549: {  	v8 =	vsel vm7, $0xFF61B1E6, v14;
	vm7 =	veq.s32 v9, s22;
	v9 =	vmax.f32 v10, v11  }
0x54a: {  	v12 =	vsel vm7, $0xFF61B1E6, v15;
	v9 =	vmax.f32 v9, v8  }
0x54b: {  	v9 =	vmax.f32 v9, v12  }
0x54c: {  	(xrf0) =	vmax.scan.msk.f32 $0xffff, v9;
	_ =	sdelay $0x5  }
0x54d: {  	v9, _, _ =	vpop (xrf0)  }
0x54e: {  	v9 =	vbroadcast v9, $0xF;
	_ =	sdelay $0x1  }
0x54f: {  	vm7 =	veq.f32 v10, v9  }
0x550: {  	v4 =	vnsel vm7, $0xC0000000, v4;
	vm7 =	veq.f32 v11, v9  }
0x551: {  	(xrf0) =	vmin.scan.msk.u32 $0xffff, v4;
	v4 =	vnsel vm7, $0xC0000000, v5  }
0x552: {  	vm7 =	veq.f32 v8, v9;
	(xrf0) =	vmin.scan.msk.u32 $0xffff, v4  }
0x553: {  	v4 =	vnsel vm7, $0xC0000000, v6;
	vm7 =	veq.f32 v12, v9  }
0x554: {  	(xrf0) =	vmin.scan.msk.u32 $0xffff, v4;
	v4 =	vnsel vm7, $0xC0000000, v7;
	_ =	sdelay $0x1  }
0x555: {  	(xrf0) =	vmin.scan.msk.u32 $0xffff, v4  }
0x556: {  	v4, _, _ =	vpop (xrf0)  }
0x557: {  	v5, _, _ =	vpop (xrf0);
	(v2sf) =	vpush v4, $0xF  }
0x558: {  	(v2sf) =	vpush v5, $0xF  }
0x559: {  	v4, _, _ =	vpop (xrf0)  }
0x55a: {  	(v2sf) =	vpush v4, $0xF  }
0x55b: {  	v4, _, _ =	vpop (xrf0)  }
0x55c: {  	(v2sf) =	vpush v4, $0xF;
	_ =	sdelay $0x9  }
0x55d: {  	s26 =	spop (v2sf)  }
0x55e: {  	v4 =	vmov s15;
	s28 =	spop (v2sf)  }
0x55f: {  	v4 =	vnsel vm0, $0x0, v4;
	s21 =	sxor.u32 $0x80000000, s26;
	s15 =	sxor.u32 $0x80000000, s28  }
0x560: {  	v4 =	vsel vm1, s16, v4;
	s29 =	spop (v2sf);
	p0 =	slt.s32 s21, s15  }
0x561: {  	v4 =	vnsel vm2, s17, v4;
	s16 =	sxor.u32 $0x80000000, s29;
	s15 =	smov.u32 @p0 s21  }
0x562: {  	v4 =	vnsel vm3, s18, v4;
	s30 =	spop (v2sf);
	p0 =	slt.s32 s15, s16  }
0x563: {  	v4 =	vnsel vm4, s19, v4;
	s16 =	smov.u32 @p0 s15;
	s15 =	sxor.u32 $0x80000000, s30  }
0x564: {  	v4 =	vnsel vm5, s20, v4;
	p0 =	slt.s32 s16, s15  }
0x565: {  	vm7 =	veq.s32 v3, $0x7;
	v4 =	vnsel vm6, s22, v4;
	s15 =	smov.u32 @p0 s16  }
0x566: {  	v4 =	vsel vm7, s15, v4  }
0x567: {  	[tilespmem:$0x8200] =	vst v4  }
0x568: {  	_ =	swait.ge [sflag:s9], $0x2000  }
0x569: {  	[sflag:s9] =	ssyncset.done $0x0  }
0x56a: {  	s31 =	simm.s32 $0x0;
	[sflag:s9] =	ssyncadd.s32 $0xFFFFE000  }
0x56b: {  	v4 =	vld [tilespmem:s31+$0x1F0]  }
0x56c: {  	v5 =	vld [tilespmem:s31+$0x180]  }
0x56d: {  	v7 =	vld [tilespmem:s31+$0x190]  }
0x56e: {  	v16 =	vld [tilespmem:s31+$0x1A0]  }
0x56f: {  	v14 =	vld [tilespmem:s31+$0x1B0]  }
0x570: {  	v10 =	vimm.f32 $-3.000000010e+38;
	v6 =	vimm.f32 $-3.000000010e+38;
	v8 =	vld [tilespmem:s31+$0x1C0]  }
0x571: {  	v9 =	vimm.f32 $-3.000000010e+38;
	v11 =	vld [tilespmem:s31+$0x1D0];
	v4 =	vmax.f32 v6, v4;
	v12 =	vmax.f32 v6, v5  }
0x572: {  	s16 =	simm.s32 $0x1000;
	s15 =	simm.s32 $0x200;
	v15 =	vld [tilespmem:s31+$0x1E0];
	v13 =	vmax.f32 v6, v7;
	v7 =	vimm.f32 $-3.000000010e+38;
	v5 =	vimm.f32 $-3.000000010e+38  }
.LBB2_28:
0x573: {  	p0 =	sne.s32 s16, $0x1F800;
	v17 =	vld [tilespmem:s15+$0x1F0];
	v6 =	vmax.f32 v6, v16  }
0x574: {  	v18 =	vld [tilespmem:s15+$0x180];
	v9 =	vmax.f32 v9, v14  }
0x575: {  	v19 =	vld [tilespmem:s15+$0x190];
	v10 =	vmax.f32 v10, v8  }
.Ltmp21:
0x576: {  	v16 =	vld [tilespmem:s15+$0x1A0];
	v7 =	vmax.f32 v7, v11;
	(pc) =	sbr.rel @p0 .LBB2_28-.Ltmp21, $4  }
0x577: {  	v14 =	vld [tilespmem:s15+$0x1B0];
	v5 =	vmax.f32 v5, v15  }
0x578: {  	v8 =	vld [tilespmem:s15+$0x1C0];
	v4 =	vmax.f32 v4, v17  }
0x579: {  	v12 =	vmax.f32 v12, v18;
	v11 =	vld [tilespmem:s15+$0x1D0]  }
0x57a: {  	v13 =	vmax.f32 v13, v19;
	v15 =	vld [tilespmem:s15+$0x1E0];
	s15 =	sshra.s32 s16, $0x2;
	s16 =	sadd.s32 $0x800, s16  }
0x57b: {  	v17 =	vld [tilespmem:s15+$0x180]  }
0x57c: {  	v18 =	vld [tilespmem:s15+$0x190]  }
0x57d: {  	v19 =	vld [tilespmem:s15+$0x1A0]  }
0x57e: {  	v20 =	vld [tilespmem:s15+$0x1B0]  }
0x57f: {  	v21 =	vld [tilespmem:s15+$0x1C0]  }
0x580: {  	v22 =	vld [tilespmem:s15+$0x1D0]  }
0x581: {  	v6 =	vmax.f32 v6, v16;
	v63 =	vld [tilespmem:s15+$0x1E0];
	v12 =	vmax.f32 v12, v17;
	v13 =	vmax.f32 v13, v18  }
0x582: {  	v9 =	vmax.f32 v9, v14;
	v6 =	vmax.f32 v6, v19;
	v12 =	vmax.f32 v12, v13;
	v13 =	vld [tilespmem:s15+$0x1F0]  }
0x583: {  	v8 =	vmax.f32 v10, v8;
	v9 =	vmax.f32 v9, v20;
	v6 =	vmax.f32 v12, v6  }
0x584: {  	v7 =	vmax.f32 v7, v11;
	v8 =	vmax.f32 v8, v21;
	v6 =	vmax.f32 v6, v9  }
0x585: {  	v5 =	vmax.f32 v5, v15;
	v7 =	vmax.f32 v7, v22;
	v6 =	vmax.f32 v6, v8  }
0x586: {  	v5 =	vmax.f32 v5, v63;
	v6 =	vmax.f32 v6, v7  }
0x587: {  	v4 =	vmax.f32 v4, v13;
	v5 =	vmax.f32 v6, v5  }
0x588: {  	v4 =	vmax.f32 v5, v4  }
0x589: {  	(xrf1) =	vsort.dscd.msk.f32 $0xffff, v4, v4;
	_ =	sdelay $0x7  }
0x58a: {  	[tilespmem:$0x8000] =	vst v0  }
0x58b: {  	[tilespmem:$0x8080] =	vst v1  }
0x58c: {  	[tilespmem:$0x8010] =	vst v0  }
.Ltmp22:
0x58d: {  	[tilespmem:$0x8090] =	vst v1;
	(pc) =	sbr.rel .LBB2_30-.Ltmp22, $4  }
0x58e: {  	[tilespmem:$0x8020] =	vst v0  }
0x58f: {  	[tilespmem:$0x80A0] =	vst v1  }
0x590: {  	[tilespmem:$0x8030] =	vst v0;
	v4, _, _ =	vpop (xrf1)  }
0x591: {  	s16 =	simm.s32 $0x1F0;
	[tilespmem:$0x80B0] =	vst v1;
	s15 =	simm.s32 $0x70;
	v13 =	vimm.s32 $0x0;
	v4 =	vbroadcast v4, $0x7  }
.LBB2_32:
0x592: {  	s15 =	sadd.s32 $0x80, s15  }
0x593: {  	p0 =	sne.s32 s15, $0x2070  }
.Ltmp23:
0x594: {  	_ = 	snop;
	(pc) =	sbr.rel @!p0 .LBB2_33-.Ltmp23, $2  }
0x595: {  	_ =	sdelay $0x2  }
0x596: {  	s16 =	sadd.s32 $0x200, s16  }
.LBB2_30:
0x597: {  	v12 =	vld [tilespmem:s16+$0xFFFFFF90]  }
0x598: {  	v11 =	vld [tilespmem:s16+$0xFFFFFFA0]  }
0x599: {  	v10 =	vld [tilespmem:s16+$0xFFFFFFB0]  }
0x59a: {  	v9 =	vld [tilespmem:s16+$0xFFFFFFC0]  }
0x59b: {  	v8 =	vld [tilespmem:s16+$0xFFFFFFD0]  }
0x59c: {  	v7 =	vld [tilespmem:s16+$0xFFFFFFE0]  }
0x59d: {  	v6 =	vld [tilespmem:s16+$0xFFFFFFF0];
	v14 =	vmax.f32 v12, v11  }
0x59e: {  	v5 =	vld [tilespmem:s16+$0x0];
	v14 =	vmax.f32 v14, v10  }
0x59f: {  	v14 =	vmax.f32 v14, v9  }
0x5a0: {  	v14 =	vmax.f32 v14, v8  }
0x5a1: {  	v14 =	vmax.f32 v14, v7  }
0x5a2: {  	v14 =	vmax.f32 v14, v6  }
0x5a3: {  	v14 =	vmax.f32 v14, v5  }
0x5a4: {  	vm7 =	vge.f32 v14, v4  }
0x5a5: {  	v14 =	vmpcnt.ones.xlane vm7;
	_ =	sdelay $0x1  }
0x5a6: {  	(v2sf) =	vpush v14, $0x0;
	_ =	sdelay $0xe  }
0x5a7: {  	s17 =	spop (v2sf)  }
0x5a8: {  	p0 =	slt.s32 s17, $0x1  }
.Ltmp24:
0x5a9: {  	_ = 	snop;
	(pc) =	sbr.rel @p0 .LBB2_32-.Ltmp24, $1  }
0x5aa: {  	_ =	sdelay $0x3  }
0x5ab: {  	vm14 =	vge.f32 v12, v4  }
0x5ac: {  	v14 =	vsel vm14, $0x1, v2  }
0x5ad: {  	vm12 =	vge.f32 v11, v4;
	(xrf0) =	vadd.scan.msk.s32 $0xffff, v14  }
0x5ae: {  	v14 =	vsel vm12, $0x1, v2  }
0x5af: {  	vm9 =	vge.f32 v10, v4;
	(xrf0) =	vadd.scan.msk.s32 $0xffff, v14  }
0x5b0: {  	v14 =	vsel vm9, $0x1, v2  }
0x5b1: {  	v15 =	vmpcnt.ones.xlane vm14;
	(xrf0) =	vadd.scan.msk.s32 $0xffff, v14  }
0x5b2: {  	vm7 =	vge.f32 v9, v4;
	vm8 =	vge.f32 v8, v4  }
0x5b3: {  	v16 =	vsel vm7, $0x1, v2;
	v17 =	vmpcnt.ones.xlane vm12;
	v43 =	vsel vm8, $0x1, v2;
	v14, _, _ =	vpop (xrf0)  }
0x5b4: {  	v46 =	vmpcnt.ones.xlane vm9;
	v48 =	vmpcnt.ones.xlane vm7;
	(xrf0) =	vadd.scan.msk.s32 $0xffff, v16;
	v14 =	vadd.s32 v14, v13  }
0x5b5: {  	v51 =	vmpcnt.ones.xlane vm8;
	v13 =	vadd.s32 v13, v15;
	v15, _, _ =	vpop (xrf0);
	v14 =	vadd.s32 $0xFFFFFFFF, v14  }
0x5b6: {  	(xrf0) =	vadd.scan.msk.s32 $0xffff, v43;
	v15 =	vadd.s32 v13, v15;
	v13 =	vadd.s32 v13, v17;
	vm10 =	vlt.s32 v14, $0x3F  }
0x5b7: {  	v44, _, _ =	vpop (xrf0);
	v15 =	vadd.s32 $0xFFFFFFFF, v15;
	v14 =	vnsel vm10, $0x3F, v14;
	vm10 =	vge.f32 v7, v4  }
0x5b8: {  	v45 =	vadd.s32 v13, v44;
	vm11 =	vlt.s32 v15, $0x3F;
	v18 =	vsel vm10, $0x1, v2  }
0x5b9: {  	v16 =	vadd.s32 $0xFFFFFFFF, v45;
	v15 =	vnsel vm11, $0x3F, v15;
	vm11 =	vge.f32 v6, v4;
	(xrf0) =	vadd.scan.msk.s32 $0xffff, v18  }
0x5ba: {  	v13 =	vadd.s32 v13, v46;
	vm13 =	vlt.s32 v16, $0x3F;
	v47, _, _ =	vpop (xrf0);
	v19 =	vsel vm11, $0x1, v2  }
0x5bb: {  	v16 =	vnsel vm13, $0x3F, v16;
	vm13 =	vge.f32 v5, v4;
	v17 =	vadd.s32 v13, v47  }
0x5bc: {  	s17 =	sadd.s32 $0xFFFFFF90, s15;
	(xrf0) =	vadd.scan.msk.s32 $0xffff, v19;
	v13 =	vadd.s32 v13, v48;
	v49, _, _ =	vpop (xrf0);
	v50 =	vsel vm13, $0x1, v2;
	v17 =	vadd.s32 $0xFFFFFFFF, v17  }
0x5bd: {  	v18 =	vadd.s32 v13, v49;
	(xrf0) =	vadd.scan.msk.s32 $0xffff, v50;
	[tilespmem:v14+s10+$0x0] =	vst.idx.msk vm14, v12;
	v12 =	vor.u32 s17, v3  }
0x5be: {  	vm15 =	vlt.s32 v17, $0x3F;
	[tilespmem:v14+s11+$0x0] =	vst.idx.msk vm14, v12;
	v12 =	vadd.s32 v13, v51;
	v13 =	vmpcnt.ones.xlane vm10  }
0x5bf: {  	v18 =	vadd.s32 $0xFFFFFFFF, v18;
	v17 =	vnsel vm15, $0x3F, v17;
	v20, _, _ =	vpop (xrf0)  }
0x5c0: {  	s25 =	sadd.s32 $0xFFFFFFA0, s15;
	v53 =	vadd.s32 v12, v20;
	v12 =	vadd.s32 v12, v13;
	v13 =	vmpcnt.ones.xlane vm11  }
0x5c1: {  	v52 =	vor.u32 s25, v3;
	vm14 =	vlt.s32 v18, $0x3F;
	[tilespmem:v15+s10+$0x0] =	vst.idx.msk vm12, v11  }
0x5c2: {  	s26 =	sadd.s32 $0xFFFFFFB0, s15;
	v14 =	vnsel vm14, $0x3F, v18;
	[tilespmem:v15+s11+$0x0] =	vst.idx.msk vm12, v52;
	v54, _, _ =	vpop (xrf0);
	v55 =	vadd.s32 $0xFFFFFFFF, v53  }
0x5c3: {  	v56 =	vor.u32 s26, v3;
	[tilespmem:v16+s10+$0x0] =	vst.idx.msk vm9, v10;
	v15 =	vadd.s32 v12, v54;
	vm12 =	vlt.s32 v55, $0x3F  }
0x5c4: {  	s28 =	sadd.s32 $0xFFFFFFC0, s15;
	[tilespmem:v16+s11+$0x0] =	vst.idx.msk vm9, v56;
	v58 =	vadd.s32 $0xFFFFFFFF, v15;
	v12 =	vadd.s32 v12, v13;
	v57 =	vnsel vm12, $0x3F, v55;
	v13, _, _ =	vpop (xrf0)  }
0x5c5: {  	v59 =	vor.u32 s28, v3;
	[tilespmem:v17+s10+$0x0] =	vst.idx.msk vm7, v9;
	vm15 =	vlt.s32 v58, $0x3F;
	v13 =	vadd.s32 v12, v13  }
0x5c6: {  	s29 =	sadd.s32 $0xFFFFFFD0, s15;
	[tilespmem:v17+s11+$0x0] =	vst.idx.msk vm7, v59;
	v60 =	vnsel vm15, $0x3F, v58;
	v61 =	vadd.s32 $0xFFFFFFFF, v13  }
0x5c7: {  	v62 =	vor.u32 s29, v3;
	[tilespmem:v14+s10+$0x0] =	vst.idx.msk vm8, v8;
	vm7 =	vlt.s32 v61, $0x3F  }
0x5c8: {  	s30 =	sadd.s32 $0xFFFFFFE0, s15;
	[tilespmem:v14+s11+$0x0] =	vst.idx.msk vm8, v62;
	v63 =	vnsel vm7, $0x3F, v61  }
0x5c9: {  	[tilespmem:v57+s10+$0x0] =	vst.idx.msk vm10, v7;
	v7 =	vor.u32 s30, v3  }
.Ltmp25:
0x5ca: {  	s31 =	sadd.s32 $0xFFFFFFF0, s15;
	[tilespmem:v57+s11+$0x0] =	vst.idx.msk vm10, v7;
	(pc) =	sbr.rel .LBB2_32-.Ltmp25, $4  }
0x5cb: {  	[tilespmem:v60+s10+$0x0] =	vst.idx.msk vm11, v6;
	v6 =	vor.u32 s31, v3  }
0x5cc: {  	[tilespmem:v60+s11+$0x0] =	vst.idx.msk vm11, v6;
	v6 =	vmpcnt.ones.xlane vm13  }
0x5cd: {  	[tilespmem:v63+s10+$0x0] =	vst.idx.msk vm13, v5;
	v5 =	vor.u32 s15, v3  }
0x5ce: {  	v13 =	vadd.s32 v12, v6;
	[tilespmem:v63+s11+$0x0] =	vst.idx.msk vm13, v5  }
.LBB2_34:
0x5cf: {  	_ =	sfence.sel $0x180000  }
0x5d0: {  	[bflag:$0x0] =	sbarrier.arrive $0xFFFF  }
0x5d1: {  	p0 =	sne.s32 s1, $0x0;
	_ =	strace $0x90000047  }
0x5d2: {  	s0 =	sadd.s32 @!p0 $0x100000, s0;
	[bflag:$0x2] =	sbarrier.arrive $0xFFFF  }
0x5d3: {  	[sflag:s0] =	ssyncadd.tile.s32 @!p0 $0x1;
	_ =	shalt  }
.Lfunc_end2:
_tile_overlayer_lowered:
.L_overlay_start_2:
0x5d4: {  	(tag) =	ssettag $0x2  }
0x5d5: {  	s0 =	rddreg [dreg:$0x0];
	s2 =	stileid.u32  }
0x5d6: {  	s1 =	rddreg [dreg:$0x1];
	p0 =	sne.s32 s2, $0x0  }
0x5d7: {  	s3 =	rddreg [dreg:$0x2];
	[bflag:$0x3] =	sbarrier.arrive $0xFFFF;
	s2 =	simm.s32 @!p0 $0x1C02  }
0x5d8: {  	[timem:s3], [sflag:s2] =	dma.local @!p0 [hbm:s0], s1  }
0x5d9: {  	s0 =	simm.s32 @!p0 $0x2  }
0x5da: {  	_ =	swait.ge @!p0 [sflag:s0], s1  }
0x5db: {  	s1 =	ssub.s32 @!p0 $0x0, s1;
	[sflag:s0] =	ssyncset.done @!p0 $0x0  }
0x5dc: {  	[sflag:s0] =	ssyncadd.s32 @!p0 s1  }
0x5dd: {  	[bflag:$0x3] =	sbarrier.arrive $0xFFFF  }
0x5de: {  	_ =	shalt  }

</sc_bundles>
